<compile_context>
chip_gen: v7x
topology: tpu7x:2x2x1
jax: 0.10.2.dev20260603
libtpu: 0.0.44.dev20260713+nightly
codegen_flags: <defaults>
</compile_context>

<pallas_src>
import functools

import jax
import jax.numpy as jnp
from jax import lax
from jax.experimental import pallas as pl
from jax.experimental.pallas import tpu as pltpu
from jax.experimental.pallas import tpu_sc as plsc

N = 10000
E = 320000
D = 128
DH = 64
N_PAD = 10240
NC, NS = 2, 16
NW = NC * NS
CHUNK = 128
CPT = 160
E_PAD = NS * CPT * CHUNK
EPT = CPT * CHUNK
CPT_DEG = E_PAD // (NW * CHUNK)
ROWS_PT = N_PAD // NS
_B = 4
_NBATCH = CPT // _B


@functools.cache
def _mesh():
    return plsc.VectorSubcoreMesh(
        core_axis_name="c", subcore_axis_name="s",
        num_cores=NC, num_subcores=NS)



def _sc_deg(dst2):

    @functools.partial(
        pl.kernel,
        mesh=_mesh(),
        out_type=jax.ShapeDtypeStruct((NC * N_PAD,), jnp.float32),
        scratch_types=[
            pltpu.VMEM((CPT_DEG, CHUNK), jnp.int32),
            pltpu.VMEM((CHUNK,), jnp.float32),
            pltpu.VMEM((ROWS_PT,), jnp.float32),
            pltpu.VMEM_SHARED((N_PAD,), jnp.float32),
        ],
    )
    def k(dst_hbm, out_hbm, id2_v, ones_v, zbuf_v, acc_sh):
        c = lax.axis_index("c")
        s = lax.axis_index("s")
        wid = c * NS + s

        pltpu.sync_copy(dst_hbm.at[pl.ds(wid * CPT_DEG, CPT_DEG)], id2_v)

        @pl.loop(0, CHUNK // 16)
        def _(i):
            ones_v[pl.ds(i * 16, 16)] = jnp.ones((16,), jnp.float32)

        @pl.loop(0, ROWS_PT // 16)
        def _(i):
            zbuf_v[pl.ds(i * 16, 16)] = jnp.zeros((16,), jnp.float32)

        pltpu.sync_copy(zbuf_v, acc_sh.at[pl.ds(s * ROWS_PT, ROWS_PT)])
        plsc.subcore_barrier()

        @pl.loop(0, CPT_DEG)
        def _(j):
            pltpu.sync_copy(ones_v, acc_sh.at[id2_v.at[j]], add=True)

        plsc.subcore_barrier()
        pltpu.sync_copy(acc_sh.at[pl.ds(s * ROWS_PT, ROWS_PT)],
                        out_hbm.at[pl.ds(c * N_PAD + s * ROWS_PT, ROWS_PT)])

    return k(dst2)


def _sc_scatter(g2, srcoff, dst2):

    @functools.partial(
        pl.kernel,
        mesh=_mesh(),
        out_type=jax.ShapeDtypeStruct((N_PAD, D), jnp.float32),
        compiler_params=pltpu.CompilerParams(use_tc_tiling_on_sc=False),
        scratch_types=[
            pltpu.VMEM((CPT, CHUNK), jnp.int32),
            pltpu.VMEM((_B, CHUNK, DH), jnp.float32),
            pltpu.VMEM((_B, CHUNK, DH), jnp.float32),
            [pltpu.VMEM((CHUNK,), jnp.int32)] * (2 * _B),
            pltpu.VMEM_SHARED((N_PAD, DH), jnp.float32),
            pltpu.SemaphoreType.DMA,
            pltpu.SemaphoreType.DMA,
            pltpu.SemaphoreType.DMA,
        ],
    )
    def k(g_hbm, src_hbm, dst_hbm, out_hbm, id2_v, rows_a, rows_b,
          sbufs_flat, acc_sh, semg, sems, semi):
        halves = (rows_a, rows_b)
        sbufs = (sbufs_flat[:_B], sbufs_flat[_B:])
        c = lax.axis_index("c")
        s = lax.axis_index("s")

        pltpu.sync_copy(dst_hbm.at[pl.ds(s * CPT, CPT)], id2_v)

        @pl.loop(0, CHUNK)
        def _(i):
            for l in range(DH // 16):
                rows_a[0, i, pl.ds(l * 16, 16)] = jnp.zeros(
                    (16,), jnp.float32)

        for r in range(ROWS_PT // CHUNK):
            pltpu.sync_copy(
                rows_a.at[0],
                acc_sh.at[pl.ds(s * ROWS_PT + r * CHUNK, CHUNK)])

        plsc.subcore_barrier()

        src_base = c * E_PAD + s * EPT

        def fire_i(t, h):
            for i in range(_B):
                pltpu.async_copy(
                    src_hbm.at[pl.ds(src_base + (t * _B + i) * CHUNK,
                                     CHUNK)], sbufs[h][i], semi)

        def drain_i(t, h):
            for i in range(_B):
                pltpu.make_async_copy(
                    src_hbm.at[pl.ds(src_base + (t * _B + i) * CHUNK,
                                     CHUNK)], sbufs[h][i], semi).wait()

        def fire_g(t, h):
            for i in range(_B):
                pltpu.async_copy(g_hbm.at[sbufs[h][i]], halves[h].at[i],
                                 semg)

        def drain_g(t, h):
            for i in range(_B):
                pltpu.make_async_copy(
                    g_hbm.at[sbufs[h][i]], halves[h].at[i], semg).wait()

        def fire_s(t, h):
            for i in range(_B):
                pltpu.async_copy(
                    halves[h].at[i], acc_sh.at[id2_v.at[t * _B + i]], sems,
                    add=True)

        def drain_s(t, h):
            for i in range(_B):
                pltpu.make_async_copy(
                    halves[h].at[i], acc_sh.at[id2_v.at[t * _B + i]],
                    sems).wait()

        fire_i(0, 0)
        fire_i(1, 1)
        drain_i(0, 0)
        fire_g(0, 0)

        @pl.loop(0, _NBATCH // 2)
        def _(u):
            for h in range(2):
                t = 2 * u + h
                drain_g(t, h)

                @pl.when(t + 2 < _NBATCH)
                def _():
                    fire_i(t + 2, h)

                @pl.when(t + 1 < _NBATCH)
                def _():
                    drain_i(t + 1, 1 - h)
                    fire_g(t + 1, 1 - h)

                fire_s(t, h)
                drain_s(t, h)

        plsc.subcore_barrier()
        pltpu.sync_copy(
            acc_sh.at[pl.ds(s * ROWS_PT, ROWS_PT)],
            out_hbm.at[pl.ds(s * ROWS_PT, ROWS_PT), pl.ds(c * DH, DH)])

    return k(g2, srcoff, dst2)



_BN = 1024
_NB = N_PAD // _BN


def _dinv_block(dp_ref, i):
    d = dp_ref[0] + dp_ref[1] + 1.0
    row = lax.broadcasted_iota(jnp.int32, (_BN, 1), 0) + i * _BN
    return jnp.where(row < N, lax.rsqrt(d), 0.0)


_DEG_SPEC2 = pl.BlockSpec((NC, _BN, 1), lambda i, c: (0, i, 0))
_DEG_SPEC1 = pl.BlockSpec((NC, _BN, 1), lambda i: (0, i, 0))


def _tc_pre(y, W, degp):

    def body(y_ref, w_ref, dp_ref, o_ref):
        h = jnp.dot(y_ref[...], w_ref[...],
                    preferred_element_type=jnp.float32)
        o_ref[...] = h * _dinv_block(dp_ref, pl.program_id(0))

    return pl.pallas_call(
        body,
        grid=(_NB,),
        in_specs=[
            pl.BlockSpec((_BN, D), lambda i: (i, 0)),
            pl.BlockSpec((D, D), lambda i: (0, 0)),
            _DEG_SPEC1,
        ],
        out_specs=pl.BlockSpec((_BN, D), lambda i: (i, 0)),
        out_shape=jax.ShapeDtypeStruct((N_PAD, D), jnp.float32),
    )(y, W, degp)


def _combine(p_ref, g_ref, dinv, b_ref):
    return jnp.maximum((p_ref[...] + g_ref[...]) * dinv + b_ref[...], 0.0)





def _tc_mid(parts, g2, degp, b, ln_g, ln_b, Wn):

    def body(p_ref, g_ref, dp_ref, b_ref, lg_ref, lb_ref, w_ref, o_ref):
        dinv = _dinv_block(dp_ref, pl.program_id(0))
        r = _combine(p_ref, g_ref, dinv, b_ref)
        mu = jnp.mean(r, axis=-1, keepdims=True)
        var = jnp.mean((r - mu) ** 2, axis=-1, keepdims=True)
        y = (r - mu) * lax.rsqrt(var + 1e-5) * lg_ref[...] + lb_ref[...]
        h = jnp.dot(y, w_ref[...], preferred_element_type=jnp.float32)
        o_ref[...] = h * dinv

    return pl.pallas_call(
        body,
        grid=(_NB,),
        in_specs=[
            pl.BlockSpec((_BN, D), lambda i: (i, 0)),
            pl.BlockSpec((_BN, D), lambda i: (i, 0)),
            _DEG_SPEC1,
            pl.BlockSpec((1, D), lambda i: (0, 0)),
            pl.BlockSpec((1, D), lambda i: (0, 0)),
            pl.BlockSpec((1, D), lambda i: (0, 0)),
            pl.BlockSpec((D, D), lambda i: (0, 0)),
        ],
        out_specs=pl.BlockSpec((_BN, D), lambda i: (i, 0)),
        out_shape=jax.ShapeDtypeStruct((N_PAD, D), jnp.float32),
    )(parts, g2, degp, b.reshape(1, D), ln_g.reshape(1, D),
      ln_b.reshape(1, D), Wn)


def _tc_head(parts, g2, degp, b, Wp1, bp1, Wp2, bp2):

    def body(p_ref, g_ref, dp_ref, b_ref, w1_ref, b1_ref, w2_ref, b2_ref,
             o_ref):
        dinv = _dinv_block(dp_ref, pl.program_id(0))
        r = _combine(p_ref, g_ref, dinv, b_ref)
        t = jnp.dot(r, w1_ref[...], preferred_element_type=jnp.float32)
        t = t + b1_ref[...]
        t = jnp.dot(t, w2_ref[...], preferred_element_type=jnp.float32)
        o_ref[...] = t + b2_ref[...]

    return pl.pallas_call(
        body,
        grid=(_NB,),
        in_specs=[
            pl.BlockSpec((_BN, D), lambda i: (i, 0)),
            pl.BlockSpec((_BN, D), lambda i: (i, 0)),
            _DEG_SPEC1,
            pl.BlockSpec((1, D), lambda i: (0, 0)),
            pl.BlockSpec((D, D), lambda i: (0, 0)),
            pl.BlockSpec((1, D), lambda i: (0, 0)),
            pl.BlockSpec((D, D), lambda i: (0, 0)),
            pl.BlockSpec((1, D), lambda i: (0, 0)),
        ],
        out_specs=pl.BlockSpec((_BN, D), lambda i: (i, 0)),
        out_shape=jax.ShapeDtypeStruct((N_PAD, D), jnp.float32),
    )(parts, g2, degp, b.reshape(1, D), Wp1, bp1.reshape(1, D),
      Wp2, bp2.reshape(1, D))



def kernel(x, edge_index, batch, W1, b1, W2, b2, W3, b3,
           ln1_g, ln1_b, ln2_g, ln2_b, Wp1, bp1, Wp2, bp2):
    src, dst = edge_index[0], edge_index[1]
    pad = E_PAD - E
    padi = jnp.arange(pad, dtype=src.dtype)
    trash = N + padi % (N_PAD - N)
    src_p = jnp.concatenate([src, trash])
    srcoff = jnp.concatenate([2 * src_p, 2 * src_p + 1])
    dst2 = jnp.concatenate([dst, trash]).reshape(NS * CPT, CHUNK)

    x_p = jnp.pad(x, ((0, N_PAD - N), (0, 0)))

    degp = _sc_deg(dst2).reshape(NC, N_PAD, 1)

    g1 = _tc_pre(x_p, W1, degp)
    p1 = _sc_scatter(g1.reshape(NC * N_PAD, DH), srcoff, dst2)
    g2 = _tc_mid(p1, g1, degp, b1, ln1_g, ln1_b, W2)
    p2 = _sc_scatter(g2.reshape(NC * N_PAD, DH), srcoff, dst2)
    g3 = _tc_mid(p2, g2, degp, b2, ln2_g, ln2_b, W3)
    p3 = _sc_scatter(g3.reshape(NC * N_PAD, DH), srcoff, dst2)
    out = _tc_head(p3, g3, degp, b3, Wp1, bp1, Wp2, bp2)
    return out[:N]

# --- scband reference (transcript-rebuilt; emitter-appended) ---
"""Pipeline reference for scband-gnnstack-26551487823974 (READ-ONLY COPY).

The authoritative reference and input builder live on the scoring server;
editing this copy changes nothing except your own understanding.
"""

import jax, jax.numpy as jnp
import numpy as np

N = 10000
E = 320000
D_IN = 128
D_H = 128
D_OUT = 128


def _gcn_conv(x, src, dst, W, b):
    # PyG GCNConv: add self-loops, symmetric normalization, linear transform, scatter-add
    n = x.shape[0]
    loops = jnp.arange(n, dtype=src.dtype)
    s = jnp.concatenate([src, loops])
    d = jnp.concatenate([dst, loops])
    deg = jax.ops.segment_sum(jnp.ones(s.shape[0], dtype=x.dtype), d, num_segments=n)
    dinv = jnp.where(deg > 0, jax.lax.rsqrt(jnp.maximum(deg, 1e-12)), 0.0)
    norm = dinv[s] * dinv[d]
    h = x @ W
    msg = h[s] * norm[:, None]
    return jax.ops.segment_sum(msg, d, num_segments=n) + b


def _layer_norm(x, g, b, eps=1e-5):
    mu = jnp.mean(x, axis=-1, keepdims=True)
    var = jnp.mean((x - mu) ** 2, axis=-1, keepdims=True)
    return (x - mu) * jax.lax.rsqrt(var + eps) * g + b


def setup_inputs(seed: int = 0):
    key = jax.random.key(seed)
    ks = jax.random.split(key, 8)

    def lin(k, fan_in, fan_out):
        bound = 1.0 / np.sqrt(fan_in)
        kw, kb = jax.random.split(k)
        W = jax.random.uniform(kw, (fan_in, fan_out), minval=-bound, maxval=bound, dtype=jnp.float32)
        b = jax.random.uniform(kb, (fan_out,), minval=-bound, maxval=bound, dtype=jnp.float32)
        return W, b

    x = jax.random.normal(ks[0], (N, D_IN), dtype=jnp.float32)
    edge_index = jax.random.randint(ks[1], (2, E), 0, N, dtype=jnp.int32)
    batch = jnp.zeros((N,), dtype=jnp.int32)
    W1, b1 = lin(ks[2], D_IN, D_H)
    W2, b2 = lin(ks[3], D_H, D_H)
    W3, b3 = lin(ks[4], D_H, D_H)
    ln1_g = jnp.ones((D_H,), jnp.float32)
    ln1_b = jnp.zeros((D_H,), jnp.float32)
    ln2_g = jnp.ones((D_H,), jnp.float32)
    ln2_b = jnp.zeros((D_H,), jnp.float32)
    Wp1, bp1 = lin(ks[5], D_H, D_H)
    Wp2, bp2 = lin(ks[6], D_H, D_OUT)
    return {"x": x, "edge_index": edge_index, "batch": batch,
            "W1": W1, "b1": b1, "W2": W2, "b2": b2, "W3": W3, "b3": b3,
            "ln1_g": ln1_g, "ln1_b": ln1_b, "ln2_g": ln2_g, "ln2_b": ln2_b,
            "Wp1": Wp1, "bp1": bp1, "Wp2": Wp2, "bp2": bp2}


def reference(x, edge_index, batch, W1, b1, W2, b2, W3, b3,
              ln1_g, ln1_b, ln2_g, ln2_b, Wp1, bp1, Wp2, bp2):
    # GNNStack.forward (eval mode: dropout is identity)
    src, dst = edge_index[0], edge_index[1]
    h = _gcn_conv(x, src, dst, W1, b1)
    h = jax.nn.relu(h)
    h = _layer_norm(h, ln1_g, ln1_b)
    h = _gcn_conv(h, src, dst, W2, b2)
    h = jax.nn.relu(h)
    h = _layer_norm(h, ln2_g, ln2_b)
    h = _gcn_conv(h, src, dst, W3, b3)
    h = jax.nn.relu(h)
    h = h @ Wp1 + bp1
    h = h @ Wp2 + bp2
    return h

if __name__ == "__main__":
    import jax
    _d = setup_inputs()
    print(jax.jit(kernel)(*tuple(_d.values())))

</pallas_src>

<mosaic_0001>
#map = affine_map<(d0, d1) -> (0, 0)>
#map1 = affine_map<(d0, d1) -> (0)>
module attributes {stable_mosaic.version = 14 : i64} {
  func.func @k(%arg0: i32, %arg1: i32, %arg2: memref<2560x128xi32, #tpu.memory_space<hbm>>, %arg3: memref<20480xf32, #tpu.memory_space<hbm>>, %arg4: memref<80x128xi32, #tpu.memory_space<vmem>>, %arg5: memref<128xf32, #tpu.memory_space<vmem>>, %arg6: memref<640xf32, #tpu.memory_space<vmem>>, %arg7: memref<10240xf32, #tpu.memory_space<vmem_shared>>) attributes {dimension_semantics = [#tpu.dimension_semantics<core_parallel>, #tpu.dimension_semantics<subcore_parallel>], iteration_bounds = array<i64: 2, 16>, scalar_prefetch = 0 : i64, scratch_operands = 4 : i64, tpu.core_type = #tpu.core_type<sc_vector_subcore>, window_params = [{transform_indices = #map}, {transform_indices = #map1}]} {
    %mul3A = arith.constant 16 : i32
    %mul3A_0 = arith.muli %arg0, %mul3A : i32
    %add3A = arith.addi %mul3A_0, %arg1 : i32
    %mul3A_1 = arith.constant 80 : i32
    %mul3A_2 = arith.muli %add3A, %mul3A_1 : i32
    "tpu.region"() ({
      %run_scoped3A = tpu.sem_alloc : memref<!tpu.dma_semaphore, #tpu.memory_space<semaphore_mem>>
      %dma_start3A = arith.constant 0 : i32
      %dma_start3A_27 = tpu.memref_slice %arg2[%mul3A_2, %dma_start3A] : memref<2560x128xi32, #tpu.memory_space<hbm>> -> memref<80x128xi32, #tpu.memory_space<hbm>>
      %dma_start3A_28 = arith.constant 0 : i32
      %dma_start3A_29 = tpu.memref_slice %arg2[%mul3A_2, %dma_start3A_28] : memref<2560x128xi32, #tpu.memory_space<hbm>> -> memref<80x128xi32, #tpu.memory_space<hbm>>
      tpu.enqueue_dma source(%dma_start3A_29 : memref<80x128xi32, #tpu.memory_space<hbm>>) target(%arg4 : memref<80x128xi32, #tpu.memory_space<vmem>>) target_semaphore(%run_scoped3A : memref<!tpu.dma_semaphore, #tpu.memory_space<semaphore_mem>>)
      %dma_wait3A = arith.constant 0 : i32
      %dma_wait3A_30 = tpu.memref_slice %arg2[%mul3A_2, %dma_wait3A] : memref<2560x128xi32, #tpu.memory_space<hbm>> -> memref<80x128xi32, #tpu.memory_space<hbm>>
      %dma_wait3A_31 = arith.constant 0 : i32
      %dma_wait3A_32 = tpu.memref_slice %arg2[%mul3A_2, %dma_wait3A_31] : memref<2560x128xi32, #tpu.memory_space<hbm>> -> memref<80x128xi32, #tpu.memory_space<hbm>>
      tpu.wait_dma2 semaphore(%run_scoped3A : memref<!tpu.dma_semaphore, #tpu.memory_space<semaphore_mem>>) src(%dma_wait3A_32 : memref<80x128xi32, #tpu.memory_space<hbm>>) dst(%arg4 : memref<80x128xi32, #tpu.memory_space<vmem>>)
      tpu.yield
    }) : () -> ()
    %scan3A = arith.constant 0 : i32
    %scan3A_3 = arith.constant 8 : i32
    %scan3A_4 = arith.addi %scan3A, %scan3A_3 : i32
    %scan3A_5 = arith.constant 1 : i32
    scf.for %scan3A_27 = %scan3A to %scan3A_4 step %scan3A_5  : i32 {
      %mul3A_28 = arith.constant 1 : i32
      %mul3A_29 = arith.muli %scan3A_27, %mul3A_28 : i32
      %add3A_30 = arith.constant 0 : i32
      %add3A_31 = arith.addi %add3A_30, %mul3A_29 : i32
      %broadcast_in_dim3A = arith.constant 1.000000e+00 : f32
      %broadcast_in_dim3A_32 = vector.broadcast %broadcast_in_dim3A : f32 to vector<16xf32>
      %mul3A_33 = arith.constant 16 : i32
      %mul3A_34 = arith.muli %add3A_31, %mul3A_33 : i32
      %swap3A = arith.index_cast %mul3A_34 : i32 to index
      %swap3A_35 = tpu.vector_load %arg5[%swap3A] {strides = array<i32>} : memref<128xf32, #tpu.memory_space<vmem>>, vector<16xf32>,
      %swap3A_36 = vector.shape_cast %swap3A_35 : vector<16xf32> to vector<16xf32>
      %swap3A_37 = vector.shape_cast %broadcast_in_dim3A_32 : vector<16xf32> to vector<16xf32>
      tpu.vector_store %arg5[%swap3A], %swap3A_37 {strides = array<i32>} : memref<128xf32, #tpu.memory_space<vmem>>, vector<16xf32>,
    }
    %scan3A_6 = arith.constant 8 : i32
    %scan3A_7 = arith.constant 0 : i32
    %scan3A_8 = arith.constant 40 : i32
    %scan3A_9 = arith.addi %scan3A_7, %scan3A_8 : i32
    %scan3A_10 = arith.constant 1 : i32
    scf.for %scan3A_27 = %scan3A_7 to %scan3A_9 step %scan3A_10  : i32 {
      %mul3A_28 = arith.constant 1 : i32
      %mul3A_29 = arith.muli %scan3A_27, %mul3A_28 : i32
      %add3A_30 = arith.constant 0 : i32
      %add3A_31 = arith.addi %add3A_30, %mul3A_29 : i32
      %broadcast_in_dim3A = arith.constant 0.000000e+00 : f32
      %broadcast_in_dim3A_32 = vector.broadcast %broadcast_in_dim3A : f32 to vector<16xf32>
      %mul3A_33 = arith.constant 16 : i32
      %mul3A_34 = arith.muli %add3A_31, %mul3A_33 : i32
      %swap3A = arith.index_cast %mul3A_34 : i32 to index
      %swap3A_35 = tpu.vector_load %arg6[%swap3A] {strides = array<i32>} : memref<640xf32, #tpu.memory_space<vmem>>, vector<16xf32>,
      %swap3A_36 = vector.shape_cast %swap3A_35 : vector<16xf32> to vector<16xf32>
      %swap3A_37 = vector.shape_cast %broadcast_in_dim3A_32 : vector<16xf32> to vector<16xf32>
      tpu.vector_store %arg6[%swap3A], %swap3A_37 {strides = array<i32>} : memref<640xf32, #tpu.memory_space<vmem>>, vector<16xf32>,
    }
    %scan3A_11 = arith.constant 40 : i32
    %mul3A_12 = arith.constant 640 : i32
    %mul3A_13 = arith.muli %arg1, %mul3A_12 : i32
    "tpu.region"() ({
      %run_scoped3A = tpu.sem_alloc : memref<!tpu.dma_semaphore, #tpu.memory_space<semaphore_mem>>
      %dma_start3A = tpu.memref_slice %arg7[%mul3A_13] : memref<10240xf32, #tpu.memory_space<vmem_shared>> -> memref<640xf32, #tpu.memory_space<vmem_shared>>
      %dma_start3A_27 = tpu.memref_slice %arg7[%mul3A_13] : memref<10240xf32, #tpu.memory_space<vmem_shared>> -> memref<640xf32, #tpu.memory_space<vmem_shared>>
      tpu.enqueue_dma source(%arg6 : memref<640xf32, #tpu.memory_space<vmem>>) target(%dma_start3A_27 : memref<640xf32, #tpu.memory_space<vmem_shared>>) target_semaphore(%run_scoped3A : memref<!tpu.dma_semaphore, #tpu.memory_space<semaphore_mem>>)
      %dma_wait3A = tpu.memref_slice %arg7[%mul3A_13] : memref<10240xf32, #tpu.memory_space<vmem_shared>> -> memref<640xf32, #tpu.memory_space<vmem_shared>>
      %dma_wait3A_28 = tpu.memref_slice %arg7[%mul3A_13] : memref<10240xf32, #tpu.memory_space<vmem_shared>> -> memref<640xf32, #tpu.memory_space<vmem_shared>>
      tpu.wait_dma2 semaphore(%run_scoped3A : memref<!tpu.dma_semaphore, #tpu.memory_space<semaphore_mem>>) src(%arg6 : memref<640xf32, #tpu.memory_space<vmem>>) dst(%dma_wait3A_28 : memref<640xf32, #tpu.memory_space<vmem_shared>>)
      tpu.yield
    }) : () -> ()
    %barrier3A = arith.constant 0 : index
    tpu.barrier barrier_id(%barrier3A)
    %scan3A_14 = arith.constant 0 : i32
    %scan3A_15 = arith.constant 80 : i32
    %scan3A_16 = arith.addi %scan3A_14, %scan3A_15 : i32
    %scan3A_17 = arith.constant 1 : i32
    scf.for %scan3A_27 = %scan3A_14 to %scan3A_16 step %scan3A_17  : i32 {
      %mul3A_28 = arith.constant 1 : i32
      %mul3A_29 = arith.muli %scan3A_27, %mul3A_28 : i32
      %add3A_30 = arith.constant 0 : i32
      %add3A_31 = arith.addi %add3A_30, %mul3A_29 : i32
      "tpu.region"() ({
        %run_scoped3A = tpu.sem_alloc : memref<!tpu.dma_semaphore, #tpu.memory_space<semaphore_mem>>
        %dma_start3A = arith.constant 0 : i32
        %dma_start3A_32 = tpu.memref_slice %arg4[%add3A_31, %dma_start3A] : memref<80x128xi32, #tpu.memory_space<vmem>> -> memref<1x128xi32, #tpu.memory_space<vmem>>
        %dma_start3A_33 = tpu.memref_squeeze %dma_start3A_32 : memref<1x128xi32, #tpu.memory_space<vmem>> -> memref<128xi32, #tpu.memory_space<vmem>>
        %dma_start3A_34 = arith.constant 0 : i32
        %dma_start3A_35 = tpu.memref_slice %arg7[%dma_start3A_34] : memref<10240xf32, #tpu.memory_space<vmem_shared>> -> memref<10240xf32, #tpu.memory_space<vmem_shared>>
        tpu.enqueue_indirect_dma source(%arg5 : memref<128xf32, #tpu.memory_space<vmem>>) target(%dma_start3A_35 : memref<10240xf32, #tpu.memory_space<vmem_shared>>) offsets(%dma_start3A_33 : memref<128xi32, #tpu.memory_space<vmem>>) semaphore(%run_scoped3A : memref<!tpu.dma_semaphore, #tpu.memory_space<semaphore_mem>>) {add = true}
        %dma_wait3A = arith.constant 0 : i32
        %dma_wait3A_36 = tpu.memref_slice %arg4[%add3A_31, %dma_wait3A] : memref<80x128xi32, #tpu.memory_space<vmem>> -> memref<1x128xi32, #tpu.memory_space<vmem>>
        %dma_wait3A_37 = tpu.memref_squeeze %dma_wait3A_36 : memref<1x128xi32, #tpu.memory_space<vmem>> -> memref<128xi32, #tpu.memory_space<vmem>>
        %dma_wait3A_38 = arith.constant 0 : i32
        %dma_wait3A_39 = tpu.memref_slice %arg7[%dma_wait3A_38] : memref<10240xf32, #tpu.memory_space<vmem_shared>> -> memref<10240xf32, #tpu.memory_space<vmem_shared>>
        tpu.wait_indirect_dma semaphore(%run_scoped3A : memref<!tpu.dma_semaphore, #tpu.memory_space<semaphore_mem>>) src(%arg5 : memref<128xf32, #tpu.memory_space<vmem>>) dst(%dma_wait3A_39 : memref<10240xf32, #tpu.memory_space<vmem_shared>>)
        tpu.yield
      }) : () -> ()
    }
    %scan3A_18 = arith.constant 80 : i32
    %barrier3A_19 = arith.constant 0 : index
    tpu.barrier barrier_id(%barrier3A_19)
    %mul3A_20 = arith.constant 640 : i32
    %mul3A_21 = arith.muli %arg1, %mul3A_20 : i32
    %mul3A_22 = arith.constant 10240 : i32
    %mul3A_23 = arith.muli %arg0, %mul3A_22 : i32
    %mul3A_24 = arith.constant 640 : i32
    %mul3A_25 = arith.muli %arg1, %mul3A_24 : i32
    %add3A_26 = arith.addi %mul3A_23, %mul3A_25 : i32
    "tpu.region"() ({
      %run_scoped3A = tpu.sem_alloc : memref<!tpu.dma_semaphore, #tpu.memory_space<semaphore_mem>>
      %dma_start3A = tpu.memref_slice %arg3[%add3A_26] : memref<20480xf32, #tpu.memory_space<hbm>> -> memref<640xf32, #tpu.memory_space<hbm>>
      %dma_start3A_27 = tpu.memref_slice %arg7[%mul3A_21] : memref<10240xf32, #tpu.memory_space<vmem_shared>> -> memref<640xf32, #tpu.memory_space<vmem_shared>>
      tpu.enqueue_dma source(%dma_start3A_27 : memref<640xf32, #tpu.memory_space<vmem_shared>>) target(%dma_start3A : memref<640xf32, #tpu.memory_space<hbm>>) target_semaphore(%run_scoped3A : memref<!tpu.dma_semaphore, #tpu.memory_space<semaphore_mem>>)
      %dma_wait3A = tpu.memref_slice %arg3[%add3A_26] : memref<20480xf32, #tpu.memory_space<hbm>> -> memref<640xf32, #tpu.memory_space<hbm>>
      %dma_wait3A_28 = tpu.memref_slice %arg7[%mul3A_21] : memref<10240xf32, #tpu.memory_space<vmem_shared>> -> memref<640xf32, #tpu.memory_space<vmem_shared>>
      tpu.wait_dma2 semaphore(%run_scoped3A : memref<!tpu.dma_semaphore, #tpu.memory_space<semaphore_mem>>) src(%dma_wait3A_28 : memref<640xf32, #tpu.memory_space<vmem_shared>>) dst(%dma_wait3A : memref<640xf32, #tpu.memory_space<hbm>>)
      tpu.yield
    }) : () -> ()
    return
  }
}

#map = affine_map<(d0, d1) -> (0, 0)>
#map1 = affine_map<(d0, d1) -> (0)>
module attributes {stable_mosaic.version = 14 : i64} {
  func.func @k(%arg0: i32, %arg1: i32, %arg2: memref<20480x64xf32, #tpu.memory_space<hbm>>, %arg3: memref<655360xi32, #tpu.memory_space<hbm>>, %arg4: memref<2560x128xi32, #tpu.memory_space<hbm>>, %arg5: memref<10240x128xf32, #tpu.memory_space<hbm>>, %arg6: memref<160x128xi32, #tpu.memory_space<vmem>>, %arg7: memref<4x128x64xf32, #tpu.memory_space<vmem>>, %arg8: memref<4x128x64xf32, #tpu.memory_space<vmem>>, %arg9: memref<128xi32, #tpu.memory_space<vmem>>, %arg10: memref<128xi32, #tpu.memory_space<vmem>>, %arg11: memref<128xi32, #tpu.memory_space<vmem>>, %arg12: memref<128xi32, #tpu.memory_space<vmem>>, %arg13: memref<128xi32, #tpu.memory_space<vmem>>, %arg14: memref<128xi32, #tpu.memory_space<vmem>>, %arg15: memref<128xi32, #tpu.memory_space<vmem>>, %arg16: memref<128xi32, #tpu.memory_space<vmem>>, %arg17: memref<10240x64xf32, #tpu.memory_space<vmem_shared>>, %arg18: memref<!tpu.dma_semaphore, #tpu.memory_space<semaphore_mem>>, %arg19: memref<!tpu.dma_semaphore, #tpu.memory_space<semaphore_mem>>, %arg20: memref<!tpu.dma_semaphore, #tpu.memory_space<semaphore_mem>>) attributes {dimension_semantics = [#tpu.dimension_semantics<core_parallel>, #tpu.dimension_semantics<subcore_parallel>], iteration_bounds = array<i64: 2, 16>, scalar_prefetch = 0 : i64, scratch_operands = 15 : i64, tpu.core_type = #tpu.core_type<sc_vector_subcore>, window_params = [{transform_indices = #map}, {transform_indices = #map1}, {transform_indices = #map}, {transform_indices = #map}]} {
    %mul3A = arith.constant 160 : i32
    %mul3A_0 = arith.muli %arg1, %mul3A : i32
    "tpu.region"() ({
      %run_scoped3A_123 = tpu.sem_alloc : memref<!tpu.dma_semaphore, #tpu.memory_space<semaphore_mem>>
      %dma_start3A_124 = arith.constant 0 : i32
      %dma_start3A_125 = tpu.memref_slice %arg4[%mul3A_0, %dma_start3A_124] : memref<2560x128xi32, #tpu.memory_space<hbm>> -> memref<160x128xi32, #tpu.memory_space<hbm>>
      %dma_start3A_126 = arith.constant 0 : i32
      %dma_start3A_127 = tpu.memref_slice %arg4[%mul3A_0, %dma_start3A_126] : memref<2560x128xi32, #tpu.memory_space<hbm>> -> memref<160x128xi32, #tpu.memory_space<hbm>>
      tpu.enqueue_dma source(%dma_start3A_127 : memref<160x128xi32, #tpu.memory_space<hbm>>) target(%arg6 : memref<160x128xi32, #tpu.memory_space<vmem>>) target_semaphore(%run_scoped3A_123 : memref<!tpu.dma_semaphore, #tpu.memory_space<semaphore_mem>>)
      %dma_wait3A_128 = arith.constant 0 : i32
      %dma_wait3A_129 = tpu.memref_slice %arg4[%mul3A_0, %dma_wait3A_128] : memref<2560x128xi32, #tpu.memory_space<hbm>> -> memref<160x128xi32, #tpu.memory_space<hbm>>
      %dma_wait3A_130 = arith.constant 0 : i32
      %dma_wait3A_131 = tpu.memref_slice %arg4[%mul3A_0, %dma_wait3A_130] : memref<2560x128xi32, #tpu.memory_space<hbm>> -> memref<160x128xi32, #tpu.memory_space<hbm>>
      tpu.wait_dma2 semaphore(%run_scoped3A_123 : memref<!tpu.dma_semaphore, #tpu.memory_space<semaphore_mem>>) src(%dma_wait3A_131 : memref<160x128xi32, #tpu.memory_space<hbm>>) dst(%arg6 : memref<160x128xi32, #tpu.memory_space<vmem>>)
      tpu.yield
    }) : () -> ()
    %scan3A = arith.constant 0 : i32
    %scan3A_1 = arith.constant 128 : i32
    %scan3A_2 = arith.addi %scan3A, %scan3A_1 : i32
    %scan3A_3 = arith.constant 1 : i32
    scf.for %scan3A_123 = %scan3A to %scan3A_2 step %scan3A_3  : i32 {
      %mul3A_124 = arith.constant 1 : i32
      %mul3A_125 = arith.muli %scan3A_123, %mul3A_124 : i32
      %add3A_126 = arith.constant 0 : i32
      %add3A_127 = arith.addi %add3A_126, %mul3A_125 : i32
      %broadcast_in_dim3A = arith.constant 0.000000e+00 : f32
      %broadcast_in_dim3A_128 = vector.broadcast %broadcast_in_dim3A : f32 to vector<16xf32>
      %swap3A = arith.constant 0 : i32
      %swap3A_129 = arith.index_cast %swap3A : i32 to index
      %swap3A_130 = arith.index_cast %add3A_127 : i32 to index
      %swap3A_131 = arith.constant 0 : index
      %swap3A_132 = tpu.vector_load %arg7[%swap3A_129, %swap3A_130, %swap3A_131] {strides = array<i32>} : memref<4x128x64xf32, #tpu.memory_space<vmem>>, vector<1x1x16xf32>,
      %swap3A_133 = vector.shape_cast %swap3A_132 : vector<1x1x16xf32> to vector<16xf32>
      %swap3A_134 = vector.shape_cast %broadcast_in_dim3A_128 : vector<16xf32> to vector<1x1x16xf32>
      tpu.vector_store %arg7[%swap3A_129, %swap3A_130, %swap3A_131], %swap3A_134 {strides = array<i32>} : memref<4x128x64xf32, #tpu.memory_space<vmem>>, vector<1x1x16xf32>,
      %broadcast_in_dim3A_135 = arith.constant 0.000000e+00 : f32
      %broadcast_in_dim3A_136 = vector.broadcast %broadcast_in_dim3A_135 : f32 to vector<16xf32>
      %swap3A_137 = arith.constant 0 : i32
      %swap3A_138 = arith.index_cast %swap3A_137 : i32 to index
      %swap3A_139 = arith.index_cast %add3A_127 : i32 to index
      %swap3A_140 = arith.constant 16 : index
      %swap3A_141 = tpu.vector_load %arg7[%swap3A_138, %swap3A_139, %swap3A_140] {strides = array<i32>} : memref<4x128x64xf32, #tpu.memory_space<vmem>>, vector<1x1x16xf32>,
      %swap3A_142 = vector.shape_cast %swap3A_141 : vector<1x1x16xf32> to vector<16xf32>
      %swap3A_143 = vector.shape_cast %broadcast_in_dim3A_136 : vector<16xf32> to vector<1x1x16xf32>
      tpu.vector_store %arg7[%swap3A_138, %swap3A_139, %swap3A_140], %swap3A_143 {strides = array<i32>} : memref<4x128x64xf32, #tpu.memory_space<vmem>>, vector<1x1x16xf32>,
      %broadcast_in_dim3A_144 = arith.constant 0.000000e+00 : f32
      %broadcast_in_dim3A_145 = vector.broadcast %broadcast_in_dim3A_144 : f32 to vector<16xf32>
      %swap3A_146 = arith.constant 0 : i32
      %swap3A_147 = arith.index_cast %swap3A_146 : i32 to index
      %swap3A_148 = arith.index_cast %add3A_127 : i32 to index
      %swap3A_149 = arith.constant 32 : index
      %swap3A_150 = tpu.vector_load %arg7[%swap3A_147, %swap3A_148, %swap3A_149] {strides = array<i32>} : memref<4x128x64xf32, #tpu.memory_space<vmem>>, vector<1x1x16xf32>,
      %swap3A_151 = vector.shape_cast %swap3A_150 : vector<1x1x16xf32> to vector<16xf32>
      %swap3A_152 = vector.shape_cast %broadcast_in_dim3A_145 : vector<16xf32> to vector<1x1x16xf32>
      tpu.vector_store %arg7[%swap3A_147, %swap3A_148, %swap3A_149], %swap3A_152 {strides = array<i32>} : memref<4x128x64xf32, #tpu.memory_space<vmem>>, vector<1x1x16xf32>,
      %broadcast_in_dim3A_153 = arith.constant 0.000000e+00 : f32
      %broadcast_in_dim3A_154 = vector.broadcast %broadcast_in_dim3A_153 : f32 to vector<16xf32>
      %swap3A_155 = arith.constant 0 : i32
      %swap3A_156 = arith.index_cast %swap3A_155 : i32 to index
      %swap3A_157 = arith.index_cast %add3A_127 : i32 to index
      %swap3A_158 = arith.constant 48 : index
      %swap3A_159 = tpu.vector_load %arg7[%swap3A_156, %swap3A_157, %swap3A_158] {strides = array<i32>} : memref<4x128x64xf32, #tpu.memory_space<vmem>>, vector<1x1x16xf32>,
      %swap3A_160 = vector.shape_cast %swap3A_159 : vector<1x1x16xf32> to vector<16xf32>
      %swap3A_161 = vector.shape_cast %broadcast_in_dim3A_154 : vector<16xf32> to vector<1x1x16xf32>
      tpu.vector_store %arg7[%swap3A_156, %swap3A_157, %swap3A_158], %swap3A_161 {strides = array<i32>} : memref<4x128x64xf32, #tpu.memory_space<vmem>>, vector<1x1x16xf32>,
    }
    %scan3A_4 = arith.constant 128 : i32
    %mul3A_5 = arith.constant 640 : i32
    %mul3A_6 = arith.muli %arg1, %mul3A_5 : i32
    %add3A = arith.constant 0 : i32
    %add3A_7 = arith.addi %mul3A_6, %add3A : i32
    %run_scoped3A = arith.constant 0 : i32
    "tpu.region"() ({
      %run_scoped3A_123 = tpu.sem_alloc : memref<!tpu.dma_semaphore, #tpu.memory_space<semaphore_mem>>
      %dma_start3A_124 = arith.constant 0 : i32
      %dma_start3A_125 = arith.constant 0 : i32
      %dma_start3A_126 = tpu.memref_slice %arg7[%run_scoped3A, %dma_start3A_124, %dma_start3A_125] : memref<4x128x64xf32, #tpu.memory_space<vmem>> -> memref<1x128x64xf32, #tpu.memory_space<vmem>>
      %dma_start3A_127 = tpu.memref_squeeze %dma_start3A_126 : memref<1x128x64xf32, #tpu.memory_space<vmem>> -> memref<128x64xf32, #tpu.memory_space<vmem>>
      %dma_start3A_128 = arith.constant 0 : i32
      %dma_start3A_129 = tpu.memref_slice %arg17[%add3A_7, %dma_start3A_128] : memref<10240x64xf32, #tpu.memory_space<vmem_shared>> -> memref<128x64xf32, #tpu.memory_space<vmem_shared>>
      %dma_start3A_130 = arith.constant 0 : i32
      %dma_start3A_131 = tpu.memref_slice %arg17[%add3A_7, %dma_start3A_130] : memref<10240x64xf32, #tpu.memory_space<vmem_shared>> -> memref<128x64xf32, #tpu.memory_space<vmem_shared>>
      %dma_start3A_132 = arith.constant 0 : i32
      %dma_start3A_133 = arith.constant 0 : i32
      %dma_start3A_134 = tpu.memref_slice %arg7[%run_scoped3A, %dma_start3A_132, %dma_start3A_133] : memref<4x128x64xf32, #tpu.memory_space<vmem>> -> memref<1x128x64xf32, #tpu.memory_space<vmem>>
      %dma_start3A_135 = tpu.memref_squeeze %dma_start3A_134 : memref<1x128x64xf32, #tpu.memory_space<vmem>> -> memref<128x64xf32, #tpu.memory_space<vmem>>
      tpu.enqueue_dma source(%dma_start3A_135 : memref<128x64xf32, #tpu.memory_space<vmem>>) target(%dma_start3A_131 : memref<128x64xf32, #tpu.memory_space<vmem_shared>>) target_semaphore(%run_scoped3A_123 : memref<!tpu.dma_semaphore, #tpu.memory_space<semaphore_mem>>)
      %dma_wait3A_136 = arith.constant 0 : i32
      %dma_wait3A_137 = arith.constant 0 : i32
      %dma_wait3A_138 = tpu.memref_slice %arg7[%run_scoped3A, %dma_wait3A_136, %dma_wait3A_137] : memref<4x128x64xf32, #tpu.memory_space<vmem>> -> memref<1x128x64xf32, #tpu.memory_space<vmem>>
      %dma_wait3A_139 = tpu.memref_squeeze %dma_wait3A_138 : memref<1x128x64xf32, #tpu.memory_space<vmem>> -> memref<128x64xf32, #tpu.memory_space<vmem>>
      %dma_wait3A_140 = arith.constant 0 : i32
      %dma_wait3A_141 = tpu.memref_slice %arg17[%add3A_7, %dma_wait3A_140] : memref<10240x64xf32, #tpu.memory_space<vmem_shared>> -> memref<128x64xf32, #tpu.memory_space<vmem_shared>>
      %dma_wait3A_142 = arith.constant 0 : i32
      %dma_wait3A_143 = tpu.memref_slice %arg17[%add3A_7, %dma_wait3A_142] : memref<10240x64xf32, #tpu.memory_space<vmem_shared>> -> memref<128x64xf32, #tpu.memory_space<vmem_shared>>
      %dma_wait3A_144 = arith.constant 0 : i32
      %dma_wait3A_145 = arith.constant 0 : i32
      %dma_wait3A_146 = tpu.memref_slice %arg7[%run_scoped3A, %dma_wait3A_144, %dma_wait3A_145] : memref<4x128x64xf32, #tpu.memory_space<vmem>> -> memref<1x128x64xf32, #tpu.memory_space<vmem>>
      %dma_wait3A_147 = tpu.memref_squeeze %dma_wait3A_146 : memref<1x128x64xf32, #tpu.memory_space<vmem>> -> memref<128x64xf32, #tpu.memory_space<vmem>>
      tpu.wait_dma2 semaphore(%run_scoped3A_123 : memref<!tpu.dma_semaphore, #tpu.memory_space<semaphore_mem>>) src(%dma_wait3A_147 : memref<128x64xf32, #tpu.memory_space<vmem>>) dst(%dma_wait3A_143 : memref<128x64xf32, #tpu.memory_space<vmem_shared>>)
      tpu.yield
    }) : () -> ()
    %mul3A_8 = arith.constant 640 : i32
    %mul3A_9 = arith.muli %arg1, %mul3A_8 : i32
    %add3A_10 = arith.constant 128 : i32
    %add3A_11 = arith.addi %mul3A_9, %add3A_10 : i32
    %run_scoped3A_12 = arith.constant 0 : i32
    "tpu.region"() ({
      %run_scoped3A_123 = tpu.sem_alloc : memref<!tpu.dma_semaphore, #tpu.memory_space<semaphore_mem>>
      %dma_start3A_124 = arith.constant 0 : i32
      %dma_start3A_125 = arith.constant 0 : i32
      %dma_start3A_126 = tpu.memref_slice %arg7[%run_scoped3A_12, %dma_start3A_124, %dma_start3A_125] : memref<4x128x64xf32, #tpu.memory_space<vmem>> -> memref<1x128x64xf32, #tpu.memory_space<vmem>>
      %dma_start3A_127 = tpu.memref_squeeze %dma_start3A_126 : memref<1x128x64xf32, #tpu.memory_space<vmem>> -> memref<128x64xf32, #tpu.memory_space<vmem>>
      %dma_start3A_128 = arith.constant 0 : i32
      %dma_start3A_129 = tpu.memref_slice %arg17[%add3A_11, %dma_start3A_128] : memref<10240x64xf32, #tpu.memory_space<vmem_shared>> -> memref<128x64xf32, #tpu.memory_space<vmem_shared>>
      %dma_start3A_130 = arith.constant 0 : i32
      %dma_start3A_131 = tpu.memref_slice %arg17[%add3A_11, %dma_start3A_130] : memref<10240x64xf32, #tpu.memory_space<vmem_shared>> -> memref<128x64xf32, #tpu.memory_space<vmem_shared>>
      %dma_start3A_132 = arith.constant 0 : i32
      %dma_start3A_133 = arith.constant 0 : i32
      %dma_start3A_134 = tpu.memref_slice %arg7[%run_scoped3A_12, %dma_start3A_132, %dma_start3A_133] : memref<4x128x64xf32, #tpu.memory_space<vmem>> -> memref<1x128x64xf32, #tpu.memory_space<vmem>>
      %dma_start3A_135 = tpu.memref_squeeze %dma_start3A_134 : memref<1x128x64xf32, #tpu.memory_space<vmem>> -> memref<128x64xf32, #tpu.memory_space<vmem>>
      tpu.enqueue_dma source(%dma_start3A_135 : memref<128x64xf32, #tpu.memory_space<vmem>>) target(%dma_start3A_131 : memref<128x64xf32, #tpu.memory_space<vmem_shared>>) target_semaphore(%run_scoped3A_123 : memref<!tpu.dma_semaphore, #tpu.memory_space<semaphore_mem>>)
      %dma_wait3A_136 = arith.constant 0 : i32
      %dma_wait3A_137 = arith.constant 0 : i32
      %dma_wait3A_138 = tpu.memref_slice %arg7[%run_scoped3A_12, %dma_wait3A_136, %dma_wait3A_137] : memref<4x128x64xf32, #tpu.memory_space<vmem>> -> memref<1x128x64xf32, #tpu.memory_space<vmem>>
      %dma_wait3A_139 = tpu.memref_squeeze %dma_wait3A_138 : memref<1x128x64xf32, #tpu.memory_space<vmem>> -> memref<128x64xf32, #tpu.memory_space<vmem>>
      %dma_wait3A_140 = arith.constant 0 : i32
      %dma_wait3A_141 = tpu.memref_slice %arg17[%add3A_11, %dma_wait3A_140] : memref<10240x64xf32, #tpu.memory_space<vmem_shared>> -> memref<128x64xf32, #tpu.memory_space<vmem_shared>>
      %dma_wait3A_142 = arith.constant 0 : i32
      %dma_wait3A_143 = tpu.memref_slice %arg17[%add3A_11, %dma_wait3A_142] : memref<10240x64xf32, #tpu.memory_space<vmem_shared>> -> memref<128x64xf32, #tpu.memory_space<vmem_shared>>
      %dma_wait3A_144 = arith.constant 0 : i32
      %dma_wait3A_145 = arith.constant 0 : i32
      %dma_wait3A_146 = tpu.memref_slice %arg7[%run_scoped3A_12, %dma_wait3A_144, %dma_wait3A_145] : memref<4x128x64xf32, #tpu.memory_space<vmem>> -> memref<1x128x64xf32, #tpu.memory_space<vmem>>
      %dma_wait3A_147 = tpu.memref_squeeze %dma_wait3A_146 : memref<1x128x64xf32, #tpu.memory_space<vmem>> -> memref<128x64xf32, #tpu.memory_space<vmem>>
      tpu.wait_dma2 semaphore(%run_scoped3A_123 : memref<!tpu.dma_semaphore, #tpu.memory_space<semaphore_mem>>) src(%dma_wait3A_147 : memref<128x64xf32, #tpu.memory_space<vmem>>) dst(%dma_wait3A_143 : memref<128x64xf32, #tpu.memory_space<vmem_shared>>)
      tpu.yield
    }) : () -> ()
    %mul3A_13 = arith.constant 640 : i32
    %mul3A_14 = arith.muli %arg1, %mul3A_13 : i32
    %add3A_15 = arith.constant 256 : i32
    %add3A_16 = arith.addi %mul3A_14, %add3A_15 : i32
    %run_scoped3A_17 = arith.constant 0 : i32
    "tpu.region"() ({
      %run_scoped3A_123 = tpu.sem_alloc : memref<!tpu.dma_semaphore, #tpu.memory_space<semaphore_mem>>
      %dma_start3A_124 = arith.constant 0 : i32
      %dma_start3A_125 = arith.constant 0 : i32
      %dma_start3A_126 = tpu.memref_slice %arg7[%run_scoped3A_17, %dma_start3A_124, %dma_start3A_125] : memref<4x128x64xf32, #tpu.memory_space<vmem>> -> memref<1x128x64xf32, #tpu.memory_space<vmem>>
      %dma_start3A_127 = tpu.memref_squeeze %dma_start3A_126 : memref<1x128x64xf32, #tpu.memory_space<vmem>> -> memref<128x64xf32, #tpu.memory_space<vmem>>
      %dma_start3A_128 = arith.constant 0 : i32
      %dma_start3A_129 = tpu.memref_slice %arg17[%add3A_16, %dma_start3A_128] : memref<10240x64xf32, #tpu.memory_space<vmem_shared>> -> memref<128x64xf32, #tpu.memory_space<vmem_shared>>
      %dma_start3A_130 = arith.constant 0 : i32
      %dma_start3A_131 = tpu.memref_slice %arg17[%add3A_16, %dma_start3A_130] : memref<10240x64xf32, #tpu.memory_space<vmem_shared>> -> memref<128x64xf32, #tpu.memory_space<vmem_shared>>
      %dma_start3A_132 = arith.constant 0 : i32
      %dma_start3A_133 = arith.constant 0 : i32
      %dma_start3A_134 = tpu.memref_slice %arg7[%run_scoped3A_17, %dma_start3A_132, %dma_start3A_133] : memref<4x128x64xf32, #tpu.memory_space<vmem>> -> memref<1x128x64xf32, #tpu.memory_space<vmem>>
      %dma_start3A_135 = tpu.memref_squeeze %dma_start3A_134 : memref<1x128x64xf32, #tpu.memory_space<vmem>> -> memref<128x64xf32, #tpu.memory_space<vmem>>
      tpu.enqueue_dma source(%dma_start3A_135 : memref<128x64xf32, #tpu.memory_space<vmem>>) target(%dma_start3A_131 : memref<128x64xf32, #tpu.memory_space<vmem_shared>>) target_semaphore(%run_scoped3A_123 : memref<!tpu.dma_semaphore, #tpu.memory_space<semaphore_mem>>)
      %dma_wait3A_136 = arith.constant 0 : i32
      %dma_wait3A_137 = arith.constant 0 : i32
      %dma_wait3A_138 = tpu.memref_slice %arg7[%run_scoped3A_17, %dma_wait3A_136, %dma_wait3A_137] : memref<4x128x64xf32, #tpu.memory_space<vmem>> -> memref<1x128x64xf32, #tpu.memory_space<vmem>>
      %dma_wait3A_139 = tpu.memref_squeeze %dma_wait3A_138 : memref<1x128x64xf32, #tpu.memory_space<vmem>> -> memref<128x64xf32, #tpu.memory_space<vmem>>
      %dma_wait3A_140 = arith.constant 0 : i32
      %dma_wait3A_141 = tpu.memref_slice %arg17[%add3A_16, %dma_wait3A_140] : memref<10240x64xf32, #tpu.memory_space<vmem_shared>> -> memref<128x64xf32, #tpu.memory_space<vmem_shared>>
      %dma_wait3A_142 = arith.constant 0 : i32
      %dma_wait3A_143 = tpu.memref_slice %arg17[%add3A_16, %dma_wait3A_142] : memref<10240x64xf32, #tpu.memory_space<vmem_shared>> -> memref<128x64xf32, #tpu.memory_space<vmem_shared>>
      %dma_wait3A_144 = arith.constant 0 : i32
      %dma_wait3A_145 = arith.constant 0 : i32
      %dma_wait3A_146 = tpu.memref_slice %arg7[%run_scoped3A_17, %dma_wait3A_144, %dma_wait3A_145] : memref<4x128x64xf32, #tpu.memory_space<vmem>> -> memref<1x128x64xf32, #tpu.memory_space<vmem>>
      %dma_wait3A_147 = tpu.memref_squeeze %dma_wait3A_146 : memref<1x128x64xf32, #tpu.memory_space<vmem>> -> memref<128x64xf32, #tpu.memory_space<vmem>>
      tpu.wait_dma2 semaphore(%run_scoped3A_123 : memref<!tpu.dma_semaphore, #tpu.memory_space<semaphore_mem>>) src(%dma_wait3A_147 : memref<128x64xf32, #tpu.memory_space<vmem>>) dst(%dma_wait3A_143 : memref<128x64xf32, #tpu.memory_space<vmem_shared>>)
      tpu.yield
    }) : () -> ()
    %mul3A_18 = arith.constant 640 : i32
    %mul3A_19 = arith.muli %arg1, %mul3A_18 : i32
    %add3A_20 = arith.constant 384 : i32
    %add3A_21 = arith.addi %mul3A_19, %add3A_20 : i32
    %run_scoped3A_22 = arith.constant 0 : i32
    "tpu.region"() ({
      %run_scoped3A_123 = tpu.sem_alloc : memref<!tpu.dma_semaphore, #tpu.memory_space<semaphore_mem>>
      %dma_start3A_124 = arith.constant 0 : i32
      %dma_start3A_125 = arith.constant 0 : i32
      %dma_start3A_126 = tpu.memref_slice %arg7[%run_scoped3A_22, %dma_start3A_124, %dma_start3A_125] : memref<4x128x64xf32, #tpu.memory_space<vmem>> -> memref<1x128x64xf32, #tpu.memory_space<vmem>>
      %dma_start3A_127 = tpu.memref_squeeze %dma_start3A_126 : memref<1x128x64xf32, #tpu.memory_space<vmem>> -> memref<128x64xf32, #tpu.memory_space<vmem>>
      %dma_start3A_128 = arith.constant 0 : i32
      %dma_start3A_129 = tpu.memref_slice %arg17[%add3A_21, %dma_start3A_128] : memref<10240x64xf32, #tpu.memory_space<vmem_shared>> -> memref<128x64xf32, #tpu.memory_space<vmem_shared>>
      %dma_start3A_130 = arith.constant 0 : i32
      %dma_start3A_131 = tpu.memref_slice %arg17[%add3A_21, %dma_start3A_130] : memref<10240x64xf32, #tpu.memory_space<vmem_shared>> -> memref<128x64xf32, #tpu.memory_space<vmem_shared>>
      %dma_start3A_132 = arith.constant 0 : i32
      %dma_start3A_133 = arith.constant 0 : i32
      %dma_start3A_134 = tpu.memref_slice %arg7[%run_scoped3A_22, %dma_start3A_132, %dma_start3A_133] : memref<4x128x64xf32, #tpu.memory_space<vmem>> -> memref<1x128x64xf32, #tpu.memory_space<vmem>>
      %dma_start3A_135 = tpu.memref_squeeze %dma_start3A_134 : memref<1x128x64xf32, #tpu.memory_space<vmem>> -> memref<128x64xf32, #tpu.memory_space<vmem>>
      tpu.enqueue_dma source(%dma_start3A_135 : memref<128x64xf32, #tpu.memory_space<vmem>>) target(%dma_start3A_131 : memref<128x64xf32, #tpu.memory_space<vmem_shared>>) target_semaphore(%run_scoped3A_123 : memref<!tpu.dma_semaphore, #tpu.memory_space<semaphore_mem>>)
      %dma_wait3A_136 = arith.constant 0 : i32
      %dma_wait3A_137 = arith.constant 0 : i32
      %dma_wait3A_138 = tpu.memref_slice %arg7[%run_scoped3A_22, %dma_wait3A_136, %dma_wait3A_137] : memref<4x128x64xf32, #tpu.memory_space<vmem>> -> memref<1x128x64xf32, #tpu.memory_space<vmem>>
      %dma_wait3A_139 = tpu.memref_squeeze %dma_wait3A_138 : memref<1x128x64xf32, #tpu.memory_space<vmem>> -> memref<128x64xf32, #tpu.memory_space<vmem>>
      %dma_wait3A_140 = arith.constant 0 : i32
      %dma_wait3A_141 = tpu.memref_slice %arg17[%add3A_21, %dma_wait3A_140] : memref<10240x64xf32, #tpu.memory_space<vmem_shared>> -> memref<128x64xf32, #tpu.memory_space<vmem_shared>>
      %dma_wait3A_142 = arith.constant 0 : i32
      %dma_wait3A_143 = tpu.memref_slice %arg17[%add3A_21, %dma_wait3A_142] : memref<10240x64xf32, #tpu.memory_space<vmem_shared>> -> memref<128x64xf32, #tpu.memory_space<vmem_shared>>
      %dma_wait3A_144 = arith.constant 0 : i32
      %dma_wait3A_145 = arith.constant 0 : i32
      %dma_wait3A_146 = tpu.memref_slice %arg7[%run_scoped3A_22, %dma_wait3A_144, %dma_wait3A_145] : memref<4x128x64xf32, #tpu.memory_space<vmem>> -> memref<1x128x64xf32, #tpu.memory_space<vmem>>
      %dma_wait3A_147 = tpu.memref_squeeze %dma_wait3A_146 : memref<1x128x64xf32, #tpu.memory_space<vmem>> -> memref<128x64xf32, #tpu.memory_space<vmem>>
      tpu.wait_dma2 semaphore(%run_scoped3A_123 : memref<!tpu.dma_semaphore, #tpu.memory_space<semaphore_mem>>) src(%dma_wait3A_147 : memref<128x64xf32, #tpu.memory_space<vmem>>) dst(%dma_wait3A_143 : memref<128x64xf32, #tpu.memory_space<vmem_shared>>)
      tpu.yield
    }) : () -> ()
    %mul3A_23 = arith.constant 640 : i32
    %mul3A_24 = arith.muli %arg1, %mul3A_23 : i32
    %add3A_25 = arith.constant 512 : i32
    %add3A_26 = arith.addi %mul3A_24, %add3A_25 : i32
    %run_scoped3A_27 = arith.constant 0 : i32
    "tpu.region"() ({
      %run_scoped3A_123 = tpu.sem_alloc : memref<!tpu.dma_semaphore, #tpu.memory_space<semaphore_mem>>
      %dma_start3A_124 = arith.constant 0 : i32
      %dma_start3A_125 = arith.constant 0 : i32
      %dma_start3A_126 = tpu.memref_slice %arg7[%run_scoped3A_27, %dma_start3A_124, %dma_start3A_125] : memref<4x128x64xf32, #tpu.memory_space<vmem>> -> memref<1x128x64xf32, #tpu.memory_space<vmem>>
      %dma_start3A_127 = tpu.memref_squeeze %dma_start3A_126 : memref<1x128x64xf32, #tpu.memory_space<vmem>> -> memref<128x64xf32, #tpu.memory_space<vmem>>
      %dma_start3A_128 = arith.constant 0 : i32
      %dma_start3A_129 = tpu.memref_slice %arg17[%add3A_26, %dma_start3A_128] : memref<10240x64xf32, #tpu.memory_space<vmem_shared>> -> memref<128x64xf32, #tpu.memory_space<vmem_shared>>
      %dma_start3A_130 = arith.constant 0 : i32
      %dma_start3A_131 = tpu.memref_slice %arg17[%add3A_26, %dma_start3A_130] : memref<10240x64xf32, #tpu.memory_space<vmem_shared>> -> memref<128x64xf32, #tpu.memory_space<vmem_shared>>
      %dma_start3A_132 = arith.constant 0 : i32
      %dma_start3A_133 = arith.constant 0 : i32
      %dma_start3A_134 = tpu.memref_slice %arg7[%run_scoped3A_27, %dma_start3A_132, %dma_start3A_133] : memref<4x128x64xf32, #tpu.memory_space<vmem>> -> memref<1x128x64xf32, #tpu.memory_space<vmem>>
      %dma_start3A_135 = tpu.memref_squeeze %dma_start3A_134 : memref<1x128x64xf32, #tpu.memory_space<vmem>> -> memref<128x64xf32, #tpu.memory_space<vmem>>
      tpu.enqueue_dma source(%dma_start3A_135 : memref<128x64xf32, #tpu.memory_space<vmem>>) target(%dma_start3A_131 : memref<128x64xf32, #tpu.memory_space<vmem_shared>>) target_semaphore(%run_scoped3A_123 : memref<!tpu.dma_semaphore, #tpu.memory_space<semaphore_mem>>)
      %dma_wait3A_136 = arith.constant 0 : i32
      %dma_wait3A_137 = arith.constant 0 : i32
      %dma_wait3A_138 = tpu.memref_slice %arg7[%run_scoped3A_27, %dma_wait3A_136, %dma_wait3A_137] : memref<4x128x64xf32, #tpu.memory_space<vmem>> -> memref<1x128x64xf32, #tpu.memory_space<vmem>>
      %dma_wait3A_139 = tpu.memref_squeeze %dma_wait3A_138 : memref<1x128x64xf32, #tpu.memory_space<vmem>> -> memref<128x64xf32, #tpu.memory_space<vmem>>
      %dma_wait3A_140 = arith.constant 0 : i32
      %dma_wait3A_141 = tpu.memref_slice %arg17[%add3A_26, %dma_wait3A_140] : memref<10240x64xf32, #tpu.memory_space<vmem_shared>> -> memref<128x64xf32, #tpu.memory_space<vmem_shared>>
      %dma_wait3A_142 = arith.constant 0 : i32
      %dma_wait3A_143 = tpu.memref_slice %arg17[%add3A_26, %dma_wait3A_142] : memref<10240x64xf32, #tpu.memory_space<vmem_shared>> -> memref<128x64xf32, #tpu.memory_space<vmem_shared>>
      %dma_wait3A_144 = arith.constant 0 : i32
      %dma_wait3A_145 = arith.constant 0 : i32
      %dma_wait3A_146 = tpu.memref_slice %arg7[%run_scoped3A_27, %dma_wait3A_144, %dma_wait3A_145] : memref<4x128x64xf32, #tpu.memory_space<vmem>> -> memref<1x128x64xf32, #tpu.memory_space<vmem>>
      %dma_wait3A_147 = tpu.memref_squeeze %dma_wait3A_146 : memref<1x128x64xf32, #tpu.memory_space<vmem>> -> memref<128x64xf32, #tpu.memory_space<vmem>>
      tpu.wait_dma2 semaphore(%run_scoped3A_123 : memref<!tpu.dma_semaphore, #tpu.memory_space<semaphore_mem>>) src(%dma_wait3A_147 : memref<128x64xf32, #tpu.memory_space<vmem>>) dst(%dma_wait3A_143 : memref<128x64xf32, #tpu.memory_space<vmem_shared>>)
      tpu.yield
    }) : () -> ()
    %barrier3A = arith.constant 0 : index
    tpu.barrier barrier_id(%barrier3A)
    %mul3A_28 = arith.constant 327680 : i32
    %mul3A_29 = arith.muli %arg0, %mul3A_28 : i32
    %mul3A_30 = arith.constant 20480 : i32
    %mul3A_31 = arith.muli %arg1, %mul3A_30 : i32
    %add3A_32 = arith.addi %mul3A_29, %mul3A_31 : i32
    %add3A_33 = arith.constant 0 : i32
    %add3A_34 = arith.addi %add3A_32, %add3A_33 : i32
    %dma_start3A = tpu.memref_slice %arg3[%add3A_34] : memref<655360xi32, #tpu.memory_space<hbm>> -> memref<128xi32, #tpu.memory_space<hbm>>
    %dma_start3A_35 = tpu.memref_slice %arg3[%add3A_34] : memref<655360xi32, #tpu.memory_space<hbm>> -> memref<128xi32, #tpu.memory_space<hbm>>
    tpu.enqueue_dma source(%dma_start3A_35 : memref<128xi32, #tpu.memory_space<hbm>>) target(%arg9 : memref<128xi32, #tpu.memory_space<vmem>>) target_semaphore(%arg20 : memref<!tpu.dma_semaphore, #tpu.memory_space<semaphore_mem>>)
    %add3A_36 = arith.constant 128 : i32
    %add3A_37 = arith.addi %add3A_32, %add3A_36 : i32
    %dma_start3A_38 = tpu.memref_slice %arg3[%add3A_37] : memref<655360xi32, #tpu.memory_space<hbm>> -> memref<128xi32, #tpu.memory_space<hbm>>
    %dma_start3A_39 = tpu.memref_slice %arg3[%add3A_37] : memref<655360xi32, #tpu.memory_space<hbm>> -> memref<128xi32, #tpu.memory_space<hbm>>
    tpu.enqueue_dma source(%dma_start3A_39 : memref<128xi32, #tpu.memory_space<hbm>>) target(%arg10 : memref<128xi32, #tpu.memory_space<vmem>>) target_semaphore(%arg20 : memref<!tpu.dma_semaphore, #tpu.memory_space<semaphore_mem>>)
    %add3A_40 = arith.constant 256 : i32
    %add3A_41 = arith.addi %add3A_32, %add3A_40 : i32
    %dma_start3A_42 = tpu.memref_slice %arg3[%add3A_41] : memref<655360xi32, #tpu.memory_space<hbm>> -> memref<128xi32, #tpu.memory_space<hbm>>
    %dma_start3A_43 = tpu.memref_slice %arg3[%add3A_41] : memref<655360xi32, #tpu.memory_space<hbm>> -> memref<128xi32, #tpu.memory_space<hbm>>
    tpu.enqueue_dma source(%dma_start3A_43 : memref<128xi32, #tpu.memory_space<hbm>>) target(%arg11 : memref<128xi32, #tpu.memory_space<vmem>>) target_semaphore(%arg20 : memref<!tpu.dma_semaphore, #tpu.memory_space<semaphore_mem>>)
    %add3A_44 = arith.constant 384 : i32
    %add3A_45 = arith.addi %add3A_32, %add3A_44 : i32
    %dma_start3A_46 = tpu.memref_slice %arg3[%add3A_45] : memref<655360xi32, #tpu.memory_space<hbm>> -> memref<128xi32, #tpu.memory_space<hbm>>
    %dma_start3A_47 = tpu.memref_slice %arg3[%add3A_45] : memref<655360xi32, #tpu.memory_space<hbm>> -> memref<128xi32, #tpu.memory_space<hbm>>
    tpu.enqueue_dma source(%dma_start3A_47 : memref<128xi32, #tpu.memory_space<hbm>>) target(%arg12 : memref<128xi32, #tpu.memory_space<vmem>>) target_semaphore(%arg20 : memref<!tpu.dma_semaphore, #tpu.memory_space<semaphore_mem>>)
    %add3A_48 = arith.constant 512 : i32
    %add3A_49 = arith.addi %add3A_32, %add3A_48 : i32
    %dma_start3A_50 = tpu.memref_slice %arg3[%add3A_49] : memref<655360xi32, #tpu.memory_space<hbm>> -> memref<128xi32, #tpu.memory_space<hbm>>
    %dma_start3A_51 = tpu.memref_slice %arg3[%add3A_49] : memref<655360xi32, #tpu.memory_space<hbm>> -> memref<128xi32, #tpu.memory_space<hbm>>
    tpu.enqueue_dma source(%dma_start3A_51 : memref<128xi32, #tpu.memory_space<hbm>>) target(%arg13 : memref<128xi32, #tpu.memory_space<vmem>>) target_semaphore(%arg20 : memref<!tpu.dma_semaphore, #tpu.memory_space<semaphore_mem>>)
    %add3A_52 = arith.constant 640 : i32
    %add3A_53 = arith.addi %add3A_32, %add3A_52 : i32
    %dma_start3A_54 = tpu.memref_slice %arg3[%add3A_53] : memref<655360xi32, #tpu.memory_space<hbm>> -> memref<128xi32, #tpu.memory_space<hbm>>
    %dma_start3A_55 = tpu.memref_slice %arg3[%add3A_53] : memref<655360xi32, #tpu.memory_space<hbm>> -> memref<128xi32, #tpu.memory_space<hbm>>
    tpu.enqueue_dma source(%dma_start3A_55 : memref<128xi32, #tpu.memory_space<hbm>>) target(%arg14 : memref<128xi32, #tpu.memory_space<vmem>>) target_semaphore(%arg20 : memref<!tpu.dma_semaphore, #tpu.memory_space<semaphore_mem>>)
    %add3A_56 = arith.constant 768 : i32
    %add3A_57 = arith.addi %add3A_32, %add3A_56 : i32
    %dma_start3A_58 = tpu.memref_slice %arg3[%add3A_57] : memref<655360xi32, #tpu.memory_space<hbm>> -> memref<128xi32, #tpu.memory_space<hbm>>
    %dma_start3A_59 = tpu.memref_slice %arg3[%add3A_57] : memref<655360xi32, #tpu.memory_space<hbm>> -> memref<128xi32, #tpu.memory_space<hbm>>
    tpu.enqueue_dma source(%dma_start3A_59 : memref<128xi32, #tpu.memory_space<hbm>>) target(%arg15 : memref<128xi32, #tpu.memory_space<vmem>>) target_semaphore(%arg20 : memref<!tpu.dma_semaphore, #tpu.memory_space<semaphore_mem>>)
    %add3A_60 = arith.constant 896 : i32
    %add3A_61 = arith.addi %add3A_32, %add3A_60 : i32
    %dma_start3A_62 = tpu.memref_slice %arg3[%add3A_61] : memref<655360xi32, #tpu.memory_space<hbm>> -> memref<128xi32, #tpu.memory_space<hbm>>
    %dma_start3A_63 = tpu.memref_slice %arg3[%add3A_61] : memref<655360xi32, #tpu.memory_space<hbm>> -> memref<128xi32, #tpu.memory_space<hbm>>
    tpu.enqueue_dma source(%dma_start3A_63 : memref<128xi32, #tpu.memory_space<hbm>>) target(%arg16 : memref<128xi32, #tpu.memory_space<vmem>>) target_semaphore(%arg20 : memref<!tpu.dma_semaphore, #tpu.memory_space<semaphore_mem>>)
    %add3A_64 = arith.constant 0 : i32
    %add3A_65 = arith.addi %add3A_32, %add3A_64 : i32
    %dma_wait3A = tpu.memref_slice %arg3[%add3A_65] : memref<655360xi32, #tpu.memory_space<hbm>> -> memref<128xi32, #tpu.memory_space<hbm>>
    %dma_wait3A_66 = tpu.memref_slice %arg3[%add3A_65] : memref<655360xi32, #tpu.memory_space<hbm>> -> memref<128xi32, #tpu.memory_space<hbm>>
    tpu.wait_dma2 semaphore(%arg20 : memref<!tpu.dma_semaphore, #tpu.memory_space<semaphore_mem>>) src(%dma_wait3A_66 : memref<128xi32, #tpu.memory_space<hbm>>) dst(%arg9 : memref<128xi32, #tpu.memory_space<vmem>>)
    %add3A_67 = arith.constant 128 : i32
    %add3A_68 = arith.addi %add3A_32, %add3A_67 : i32
    %dma_wait3A_69 = tpu.memref_slice %arg3[%add3A_68] : memref<655360xi32, #tpu.memory_space<hbm>> -> memref<128xi32, #tpu.memory_space<hbm>>
    %dma_wait3A_70 = tpu.memref_slice %arg3[%add3A_68] : memref<655360xi32, #tpu.memory_space<hbm>> -> memref<128xi32, #tpu.memory_space<hbm>>
    tpu.wait_dma2 semaphore(%arg20 : memref<!tpu.dma_semaphore, #tpu.memory_space<semaphore_mem>>) src(%dma_wait3A_70 : memref<128xi32, #tpu.memory_space<hbm>>) dst(%arg10 : memref<128xi32, #tpu.memory_space<vmem>>)
    %add3A_71 = arith.constant 256 : i32
    %add3A_72 = arith.addi %add3A_32, %add3A_71 : i32
    %dma_wait3A_73 = tpu.memref_slice %arg3[%add3A_72] : memref<655360xi32, #tpu.memory_space<hbm>> -> memref<128xi32, #tpu.memory_space<hbm>>
    %dma_wait3A_74 = tpu.memref_slice %arg3[%add3A_72] : memref<655360xi32, #tpu.memory_space<hbm>> -> memref<128xi32, #tpu.memory_space<hbm>>
    tpu.wait_dma2 semaphore(%arg20 : memref<!tpu.dma_semaphore, #tpu.memory_space<semaphore_mem>>) src(%dma_wait3A_74 : memref<128xi32, #tpu.memory_space<hbm>>) dst(%arg11 : memref<128xi32, #tpu.memory_space<vmem>>)
    %add3A_75 = arith.constant 384 : i32
    %add3A_76 = arith.addi %add3A_32, %add3A_75 : i32
    %dma_wait3A_77 = tpu.memref_slice %arg3[%add3A_76] : memref<655360xi32, #tpu.memory_space<hbm>> -> memref<128xi32, #tpu.memory_space<hbm>>
    %dma_wait3A_78 = tpu.memref_slice %arg3[%add3A_76] : memref<655360xi32, #tpu.memory_space<hbm>> -> memref<128xi32, #tpu.memory_space<hbm>>
    tpu.wait_dma2 semaphore(%arg20 : memref<!tpu.dma_semaphore, #tpu.memory_space<semaphore_mem>>) src(%dma_wait3A_78 : memref<128xi32, #tpu.memory_space<hbm>>) dst(%arg12 : memref<128xi32, #tpu.memory_space<vmem>>)
    %dma_start3A_79 = arith.constant 0 : i32
    %dma_start3A_80 = arith.constant 0 : i32
    %dma_start3A_81 = arith.constant 0 : i32
    %dma_start3A_82 = tpu.memref_slice %arg7[%dma_start3A_79, %dma_start3A_80, %dma_start3A_81] : memref<4x128x64xf32, #tpu.memory_space<vmem>> -> memref<1x128x64xf32, #tpu.memory_space<vmem>>
    %dma_start3A_83 = tpu.memref_squeeze %dma_start3A_82 : memref<1x128x64xf32, #tpu.memory_space<vmem>> -> memref<128x64xf32, #tpu.memory_space<vmem>>
    %dma_start3A_84 = arith.constant 0 : i32
    %dma_start3A_85 = arith.constant 0 : i32
    %dma_start3A_86 = tpu.memref_slice %arg2[%dma_start3A_84, %dma_start3A_85] : memref<20480x64xf32, #tpu.memory_space<hbm>> -> memref<20480x64xf32, #tpu.memory_space<hbm>>
    tpu.enqueue_indirect_dma source(%dma_start3A_86 : memref<20480x64xf32, #tpu.memory_space<hbm>>) target(%dma_start3A_83 : memref<128x64xf32, #tpu.memory_space<vmem>>) offsets(%arg9 : memref<128xi32, #tpu.memory_space<vmem>>) semaphore(%arg18 : memref<!tpu.dma_semaphore, #tpu.memory_space<semaphore_mem>>)
    %dma_start3A_87 = arith.constant 1 : i32
    %dma_start3A_88 = arith.constant 0 : i32
    %dma_start3A_89 = arith.constant 0 : i32
    %dma_start3A_90 = tpu.memref_slice %arg7[%dma_start3A_87, %dma_start3A_88, %dma_start3A_89] : memref<4x128x64xf32, #tpu.memory_space<vmem>> -> memref<1x128x64xf32, #tpu.memory_space<vmem>>
    %dma_start3A_91 = tpu.memref_squeeze %dma_start3A_90 : memref<1x128x64xf32, #tpu.memory_space<vmem>> -> memref<128x64xf32, #tpu.memory_space<vmem>>
    %dma_start3A_92 = arith.constant 0 : i32
    %dma_start3A_93 = arith.constant 0 : i32
    %dma_start3A_94 = tpu.memref_slice %arg2[%dma_start3A_92, %dma_start3A_93] : memref<20480x64xf32, #tpu.memory_space<hbm>> -> memref<20480x64xf32, #tpu.memory_space<hbm>>
    tpu.enqueue_indirect_dma source(%dma_start3A_94 : memref<20480x64xf32, #tpu.memory_space<hbm>>) target(%dma_start3A_91 : memref<128x64xf32, #tpu.memory_space<vmem>>) offsets(%arg10 : memref<128xi32, #tpu.memory_space<vmem>>) semaphore(%arg18 : memref<!tpu.dma_semaphore, #tpu.memory_space<semaphore_mem>>)
    %dma_start3A_95 = arith.constant 2 : i32
    %dma_start3A_96 = arith.constant 0 : i32
    %dma_start3A_97 = arith.constant 0 : i32
    %dma_start3A_98 = tpu.memref_slice %arg7[%dma_start3A_95, %dma_start3A_96, %dma_start3A_97] : memref<4x128x64xf32, #tpu.memory_space<vmem>> -> memref<1x128x64xf32, #tpu.memory_space<vmem>>
    %dma_start3A_99 = tpu.memref_squeeze %dma_start3A_98 : memref<1x128x64xf32, #tpu.memory_space<vmem>> -> memref<128x64xf32, #tpu.memory_space<vmem>>
    %dma_start3A_100 = arith.constant 0 : i32
    %dma_start3A_101 = arith.constant 0 : i32
    %dma_start3A_102 = tpu.memref_slice %arg2[%dma_start3A_100, %dma_start3A_101] : memref<20480x64xf32, #tpu.memory_space<hbm>> -> memref<20480x64xf32, #tpu.memory_space<hbm>>
    tpu.enqueue_indirect_dma source(%dma_start3A_102 : memref<20480x64xf32, #tpu.memory_space<hbm>>) target(%dma_start3A_99 : memref<128x64xf32, #tpu.memory_space<vmem>>) offsets(%arg11 : memref<128xi32, #tpu.memory_space<vmem>>) semaphore(%arg18 : memref<!tpu.dma_semaphore, #tpu.memory_space<semaphore_mem>>)
    %dma_start3A_103 = arith.constant 3 : i32
    %dma_start3A_104 = arith.constant 0 : i32
    %dma_start3A_105 = arith.constant 0 : i32
    %dma_start3A_106 = tpu.memref_slice %arg7[%dma_start3A_103, %dma_start3A_104, %dma_start3A_105] : memref<4x128x64xf32, #tpu.memory_space<vmem>> -> memref<1x128x64xf32, #tpu.memory_space<vmem>>
    %dma_start3A_107 = tpu.memref_squeeze %dma_start3A_106 : memref<1x128x64xf32, #tpu.memory_space<vmem>> -> memref<128x64xf32, #tpu.memory_space<vmem>>
    %dma_start3A_108 = arith.constant 0 : i32
    %dma_start3A_109 = arith.constant 0 : i32
    %dma_start3A_110 = tpu.memref_slice %arg2[%dma_start3A_108, %dma_start3A_109] : memref<20480x64xf32, #tpu.memory_space<hbm>> -> memref<20480x64xf32, #tpu.memory_space<hbm>>
    tpu.enqueue_indirect_dma source(%dma_start3A_110 : memref<20480x64xf32, #tpu.memory_space<hbm>>) target(%dma_start3A_107 : memref<128x64xf32, #tpu.memory_space<vmem>>) offsets(%arg12 : memref<128xi32, #tpu.memory_space<vmem>>) semaphore(%arg18 : memref<!tpu.dma_semaphore, #tpu.memory_space<semaphore_mem>>)
    %scan3A_111 = arith.constant 0 : i32
    %scan3A_112 = arith.constant 20 : i32
    %scan3A_113 = arith.addi %scan3A_111, %scan3A_112 : i32
    %scan3A_114 = arith.constant 1 : i32
    scf.for %scan3A_123 = %scan3A_111 to %scan3A_113 step %scan3A_114  : i32 {
      %mul3A_124 = arith.constant 1 : i32
      %mul3A_125 = arith.muli %scan3A_123, %mul3A_124 : i32
      %add3A_126 = arith.constant 0 : i32
      %add3A_127 = arith.addi %add3A_126, %mul3A_125 : i32
      %mul3A_128 = arith.constant 2 : i32
      %mul3A_129 = arith.muli %mul3A_128, %add3A_127 : i32
      %add3A_130 = arith.constant 0 : i32
      %add3A_131 = arith.addi %mul3A_129, %add3A_130 : i32
      %dma_wait3A_132 = arith.constant 0 : i32
      %dma_wait3A_133 = arith.constant 0 : i32
      %dma_wait3A_134 = arith.constant 0 : i32
      %dma_wait3A_135 = tpu.memref_slice %arg7[%dma_wait3A_132, %dma_wait3A_133, %dma_wait3A_134] : memref<4x128x64xf32, #tpu.memory_space<vmem>> -> memref<1x128x64xf32, #tpu.memory_space<vmem>>
      %dma_wait3A_136 = tpu.memref_squeeze %dma_wait3A_135 : memref<1x128x64xf32, #tpu.memory_space<vmem>> -> memref<128x64xf32, #tpu.memory_space<vmem>>
      %dma_wait3A_137 = arith.constant 0 : i32
      %dma_wait3A_138 = arith.constant 0 : i32
      %dma_wait3A_139 = tpu.memref_slice %arg2[%dma_wait3A_137, %dma_wait3A_138] : memref<20480x64xf32, #tpu.memory_space<hbm>> -> memref<20480x64xf32, #tpu.memory_space<hbm>>
      tpu.wait_indirect_dma semaphore(%arg18 : memref<!tpu.dma_semaphore, #tpu.memory_space<semaphore_mem>>) src(%dma_wait3A_139 : memref<20480x64xf32, #tpu.memory_space<hbm>>) dst(%dma_wait3A_136 : memref<128x64xf32, #tpu.memory_space<vmem>>)
      %dma_wait3A_140 = arith.constant 1 : i32
      %dma_wait3A_141 = arith.constant 0 : i32
      %dma_wait3A_142 = arith.constant 0 : i32
      %dma_wait3A_143 = tpu.memref_slice %arg7[%dma_wait3A_140, %dma_wait3A_141, %dma_wait3A_142] : memref<4x128x64xf32, #tpu.memory_space<vmem>> -> memref<1x128x64xf32, #tpu.memory_space<vmem>>
      %dma_wait3A_144 = tpu.memref_squeeze %dma_wait3A_143 : memref<1x128x64xf32, #tpu.memory_space<vmem>> -> memref<128x64xf32, #tpu.memory_space<vmem>>
      %dma_wait3A_145 = arith.constant 0 : i32
      %dma_wait3A_146 = arith.constant 0 : i32
      %dma_wait3A_147 = tpu.memref_slice %arg2[%dma_wait3A_145, %dma_wait3A_146] : memref<20480x64xf32, #tpu.memory_space<hbm>> -> memref<20480x64xf32, #tpu.memory_space<hbm>>
      tpu.wait_indirect_dma semaphore(%arg18 : memref<!tpu.dma_semaphore, #tpu.memory_space<semaphore_mem>>) src(%dma_wait3A_147 : memref<20480x64xf32, #tpu.memory_space<hbm>>) dst(%dma_wait3A_144 : memref<128x64xf32, #tpu.memory_space<vmem>>)
      %dma_wait3A_148 = arith.constant 2 : i32
      %dma_wait3A_149 = arith.constant 0 : i32
      %dma_wait3A_150 = arith.constant 0 : i32
      %dma_wait3A_151 = tpu.memref_slice %arg7[%dma_wait3A_148, %dma_wait3A_149, %dma_wait3A_150] : memref<4x128x64xf32, #tpu.memory_space<vmem>> -> memref<1x128x64xf32, #tpu.memory_space<vmem>>
      %dma_wait3A_152 = tpu.memref_squeeze %dma_wait3A_151 : memref<1x128x64xf32, #tpu.memory_space<vmem>> -> memref<128x64xf32, #tpu.memory_space<vmem>>
      %dma_wait3A_153 = arith.constant 0 : i32
      %dma_wait3A_154 = arith.constant 0 : i32
      %dma_wait3A_155 = tpu.memref_slice %arg2[%dma_wait3A_153, %dma_wait3A_154] : memref<20480x64xf32, #tpu.memory_space<hbm>> -> memref<20480x64xf32, #tpu.memory_space<hbm>>
      tpu.wait_indirect_dma semaphore(%arg18 : memref<!tpu.dma_semaphore, #tpu.memory_space<semaphore_mem>>) src(%dma_wait3A_155 : memref<20480x64xf32, #tpu.memory_space<hbm>>) dst(%dma_wait3A_152 : memref<128x64xf32, #tpu.memory_space<vmem>>)
      %dma_wait3A_156 = arith.constant 3 : i32
      %dma_wait3A_157 = arith.constant 0 : i32
      %dma_wait3A_158 = arith.constant 0 : i32
      %dma_wait3A_159 = tpu.memref_slice %arg7[%dma_wait3A_156, %dma_wait3A_157, %dma_wait3A_158] : memref<4x128x64xf32, #tpu.memory_space<vmem>> -> memref<1x128x64xf32, #tpu.memory_space<vmem>>
      %dma_wait3A_160 = tpu.memref_squeeze %dma_wait3A_159 : memref<1x128x64xf32, #tpu.memory_space<vmem>> -> memref<128x64xf32, #tpu.memory_space<vmem>>
      %dma_wait3A_161 = arith.constant 0 : i32
      %dma_wait3A_162 = arith.constant 0 : i32
      %dma_wait3A_163 = tpu.memref_slice %arg2[%dma_wait3A_161, %dma_wait3A_162] : memref<20480x64xf32, #tpu.memory_space<hbm>> -> memref<20480x64xf32, #tpu.memory_space<hbm>>
      tpu.wait_indirect_dma semaphore(%arg18 : memref<!tpu.dma_semaphore, #tpu.memory_space<semaphore_mem>>) src(%dma_wait3A_163 : memref<20480x64xf32, #tpu.memory_space<hbm>>) dst(%dma_wait3A_160 : memref<128x64xf32, #tpu.memory_space<vmem>>)
      %add3A_164 = arith.constant 2 : i32
      %add3A_165 = arith.addi %add3A_131, %add3A_164 : i32
      %lt3A = arith.constant 40 : i32
      %lt3A_166 = arith.cmpi slt, %add3A_165, %lt3A : i32
      %convert_element_type3A = arith.extui %lt3A_166 : i1 to i32
      %cond3A = arith.constant 0 : i32
      %cond3A_167 = arith.cmpi ne, %convert_element_type3A, %cond3A : i32
      scf.if %cond3A_167 {
        %add3A_465 = arith.constant 2 : i32
        %add3A_466 = arith.addi %add3A_131, %add3A_465 : i32
        %mul3A_467 = arith.constant 4 : i32
        %mul3A_468 = arith.muli %add3A_466, %mul3A_467 : i32
        %add3A_469 = arith.constant 0 : i32
        %add3A_470 = arith.addi %mul3A_468, %add3A_469 : i32
        %mul3A_471 = arith.constant 128 : i32
        %mul3A_472 = arith.muli %add3A_470, %mul3A_471 : i32
        %add3A_473 = arith.addi %add3A_32, %mul3A_472 : i32
        %dma_start3A_474 = tpu.memref_slice %arg3[%add3A_473] : memref<655360xi32, #tpu.memory_space<hbm>> -> memref<128xi32, #tpu.memory_space<hbm>>
        %dma_start3A_475 = tpu.memref_slice %arg3[%add3A_473] : memref<655360xi32, #tpu.memory_space<hbm>> -> memref<128xi32, #tpu.memory_space<hbm>>
        tpu.enqueue_dma source(%dma_start3A_475 : memref<128xi32, #tpu.memory_space<hbm>>) target(%arg9 : memref<128xi32, #tpu.memory_space<vmem>>) target_semaphore(%arg20 : memref<!tpu.dma_semaphore, #tpu.memory_space<semaphore_mem>>)
        %mul3A_476 = arith.constant 4 : i32
        %mul3A_477 = arith.muli %add3A_466, %mul3A_476 : i32
        %add3A_478 = arith.constant 1 : i32
        %add3A_479 = arith.addi %mul3A_477, %add3A_478 : i32
        %mul3A_480 = arith.constant 128 : i32
        %mul3A_481 = arith.muli %add3A_479, %mul3A_480 : i32
        %add3A_482 = arith.addi %add3A_32, %mul3A_481 : i32
        %dma_start3A_483 = tpu.memref_slice %arg3[%add3A_482] : memref<655360xi32, #tpu.memory_space<hbm>> -> memref<128xi32, #tpu.memory_space<hbm>>
        %dma_start3A_484 = tpu.memref_slice %arg3[%add3A_482] : memref<655360xi32, #tpu.memory_space<hbm>> -> memref<128xi32, #tpu.memory_space<hbm>>
        tpu.enqueue_dma source(%dma_start3A_484 : memref<128xi32, #tpu.memory_space<hbm>>) target(%arg10 : memref<128xi32, #tpu.memory_space<vmem>>) target_semaphore(%arg20 : memref<!tpu.dma_semaphore, #tpu.memory_space<semaphore_mem>>)
        %mul3A_485 = arith.constant 4 : i32
        %mul3A_486 = arith.muli %add3A_466, %mul3A_485 : i32
        %add3A_487 = arith.constant 2 : i32
        %add3A_488 = arith.addi %mul3A_486, %add3A_487 : i32
        %mul3A_489 = arith.constant 128 : i32
        %mul3A_490 = arith.muli %add3A_488, %mul3A_489 : i32
        %add3A_491 = arith.addi %add3A_32, %mul3A_490 : i32
        %dma_start3A_492 = tpu.memref_slice %arg3[%add3A_491] : memref<655360xi32, #tpu.memory_space<hbm>> -> memref<128xi32, #tpu.memory_space<hbm>>
        %dma_start3A_493 = tpu.memref_slice %arg3[%add3A_491] : memref<655360xi32, #tpu.memory_space<hbm>> -> memref<128xi32, #tpu.memory_space<hbm>>
        tpu.enqueue_dma source(%dma_start3A_493 : memref<128xi32, #tpu.memory_space<hbm>>) target(%arg11 : memref<128xi32, #tpu.memory_space<vmem>>) target_semaphore(%arg20 : memref<!tpu.dma_semaphore, #tpu.memory_space<semaphore_mem>>)
        %mul3A_494 = arith.constant 4 : i32
        %mul3A_495 = arith.muli %add3A_466, %mul3A_494 : i32
        %add3A_496 = arith.constant 3 : i32
        %add3A_497 = arith.addi %mul3A_495, %add3A_496 : i32
        %mul3A_498 = arith.constant 128 : i32
        %mul3A_499 = arith.muli %add3A_497, %mul3A_498 : i32
        %add3A_500 = arith.addi %add3A_32, %mul3A_499 : i32
        %dma_start3A_501 = tpu.memref_slice %arg3[%add3A_500] : memref<655360xi32, #tpu.memory_space<hbm>> -> memref<128xi32, #tpu.memory_space<hbm>>
        %dma_start3A_502 = tpu.memref_slice %arg3[%add3A_500] : memref<655360xi32, #tpu.memory_space<hbm>> -> memref<128xi32, #tpu.memory_space<hbm>>
        tpu.enqueue_dma source(%dma_start3A_502 : memref<128xi32, #tpu.memory_space<hbm>>) target(%arg12 : memref<128xi32, #tpu.memory_space<vmem>>) target_semaphore(%arg20 : memref<!tpu.dma_semaphore, #tpu.memory_space<semaphore_mem>>)
      } else {
      }
      %add3A_168 = arith.constant 1 : i32
      %add3A_169 = arith.addi %add3A_131, %add3A_168 : i32
      %lt3A_170 = arith.constant 40 : i32
      %lt3A_171 = arith.cmpi slt, %add3A_169, %lt3A_170 : i32
      %convert_element_type3A_172 = arith.extui %lt3A_171 : i1 to i32
      %cond3A_173 = arith.constant 0 : i32
      %cond3A_174 = arith.cmpi ne, %convert_element_type3A_172, %cond3A_173 : i32
      scf.if %cond3A_174 {
        %add3A_465 = arith.constant 1 : i32
        %add3A_466 = arith.addi %add3A_131, %add3A_465 : i32
        %mul3A_467 = arith.constant 4 : i32
        %mul3A_468 = arith.muli %add3A_466, %mul3A_467 : i32
        %add3A_469 = arith.constant 0 : i32
        %add3A_470 = arith.addi %mul3A_468, %add3A_469 : i32
        %mul3A_471 = arith.constant 128 : i32
        %mul3A_472 = arith.muli %add3A_470, %mul3A_471 : i32
        %add3A_473 = arith.addi %add3A_32, %mul3A_472 : i32
        %dma_wait3A_474 = tpu.memref_slice %arg3[%add3A_473] : memref<655360xi32, #tpu.memory_space<hbm>> -> memref<128xi32, #tpu.memory_space<hbm>>
        %dma_wait3A_475 = tpu.memref_slice %arg3[%add3A_473] : memref<655360xi32, #tpu.memory_space<hbm>> -> memref<128xi32, #tpu.memory_space<hbm>>
        tpu.wait_dma2 semaphore(%arg20 : memref<!tpu.dma_semaphore, #tpu.memory_space<semaphore_mem>>) src(%dma_wait3A_475 : memref<128xi32, #tpu.memory_space<hbm>>) dst(%arg13 : memref<128xi32, #tpu.memory_space<vmem>>)
        %mul3A_476 = arith.constant 4 : i32
        %mul3A_477 = arith.muli %add3A_466, %mul3A_476 : i32
        %add3A_478 = arith.constant 1 : i32
        %add3A_479 = arith.addi %mul3A_477, %add3A_478 : i32
        %mul3A_480 = arith.constant 128 : i32
        %mul3A_481 = arith.muli %add3A_479, %mul3A_480 : i32
        %add3A_482 = arith.addi %add3A_32, %mul3A_481 : i32
        %dma_wait3A_483 = tpu.memref_slice %arg3[%add3A_482] : memref<655360xi32, #tpu.memory_space<hbm>> -> memref<128xi32, #tpu.memory_space<hbm>>
        %dma_wait3A_484 = tpu.memref_slice %arg3[%add3A_482] : memref<655360xi32, #tpu.memory_space<hbm>> -> memref<128xi32, #tpu.memory_space<hbm>>
        tpu.wait_dma2 semaphore(%arg20 : memref<!tpu.dma_semaphore, #tpu.memory_space<semaphore_mem>>) src(%dma_wait3A_484 : memref<128xi32, #tpu.memory_space<hbm>>) dst(%arg14 : memref<128xi32, #tpu.memory_space<vmem>>)
        %mul3A_485 = arith.constant 4 : i32
        %mul3A_486 = arith.muli %add3A_466, %mul3A_485 : i32
        %add3A_487 = arith.constant 2 : i32
        %add3A_488 = arith.addi %mul3A_486, %add3A_487 : i32
        %mul3A_489 = arith.constant 128 : i32
        %mul3A_490 = arith.muli %add3A_488, %mul3A_489 : i32
        %add3A_491 = arith.addi %add3A_32, %mul3A_490 : i32
        %dma_wait3A_492 = tpu.memref_slice %arg3[%add3A_491] : memref<655360xi32, #tpu.memory_space<hbm>> -> memref<128xi32, #tpu.memory_space<hbm>>
        %dma_wait3A_493 = tpu.memref_slice %arg3[%add3A_491] : memref<655360xi32, #tpu.memory_space<hbm>> -> memref<128xi32, #tpu.memory_space<hbm>>
        tpu.wait_dma2 semaphore(%arg20 : memref<!tpu.dma_semaphore, #tpu.memory_space<semaphore_mem>>) src(%dma_wait3A_493 : memref<128xi32, #tpu.memory_space<hbm>>) dst(%arg15 : memref<128xi32, #tpu.memory_space<vmem>>)
        %mul3A_494 = arith.constant 4 : i32
        %mul3A_495 = arith.muli %add3A_466, %mul3A_494 : i32
        %add3A_496 = arith.constant 3 : i32
        %add3A_497 = arith.addi %mul3A_495, %add3A_496 : i32
        %mul3A_498 = arith.constant 128 : i32
        %mul3A_499 = arith.muli %add3A_497, %mul3A_498 : i32
        %add3A_500 = arith.addi %add3A_32, %mul3A_499 : i32
        %dma_wait3A_501 = tpu.memref_slice %arg3[%add3A_500] : memref<655360xi32, #tpu.memory_space<hbm>> -> memref<128xi32, #tpu.memory_space<hbm>>
        %dma_wait3A_502 = tpu.memref_slice %arg3[%add3A_500] : memref<655360xi32, #tpu.memory_space<hbm>> -> memref<128xi32, #tpu.memory_space<hbm>>
        tpu.wait_dma2 semaphore(%arg20 : memref<!tpu.dma_semaphore, #tpu.memory_space<semaphore_mem>>) src(%dma_wait3A_502 : memref<128xi32, #tpu.memory_space<hbm>>) dst(%arg16 : memref<128xi32, #tpu.memory_space<vmem>>)
        %add3A_503 = arith.constant 1 : i32
        %add3A_504 = arith.addi %add3A_131, %add3A_503 : i32
        %dma_start3A_505 = arith.constant 0 : i32
        %dma_start3A_506 = arith.constant 0 : i32
        %dma_start3A_507 = arith.constant 0 : i32
        %dma_start3A_508 = tpu.memref_slice %arg8[%dma_start3A_505, %dma_start3A_506, %dma_start3A_507] : memref<4x128x64xf32, #tpu.memory_space<vmem>> -> memref<1x128x64xf32, #tpu.memory_space<vmem>>
        %dma_start3A_509 = tpu.memref_squeeze %dma_start3A_508 : memref<1x128x64xf32, #tpu.memory_space<vmem>> -> memref<128x64xf32, #tpu.memory_space<vmem>>
        %dma_start3A_510 = arith.constant 0 : i32
        %dma_start3A_511 = arith.constant 0 : i32
        %dma_start3A_512 = tpu.memref_slice %arg2[%dma_start3A_510, %dma_start3A_511] : memref<20480x64xf32, #tpu.memory_space<hbm>> -> memref<20480x64xf32, #tpu.memory_space<hbm>>
        tpu.enqueue_indirect_dma source(%dma_start3A_512 : memref<20480x64xf32, #tpu.memory_space<hbm>>) target(%dma_start3A_509 : memref<128x64xf32, #tpu.memory_space<vmem>>) offsets(%arg13 : memref<128xi32, #tpu.memory_space<vmem>>) semaphore(%arg18 : memref<!tpu.dma_semaphore, #tpu.memory_space<semaphore_mem>>)
        %dma_start3A_513 = arith.constant 1 : i32
        %dma_start3A_514 = arith.constant 0 : i32
        %dma_start3A_515 = arith.constant 0 : i32
        %dma_start3A_516 = tpu.memref_slice %arg8[%dma_start3A_513, %dma_start3A_514, %dma_start3A_515] : memref<4x128x64xf32, #tpu.memory_space<vmem>> -> memref<1x128x64xf32, #tpu.memory_space<vmem>>
        %dma_start3A_517 = tpu.memref_squeeze %dma_start3A_516 : memref<1x128x64xf32, #tpu.memory_space<vmem>> -> memref<128x64xf32, #tpu.memory_space<vmem>>
        %dma_start3A_518 = arith.constant 0 : i32
        %dma_start3A_519 = arith.constant 0 : i32
        %dma_start3A_520 = tpu.memref_slice %arg2[%dma_start3A_518, %dma_start3A_519] : memref<20480x64xf32, #tpu.memory_space<hbm>> -> memref<20480x64xf32, #tpu.memory_space<hbm>>
        tpu.enqueue_indirect_dma source(%dma_start3A_520 : memref<20480x64xf32, #tpu.memory_space<hbm>>) target(%dma_start3A_517 : memref<128x64xf32, #tpu.memory_space<vmem>>) offsets(%arg14 : memref<128xi32, #tpu.memory_space<vmem>>) semaphore(%arg18 : memref<!tpu.dma_semaphore, #tpu.memory_space<semaphore_mem>>)
        %dma_start3A_521 = arith.constant 2 : i32
        %dma_start3A_522 = arith.constant 0 : i32
        %dma_start3A_523 = arith.constant 0 : i32
        %dma_start3A_524 = tpu.memref_slice %arg8[%dma_start3A_521, %dma_start3A_522, %dma_start3A_523] : memref<4x128x64xf32, #tpu.memory_space<vmem>> -> memref<1x128x64xf32, #tpu.memory_space<vmem>>
        %dma_start3A_525 = tpu.memref_squeeze %dma_start3A_524 : memref<1x128x64xf32, #tpu.memory_space<vmem>> -> memref<128x64xf32, #tpu.memory_space<vmem>>
        %dma_start3A_526 = arith.constant 0 : i32
        %dma_start3A_527 = arith.constant 0 : i32
        %dma_start3A_528 = tpu.memref_slice %arg2[%dma_start3A_526, %dma_start3A_527] : memref<20480x64xf32, #tpu.memory_space<hbm>> -> memref<20480x64xf32, #tpu.memory_space<hbm>>
        tpu.enqueue_indirect_dma source(%dma_start3A_528 : memref<20480x64xf32, #tpu.memory_space<hbm>>) target(%dma_start3A_525 : memref<128x64xf32, #tpu.memory_space<vmem>>) offsets(%arg15 : memref<128xi32, #tpu.memory_space<vmem>>) semaphore(%arg18 : memref<!tpu.dma_semaphore, #tpu.memory_space<semaphore_mem>>)
        %dma_start3A_529 = arith.constant 3 : i32
        %dma_start3A_530 = arith.constant 0 : i32
        %dma_start3A_531 = arith.constant 0 : i32
        %dma_start3A_532 = tpu.memref_slice %arg8[%dma_start3A_529, %dma_start3A_530, %dma_start3A_531] : memref<4x128x64xf32, #tpu.memory_space<vmem>> -> memref<1x128x64xf32, #tpu.memory_space<vmem>>
        %dma_start3A_533 = tpu.memref_squeeze %dma_start3A_532 : memref<1x128x64xf32, #tpu.memory_space<vmem>> -> memref<128x64xf32, #tpu.memory_space<vmem>>
        %dma_start3A_534 = arith.constant 0 : i32
        %dma_start3A_535 = arith.constant 0 : i32
        %dma_start3A_536 = tpu.memref_slice %arg2[%dma_start3A_534, %dma_start3A_535] : memref<20480x64xf32, #tpu.memory_space<hbm>> -> memref<20480x64xf32, #tpu.memory_space<hbm>>
        tpu.enqueue_indirect_dma source(%dma_start3A_536 : memref<20480x64xf32, #tpu.memory_space<hbm>>) target(%dma_start3A_533 : memref<128x64xf32, #tpu.memory_space<vmem>>) offsets(%arg16 : memref<128xi32, #tpu.memory_space<vmem>>) semaphore(%arg18 : memref<!tpu.dma_semaphore, #tpu.memory_space<semaphore_mem>>)
      } else {
      }
      %mul3A_175 = arith.constant 4 : i32
      %mul3A_176 = arith.muli %add3A_131, %mul3A_175 : i32
      %add3A_177 = arith.constant 0 : i32
      %add3A_178 = arith.addi %mul3A_176, %add3A_177 : i32
      %dma_start3A_179 = arith.constant 0 : i32
      %dma_start3A_180 = arith.constant 0 : i32
      %dma_start3A_181 = arith.constant 0 : i32
      %dma_start3A_182 = tpu.memref_slice %arg7[%dma_start3A_179, %dma_start3A_180, %dma_start3A_181] : memref<4x128x64xf32, #tpu.memory_space<vmem>> -> memref<1x128x64xf32, #tpu.memory_space<vmem>>
      %dma_start3A_183 = tpu.memref_squeeze %dma_start3A_182 : memref<1x128x64xf32, #tpu.memory_space<vmem>> -> memref<128x64xf32, #tpu.memory_space<vmem>>
      %dma_start3A_184 = arith.constant 0 : i32
      %dma_start3A_185 = tpu.memref_slice %arg6[%add3A_178, %dma_start3A_184] : memref<160x128xi32, #tpu.memory_space<vmem>> -> memref<1x128xi32, #tpu.memory_space<vmem>>
      %dma_start3A_186 = tpu.memref_squeeze %dma_start3A_185 : memref<1x128xi32, #tpu.memory_space<vmem>> -> memref<128xi32, #tpu.memory_space<vmem>>
      %dma_start3A_187 = arith.constant 0 : i32
      %dma_start3A_188 = arith.constant 0 : i32
      %dma_start3A_189 = tpu.memref_slice %arg17[%dma_start3A_187, %dma_start3A_188] : memref<10240x64xf32, #tpu.memory_space<vmem_shared>> -> memref<10240x64xf32, #tpu.memory_space<vmem_shared>>
      tpu.enqueue_indirect_dma source(%dma_start3A_183 : memref<128x64xf32, #tpu.memory_space<vmem>>) target(%dma_start3A_189 : memref<10240x64xf32, #tpu.memory_space<vmem_shared>>) offsets(%dma_start3A_186 : memref<128xi32, #tpu.memory_space<vmem>>) semaphore(%arg19 : memref<!tpu.dma_semaphore, #tpu.memory_space<semaphore_mem>>) {add = true}
      %mul3A_190 = arith.constant 4 : i32
      %mul3A_191 = arith.muli %add3A_131, %mul3A_190 : i32
      %add3A_192 = arith.constant 1 : i32
      %add3A_193 = arith.addi %mul3A_191, %add3A_192 : i32
      %dma_start3A_194 = arith.constant 1 : i32
      %dma_start3A_195 = arith.constant 0 : i32
      %dma_start3A_196 = arith.constant 0 : i32
      %dma_start3A_197 = tpu.memref_slice %arg7[%dma_start3A_194, %dma_start3A_195, %dma_start3A_196] : memref<4x128x64xf32, #tpu.memory_space<vmem>> -> memref<1x128x64xf32, #tpu.memory_space<vmem>>
      %dma_start3A_198 = tpu.memref_squeeze %dma_start3A_197 : memref<1x128x64xf32, #tpu.memory_space<vmem>> -> memref<128x64xf32, #tpu.memory_space<vmem>>
      %dma_start3A_199 = arith.constant 0 : i32
      %dma_start3A_200 = tpu.memref_slice %arg6[%add3A_193, %dma_start3A_199] : memref<160x128xi32, #tpu.memory_space<vmem>> -> memref<1x128xi32, #tpu.memory_space<vmem>>
      %dma_start3A_201 = tpu.memref_squeeze %dma_start3A_200 : memref<1x128xi32, #tpu.memory_space<vmem>> -> memref<128xi32, #tpu.memory_space<vmem>>
      %dma_start3A_202 = arith.constant 0 : i32
      %dma_start3A_203 = arith.constant 0 : i32
      %dma_start3A_204 = tpu.memref_slice %arg17[%dma_start3A_202, %dma_start3A_203] : memref<10240x64xf32, #tpu.memory_space<vmem_shared>> -> memref<10240x64xf32, #tpu.memory_space<vmem_shared>>
      tpu.enqueue_indirect_dma source(%dma_start3A_198 : memref<128x64xf32, #tpu.memory_space<vmem>>) target(%dma_start3A_204 : memref<10240x64xf32, #tpu.memory_space<vmem_shared>>) offsets(%dma_start3A_201 : memref<128xi32, #tpu.memory_space<vmem>>) semaphore(%arg19 : memref<!tpu.dma_semaphore, #tpu.memory_space<semaphore_mem>>) {add = true}
      %mul3A_205 = arith.constant 4 : i32
      %mul3A_206 = arith.muli %add3A_131, %mul3A_205 : i32
      %add3A_207 = arith.constant 2 : i32
      %add3A_208 = arith.addi %mul3A_206, %add3A_207 : i32
      %dma_start3A_209 = arith.constant 2 : i32
      %dma_start3A_210 = arith.constant 0 : i32
      %dma_start3A_211 = arith.constant 0 : i32
      %dma_start3A_212 = tpu.memref_slice %arg7[%dma_start3A_209, %dma_start3A_210, %dma_start3A_211] : memref<4x128x64xf32, #tpu.memory_space<vmem>> -> memref<1x128x64xf32, #tpu.memory_space<vmem>>
      %dma_start3A_213 = tpu.memref_squeeze %dma_start3A_212 : memref<1x128x64xf32, #tpu.memory_space<vmem>> -> memref<128x64xf32, #tpu.memory_space<vmem>>
      %dma_start3A_214 = arith.constant 0 : i32
      %dma_start3A_215 = tpu.memref_slice %arg6[%add3A_208, %dma_start3A_214] : memref<160x128xi32, #tpu.memory_space<vmem>> -> memref<1x128xi32, #tpu.memory_space<vmem>>
      %dma_start3A_216 = tpu.memref_squeeze %dma_start3A_215 : memref<1x128xi32, #tpu.memory_space<vmem>> -> memref<128xi32, #tpu.memory_space<vmem>>
      %dma_start3A_217 = arith.constant 0 : i32
      %dma_start3A_218 = arith.constant 0 : i32
      %dma_start3A_219 = tpu.memref_slice %arg17[%dma_start3A_217, %dma_start3A_218] : memref<10240x64xf32, #tpu.memory_space<vmem_shared>> -> memref<10240x64xf32, #tpu.memory_space<vmem_shared>>
      tpu.enqueue_indirect_dma source(%dma_start3A_213 : memref<128x64xf32, #tpu.memory_space<vmem>>) target(%dma_start3A_219 : memref<10240x64xf32, #tpu.memory_space<vmem_shared>>) offsets(%dma_start3A_216 : memref<128xi32, #tpu.memory_space<vmem>>) semaphore(%arg19 : memref<!tpu.dma_semaphore, #tpu.memory_space<semaphore_mem>>) {add = true}
      %mul3A_220 = arith.constant 4 : i32
      %mul3A_221 = arith.muli %add3A_131, %mul3A_220 : i32
      %add3A_222 = arith.constant 3 : i32
      %add3A_223 = arith.addi %mul3A_221, %add3A_222 : i32
      %dma_start3A_224 = arith.constant 3 : i32
      %dma_start3A_225 = arith.constant 0 : i32
      %dma_start3A_226 = arith.constant 0 : i32
      %dma_start3A_227 = tpu.memref_slice %arg7[%dma_start3A_224, %dma_start3A_225, %dma_start3A_226] : memref<4x128x64xf32, #tpu.memory_space<vmem>> -> memref<1x128x64xf32, #tpu.memory_space<vmem>>
      %dma_start3A_228 = tpu.memref_squeeze %dma_start3A_227 : memref<1x128x64xf32, #tpu.memory_space<vmem>> -> memref<128x64xf32, #tpu.memory_space<vmem>>
      %dma_start3A_229 = arith.constant 0 : i32
      %dma_start3A_230 = tpu.memref_slice %arg6[%add3A_223, %dma_start3A_229] : memref<160x128xi32, #tpu.memory_space<vmem>> -> memref<1x128xi32, #tpu.memory_space<vmem>>
      %dma_start3A_231 = tpu.memref_squeeze %dma_start3A_230 : memref<1x128xi32, #tpu.memory_space<vmem>> -> memref<128xi32, #tpu.memory_space<vmem>>
      %dma_start3A_232 = arith.constant 0 : i32
      %dma_start3A_233 = arith.constant 0 : i32
      %dma_start3A_234 = tpu.memref_slice %arg17[%dma_start3A_232, %dma_start3A_233] : memref<10240x64xf32, #tpu.memory_space<vmem_shared>> -> memref<10240x64xf32, #tpu.memory_space<vmem_shared>>
      tpu.enqueue_indirect_dma source(%dma_start3A_228 : memref<128x64xf32, #tpu.memory_space<vmem>>) target(%dma_start3A_234 : memref<10240x64xf32, #tpu.memory_space<vmem_shared>>) offsets(%dma_start3A_231 : memref<128xi32, #tpu.memory_space<vmem>>) semaphore(%arg19 : memref<!tpu.dma_semaphore, #tpu.memory_space<semaphore_mem>>) {add = true}
      %mul3A_235 = arith.constant 4 : i32
      %mul3A_236 = arith.muli %add3A_131, %mul3A_235 : i32
      %add3A_237 = arith.constant 0 : i32
      %add3A_238 = arith.addi %mul3A_236, %add3A_237 : i32
      %dma_wait3A_239 = arith.constant 0 : i32
      %dma_wait3A_240 = arith.constant 0 : i32
      %dma_wait3A_241 = arith.constant 0 : i32
      %dma_wait3A_242 = tpu.memref_slice %arg7[%dma_wait3A_239, %dma_wait3A_240, %dma_wait3A_241] : memref<4x128x64xf32, #tpu.memory_space<vmem>> -> memref<1x128x64xf32, #tpu.memory_space<vmem>>
      %dma_wait3A_243 = tpu.memref_squeeze %dma_wait3A_242 : memref<1x128x64xf32, #tpu.memory_space<vmem>> -> memref<128x64xf32, #tpu.memory_space<vmem>>
      %dma_wait3A_244 = arith.constant 0 : i32
      %dma_wait3A_245 = tpu.memref_slice %arg6[%add3A_238, %dma_wait3A_244] : memref<160x128xi32, #tpu.memory_space<vmem>> -> memref<1x128xi32, #tpu.memory_space<vmem>>
      %dma_wait3A_246 = tpu.memref_squeeze %dma_wait3A_245 : memref<1x128xi32, #tpu.memory_space<vmem>> -> memref<128xi32, #tpu.memory_space<vmem>>
      %dma_wait3A_247 = arith.constant 0 : i32
      %dma_wait3A_248 = arith.constant 0 : i32
      %dma_wait3A_249 = tpu.memref_slice %arg17[%dma_wait3A_247, %dma_wait3A_248] : memref<10240x64xf32, #tpu.memory_space<vmem_shared>> -> memref<10240x64xf32, #tpu.memory_space<vmem_shared>>
      tpu.wait_indirect_dma semaphore(%arg19 : memref<!tpu.dma_semaphore, #tpu.memory_space<semaphore_mem>>) src(%dma_wait3A_243 : memref<128x64xf32, #tpu.memory_space<vmem>>) dst(%dma_wait3A_249 : memref<10240x64xf32, #tpu.memory_space<vmem_shared>>)
      %mul3A_250 = arith.constant 4 : i32
      %mul3A_251 = arith.muli %add3A_131, %mul3A_250 : i32
      %add3A_252 = arith.constant 1 : i32
      %add3A_253 = arith.addi %mul3A_251, %add3A_252 : i32
      %dma_wait3A_254 = arith.constant 1 : i32
      %dma_wait3A_255 = arith.constant 0 : i32
      %dma_wait3A_256 = arith.constant 0 : i32
      %dma_wait3A_257 = tpu.memref_slice %arg7[%dma_wait3A_254, %dma_wait3A_255, %dma_wait3A_256] : memref<4x128x64xf32, #tpu.memory_space<vmem>> -> memref<1x128x64xf32, #tpu.memory_space<vmem>>
      %dma_wait3A_258 = tpu.memref_squeeze %dma_wait3A_257 : memref<1x128x64xf32, #tpu.memory_space<vmem>> -> memref<128x64xf32, #tpu.memory_space<vmem>>
      %dma_wait3A_259 = arith.constant 0 : i32
      %dma_wait3A_260 = tpu.memref_slice %arg6[%add3A_253, %dma_wait3A_259] : memref<160x128xi32, #tpu.memory_space<vmem>> -> memref<1x128xi32, #tpu.memory_space<vmem>>
      %dma_wait3A_261 = tpu.memref_squeeze %dma_wait3A_260 : memref<1x128xi32, #tpu.memory_space<vmem>> -> memref<128xi32, #tpu.memory_space<vmem>>
      %dma_wait3A_262 = arith.constant 0 : i32
      %dma_wait3A_263 = arith.constant 0 : i32
      %dma_wait3A_264 = tpu.memref_slice %arg17[%dma_wait3A_262, %dma_wait3A_263] : memref<10240x64xf32, #tpu.memory_space<vmem_shared>> -> memref<10240x64xf32, #tpu.memory_space<vmem_shared>>
      tpu.wait_indirect_dma semaphore(%arg19 : memref<!tpu.dma_semaphore, #tpu.memory_space<semaphore_mem>>) src(%dma_wait3A_258 : memref<128x64xf32, #tpu.memory_space<vmem>>) dst(%dma_wait3A_264 : memref<10240x64xf32, #tpu.memory_space<vmem_shared>>)
      %mul3A_265 = arith.constant 4 : i32
      %mul3A_266 = arith.muli %add3A_131, %mul3A_265 : i32
      %add3A_267 = arith.constant 2 : i32
      %add3A_268 = arith.addi %mul3A_266, %add3A_267 : i32
      %dma_wait3A_269 = arith.constant 2 : i32
      %dma_wait3A_270 = arith.constant 0 : i32
      %dma_wait3A_271 = arith.constant 0 : i32
      %dma_wait3A_272 = tpu.memref_slice %arg7[%dma_wait3A_269, %dma_wait3A_270, %dma_wait3A_271] : memref<4x128x64xf32, #tpu.memory_space<vmem>> -> memref<1x128x64xf32, #tpu.memory_space<vmem>>
      %dma_wait3A_273 = tpu.memref_squeeze %dma_wait3A_272 : memref<1x128x64xf32, #tpu.memory_space<vmem>> -> memref<128x64xf32, #tpu.memory_space<vmem>>
      %dma_wait3A_274 = arith.constant 0 : i32
      %dma_wait3A_275 = tpu.memref_slice %arg6[%add3A_268, %dma_wait3A_274] : memref<160x128xi32, #tpu.memory_space<vmem>> -> memref<1x128xi32, #tpu.memory_space<vmem>>
      %dma_wait3A_276 = tpu.memref_squeeze %dma_wait3A_275 : memref<1x128xi32, #tpu.memory_space<vmem>> -> memref<128xi32, #tpu.memory_space<vmem>>
      %dma_wait3A_277 = arith.constant 0 : i32
      %dma_wait3A_278 = arith.constant 0 : i32
      %dma_wait3A_279 = tpu.memref_slice %arg17[%dma_wait3A_277, %dma_wait3A_278] : memref<10240x64xf32, #tpu.memory_space<vmem_shared>> -> memref<10240x64xf32, #tpu.memory_space<vmem_shared>>
      tpu.wait_indirect_dma semaphore(%arg19 : memref<!tpu.dma_semaphore, #tpu.memory_space<semaphore_mem>>) src(%dma_wait3A_273 : memref<128x64xf32, #tpu.memory_space<vmem>>) dst(%dma_wait3A_279 : memref<10240x64xf32, #tpu.memory_space<vmem_shared>>)
      %mul3A_280 = arith.constant 4 : i32
      %mul3A_281 = arith.muli %add3A_131, %mul3A_280 : i32
      %add3A_282 = arith.constant 3 : i32
      %add3A_283 = arith.addi %mul3A_281, %add3A_282 : i32
      %dma_wait3A_284 = arith.constant 3 : i32
      %dma_wait3A_285 = arith.constant 0 : i32
      %dma_wait3A_286 = arith.constant 0 : i32
      %dma_wait3A_287 = tpu.memref_slice %arg7[%dma_wait3A_284, %dma_wait3A_285, %dma_wait3A_286] : memref<4x128x64xf32, #tpu.memory_space<vmem>> -> memref<1x128x64xf32, #tpu.memory_space<vmem>>
      %dma_wait3A_288 = tpu.memref_squeeze %dma_wait3A_287 : memref<1x128x64xf32, #tpu.memory_space<vmem>> -> memref<128x64xf32, #tpu.memory_space<vmem>>
      %dma_wait3A_289 = arith.constant 0 : i32
      %dma_wait3A_290 = tpu.memref_slice %arg6[%add3A_283, %dma_wait3A_289] : memref<160x128xi32, #tpu.memory_space<vmem>> -> memref<1x128xi32, #tpu.memory_space<vmem>>
      %dma_wait3A_291 = tpu.memref_squeeze %dma_wait3A_290 : memref<1x128xi32, #tpu.memory_space<vmem>> -> memref<128xi32, #tpu.memory_space<vmem>>
      %dma_wait3A_292 = arith.constant 0 : i32
      %dma_wait3A_293 = arith.constant 0 : i32
      %dma_wait3A_294 = tpu.memref_slice %arg17[%dma_wait3A_292, %dma_wait3A_293] : memref<10240x64xf32, #tpu.memory_space<vmem_shared>> -> memref<10240x64xf32, #tpu.memory_space<vmem_shared>>
      tpu.wait_indirect_dma semaphore(%arg19 : memref<!tpu.dma_semaphore, #tpu.memory_space<semaphore_mem>>) src(%dma_wait3A_288 : memref<128x64xf32, #tpu.memory_space<vmem>>) dst(%dma_wait3A_294 : memref<10240x64xf32, #tpu.memory_space<vmem_shared>>)
      %mul3A_295 = arith.constant 2 : i32
      %mul3A_296 = arith.muli %mul3A_295, %add3A_127 : i32
      %add3A_297 = arith.constant 1 : i32
      %add3A_298 = arith.addi %mul3A_296, %add3A_297 : i32
      %dma_wait3A_299 = arith.constant 0 : i32
      %dma_wait3A_300 = arith.constant 0 : i32
      %dma_wait3A_301 = arith.constant 0 : i32
      %dma_wait3A_302 = tpu.memref_slice %arg8[%dma_wait3A_299, %dma_wait3A_300, %dma_wait3A_301] : memref<4x128x64xf32, #tpu.memory_space<vmem>> -> memref<1x128x64xf32, #tpu.memory_space<vmem>>
      %dma_wait3A_303 = tpu.memref_squeeze %dma_wait3A_302 : memref<1x128x64xf32, #tpu.memory_space<vmem>> -> memref<128x64xf32, #tpu.memory_space<vmem>>
      %dma_wait3A_304 = arith.constant 0 : i32
      %dma_wait3A_305 = arith.constant 0 : i32
      %dma_wait3A_306 = tpu.memref_slice %arg2[%dma_wait3A_304, %dma_wait3A_305] : memref<20480x64xf32, #tpu.memory_space<hbm>> -> memref<20480x64xf32, #tpu.memory_space<hbm>>
      tpu.wait_indirect_dma semaphore(%arg18 : memref<!tpu.dma_semaphore, #tpu.memory_space<semaphore_mem>>) src(%dma_wait3A_306 : memref<20480x64xf32, #tpu.memory_space<hbm>>) dst(%dma_wait3A_303 : memref<128x64xf32, #tpu.memory_space<vmem>>)
      %dma_wait3A_307 = arith.constant 1 : i32
      %dma_wait3A_308 = arith.constant 0 : i32
      %dma_wait3A_309 = arith.constant 0 : i32
      %dma_wait3A_310 = tpu.memref_slice %arg8[%dma_wait3A_307, %dma_wait3A_308, %dma_wait3A_309] : memref<4x128x64xf32, #tpu.memory_space<vmem>> -> memref<1x128x64xf32, #tpu.memory_space<vmem>>
      %dma_wait3A_311 = tpu.memref_squeeze %dma_wait3A_310 : memref<1x128x64xf32, #tpu.memory_space<vmem>> -> memref<128x64xf32, #tpu.memory_space<vmem>>
      %dma_wait3A_312 = arith.constant 0 : i32
      %dma_wait3A_313 = arith.constant 0 : i32
      %dma_wait3A_314 = tpu.memref_slice %arg2[%dma_wait3A_312, %dma_wait3A_313] : memref<20480x64xf32, #tpu.memory_space<hbm>> -> memref<20480x64xf32, #tpu.memory_space<hbm>>
      tpu.wait_indirect_dma semaphore(%arg18 : memref<!tpu.dma_semaphore, #tpu.memory_space<semaphore_mem>>) src(%dma_wait3A_314 : memref<20480x64xf32, #tpu.memory_space<hbm>>) dst(%dma_wait3A_311 : memref<128x64xf32, #tpu.memory_space<vmem>>)
      %dma_wait3A_315 = arith.constant 2 : i32
      %dma_wait3A_316 = arith.constant 0 : i32
      %dma_wait3A_317 = arith.constant 0 : i32
      %dma_wait3A_318 = tpu.memref_slice %arg8[%dma_wait3A_315, %dma_wait3A_316, %dma_wait3A_317] : memref<4x128x64xf32, #tpu.memory_space<vmem>> -> memref<1x128x64xf32, #tpu.memory_space<vmem>>
      %dma_wait3A_319 = tpu.memref_squeeze %dma_wait3A_318 : memref<1x128x64xf32, #tpu.memory_space<vmem>> -> memref<128x64xf32, #tpu.memory_space<vmem>>
      %dma_wait3A_320 = arith.constant 0 : i32
      %dma_wait3A_321 = arith.constant 0 : i32
      %dma_wait3A_322 = tpu.memref_slice %arg2[%dma_wait3A_320, %dma_wait3A_321] : memref<20480x64xf32, #tpu.memory_space<hbm>> -> memref<20480x64xf32, #tpu.memory_space<hbm>>
      tpu.wait_indirect_dma semaphore(%arg18 : memref<!tpu.dma_semaphore, #tpu.memory_space<semaphore_mem>>) src(%dma_wait3A_322 : memref<20480x64xf32, #tpu.memory_space<hbm>>) dst(%dma_wait3A_319 : memref<128x64xf32, #tpu.memory_space<vmem>>)
      %dma_wait3A_323 = arith.constant 3 : i32
      %dma_wait3A_324 = arith.constant 0 : i32
      %dma_wait3A_325 = arith.constant 0 : i32
      %dma_wait3A_326 = tpu.memref_slice %arg8[%dma_wait3A_323, %dma_wait3A_324, %dma_wait3A_325] : memref<4x128x64xf32, #tpu.memory_space<vmem>> -> memref<1x128x64xf32, #tpu.memory_space<vmem>>
      %dma_wait3A_327 = tpu.memref_squeeze %dma_wait3A_326 : memref<1x128x64xf32, #tpu.memory_space<vmem>> -> memref<128x64xf32, #tpu.memory_space<vmem>>
      %dma_wait3A_328 = arith.constant 0 : i32
      %dma_wait3A_329 = arith.constant 0 : i32
      %dma_wait3A_330 = tpu.memref_slice %arg2[%dma_wait3A_328, %dma_wait3A_329] : memref<20480x64xf32, #tpu.memory_space<hbm>> -> memref<20480x64xf32, #tpu.memory_space<hbm>>
      tpu.wait_indirect_dma semaphore(%arg18 : memref<!tpu.dma_semaphore, #tpu.memory_space<semaphore_mem>>) src(%dma_wait3A_330 : memref<20480x64xf32, #tpu.memory_space<hbm>>) dst(%dma_wait3A_327 : memref<128x64xf32, #tpu.memory_space<vmem>>)
      %add3A_331 = arith.constant 2 : i32
      %add3A_332 = arith.addi %add3A_298, %add3A_331 : i32
      %lt3A_333 = arith.constant 40 : i32
      %lt3A_334 = arith.cmpi slt, %add3A_332, %lt3A_333 : i32
      %convert_element_type3A_335 = arith.extui %lt3A_334 : i1 to i32
      %cond3A_336 = arith.constant 0 : i32
      %cond3A_337 = arith.cmpi ne, %convert_element_type3A_335, %cond3A_336 : i32
      scf.if %cond3A_337 {
        %add3A_465 = arith.constant 2 : i32
        %add3A_466 = arith.addi %add3A_298, %add3A_465 : i32
        %mul3A_467 = arith.constant 4 : i32
        %mul3A_468 = arith.muli %add3A_466, %mul3A_467 : i32
        %add3A_469 = arith.constant 0 : i32
        %add3A_470 = arith.addi %mul3A_468, %add3A_469 : i32
        %mul3A_471 = arith.constant 128 : i32
        %mul3A_472 = arith.muli %add3A_470, %mul3A_471 : i32
        %add3A_473 = arith.addi %add3A_32, %mul3A_472 : i32
        %dma_start3A_474 = tpu.memref_slice %arg3[%add3A_473] : memref<655360xi32, #tpu.memory_space<hbm>> -> memref<128xi32, #tpu.memory_space<hbm>>
        %dma_start3A_475 = tpu.memref_slice %arg3[%add3A_473] : memref<655360xi32, #tpu.memory_space<hbm>> -> memref<128xi32, #tpu.memory_space<hbm>>
        tpu.enqueue_dma source(%dma_start3A_475 : memref<128xi32, #tpu.memory_space<hbm>>) target(%arg13 : memref<128xi32, #tpu.memory_space<vmem>>) target_semaphore(%arg20 : memref<!tpu.dma_semaphore, #tpu.memory_space<semaphore_mem>>)
        %mul3A_476 = arith.constant 4 : i32
        %mul3A_477 = arith.muli %add3A_466, %mul3A_476 : i32
        %add3A_478 = arith.constant 1 : i32
        %add3A_479 = arith.addi %mul3A_477, %add3A_478 : i32
        %mul3A_480 = arith.constant 128 : i32
        %mul3A_481 = arith.muli %add3A_479, %mul3A_480 : i32
        %add3A_482 = arith.addi %add3A_32, %mul3A_481 : i32
        %dma_start3A_483 = tpu.memref_slice %arg3[%add3A_482] : memref<655360xi32, #tpu.memory_space<hbm>> -> memref<128xi32, #tpu.memory_space<hbm>>
        %dma_start3A_484 = tpu.memref_slice %arg3[%add3A_482] : memref<655360xi32, #tpu.memory_space<hbm>> -> memref<128xi32, #tpu.memory_space<hbm>>
        tpu.enqueue_dma source(%dma_start3A_484 : memref<128xi32, #tpu.memory_space<hbm>>) target(%arg14 : memref<128xi32, #tpu.memory_space<vmem>>) target_semaphore(%arg20 : memref<!tpu.dma_semaphore, #tpu.memory_space<semaphore_mem>>)
        %mul3A_485 = arith.constant 4 : i32
        %mul3A_486 = arith.muli %add3A_466, %mul3A_485 : i32
        %add3A_487 = arith.constant 2 : i32
        %add3A_488 = arith.addi %mul3A_486, %add3A_487 : i32
        %mul3A_489 = arith.constant 128 : i32
        %mul3A_490 = arith.muli %add3A_488, %mul3A_489 : i32
        %add3A_491 = arith.addi %add3A_32, %mul3A_490 : i32
        %dma_start3A_492 = tpu.memref_slice %arg3[%add3A_491] : memref<655360xi32, #tpu.memory_space<hbm>> -> memref<128xi32, #tpu.memory_space<hbm>>
        %dma_start3A_493 = tpu.memref_slice %arg3[%add3A_491] : memref<655360xi32, #tpu.memory_space<hbm>> -> memref<128xi32, #tpu.memory_space<hbm>>
        tpu.enqueue_dma source(%dma_start3A_493 : memref<128xi32, #tpu.memory_space<hbm>>) target(%arg15 : memref<128xi32, #tpu.memory_space<vmem>>) target_semaphore(%arg20 : memref<!tpu.dma_semaphore, #tpu.memory_space<semaphore_mem>>)
        %mul3A_494 = arith.constant 4 : i32
        %mul3A_495 = arith.muli %add3A_466, %mul3A_494 : i32
        %add3A_496 = arith.constant 3 : i32
        %add3A_497 = arith.addi %mul3A_495, %add3A_496 : i32
        %mul3A_498 = arith.constant 128 : i32
        %mul3A_499 = arith.muli %add3A_497, %mul3A_498 : i32
        %add3A_500 = arith.addi %add3A_32, %mul3A_499 : i32
        %dma_start3A_501 = tpu.memref_slice %arg3[%add3A_500] : memref<655360xi32, #tpu.memory_space<hbm>> -> memref<128xi32, #tpu.memory_space<hbm>>
        %dma_start3A_502 = tpu.memref_slice %arg3[%add3A_500] : memref<655360xi32, #tpu.memory_space<hbm>> -> memref<128xi32, #tpu.memory_space<hbm>>
        tpu.enqueue_dma source(%dma_start3A_502 : memref<128xi32, #tpu.memory_space<hbm>>) target(%arg16 : memref<128xi32, #tpu.memory_space<vmem>>) target_semaphore(%arg20 : memref<!tpu.dma_semaphore, #tpu.memory_space<semaphore_mem>>)
      } else {
      }
      %add3A_338 = arith.constant 1 : i32
      %add3A_339 = arith.addi %add3A_298, %add3A_338 : i32
      %lt3A_340 = arith.constant 40 : i32
      %lt3A_341 = arith.cmpi slt, %add3A_339, %lt3A_340 : i32
      %convert_element_type3A_342 = arith.extui %lt3A_341 : i1 to i32
      %cond3A_343 = arith.constant 0 : i32
      %cond3A_344 = arith.cmpi ne, %convert_element_type3A_342, %cond3A_343 : i32
      scf.if %cond3A_344 {
        %add3A_465 = arith.constant 1 : i32
        %add3A_466 = arith.addi %add3A_298, %add3A_465 : i32
        %mul3A_467 = arith.constant 4 : i32
        %mul3A_468 = arith.muli %add3A_466, %mul3A_467 : i32
        %add3A_469 = arith.constant 0 : i32
        %add3A_470 = arith.addi %mul3A_468, %add3A_469 : i32
        %mul3A_471 = arith.constant 128 : i32
        %mul3A_472 = arith.muli %add3A_470, %mul3A_471 : i32
        %add3A_473 = arith.addi %add3A_32, %mul3A_472 : i32
        %dma_wait3A_474 = tpu.memref_slice %arg3[%add3A_473] : memref<655360xi32, #tpu.memory_space<hbm>> -> memref<128xi32, #tpu.memory_space<hbm>>
        %dma_wait3A_475 = tpu.memref_slice %arg3[%add3A_473] : memref<655360xi32, #tpu.memory_space<hbm>> -> memref<128xi32, #tpu.memory_space<hbm>>
        tpu.wait_dma2 semaphore(%arg20 : memref<!tpu.dma_semaphore, #tpu.memory_space<semaphore_mem>>) src(%dma_wait3A_475 : memref<128xi32, #tpu.memory_space<hbm>>) dst(%arg9 : memref<128xi32, #tpu.memory_space<vmem>>)
        %mul3A_476 = arith.constant 4 : i32
        %mul3A_477 = arith.muli %add3A_466, %mul3A_476 : i32
        %add3A_478 = arith.constant 1 : i32
        %add3A_479 = arith.addi %mul3A_477, %add3A_478 : i32
        %mul3A_480 = arith.constant 128 : i32
        %mul3A_481 = arith.muli %add3A_479, %mul3A_480 : i32
        %add3A_482 = arith.addi %add3A_32, %mul3A_481 : i32
        %dma_wait3A_483 = tpu.memref_slice %arg3[%add3A_482] : memref<655360xi32, #tpu.memory_space<hbm>> -> memref<128xi32, #tpu.memory_space<hbm>>
        %dma_wait3A_484 = tpu.memref_slice %arg3[%add3A_482] : memref<655360xi32, #tpu.memory_space<hbm>> -> memref<128xi32, #tpu.memory_space<hbm>>
        tpu.wait_dma2 semaphore(%arg20 : memref<!tpu.dma_semaphore, #tpu.memory_space<semaphore_mem>>) src(%dma_wait3A_484 : memref<128xi32, #tpu.memory_space<hbm>>) dst(%arg10 : memref<128xi32, #tpu.memory_space<vmem>>)
        %mul3A_485 = arith.constant 4 : i32
        %mul3A_486 = arith.muli %add3A_466, %mul3A_485 : i32
        %add3A_487 = arith.constant 2 : i32
        %add3A_488 = arith.addi %mul3A_486, %add3A_487 : i32
        %mul3A_489 = arith.constant 128 : i32
        %mul3A_490 = arith.muli %add3A_488, %mul3A_489 : i32
        %add3A_491 = arith.addi %add3A_32, %mul3A_490 : i32
        %dma_wait3A_492 = tpu.memref_slice %arg3[%add3A_491] : memref<655360xi32, #tpu.memory_space<hbm>> -> memref<128xi32, #tpu.memory_space<hbm>>
        %dma_wait3A_493 = tpu.memref_slice %arg3[%add3A_491] : memref<655360xi32, #tpu.memory_space<hbm>> -> memref<128xi32, #tpu.memory_space<hbm>>
        tpu.wait_dma2 semaphore(%arg20 : memref<!tpu.dma_semaphore, #tpu.memory_space<semaphore_mem>>) src(%dma_wait3A_493 : memref<128xi32, #tpu.memory_space<hbm>>) dst(%arg11 : memref<128xi32, #tpu.memory_space<vmem>>)
        %mul3A_494 = arith.constant 4 : i32
        %mul3A_495 = arith.muli %add3A_466, %mul3A_494 : i32
        %add3A_496 = arith.constant 3 : i32
        %add3A_497 = arith.addi %mul3A_495, %add3A_496 : i32
        %mul3A_498 = arith.constant 128 : i32
        %mul3A_499 = arith.muli %add3A_497, %mul3A_498 : i32
        %add3A_500 = arith.addi %add3A_32, %mul3A_499 : i32
        %dma_wait3A_501 = tpu.memref_slice %arg3[%add3A_500] : memref<655360xi32, #tpu.memory_space<hbm>> -> memref<128xi32, #tpu.memory_space<hbm>>
        %dma_wait3A_502 = tpu.memref_slice %arg3[%add3A_500] : memref<655360xi32, #tpu.memory_space<hbm>> -> memref<128xi32, #tpu.memory_space<hbm>>
        tpu.wait_dma2 semaphore(%arg20 : memref<!tpu.dma_semaphore, #tpu.memory_space<semaphore_mem>>) src(%dma_wait3A_502 : memref<128xi32, #tpu.memory_space<hbm>>) dst(%arg12 : memref<128xi32, #tpu.memory_space<vmem>>)
        %add3A_503 = arith.constant 1 : i32
        %add3A_504 = arith.addi %add3A_298, %add3A_503 : i32
        %dma_start3A_505 = arith.constant 0 : i32
        %dma_start3A_506 = arith.constant 0 : i32
        %dma_start3A_507 = arith.constant 0 : i32
        %dma_start3A_508 = tpu.memref_slice %arg7[%dma_start3A_505, %dma_start3A_506, %dma_start3A_507] : memref<4x128x64xf32, #tpu.memory_space<vmem>> -> memref<1x128x64xf32, #tpu.memory_space<vmem>>
        %dma_start3A_509 = tpu.memref_squeeze %dma_start3A_508 : memref<1x128x64xf32, #tpu.memory_space<vmem>> -> memref<128x64xf32, #tpu.memory_space<vmem>>
        %dma_start3A_510 = arith.constant 0 : i32
        %dma_start3A_511 = arith.constant 0 : i32
        %dma_start3A_512 = tpu.memref_slice %arg2[%dma_start3A_510, %dma_start3A_511] : memref<20480x64xf32, #tpu.memory_space<hbm>> -> memref<20480x64xf32, #tpu.memory_space<hbm>>
        tpu.enqueue_indirect_dma source(%dma_start3A_512 : memref<20480x64xf32, #tpu.memory_space<hbm>>) target(%dma_start3A_509 : memref<128x64xf32, #tpu.memory_space<vmem>>) offsets(%arg9 : memref<128xi32, #tpu.memory_space<vmem>>) semaphore(%arg18 : memref<!tpu.dma_semaphore, #tpu.memory_space<semaphore_mem>>)
        %dma_start3A_513 = arith.constant 1 : i32
        %dma_start3A_514 = arith.constant 0 : i32
        %dma_start3A_515 = arith.constant 0 : i32
        %dma_start3A_516 = tpu.memref_slice %arg7[%dma_start3A_513, %dma_start3A_514, %dma_start3A_515] : memref<4x128x64xf32, #tpu.memory_space<vmem>> -> memref<1x128x64xf32, #tpu.memory_space<vmem>>
        %dma_start3A_517 = tpu.memref_squeeze %dma_start3A_516 : memref<1x128x64xf32, #tpu.memory_space<vmem>> -> memref<128x64xf32, #tpu.memory_space<vmem>>
        %dma_start3A_518 = arith.constant 0 : i32
        %dma_start3A_519 = arith.constant 0 : i32
        %dma_start3A_520 = tpu.memref_slice %arg2[%dma_start3A_518, %dma_start3A_519] : memref<20480x64xf32, #tpu.memory_space<hbm>> -> memref<20480x64xf32, #tpu.memory_space<hbm>>
        tpu.enqueue_indirect_dma source(%dma_start3A_520 : memref<20480x64xf32, #tpu.memory_space<hbm>>) target(%dma_start3A_517 : memref<128x64xf32, #tpu.memory_space<vmem>>) offsets(%arg10 : memref<128xi32, #tpu.memory_space<vmem>>) semaphore(%arg18 : memref<!tpu.dma_semaphore, #tpu.memory_space<semaphore_mem>>)
        %dma_start3A_521 = arith.constant 2 : i32
        %dma_start3A_522 = arith.constant 0 : i32
        %dma_start3A_523 = arith.constant 0 : i32
        %dma_start3A_524 = tpu.memref_slice %arg7[%dma_start3A_521, %dma_start3A_522, %dma_start3A_523] : memref<4x128x64xf32, #tpu.memory_space<vmem>> -> memref<1x128x64xf32, #tpu.memory_space<vmem>>
        %dma_start3A_525 = tpu.memref_squeeze %dma_start3A_524 : memref<1x128x64xf32, #tpu.memory_space<vmem>> -> memref<128x64xf32, #tpu.memory_space<vmem>>
        %dma_start3A_526 = arith.constant 0 : i32
        %dma_start3A_527 = arith.constant 0 : i32
        %dma_start3A_528 = tpu.memref_slice %arg2[%dma_start3A_526, %dma_start3A_527] : memref<20480x64xf32, #tpu.memory_space<hbm>> -> memref<20480x64xf32, #tpu.memory_space<hbm>>
        tpu.enqueue_indirect_dma source(%dma_start3A_528 : memref<20480x64xf32, #tpu.memory_space<hbm>>) target(%dma_start3A_525 : memref<128x64xf32, #tpu.memory_space<vmem>>) offsets(%arg11 : memref<128xi32, #tpu.memory_space<vmem>>) semaphore(%arg18 : memref<!tpu.dma_semaphore, #tpu.memory_space<semaphore_mem>>)
        %dma_start3A_529 = arith.constant 3 : i32
        %dma_start3A_530 = arith.constant 0 : i32
        %dma_start3A_531 = arith.constant 0 : i32
        %dma_start3A_532 = tpu.memref_slice %arg7[%dma_start3A_529, %dma_start3A_530, %dma_start3A_531] : memref<4x128x64xf32, #tpu.memory_space<vmem>> -> memref<1x128x64xf32, #tpu.memory_space<vmem>>
        %dma_start3A_533 = tpu.memref_squeeze %dma_start3A_532 : memref<1x128x64xf32, #tpu.memory_space<vmem>> -> memref<128x64xf32, #tpu.memory_space<vmem>>
        %dma_start3A_534 = arith.constant 0 : i32
        %dma_start3A_535 = arith.constant 0 : i32
        %dma_start3A_536 = tpu.memref_slice %arg2[%dma_start3A_534, %dma_start3A_535] : memref<20480x64xf32, #tpu.memory_space<hbm>> -> memref<20480x64xf32, #tpu.memory_space<hbm>>
        tpu.enqueue_indirect_dma source(%dma_start3A_536 : memref<20480x64xf32, #tpu.memory_space<hbm>>) target(%dma_start3A_533 : memref<128x64xf32, #tpu.memory_space<vmem>>) offsets(%arg12 : memref<128xi32, #tpu.memory_space<vmem>>) semaphore(%arg18 : memref<!tpu.dma_semaphore, #tpu.memory_space<semaphore_mem>>)
      } else {
      }
      %mul3A_345 = arith.constant 4 : i32
      %mul3A_346 = arith.muli %add3A_298, %mul3A_345 : i32
      %add3A_347 = arith.constant 0 : i32
      %add3A_348 = arith.addi %mul3A_346, %add3A_347 : i32
      %dma_start3A_349 = arith.constant 0 : i32
      %dma_start3A_350 = arith.constant 0 : i32
      %dma_start3A_351 = arith.constant 0 : i32
      %dma_start3A_352 = tpu.memref_slice %arg8[%dma_start3A_349, %dma_start3A_350, %dma_start3A_351] : memref<4x128x64xf32, #tpu.memory_space<vmem>> -> memref<1x128x64xf32, #tpu.memory_space<vmem>>
      %dma_start3A_353 = tpu.memref_squeeze %dma_start3A_352 : memref<1x128x64xf32, #tpu.memory_space<vmem>> -> memref<128x64xf32, #tpu.memory_space<vmem>>
      %dma_start3A_354 = arith.constant 0 : i32
      %dma_start3A_355 = tpu.memref_slice %arg6[%add3A_348, %dma_start3A_354] : memref<160x128xi32, #tpu.memory_space<vmem>> -> memref<1x128xi32, #tpu.memory_space<vmem>>
      %dma_start3A_356 = tpu.memref_squeeze %dma_start3A_355 : memref<1x128xi32, #tpu.memory_space<vmem>> -> memref<128xi32, #tpu.memory_space<vmem>>
      %dma_start3A_357 = arith.constant 0 : i32
      %dma_start3A_358 = arith.constant 0 : i32
      %dma_start3A_359 = tpu.memref_slice %arg17[%dma_start3A_357, %dma_start3A_358] : memref<10240x64xf32, #tpu.memory_space<vmem_shared>> -> memref<10240x64xf32, #tpu.memory_space<vmem_shared>>
      tpu.enqueue_indirect_dma source(%dma_start3A_353 : memref<128x64xf32, #tpu.memory_space<vmem>>) target(%dma_start3A_359 : memref<10240x64xf32, #tpu.memory_space<vmem_shared>>) offsets(%dma_start3A_356 : memref<128xi32, #tpu.memory_space<vmem>>) semaphore(%arg19 : memref<!tpu.dma_semaphore, #tpu.memory_space<semaphore_mem>>) {add = true}
      %mul3A_360 = arith.constant 4 : i32
      %mul3A_361 = arith.muli %add3A_298, %mul3A_360 : i32
      %add3A_362 = arith.constant 1 : i32
      %add3A_363 = arith.addi %mul3A_361, %add3A_362 : i32
      %dma_start3A_364 = arith.constant 1 : i32
      %dma_start3A_365 = arith.constant 0 : i32
      %dma_start3A_366 = arith.constant 0 : i32
      %dma_start3A_367 = tpu.memref_slice %arg8[%dma_start3A_364, %dma_start3A_365, %dma_start3A_366] : memref<4x128x64xf32, #tpu.memory_space<vmem>> -> memref<1x128x64xf32, #tpu.memory_space<vmem>>
      %dma_start3A_368 = tpu.memref_squeeze %dma_start3A_367 : memref<1x128x64xf32, #tpu.memory_space<vmem>> -> memref<128x64xf32, #tpu.memory_space<vmem>>
      %dma_start3A_369 = arith.constant 0 : i32
      %dma_start3A_370 = tpu.memref_slice %arg6[%add3A_363, %dma_start3A_369] : memref<160x128xi32, #tpu.memory_space<vmem>> -> memref<1x128xi32, #tpu.memory_space<vmem>>
      %dma_start3A_371 = tpu.memref_squeeze %dma_start3A_370 : memref<1x128xi32, #tpu.memory_space<vmem>> -> memref<128xi32, #tpu.memory_space<vmem>>
      %dma_start3A_372 = arith.constant 0 : i32
      %dma_start3A_373 = arith.constant 0 : i32
      %dma_start3A_374 = tpu.memref_slice %arg17[%dma_start3A_372, %dma_start3A_373] : memref<10240x64xf32, #tpu.memory_space<vmem_shared>> -> memref<10240x64xf32, #tpu.memory_space<vmem_shared>>
      tpu.enqueue_indirect_dma source(%dma_start3A_368 : memref<128x64xf32, #tpu.memory_space<vmem>>) target(%dma_start3A_374 : memref<10240x64xf32, #tpu.memory_space<vmem_shared>>) offsets(%dma_start3A_371 : memref<128xi32, #tpu.memory_space<vmem>>) semaphore(%arg19 : memref<!tpu.dma_semaphore, #tpu.memory_space<semaphore_mem>>) {add = true}
      %mul3A_375 = arith.constant 4 : i32
      %mul3A_376 = arith.muli %add3A_298, %mul3A_375 : i32
      %add3A_377 = arith.constant 2 : i32
      %add3A_378 = arith.addi %mul3A_376, %add3A_377 : i32
      %dma_start3A_379 = arith.constant 2 : i32
      %dma_start3A_380 = arith.constant 0 : i32
      %dma_start3A_381 = arith.constant 0 : i32
      %dma_start3A_382 = tpu.memref_slice %arg8[%dma_start3A_379, %dma_start3A_380, %dma_start3A_381] : memref<4x128x64xf32, #tpu.memory_space<vmem>> -> memref<1x128x64xf32, #tpu.memory_space<vmem>>
      %dma_start3A_383 = tpu.memref_squeeze %dma_start3A_382 : memref<1x128x64xf32, #tpu.memory_space<vmem>> -> memref<128x64xf32, #tpu.memory_space<vmem>>
      %dma_start3A_384 = arith.constant 0 : i32
      %dma_start3A_385 = tpu.memref_slice %arg6[%add3A_378, %dma_start3A_384] : memref<160x128xi32, #tpu.memory_space<vmem>> -> memref<1x128xi32, #tpu.memory_space<vmem>>
      %dma_start3A_386 = tpu.memref_squeeze %dma_start3A_385 : memref<1x128xi32, #tpu.memory_space<vmem>> -> memref<128xi32, #tpu.memory_space<vmem>>
      %dma_start3A_387 = arith.constant 0 : i32
      %dma_start3A_388 = arith.constant 0 : i32
      %dma_start3A_389 = tpu.memref_slice %arg17[%dma_start3A_387, %dma_start3A_388] : memref<10240x64xf32, #tpu.memory_space<vmem_shared>> -> memref<10240x64xf32, #tpu.memory_space<vmem_shared>>
      tpu.enqueue_indirect_dma source(%dma_start3A_383 : memref<128x64xf32, #tpu.memory_space<vmem>>) target(%dma_start3A_389 : memref<10240x64xf32, #tpu.memory_space<vmem_shared>>) offsets(%dma_start3A_386 : memref<128xi32, #tpu.memory_space<vmem>>) semaphore(%arg19 : memref<!tpu.dma_semaphore, #tpu.memory_space<semaphore_mem>>) {add = true}
      %mul3A_390 = arith.constant 4 : i32
      %mul3A_391 = arith.muli %add3A_298, %mul3A_390 : i32
      %add3A_392 = arith.constant 3 : i32
      %add3A_393 = arith.addi %mul3A_391, %add3A_392 : i32
      %dma_start3A_394 = arith.constant 3 : i32
      %dma_start3A_395 = arith.constant 0 : i32
      %dma_start3A_396 = arith.constant 0 : i32
      %dma_start3A_397 = tpu.memref_slice %arg8[%dma_start3A_394, %dma_start3A_395, %dma_start3A_396] : memref<4x128x64xf32, #tpu.memory_space<vmem>> -> memref<1x128x64xf32, #tpu.memory_space<vmem>>
      %dma_start3A_398 = tpu.memref_squeeze %dma_start3A_397 : memref<1x128x64xf32, #tpu.memory_space<vmem>> -> memref<128x64xf32, #tpu.memory_space<vmem>>
      %dma_start3A_399 = arith.constant 0 : i32
      %dma_start3A_400 = tpu.memref_slice %arg6[%add3A_393, %dma_start3A_399] : memref<160x128xi32, #tpu.memory_space<vmem>> -> memref<1x128xi32, #tpu.memory_space<vmem>>
      %dma_start3A_401 = tpu.memref_squeeze %dma_start3A_400 : memref<1x128xi32, #tpu.memory_space<vmem>> -> memref<128xi32, #tpu.memory_space<vmem>>
      %dma_start3A_402 = arith.constant 0 : i32
      %dma_start3A_403 = arith.constant 0 : i32
      %dma_start3A_404 = tpu.memref_slice %arg17[%dma_start3A_402, %dma_start3A_403] : memref<10240x64xf32, #tpu.memory_space<vmem_shared>> -> memref<10240x64xf32, #tpu.memory_space<vmem_shared>>
      tpu.enqueue_indirect_dma source(%dma_start3A_398 : memref<128x64xf32, #tpu.memory_space<vmem>>) target(%dma_start3A_404 : memref<10240x64xf32, #tpu.memory_space<vmem_shared>>) offsets(%dma_start3A_401 : memref<128xi32, #tpu.memory_space<vmem>>) semaphore(%arg19 : memref<!tpu.dma_semaphore, #tpu.memory_space<semaphore_mem>>) {add = true}
      %mul3A_405 = arith.constant 4 : i32
      %mul3A_406 = arith.muli %add3A_298, %mul3A_405 : i32
      %add3A_407 = arith.constant 0 : i32
      %add3A_408 = arith.addi %mul3A_406, %add3A_407 : i32
      %dma_wait3A_409 = arith.constant 0 : i32
      %dma_wait3A_410 = arith.constant 0 : i32
      %dma_wait3A_411 = arith.constant 0 : i32
      %dma_wait3A_412 = tpu.memref_slice %arg8[%dma_wait3A_409, %dma_wait3A_410, %dma_wait3A_411] : memref<4x128x64xf32, #tpu.memory_space<vmem>> -> memref<1x128x64xf32, #tpu.memory_space<vmem>>
      %dma_wait3A_413 = tpu.memref_squeeze %dma_wait3A_412 : memref<1x128x64xf32, #tpu.memory_space<vmem>> -> memref<128x64xf32, #tpu.memory_space<vmem>>
      %dma_wait3A_414 = arith.constant 0 : i32
      %dma_wait3A_415 = tpu.memref_slice %arg6[%add3A_408, %dma_wait3A_414] : memref<160x128xi32, #tpu.memory_space<vmem>> -> memref<1x128xi32, #tpu.memory_space<vmem>>
      %dma_wait3A_416 = tpu.memref_squeeze %dma_wait3A_415 : memref<1x128xi32, #tpu.memory_space<vmem>> -> memref<128xi32, #tpu.memory_space<vmem>>
      %dma_wait3A_417 = arith.constant 0 : i32
      %dma_wait3A_418 = arith.constant 0 : i32
      %dma_wait3A_419 = tpu.memref_slice %arg17[%dma_wait3A_417, %dma_wait3A_418] : memref<10240x64xf32, #tpu.memory_space<vmem_shared>> -> memref<10240x64xf32, #tpu.memory_space<vmem_shared>>
      tpu.wait_indirect_dma semaphore(%arg19 : memref<!tpu.dma_semaphore, #tpu.memory_space<semaphore_mem>>) src(%dma_wait3A_413 : memref<128x64xf32, #tpu.memory_space<vmem>>) dst(%dma_wait3A_419 : memref<10240x64xf32, #tpu.memory_space<vmem_shared>>)
      %mul3A_420 = arith.constant 4 : i32
      %mul3A_421 = arith.muli %add3A_298, %mul3A_420 : i32
      %add3A_422 = arith.constant 1 : i32
      %add3A_423 = arith.addi %mul3A_421, %add3A_422 : i32
      %dma_wait3A_424 = arith.constant 1 : i32
      %dma_wait3A_425 = arith.constant 0 : i32
      %dma_wait3A_426 = arith.constant 0 : i32
      %dma_wait3A_427 = tpu.memref_slice %arg8[%dma_wait3A_424, %dma_wait3A_425, %dma_wait3A_426] : memref<4x128x64xf32, #tpu.memory_space<vmem>> -> memref<1x128x64xf32, #tpu.memory_space<vmem>>
      %dma_wait3A_428 = tpu.memref_squeeze %dma_wait3A_427 : memref<1x128x64xf32, #tpu.memory_space<vmem>> -> memref<128x64xf32, #tpu.memory_space<vmem>>
      %dma_wait3A_429 = arith.constant 0 : i32
      %dma_wait3A_430 = tpu.memref_slice %arg6[%add3A_423, %dma_wait3A_429] : memref<160x128xi32, #tpu.memory_space<vmem>> -> memref<1x128xi32, #tpu.memory_space<vmem>>
      %dma_wait3A_431 = tpu.memref_squeeze %dma_wait3A_430 : memref<1x128xi32, #tpu.memory_space<vmem>> -> memref<128xi32, #tpu.memory_space<vmem>>
      %dma_wait3A_432 = arith.constant 0 : i32
      %dma_wait3A_433 = arith.constant 0 : i32
      %dma_wait3A_434 = tpu.memref_slice %arg17[%dma_wait3A_432, %dma_wait3A_433] : memref<10240x64xf32, #tpu.memory_space<vmem_shared>> -> memref<10240x64xf32, #tpu.memory_space<vmem_shared>>
      tpu.wait_indirect_dma semaphore(%arg19 : memref<!tpu.dma_semaphore, #tpu.memory_space<semaphore_mem>>) src(%dma_wait3A_428 : memref<128x64xf32, #tpu.memory_space<vmem>>) dst(%dma_wait3A_434 : memref<10240x64xf32, #tpu.memory_space<vmem_shared>>)
      %mul3A_435 = arith.constant 4 : i32
      %mul3A_436 = arith.muli %add3A_298, %mul3A_435 : i32
      %add3A_437 = arith.constant 2 : i32
      %add3A_438 = arith.addi %mul3A_436, %add3A_437 : i32
      %dma_wait3A_439 = arith.constant 2 : i32
      %dma_wait3A_440 = arith.constant 0 : i32
      %dma_wait3A_441 = arith.constant 0 : i32
      %dma_wait3A_442 = tpu.memref_slice %arg8[%dma_wait3A_439, %dma_wait3A_440, %dma_wait3A_441] : memref<4x128x64xf32, #tpu.memory_space<vmem>> -> memref<1x128x64xf32, #tpu.memory_space<vmem>>
      %dma_wait3A_443 = tpu.memref_squeeze %dma_wait3A_442 : memref<1x128x64xf32, #tpu.memory_space<vmem>> -> memref<128x64xf32, #tpu.memory_space<vmem>>
      %dma_wait3A_444 = arith.constant 0 : i32
      %dma_wait3A_445 = tpu.memref_slice %arg6[%add3A_438, %dma_wait3A_444] : memref<160x128xi32, #tpu.memory_space<vmem>> -> memref<1x128xi32, #tpu.memory_space<vmem>>
      %dma_wait3A_446 = tpu.memref_squeeze %dma_wait3A_445 : memref<1x128xi32, #tpu.memory_space<vmem>> -> memref<128xi32, #tpu.memory_space<vmem>>
      %dma_wait3A_447 = arith.constant 0 : i32
      %dma_wait3A_448 = arith.constant 0 : i32
      %dma_wait3A_449 = tpu.memref_slice %arg17[%dma_wait3A_447, %dma_wait3A_448] : memref<10240x64xf32, #tpu.memory_space<vmem_shared>> -> memref<10240x64xf32, #tpu.memory_space<vmem_shared>>
      tpu.wait_indirect_dma semaphore(%arg19 : memref<!tpu.dma_semaphore, #tpu.memory_space<semaphore_mem>>) src(%dma_wait3A_443 : memref<128x64xf32, #tpu.memory_space<vmem>>) dst(%dma_wait3A_449 : memref<10240x64xf32, #tpu.memory_space<vmem_shared>>)
      %mul3A_450 = arith.constant 4 : i32
      %mul3A_451 = arith.muli %add3A_298, %mul3A_450 : i32
      %add3A_452 = arith.constant 3 : i32
      %add3A_453 = arith.addi %mul3A_451, %add3A_452 : i32
      %dma_wait3A_454 = arith.constant 3 : i32
      %dma_wait3A_455 = arith.constant 0 : i32
      %dma_wait3A_456 = arith.constant 0 : i32
      %dma_wait3A_457 = tpu.memref_slice %arg8[%dma_wait3A_454, %dma_wait3A_455, %dma_wait3A_456] : memref<4x128x64xf32, #tpu.memory_space<vmem>> -> memref<1x128x64xf32, #tpu.memory_space<vmem>>
      %dma_wait3A_458 = tpu.memref_squeeze %dma_wait3A_457 : memref<1x128x64xf32, #tpu.memory_space<vmem>> -> memref<128x64xf32, #tpu.memory_space<vmem>>
      %dma_wait3A_459 = arith.constant 0 : i32
      %dma_wait3A_460 = tpu.memref_slice %arg6[%add3A_453, %dma_wait3A_459] : memref<160x128xi32, #tpu.memory_space<vmem>> -> memref<1x128xi32, #tpu.memory_space<vmem>>
      %dma_wait3A_461 = tpu.memref_squeeze %dma_wait3A_460 : memref<1x128xi32, #tpu.memory_space<vmem>> -> memref<128xi32, #tpu.memory_space<vmem>>
      %dma_wait3A_462 = arith.constant 0 : i32
      %dma_wait3A_463 = arith.constant 0 : i32
      %dma_wait3A_464 = tpu.memref_slice %arg17[%dma_wait3A_462, %dma_wait3A_463] : memref<10240x64xf32, #tpu.memory_space<vmem_shared>> -> memref<10240x64xf32, #tpu.memory_space<vmem_shared>>
      tpu.wait_indirect_dma semaphore(%arg19 : memref<!tpu.dma_semaphore, #tpu.memory_space<semaphore_mem>>) src(%dma_wait3A_458 : memref<128x64xf32, #tpu.memory_space<vmem>>) dst(%dma_wait3A_464 : memref<10240x64xf32, #tpu.memory_space<vmem_shared>>)
    }
    %scan3A_115 = arith.constant 20 : i32
    %barrier3A_116 = arith.constant 0 : index
    tpu.barrier barrier_id(%barrier3A_116)
    %mul3A_117 = arith.constant 640 : i32
    %mul3A_118 = arith.muli %arg1, %mul3A_117 : i32
    %mul3A_119 = arith.constant 640 : i32
    %mul3A_120 = arith.muli %arg1, %mul3A_119 : i32
    %mul3A_121 = arith.constant 64 : i32
    %mul3A_122 = arith.muli %arg0, %mul3A_121 : i32
    "tpu.region"() ({
      %run_scoped3A_123 = tpu.sem_alloc : memref<!tpu.dma_semaphore, #tpu.memory_space<semaphore_mem>>
      %dma_start3A_124 = tpu.memref_slice %arg5[%mul3A_120, %mul3A_122] : memref<10240x128xf32, #tpu.memory_space<hbm>> -> memref<640x64xf32, #tpu.memory_space<hbm>>
      %dma_start3A_125 = arith.constant 0 : i32
      %dma_start3A_126 = tpu.memref_slice %arg17[%mul3A_118, %dma_start3A_125] : memref<10240x64xf32, #tpu.memory_space<vmem_shared>> -> memref<640x64xf32, #tpu.memory_space<vmem_shared>>
      tpu.enqueue_dma source(%dma_start3A_126 : memref<640x64xf32, #tpu.memory_space<vmem_shared>>) target(%dma_start3A_124 : memref<640x64xf32, #tpu.memory_space<hbm>>) target_semaphore(%run_scoped3A_123 : memref<!tpu.dma_semaphore, #tpu.memory_space<semaphore_mem>>)
      %dma_wait3A_127 = tpu.memref_slice %arg5[%mul3A_120, %mul3A_122] : memref<10240x128xf32, #tpu.memory_space<hbm>> -> memref<640x64xf32, #tpu.memory_space<hbm>>
      %dma_wait3A_128 = arith.constant 0 : i32
      %dma_wait3A_129 = tpu.memref_slice %arg17[%mul3A_118, %dma_wait3A_128] : memref<10240x64xf32, #tpu.memory_space<vmem_shared>> -> memref<640x64xf32, #tpu.memory_space<vmem_shared>>
      tpu.wait_dma2 semaphore(%run_scoped3A_123 : memref<!tpu.dma_semaphore, #tpu.memory_space<semaphore_mem>>) src(%dma_wait3A_129 : memref<640x64xf32, #tpu.memory_space<vmem_shared>>) dst(%dma_wait3A_127 : memref<640x64xf32, #tpu.memory_space<hbm>>)
      tpu.yield
    }) : () -> ()
    return
  }
}

#map = affine_map<(d0, d1) -> (0, 0)>
#map1 = affine_map<(d0, d1) -> (0)>
module attributes {stable_mosaic.version = 14 : i64} {
  func.func @k(%arg0: i32, %arg1: i32, %arg2: memref<20480x64xf32, #tpu.memory_space<hbm>>, %arg3: memref<655360xi32, #tpu.memory_space<hbm>>, %arg4: memref<2560x128xi32, #tpu.memory_space<hbm>>, %arg5: memref<10240x128xf32, #tpu.memory_space<hbm>>, %arg6: memref<160x128xi32, #tpu.memory_space<vmem>>, %arg7: memref<4x128x64xf32, #tpu.memory_space<vmem>>, %arg8: memref<4x128x64xf32, #tpu.memory_space<vmem>>, %arg9: memref<128xi32, #tpu.memory_space<vmem>>, %arg10: memref<128xi32, #tpu.memory_space<vmem>>, %arg11: memref<128xi32, #tpu.memory_space<vmem>>, %arg12: memref<128xi32, #tpu.memory_space<vmem>>, %arg13: memref<128xi32, #tpu.memory_space<vmem>>, %arg14: memref<128xi32, #tpu.memory_space<vmem>>, %arg15: memref<128xi32, #tpu.memory_space<vmem>>, %arg16: memref<128xi32, #tpu.memory_space<vmem>>, %arg17: memref<10240x64xf32, #tpu.memory_space<vmem_shared>>, %arg18: memref<!tpu.dma_semaphore, #tpu.memory_space<semaphore_mem>>, %arg19: memref<!tpu.dma_semaphore, #tpu.memory_space<semaphore_mem>>, %arg20: memref<!tpu.dma_semaphore, #tpu.memory_space<semaphore_mem>>) attributes {dimension_semantics = [#tpu.dimension_semantics<core_parallel>, #tpu.dimension_semantics<subcore_parallel>], iteration_bounds = array<i64: 2, 16>, scalar_prefetch = 0 : i64, scratch_operands = 15 : i64, tpu.core_type = #tpu.core_type<sc_vector_subcore>, window_params = [{transform_indices = #map}, {transform_indices = #map1}, {transform_indices = #map}, {transform_indices = #map}]} {
    %mul3A = arith.constant 160 : i32
    %mul3A_0 = arith.muli %arg1, %mul3A : i32
    "tpu.region"() ({
      %run_scoped3A_123 = tpu.sem_alloc : memref<!tpu.dma_semaphore, #tpu.memory_space<semaphore_mem>>
      %dma_start3A_124 = arith.constant 0 : i32
      %dma_start3A_125 = tpu.memref_slice %arg4[%mul3A_0, %dma_start3A_124] : memref<2560x128xi32, #tpu.memory_space<hbm>> -> memref<160x128xi32, #tpu.memory_space<hbm>>
      %dma_start3A_126 = arith.constant 0 : i32
      %dma_start3A_127 = tpu.memref_slice %arg4[%mul3A_0, %dma_start3A_126] : memref<2560x128xi32, #tpu.memory_space<hbm>> -> memref<160x128xi32, #tpu.memory_space<hbm>>
      tpu.enqueue_dma source(%dma_start3A_127 : memref<160x128xi32, #tpu.memory_space<hbm>>) target(%arg6 : memref<160x128xi32, #tpu.memory_space<vmem>>) target_semaphore(%run_scoped3A_123 : memref<!tpu.dma_semaphore, #tpu.memory_space<semaphore_mem>>)
      %dma_wait3A_128 = arith.constant 0 : i32
      %dma_wait3A_129 = tpu.memref_slice %arg4[%mul3A_0, %dma_wait3A_128] : memref<2560x128xi32, #tpu.memory_space<hbm>> -> memref<160x128xi32, #tpu.memory_space<hbm>>
      %dma_wait3A_130 = arith.constant 0 : i32
      %dma_wait3A_131 = tpu.memref_slice %arg4[%mul3A_0, %dma_wait3A_130] : memref<2560x128xi32, #tpu.memory_space<hbm>> -> memref<160x128xi32, #tpu.memory_space<hbm>>
      tpu.wait_dma2 semaphore(%run_scoped3A_123 : memref<!tpu.dma_semaphore, #tpu.memory_space<semaphore_mem>>) src(%dma_wait3A_131 : memref<160x128xi32, #tpu.memory_space<hbm>>) dst(%arg6 : memref<160x128xi32, #tpu.memory_space<vmem>>)
      tpu.yield
    }) : () -> ()
    %scan3A = arith.constant 0 : i32
    %scan3A_1 = arith.constant 128 : i32
    %scan3A_2 = arith.addi %scan3A, %scan3A_1 : i32
    %scan3A_3 = arith.constant 1 : i32
    scf.for %scan3A_123 = %scan3A to %scan3A_2 step %scan3A_3  : i32 {
      %mul3A_124 = arith.constant 1 : i32
      %mul3A_125 = arith.muli %scan3A_123, %mul3A_124 : i32
      %add3A_126 = arith.constant 0 : i32
      %add3A_127 = arith.addi %add3A_126, %mul3A_125 : i32
      %broadcast_in_dim3A = arith.constant 0.000000e+00 : f32
      %broadcast_in_dim3A_128 = vector.broadcast %broadcast_in_dim3A : f32 to vector<16xf32>
      %swap3A = arith.constant 0 : i32
      %swap3A_129 = arith.index_cast %swap3A : i32 to index
      %swap3A_130 = arith.index_cast %add3A_127 : i32 to index
      %swap3A_131 = arith.constant 0 : index
      %swap3A_132 = tpu.vector_load %arg7[%swap3A_129, %swap3A_130, %swap3A_131] {strides = array<i32>} : memref<4x128x64xf32, #tpu.memory_space<vmem>>, vector<1x1x16xf32>,
      %swap3A_133 = vector.shape_cast %swap3A_132 : vector<1x1x16xf32> to vector<16xf32>
      %swap3A_134 = vector.shape_cast %broadcast_in_dim3A_128 : vector<16xf32> to vector<1x1x16xf32>
      tpu.vector_store %arg7[%swap3A_129, %swap3A_130, %swap3A_131], %swap3A_134 {strides = array<i32>} : memref<4x128x64xf32, #tpu.memory_space<vmem>>, vector<1x1x16xf32>,
      %broadcast_in_dim3A_135 = arith.constant 0.000000e+00 : f32
      %broadcast_in_dim3A_136 = vector.broadcast %broadcast_in_dim3A_135 : f32 to vector<16xf32>
      %swap3A_137 = arith.constant 0 : i32
      %swap3A_138 = arith.index_cast %swap3A_137 : i32 to index
      %swap3A_139 = arith.index_cast %add3A_127 : i32 to index
      %swap3A_140 = arith.constant 16 : index
      %swap3A_141 = tpu.vector_load %arg7[%swap3A_138, %swap3A_139, %swap3A_140] {strides = array<i32>} : memref<4x128x64xf32, #tpu.memory_space<vmem>>, vector<1x1x16xf32>,
      %swap3A_142 = vector.shape_cast %swap3A_141 : vector<1x1x16xf32> to vector<16xf32>
      %swap3A_143 = vector.shape_cast %broadcast_in_dim3A_136 : vector<16xf32> to vector<1x1x16xf32>
      tpu.vector_store %arg7[%swap3A_138, %swap3A_139, %swap3A_140], %swap3A_143 {strides = array<i32>} : memref<4x128x64xf32, #tpu.memory_space<vmem>>, vector<1x1x16xf32>,
      %broadcast_in_dim3A_144 = arith.constant 0.000000e+00 : f32
      %broadcast_in_dim3A_145 = vector.broadcast %broadcast_in_dim3A_144 : f32 to vector<16xf32>
      %swap3A_146 = arith.constant 0 : i32
      %swap3A_147 = arith.index_cast %swap3A_146 : i32 to index
      %swap3A_148 = arith.index_cast %add3A_127 : i32 to index
      %swap3A_149 = arith.constant 32 : index
      %swap3A_150 = tpu.vector_load %arg7[%swap3A_147, %swap3A_148, %swap3A_149] {strides = array<i32>} : memref<4x128x64xf32, #tpu.memory_space<vmem>>, vector<1x1x16xf32>,
      %swap3A_151 = vector.shape_cast %swap3A_150 : vector<1x1x16xf32> to vector<16xf32>
      %swap3A_152 = vector.shape_cast %broadcast_in_dim3A_145 : vector<16xf32> to vector<1x1x16xf32>
      tpu.vector_store %arg7[%swap3A_147, %swap3A_148, %swap3A_149], %swap3A_152 {strides = array<i32>} : memref<4x128x64xf32, #tpu.memory_space<vmem>>, vector<1x1x16xf32>,
      %broadcast_in_dim3A_153 = arith.constant 0.000000e+00 : f32
      %broadcast_in_dim3A_154 = vector.broadcast %broadcast_in_dim3A_153 : f32 to vector<16xf32>
      %swap3A_155 = arith.constant 0 : i32
      %swap3A_156 = arith.index_cast %swap3A_155 : i32 to index
      %swap3A_157 = arith.index_cast %add3A_127 : i32 to index
      %swap3A_158 = arith.constant 48 : index
      %swap3A_159 = tpu.vector_load %arg7[%swap3A_156, %swap3A_157, %swap3A_158] {strides = array<i32>} : memref<4x128x64xf32, #tpu.memory_space<vmem>>, vector<1x1x16xf32>,
      %swap3A_160 = vector.shape_cast %swap3A_159 : vector<1x1x16xf32> to vector<16xf32>
      %swap3A_161 = vector.shape_cast %broadcast_in_dim3A_154 : vector<16xf32> to vector<1x1x16xf32>
      tpu.vector_store %arg7[%swap3A_156, %swap3A_157, %swap3A_158], %swap3A_161 {strides = array<i32>} : memref<4x128x64xf32, #tpu.memory_space<vmem>>, vector<1x1x16xf32>,
    }
    %scan3A_4 = arith.constant 128 : i32
    %mul3A_5 = arith.constant 640 : i32
    %mul3A_6 = arith.muli %arg1, %mul3A_5 : i32
    %add3A = arith.constant 0 : i32
    %add3A_7 = arith.addi %mul3A_6, %add3A : i32
    %run_scoped3A = arith.constant 0 : i32
    "tpu.region"() ({
      %run_scoped3A_123 = tpu.sem_alloc : memref<!tpu.dma_semaphore, #tpu.memory_space<semaphore_mem>>
      %dma_start3A_124 = arith.constant 0 : i32
      %dma_start3A_125 = arith.constant 0 : i32
      %dma_start3A_126 = tpu.memref_slice %arg7[%run_scoped3A, %dma_start3A_124, %dma_start3A_125] : memref<4x128x64xf32, #tpu.memory_space<vmem>> -> memref<1x128x64xf32, #tpu.memory_space<vmem>>
      %dma_start3A_127 = tpu.memref_squeeze %dma_start3A_126 : memref<1x128x64xf32, #tpu.memory_space<vmem>> -> memref<128x64xf32, #tpu.memory_space<vmem>>
      %dma_start3A_128 = arith.constant 0 : i32
      %dma_start3A_129 = tpu.memref_slice %arg17[%add3A_7, %dma_start3A_128] : memref<10240x64xf32, #tpu.memory_space<vmem_shared>> -> memref<128x64xf32, #tpu.memory_space<vmem_shared>>
      %dma_start3A_130 = arith.constant 0 : i32
      %dma_start3A_131 = tpu.memref_slice %arg17[%add3A_7, %dma_start3A_130] : memref<10240x64xf32, #tpu.memory_space<vmem_shared>> -> memref<128x64xf32, #tpu.memory_space<vmem_shared>>
      %dma_start3A_132 = arith.constant 0 : i32
      %dma_start3A_133 = arith.constant 0 : i32
      %dma_start3A_134 = tpu.memref_slice %arg7[%run_scoped3A, %dma_start3A_132, %dma_start3A_133] : memref<4x128x64xf32, #tpu.memory_space<vmem>> -> memref<1x128x64xf32, #tpu.memory_space<vmem>>
      %dma_start3A_135 = tpu.memref_squeeze %dma_start3A_134 : memref<1x128x64xf32, #tpu.memory_space<vmem>> -> memref<128x64xf32, #tpu.memory_space<vmem>>
      tpu.enqueue_dma source(%dma_start3A_135 : memref<128x64xf32, #tpu.memory_space<vmem>>) target(%dma_start3A_131 : memref<128x64xf32, #tpu.memory_space<vmem_shared>>) target_semaphore(%run_scoped3A_123 : memref<!tpu.dma_semaphore, #tpu.memory_space<semaphore_mem>>)
      %dma_wait3A_136 = arith.constant 0 : i32
      %dma_wait3A_137 = arith.constant 0 : i32
      %dma_wait3A_138 = tpu.memref_slice %arg7[%run_scoped3A, %dma_wait3A_136, %dma_wait3A_137] : memref<4x128x64xf32, #tpu.memory_space<vmem>> -> memref<1x128x64xf32, #tpu.memory_space<vmem>>
      %dma_wait3A_139 = tpu.memref_squeeze %dma_wait3A_138 : memref<1x128x64xf32, #tpu.memory_space<vmem>> -> memref<128x64xf32, #tpu.memory_space<vmem>>
      %dma_wait3A_140 = arith.constant 0 : i32
      %dma_wait3A_141 = tpu.memref_slice %arg17[%add3A_7, %dma_wait3A_140] : memref<10240x64xf32, #tpu.memory_space<vmem_shared>> -> memref<128x64xf32, #tpu.memory_space<vmem_shared>>
      %dma_wait3A_142 = arith.constant 0 : i32
      %dma_wait3A_143 = tpu.memref_slice %arg17[%add3A_7, %dma_wait3A_142] : memref<10240x64xf32, #tpu.memory_space<vmem_shared>> -> memref<128x64xf32, #tpu.memory_space<vmem_shared>>
      %dma_wait3A_144 = arith.constant 0 : i32
      %dma_wait3A_145 = arith.constant 0 : i32
      %dma_wait3A_146 = tpu.memref_slice %arg7[%run_scoped3A, %dma_wait3A_144, %dma_wait3A_145] : memref<4x128x64xf32, #tpu.memory_space<vmem>> -> memref<1x128x64xf32, #tpu.memory_space<vmem>>
      %dma_wait3A_147 = tpu.memref_squeeze %dma_wait3A_146 : memref<1x128x64xf32, #tpu.memory_space<vmem>> -> memref<128x64xf32, #tpu.memory_space<vmem>>
      tpu.wait_dma2 semaphore(%run_scoped3A_123 : memref<!tpu.dma_semaphore, #tpu.memory_space<semaphore_mem>>) src(%dma_wait3A_147 : memref<128x64xf32, #tpu.memory_space<vmem>>) dst(%dma_wait3A_143 : memref<128x64xf32, #tpu.memory_space<vmem_shared>>)
      tpu.yield
    }) : () -> ()
    %mul3A_8 = arith.constant 640 : i32
    %mul3A_9 = arith.muli %arg1, %mul3A_8 : i32
    %add3A_10 = arith.constant 128 : i32
    %add3A_11 = arith.addi %mul3A_9, %add3A_10 : i32
    %run_scoped3A_12 = arith.constant 0 : i32
    "tpu.region"() ({
      %run_scoped3A_123 = tpu.sem_alloc : memref<!tpu.dma_semaphore, #tpu.memory_space<semaphore_mem>>
      %dma_start3A_124 = arith.constant 0 : i32
      %dma_start3A_125 = arith.constant 0 : i32
      %dma_start3A_126 = tpu.memref_slice %arg7[%run_scoped3A_12, %dma_start3A_124, %dma_start3A_125] : memref<4x128x64xf32, #tpu.memory_space<vmem>> -> memref<1x128x64xf32, #tpu.memory_space<vmem>>
      %dma_start3A_127 = tpu.memref_squeeze %dma_start3A_126 : memref<1x128x64xf32, #tpu.memory_space<vmem>> -> memref<128x64xf32, #tpu.memory_space<vmem>>
      %dma_start3A_128 = arith.constant 0 : i32
      %dma_start3A_129 = tpu.memref_slice %arg17[%add3A_11, %dma_start3A_128] : memref<10240x64xf32, #tpu.memory_space<vmem_shared>> -> memref<128x64xf32, #tpu.memory_space<vmem_shared>>
      %dma_start3A_130 = arith.constant 0 : i32
      %dma_start3A_131 = tpu.memref_slice %arg17[%add3A_11, %dma_start3A_130] : memref<10240x64xf32, #tpu.memory_space<vmem_shared>> -> memref<128x64xf32, #tpu.memory_space<vmem_shared>>
      %dma_start3A_132 = arith.constant 0 : i32
      %dma_start3A_133 = arith.constant 0 : i32
      %dma_start3A_134 = tpu.memref_slice %arg7[%run_scoped3A_12, %dma_start3A_132, %dma_start3A_133] : memref<4x128x64xf32, #tpu.memory_space<vmem>> -> memref<1x128x64xf32, #tpu.memory_space<vmem>>
      %dma_start3A_135 = tpu.memref_squeeze %dma_start3A_134 : memref<1x128x64xf32, #tpu.memory_space<vmem>> -> memref<128x64xf32, #tpu.memory_space<vmem>>
      tpu.enqueue_dma source(%dma_start3A_135 : memref<128x64xf32, #tpu.memory_space<vmem>>) target(%dma_start3A_131 : memref<128x64xf32, #tpu.memory_space<vmem_shared>>) target_semaphore(%run_scoped3A_123 : memref<!tpu.dma_semaphore, #tpu.memory_space<semaphore_mem>>)
      %dma_wait3A_136 = arith.constant 0 : i32
      %dma_wait3A_137 = arith.constant 0 : i32
      %dma_wait3A_138 = tpu.memref_slice %arg7[%run_scoped3A_12, %dma_wait3A_136, %dma_wait3A_137] : memref<4x128x64xf32, #tpu.memory_space<vmem>> -> memref<1x128x64xf32, #tpu.memory_space<vmem>>
      %dma_wait3A_139 = tpu.memref_squeeze %dma_wait3A_138 : memref<1x128x64xf32, #tpu.memory_space<vmem>> -> memref<128x64xf32, #tpu.memory_space<vmem>>
      %dma_wait3A_140 = arith.constant 0 : i32
      %dma_wait3A_141 = tpu.memref_slice %arg17[%add3A_11, %dma_wait3A_140] : memref<10240x64xf32, #tpu.memory_space<vmem_shared>> -> memref<128x64xf32, #tpu.memory_space<vmem_shared>>
      %dma_wait3A_142 = arith.constant 0 : i32
      %dma_wait3A_143 = tpu.memref_slice %arg17[%add3A_11, %dma_wait3A_142] : memref<10240x64xf32, #tpu.memory_space<vmem_shared>> -> memref<128x64xf32, #tpu.memory_space<vmem_shared>>
      %dma_wait3A_144 = arith.constant 0 : i32
      %dma_wait3A_145 = arith.constant 0 : i32
      %dma_wait3A_146 = tpu.memref_slice %arg7[%run_scoped3A_12, %dma_wait3A_144, %dma_wait3A_145] : memref<4x128x64xf32, #tpu.memory_space<vmem>> -> memref<1x128x64xf32, #tpu.memory_space<vmem>>
      %dma_wait3A_147 = tpu.memref_squeeze %dma_wait3A_146 : memref<1x128x64xf32, #tpu.memory_space<vmem>> -> memref<128x64xf32, #tpu.memory_space<vmem>>
      tpu.wait_dma2 semaphore(%run_scoped3A_123 : memref<!tpu.dma_semaphore, #tpu.memory_space<semaphore_mem>>) src(%dma_wait3A_147 : memref<128x64xf32, #tpu.memory_space<vmem>>) dst(%dma_wait3A_143 : memref<128x64xf32, #tpu.memory_space<vmem_shared>>)
      tpu.yield
    }) : () -> ()
    %mul3A_13 = arith.constant 640 : i32
    %mul3A_14 = arith.muli %arg1, %mul3A_13 : i32
    %add3A_15 = arith.constant 256 : i32
    %add3A_16 = arith.addi %mul3A_14, %add3A_15 : i32
    %run_scoped3A_17 = arith.constant 0 : i32
    "tpu.region"() ({
      %run_scoped3A_123 = tpu.sem_alloc : memref<!tpu.dma_semaphore, #tpu.memory_space<semaphore_mem>>
      %dma_start3A_124 = arith.constant 0 : i32
      %dma_start3A_125 = arith.constant 0 : i32
      %dma_start3A_126 = tpu.memref_slice %arg7[%run_scoped3A_17, %dma_start3A_124, %dma_start3A_125] : memref<4x128x64xf32, #tpu.memory_space<vmem>> -> memref<1x128x64xf32, #tpu.memory_space<vmem>>
      %dma_start3A_127 = tpu.memref_squeeze %dma_start3A_126 : memref<1x128x64xf32, #tpu.memory_space<vmem>> -> memref<128x64xf32, #tpu.memory_space<vmem>>
      %dma_start3A_128 = arith.constant 0 : i32
      %dma_start3A_129 = tpu.memref_slice %arg17[%add3A_16, %dma_start3A_128] : memref<10240x64xf32, #tpu.memory_space<vmem_shared>> -> memref<128x64xf32, #tpu.memory_space<vmem_shared>>
      %dma_start3A_130 = arith.constant 0 : i32
      %dma_start3A_131 = tpu.memref_slice %arg17[%add3A_16, %dma_start3A_130] : memref<10240x64xf32, #tpu.memory_space<vmem_shared>> -> memref<128x64xf32, #tpu.memory_space<vmem_shared>>
      %dma_start3A_132 = arith.constant 0 : i32
      %dma_start3A_133 = arith.constant 0 : i32
      %dma_start3A_134 = tpu.memref_slice %arg7[%run_scoped3A_17, %dma_start3A_132, %dma_start3A_133] : memref<4x128x64xf32, #tpu.memory_space<vmem>> -> memref<1x128x64xf32, #tpu.memory_space<vmem>>
      %dma_start3A_135 = tpu.memref_squeeze %dma_start3A_134 : memref<1x128x64xf32, #tpu.memory_space<vmem>> -> memref<128x64xf32, #tpu.memory_space<vmem>>
      tpu.enqueue_dma source(%dma_start3A_135 : memref<128x64xf32, #tpu.memory_space<vmem>>) target(%dma_start3A_131 : memref<128x64xf32, #tpu.memory_space<vmem_shared>>) target_semaphore(%run_scoped3A_123 : memref<!tpu.dma_semaphore, #tpu.memory_space<semaphore_mem>>)
      %dma_wait3A_136 = arith.constant 0 : i32
      %dma_wait3A_137 = arith.constant 0 : i32
      %dma_wait3A_138 = tpu.memref_slice %arg7[%run_scoped3A_17, %dma_wait3A_136, %dma_wait3A_137] : memref<4x128x64xf32, #tpu.memory_space<vmem>> -> memref<1x128x64xf32, #tpu.memory_space<vmem>>
      %dma_wait3A_139 = tpu.memref_squeeze %dma_wait3A_138 : memref<1x128x64xf32, #tpu.memory_space<vmem>> -> memref<128x64xf32, #tpu.memory_space<vmem>>
      %dma_wait3A_140 = arith.constant 0 : i32
      %dma_wait3A_141 = tpu.memref_slice %arg17[%add3A_16, %dma_wait3A_140] : memref<10240x64xf32, #tpu.memory_space<vmem_shared>> -> memref<128x64xf32, #tpu.memory_space<vmem_shared>>
      %dma_wait3A_142 = arith.constant 0 : i32
      %dma_wait3A_143 = tpu.memref_slice %arg17[%add3A_16, %dma_wait3A_142] : memref<10240x64xf32, #tpu.memory_space<vmem_shared>> -> memref<128x64xf32, #tpu.memory_space<vmem_shared>>
      %dma_wait3A_144 = arith.constant 0 : i32
      %dma_wait3A_145 = arith.constant 0 : i32
      %dma_wait3A_146 = tpu.memref_slice %arg7[%run_scoped3A_17, %dma_wait3A_144, %dma_wait3A_145] : memref<4x128x64xf32, #tpu.memory_space<vmem>> -> memref<1x128x64xf32, #tpu.memory_space<vmem>>
      %dma_wait3A_147 = tpu.memref_squeeze %dma_wait3A_146 : memref<1x128x64xf32, #tpu.memory_space<vmem>> -> memref<128x64xf32, #tpu.memory_space<vmem>>
      tpu.wait_dma2 semaphore(%run_scoped3A_123 : memref<!tpu.dma_semaphore, #tpu.memory_space<semaphore_mem>>) src(%dma_wait3A_147 : memref<128x64xf32, #tpu.memory_space<vmem>>) dst(%dma_wait3A_143 : memref<128x64xf32, #tpu.memory_space<vmem_shared>>)
      tpu.yield
    }) : () -> ()
    %mul3A_18 = arith.constant 640 : i32
    %mul3A_19 = arith.muli %arg1, %mul3A_18 : i32
    %add3A_20 = arith.constant 384 : i32
    %add3A_21 = arith.addi %mul3A_19, %add3A_20 : i32
    %run_scoped3A_22 = arith.constant 0 : i32
    "tpu.region"() ({
      %run_scoped3A_123 = tpu.sem_alloc : memref<!tpu.dma_semaphore, #tpu.memory_space<semaphore_mem>>
      %dma_start3A_124 = arith.constant 0 : i32
      %dma_start3A_125 = arith.constant 0 : i32
      %dma_start3A_126 = tpu.memref_slice %arg7[%run_scoped3A_22, %dma_start3A_124, %dma_start3A_125] : memref<4x128x64xf32, #tpu.memory_space<vmem>> -> memref<1x128x64xf32, #tpu.memory_space<vmem>>
      %dma_start3A_127 = tpu.memref_squeeze %dma_start3A_126 : memref<1x128x64xf32, #tpu.memory_space<vmem>> -> memref<128x64xf32, #tpu.memory_space<vmem>>
      %dma_start3A_128 = arith.constant 0 : i32
      %dma_start3A_129 = tpu.memref_slice %arg17[%add3A_21, %dma_start3A_128] : memref<10240x64xf32, #tpu.memory_space<vmem_shared>> -> memref<128x64xf32, #tpu.memory_space<vmem_shared>>
      %dma_start3A_130 = arith.constant 0 : i32
      %dma_start3A_131 = tpu.memref_slice %arg17[%add3A_21, %dma_start3A_130] : memref<10240x64xf32, #tpu.memory_space<vmem_shared>> -> memref<128x64xf32, #tpu.memory_space<vmem_shared>>
      %dma_start3A_132 = arith.constant 0 : i32
      %dma_start3A_133 = arith.constant 0 : i32
      %dma_start3A_134 = tpu.memref_slice %arg7[%run_scoped3A_22, %dma_start3A_132, %dma_start3A_133] : memref<4x128x64xf32, #tpu.memory_space<vmem>> -> memref<1x128x64xf32, #tpu.memory_space<vmem>>
      %dma_start3A_135 = tpu.memref_squeeze %dma_start3A_134 : memref<1x128x64xf32, #tpu.memory_space<vmem>> -> memref<128x64xf32, #tpu.memory_space<vmem>>
      tpu.enqueue_dma source(%dma_start3A_135 : memref<128x64xf32, #tpu.memory_space<vmem>>) target(%dma_start3A_131 : memref<128x64xf32, #tpu.memory_space<vmem_shared>>) target_semaphore(%run_scoped3A_123 : memref<!tpu.dma_semaphore, #tpu.memory_space<semaphore_mem>>)
      %dma_wait3A_136 = arith.constant 0 : i32
      %dma_wait3A_137 = arith.constant 0 : i32
      %dma_wait3A_138 = tpu.memref_slice %arg7[%run_scoped3A_22, %dma_wait3A_136, %dma_wait3A_137] : memref<4x128x64xf32, #tpu.memory_space<vmem>> -> memref<1x128x64xf32, #tpu.memory_space<vmem>>
      %dma_wait3A_139 = tpu.memref_squeeze %dma_wait3A_138 : memref<1x128x64xf32, #tpu.memory_space<vmem>> -> memref<128x64xf32, #tpu.memory_space<vmem>>
      %dma_wait3A_140 = arith.constant 0 : i32
      %dma_wait3A_141 = tpu.memref_slice %arg17[%add3A_21, %dma_wait3A_140] : memref<10240x64xf32, #tpu.memory_space<vmem_shared>> -> memref<128x64xf32, #tpu.memory_space<vmem_shared>>
      %dma_wait3A_142 = arith.constant 0 : i32
      %dma_wait3A_143 = tpu.memref_slice %arg17[%add3A_21, %dma_wait3A_142] : memref<10240x64xf32, #tpu.memory_space<vmem_shared>> -> memref<128x64xf32, #tpu.memory_space<vmem_shared>>
      %dma_wait3A_144 = arith.constant 0 : i32
      %dma_wait3A_145 = arith.constant 0 : i32
      %dma_wait3A_146 = tpu.memref_slice %arg7[%run_scoped3A_22, %dma_wait3A_144, %dma_wait3A_145] : memref<4x128x64xf32, #tpu.memory_space<vmem>> -> memref<1x128x64xf32, #tpu.memory_space<vmem>>
      %dma_wait3A_147 = tpu.memref_squeeze %dma_wait3A_146 : memref<1x128x64xf32, #tpu.memory_space<vmem>> -> memref<128x64xf32, #tpu.memory_space<vmem>>
      tpu.wait_dma2 semaphore(%run_scoped3A_123 : memref<!tpu.dma_semaphore, #tpu.memory_space<semaphore_mem>>) src(%dma_wait3A_147 : memref<128x64xf32, #tpu.memory_space<vmem>>) dst(%dma_wait3A_143 : memref<128x64xf32, #tpu.memory_space<vmem_shared>>)
      tpu.yield
    }) : () -> ()
    %mul3A_23 = arith.constant 640 : i32
    %mul3A_24 = arith.muli %arg1, %mul3A_23 : i32
    %add3A_25 = arith.constant 512 : i32
    %add3A_26 = arith.addi %mul3A_24, %add3A_25 : i32
    %run_scoped3A_27 = arith.constant 0 : i32
    "tpu.region"() ({
      %run_scoped3A_123 = tpu.sem_alloc : memref<!tpu.dma_semaphore, #tpu.memory_space<semaphore_mem>>
      %dma_start3A_124 = arith.constant 0 : i32
      %dma_start3A_125 = arith.constant 0 : i32
      %dma_start3A_126 = tpu.memref_slice %arg7[%run_scoped3A_27, %dma_start3A_124, %dma_start3A_125] : memref<4x128x64xf32, #tpu.memory_space<vmem>> -> memref<1x128x64xf32, #tpu.memory_space<vmem>>
      %dma_start3A_127 = tpu.memref_squeeze %dma_start3A_126 : memref<1x128x64xf32, #tpu.memory_space<vmem>> -> memref<128x64xf32, #tpu.memory_space<vmem>>
      %dma_start3A_128 = arith.constant 0 : i32
      %dma_start3A_129 = tpu.memref_slice %arg17[%add3A_26, %dma_start3A_128] : memref<10240x64xf32, #tpu.memory_space<vmem_shared>> -> memref<128x64xf32, #tpu.memory_space<vmem_shared>>
      %dma_start3A_130 = arith.constant 0 : i32
      %dma_start3A_131 = tpu.memref_slice %arg17[%add3A_26, %dma_start3A_130] : memref<10240x64xf32, #tpu.memory_space<vmem_shared>> -> memref<128x64xf32, #tpu.memory_space<vmem_shared>>
      %dma_start3A_132 = arith.constant 0 : i32
      %dma_start3A_133 = arith.constant 0 : i32
      %dma_start3A_134 = tpu.memref_slice %arg7[%run_scoped3A_27, %dma_start3A_132, %dma_start3A_133] : memref<4x128x64xf32, #tpu.memory_space<vmem>> -> memref<1x128x64xf32, #tpu.memory_space<vmem>>
      %dma_start3A_135 = tpu.memref_squeeze %dma_start3A_134 : memref<1x128x64xf32, #tpu.memory_space<vmem>> -> memref<128x64xf32, #tpu.memory_space<vmem>>
      tpu.enqueue_dma source(%dma_start3A_135 : memref<128x64xf32, #tpu.memory_space<vmem>>) target(%dma_start3A_131 : memref<128x64xf32, #tpu.memory_space<vmem_shared>>) target_semaphore(%run_scoped3A_123 : memref<!tpu.dma_semaphore, #tpu.memory_space<semaphore_mem>>)
      %dma_wait3A_136 = arith.constant 0 : i32
      %dma_wait3A_137 = arith.constant 0 : i32
      %dma_wait3A_138 = tpu.memref_slice %arg7[%run_scoped3A_27, %dma_wait3A_136, %dma_wait3A_137] : memref<4x128x64xf32, #tpu.memory_space<vmem>> -> memref<1x128x64xf32, #tpu.memory_space<vmem>>
      %dma_wait3A_139 = tpu.memref_squeeze %dma_wait3A_138 : memref<1x128x64xf32, #tpu.memory_space<vmem>> -> memref<128x64xf32, #tpu.memory_space<vmem>>
      %dma_wait3A_140 = arith.constant 0 : i32
      %dma_wait3A_141 = tpu.memref_slice %arg17[%add3A_26, %dma_wait3A_140] : memref<10240x64xf32, #tpu.memory_space<vmem_shared>> -> memref<128x64xf32, #tpu.memory_space<vmem_shared>>
      %dma_wait3A_142 = arith.constant 0 : i32
      %dma_wait3A_143 = tpu.memref_slice %arg17[%add3A_26, %dma_wait3A_142] : memref<10240x64xf32, #tpu.memory_space<vmem_shared>> -> memref<128x64xf32, #tpu.memory_space<vmem_shared>>
      %dma_wait3A_144 = arith.constant 0 : i32
      %dma_wait3A_145 = arith.constant 0 : i32
      %dma_wait3A_146 = tpu.memref_slice %arg7[%run_scoped3A_27, %dma_wait3A_144, %dma_wait3A_145] : memref<4x128x64xf32, #tpu.memory_space<vmem>> -> memref<1x128x64xf32, #tpu.memory_space<vmem>>
      %dma_wait3A_147 = tpu.memref_squeeze %dma_wait3A_146 : memref<1x128x64xf32, #tpu.memory_space<vmem>> -> memref<128x64xf32, #tpu.memory_space<vmem>>
      tpu.wait_dma2 semaphore(%run_scoped3A_123 : memref<!tpu.dma_semaphore, #tpu.memory_space<semaphore_mem>>) src(%dma_wait3A_147 : memref<128x64xf32, #tpu.memory_space<vmem>>) dst(%dma_wait3A_143 : memref<128x64xf32, #tpu.memory_space<vmem_shared>>)
      tpu.yield
    }) : () -> ()
    %barrier3A = arith.constant 0 : index
    tpu.barrier barrier_id(%barrier3A)
    %mul3A_28 = arith.constant 327680 : i32
    %mul3A_29 = arith.muli %arg0, %mul3A_28 : i32
    %mul3A_30 = arith.constant 20480 : i32
    %mul3A_31 = arith.muli %arg1, %mul3A_30 : i32
    %add3A_32 = arith.addi %mul3A_29, %mul3A_31 : i32
    %add3A_33 = arith.constant 0 : i32
    %add3A_34 = arith.addi %add3A_32, %add3A_33 : i32
    %dma_start3A = tpu.memref_slice %arg3[%add3A_34] : memref<655360xi32, #tpu.memory_space<hbm>> -> memref<128xi32, #tpu.memory_space<hbm>>
    %dma_start3A_35 = tpu.memref_slice %arg3[%add3A_34] : memref<655360xi32, #tpu.memory_space<hbm>> -> memref<128xi32, #tpu.memory_space<hbm>>
    tpu.enqueue_dma source(%dma_start3A_35 : memref<128xi32, #tpu.memory_space<hbm>>) target(%arg9 : memref<128xi32, #tpu.memory_space<vmem>>) target_semaphore(%arg20 : memref<!tpu.dma_semaphore, #tpu.memory_space<semaphore_mem>>)
    %add3A_36 = arith.constant 128 : i32
    %add3A_37 = arith.addi %add3A_32, %add3A_36 : i32
    %dma_start3A_38 = tpu.memref_slice %arg3[%add3A_37] : memref<655360xi32, #tpu.memory_space<hbm>> -> memref<128xi32, #tpu.memory_space<hbm>>
    %dma_start3A_39 = tpu.memref_slice %arg3[%add3A_37] : memref<655360xi32, #tpu.memory_space<hbm>> -> memref<128xi32, #tpu.memory_space<hbm>>
    tpu.enqueue_dma source(%dma_start3A_39 : memref<128xi32, #tpu.memory_space<hbm>>) target(%arg10 : memref<128xi32, #tpu.memory_space<vmem>>) target_semaphore(%arg20 : memref<!tpu.dma_semaphore, #tpu.memory_space<semaphore_mem>>)
    %add3A_40 = arith.constant 256 : i32
    %add3A_41 = arith.addi %add3A_32, %add3A_40 : i32
    %dma_start3A_42 = tpu.memref_slice %arg3[%add3A_41] : memref<655360xi32, #tpu.memory_space<hbm>> -> memref<128xi32, #tpu.memory_space<hbm>>
    %dma_start3A_43 = tpu.memref_slice %arg3[%add3A_41] : memref<655360xi32, #tpu.memory_space<hbm>> -> memref<128xi32, #tpu.memory_space<hbm>>
    tpu.enqueue_dma source(%dma_start3A_43 : memref<128xi32, #tpu.memory_space<hbm>>) target(%arg11 : memref<128xi32, #tpu.memory_space<vmem>>) target_semaphore(%arg20 : memref<!tpu.dma_semaphore, #tpu.memory_space<semaphore_mem>>)
    %add3A_44 = arith.constant 384 : i32
    %add3A_45 = arith.addi %add3A_32, %add3A_44 : i32
    %dma_start3A_46 = tpu.memref_slice %arg3[%add3A_45] : memref<655360xi32, #tpu.memory_space<hbm>> -> memref<128xi32, #tpu.memory_space<hbm>>
    %dma_start3A_47 = tpu.memref_slice %arg3[%add3A_45] : memref<655360xi32, #tpu.memory_space<hbm>> -> memref<128xi32, #tpu.memory_space<hbm>>
    tpu.enqueue_dma source(%dma_start3A_47 : memref<128xi32, #tpu.memory_space<hbm>>) target(%arg12 : memref<128xi32, #tpu.memory_space<vmem>>) target_semaphore(%arg20 : memref<!tpu.dma_semaphore, #tpu.memory_space<semaphore_mem>>)
    %add3A_48 = arith.constant 512 : i32
    %add3A_49 = arith.addi %add3A_32, %add3A_48 : i32
    %dma_start3A_50 = tpu.memref_slice %arg3[%add3A_49] : memref<655360xi32, #tpu.memory_space<hbm>> -> memref<128xi32, #tpu.memory_space<hbm>>
    %dma_start3A_51 = tpu.memref_slice %arg3[%add3A_49] : memref<655360xi32, #tpu.memory_space<hbm>> -> memref<128xi32, #tpu.memory_space<hbm>>
    tpu.enqueue_dma source(%dma_start3A_51 : memref<128xi32, #tpu.memory_space<hbm>>) target(%arg13 : memref<128xi32, #tpu.memory_space<vmem>>) target_semaphore(%arg20 : memref<!tpu.dma_semaphore, #tpu.memory_space<semaphore_mem>>)
    %add3A_52 = arith.constant 640 : i32
    %add3A_53 = arith.addi %add3A_32, %add3A_52 : i32
    %dma_start3A_54 = tpu.memref_slice %arg3[%add3A_53] : memref<655360xi32, #tpu.memory_space<hbm>> -> memref<128xi32, #tpu.memory_space<hbm>>
    %dma_start3A_55 = tpu.memref_slice %arg3[%add3A_53] : memref<655360xi32, #tpu.memory_space<hbm>> -> memref<128xi32, #tpu.memory_space<hbm>>
    tpu.enqueue_dma source(%dma_start3A_55 : memref<128xi32, #tpu.memory_space<hbm>>) target(%arg14 : memref<128xi32, #tpu.memory_space<vmem>>) target_semaphore(%arg20 : memref<!tpu.dma_semaphore, #tpu.memory_space<semaphore_mem>>)
    %add3A_56 = arith.constant 768 : i32
    %add3A_57 = arith.addi %add3A_32, %add3A_56 : i32
    %dma_start3A_58 = tpu.memref_slice %arg3[%add3A_57] : memref<655360xi32, #tpu.memory_space<hbm>> -> memref<128xi32, #tpu.memory_space<hbm>>
    %dma_start3A_59 = tpu.memref_slice %arg3[%add3A_57] : memref<655360xi32, #tpu.memory_space<hbm>> -> memref<128xi32, #tpu.memory_space<hbm>>
    tpu.enqueue_dma source(%dma_start3A_59 : memref<128xi32, #tpu.memory_space<hbm>>) target(%arg15 : memref<128xi32, #tpu.memory_space<vmem>>) target_semaphore(%arg20 : memref<!tpu.dma_semaphore, #tpu.memory_space<semaphore_mem>>)
    %add3A_60 = arith.constant 896 : i32
    %add3A_61 = arith.addi %add3A_32, %add3A_60 : i32
    %dma_start3A_62 = tpu.memref_slice %arg3[%add3A_61] : memref<655360xi32, #tpu.memory_space<hbm>> -> memref<128xi32, #tpu.memory_space<hbm>>
    %dma_start3A_63 = tpu.memref_slice %arg3[%add3A_61] : memref<655360xi32, #tpu.memory_space<hbm>> -> memref<128xi32, #tpu.memory_space<hbm>>
    tpu.enqueue_dma source(%dma_start3A_63 : memref<128xi32, #tpu.memory_space<hbm>>) target(%arg16 : memref<128xi32, #tpu.memory_space<vmem>>) target_semaphore(%arg20 : memref<!tpu.dma_semaphore, #tpu.memory_space<semaphore_mem>>)
    %add3A_64 = arith.constant 0 : i32
    %add3A_65 = arith.addi %add3A_32, %add3A_64 : i32
    %dma_wait3A = tpu.memref_slice %arg3[%add3A_65] : memref<655360xi32, #tpu.memory_space<hbm>> -> memref<128xi32, #tpu.memory_space<hbm>>
    %dma_wait3A_66 = tpu.memref_slice %arg3[%add3A_65] : memref<655360xi32, #tpu.memory_space<hbm>> -> memref<128xi32, #tpu.memory_space<hbm>>
    tpu.wait_dma2 semaphore(%arg20 : memref<!tpu.dma_semaphore, #tpu.memory_space<semaphore_mem>>) src(%dma_wait3A_66 : memref<128xi32, #tpu.memory_space<hbm>>) dst(%arg9 : memref<128xi32, #tpu.memory_space<vmem>>)
    %add3A_67 = arith.constant 128 : i32
    %add3A_68 = arith.addi %add3A_32, %add3A_67 : i32
    %dma_wait3A_69 = tpu.memref_slice %arg3[%add3A_68] : memref<655360xi32, #tpu.memory_space<hbm>> -> memref<128xi32, #tpu.memory_space<hbm>>
    %dma_wait3A_70 = tpu.memref_slice %arg3[%add3A_68] : memref<655360xi32, #tpu.memory_space<hbm>> -> memref<128xi32, #tpu.memory_space<hbm>>
    tpu.wait_dma2 semaphore(%arg20 : memref<!tpu.dma_semaphore, #tpu.memory_space<semaphore_mem>>) src(%dma_wait3A_70 : memref<128xi32, #tpu.memory_space<hbm>>) dst(%arg10 : memref<128xi32, #tpu.memory_space<vmem>>)
    %add3A_71 = arith.constant 256 : i32
    %add3A_72 = arith.addi %add3A_32, %add3A_71 : i32
    %dma_wait3A_73 = tpu.memref_slice %arg3[%add3A_72] : memref<655360xi32, #tpu.memory_space<hbm>> -> memref<128xi32, #tpu.memory_space<hbm>>
    %dma_wait3A_74 = tpu.memref_slice %arg3[%add3A_72] : memref<655360xi32, #tpu.memory_space<hbm>> -> memref<128xi32, #tpu.memory_space<hbm>>
    tpu.wait_dma2 semaphore(%arg20 : memref<!tpu.dma_semaphore, #tpu.memory_space<semaphore_mem>>) src(%dma_wait3A_74 : memref<128xi32, #tpu.memory_space<hbm>>) dst(%arg11 : memref<128xi32, #tpu.memory_space<vmem>>)
    %add3A_75 = arith.constant 384 : i32
    %add3A_76 = arith.addi %add3A_32, %add3A_75 : i32
    %dma_wait3A_77 = tpu.memref_slice %arg3[%add3A_76] : memref<655360xi32, #tpu.memory_space<hbm>> -> memref<128xi32, #tpu.memory_space<hbm>>
    %dma_wait3A_78 = tpu.memref_slice %arg3[%add3A_76] : memref<655360xi32, #tpu.memory_space<hbm>> -> memref<128xi32, #tpu.memory_space<hbm>>
    tpu.wait_dma2 semaphore(%arg20 : memref<!tpu.dma_semaphore, #tpu.memory_space<semaphore_mem>>) src(%dma_wait3A_78 : memref<128xi32, #tpu.memory_space<hbm>>) dst(%arg12 : memref<128xi32, #tpu.memory_space<vmem>>)
    %dma_start3A_79 = arith.constant 0 : i32
    %dma_start3A_80 = arith.constant 0 : i32
    %dma_start3A_81 = arith.constant 0 : i32
    %dma_start3A_82 = tpu.memref_slice %arg7[%dma_start3A_79, %dma_start3A_80, %dma_start3A_81] : memref<4x128x64xf32, #tpu.memory_space<vmem>> -> memref<1x128x64xf32, #tpu.memory_space<vmem>>
    %dma_start3A_83 = tpu.memref_squeeze %dma_start3A_82 : memref<1x128x64xf32, #tpu.memory_space<vmem>> -> memref<128x64xf32, #tpu.memory_space<vmem>>
    %dma_start3A_84 = arith.constant 0 : i32
    %dma_start3A_85 = arith.constant 0 : i32
    %dma_start3A_86 = tpu.memref_slice %arg2[%dma_start3A_84, %dma_start3A_85] : memref<20480x64xf32, #tpu.memory_space<hbm>> -> memref<20480x64xf32, #tpu.memory_space<hbm>>
    tpu.enqueue_indirect_dma source(%dma_start3A_86 : memref<20480x64xf32, #tpu.memory_space<hbm>>) target(%dma_start3A_83 : memref<128x64xf32, #tpu.memory_space<vmem>>) offsets(%arg9 : memref<128xi32, #tpu.memory_space<vmem>>) semaphore(%arg18 : memref<!tpu.dma_semaphore, #tpu.memory_space<semaphore_mem>>)
    %dma_start3A_87 = arith.constant 1 : i32
    %dma_start3A_88 = arith.constant 0 : i32
    %dma_start3A_89 = arith.constant 0 : i32
    %dma_start3A_90 = tpu.memref_slice %arg7[%dma_start3A_87, %dma_start3A_88, %dma_start3A_89] : memref<4x128x64xf32, #tpu.memory_space<vmem>> -> memref<1x128x64xf32, #tpu.memory_space<vmem>>
    %dma_start3A_91 = tpu.memref_squeeze %dma_start3A_90 : memref<1x128x64xf32, #tpu.memory_space<vmem>> -> memref<128x64xf32, #tpu.memory_space<vmem>>
    %dma_start3A_92 = arith.constant 0 : i32
    %dma_start3A_93 = arith.constant 0 : i32
    %dma_start3A_94 = tpu.memref_slice %arg2[%dma_start3A_92, %dma_start3A_93] : memref<20480x64xf32, #tpu.memory_space<hbm>> -> memref<20480x64xf32, #tpu.memory_space<hbm>>
    tpu.enqueue_indirect_dma source(%dma_start3A_94 : memref<20480x64xf32, #tpu.memory_space<hbm>>) target(%dma_start3A_91 : memref<128x64xf32, #tpu.memory_space<vmem>>) offsets(%arg10 : memref<128xi32, #tpu.memory_space<vmem>>) semaphore(%arg18 : memref<!tpu.dma_semaphore, #tpu.memory_space<semaphore_mem>>)
    %dma_start3A_95 = arith.constant 2 : i32
    %dma_start3A_96 = arith.constant 0 : i32
    %dma_start3A_97 = arith.constant 0 : i32
    %dma_start3A_98 = tpu.memref_slice %arg7[%dma_start3A_95, %dma_start3A_96, %dma_start3A_97] : memref<4x128x64xf32, #tpu.memory_space<vmem>> -> memref<1x128x64xf32, #tpu.memory_space<vmem>>
    %dma_start3A_99 = tpu.memref_squeeze %dma_start3A_98 : memref<1x128x64xf32, #tpu.memory_space<vmem>> -> memref<128x64xf32, #tpu.memory_space<vmem>>
    %dma_start3A_100 = arith.constant 0 : i32
    %dma_start3A_101 = arith.constant 0 : i32
    %dma_start3A_102 = tpu.memref_slice %arg2[%dma_start3A_100, %dma_start3A_101] : memref<20480x64xf32, #tpu.memory_space<hbm>> -> memref<20480x64xf32, #tpu.memory_space<hbm>>
    tpu.enqueue_indirect_dma source(%dma_start3A_102 : memref<20480x64xf32, #tpu.memory_space<hbm>>) target(%dma_start3A_99 : memref<128x64xf32, #tpu.memory_space<vmem>>) offsets(%arg11 : memref<128xi32, #tpu.memory_space<vmem>>) semaphore(%arg18 : memref<!tpu.dma_semaphore, #tpu.memory_space<semaphore_mem>>)
    %dma_start3A_103 = arith.constant 3 : i32
    %dma_start3A_104 = arith.constant 0 : i32
    %dma_start3A_105 = arith.constant 0 : i32
    %dma_start3A_106 = tpu.memref_slice %arg7[%dma_start3A_103, %dma_start3A_104, %dma_start3A_105] : memref<4x128x64xf32, #tpu.memory_space<vmem>> -> memref<1x128x64xf32, #tpu.memory_space<vmem>>
    %dma_start3A_107 = tpu.memref_squeeze %dma_start3A_106 : memref<1x128x64xf32, #tpu.memory_space<vmem>> -> memref<128x64xf32, #tpu.memory_space<vmem>>
    %dma_start3A_108 = arith.constant 0 : i32
    %dma_start3A_109 = arith.constant 0 : i32
    %dma_start3A_110 = tpu.memref_slice %arg2[%dma_start3A_108, %dma_start3A_109] : memref<20480x64xf32, #tpu.memory_space<hbm>> -> memref<20480x64xf32, #tpu.memory_space<hbm>>
    tpu.enqueue_indirect_dma source(%dma_start3A_110 : memref<20480x64xf32, #tpu.memory_space<hbm>>) target(%dma_start3A_107 : memref<128x64xf32, #tpu.memory_space<vmem>>) offsets(%arg12 : memref<128xi32, #tpu.memory_space<vmem>>) semaphore(%arg18 : memref<!tpu.dma_semaphore, #tpu.memory_space<semaphore_mem>>)
    %scan3A_111 = arith.constant 0 : i32
    %scan3A_112 = arith.constant 20 : i32
    %scan3A_113 = arith.addi %scan3A_111, %scan3A_112 : i32
    %scan3A_114 = arith.constant 1 : i32
    scf.for %scan3A_123 = %scan3A_111 to %scan3A_113 step %scan3A_114  : i32 {
      %mul3A_124 = arith.constant 1 : i32
      %mul3A_125 = arith.muli %scan3A_123, %mul3A_124 : i32
      %add3A_126 = arith.constant 0 : i32
      %add3A_127 = arith.addi %add3A_126, %mul3A_125 : i32
      %mul3A_128 = arith.constant 2 : i32
      %mul3A_129 = arith.muli %mul3A_128, %add3A_127 : i32
      %add3A_130 = arith.constant 0 : i32
      %add3A_131 = arith.addi %mul3A_129, %add3A_130 : i32
      %dma_wait3A_132 = arith.constant 0 : i32
      %dma_wait3A_133 = arith.constant 0 : i32
      %dma_wait3A_134 = arith.constant 0 : i32
      %dma_wait3A_135 = tpu.memref_slice %arg7[%dma_wait3A_132, %dma_wait3A_133, %dma_wait3A_134] : memref<4x128x64xf32, #tpu.memory_space<vmem>> -> memref<1x128x64xf32, #tpu.memory_space<vmem>>
      %dma_wait3A_136 = tpu.memref_squeeze %dma_wait3A_135 : memref<1x128x64xf32, #tpu.memory_space<vmem>> -> memref<128x64xf32, #tpu.memory_space<vmem>>
      %dma_wait3A_137 = arith.constant 0 : i32
      %dma_wait3A_138 = arith.constant 0 : i32
      %dma_wait3A_139 = tpu.memref_slice %arg2[%dma_wait3A_137, %dma_wait3A_138] : memref<20480x64xf32, #tpu.memory_space<hbm>> -> memref<20480x64xf32, #tpu.memory_space<hbm>>
      tpu.wait_indirect_dma semaphore(%arg18 : memref<!tpu.dma_semaphore, #tpu.memory_space<semaphore_mem>>) src(%dma_wait3A_139 : memref<20480x64xf32, #tpu.memory_space<hbm>>) dst(%dma_wait3A_136 : memref<128x64xf32, #tpu.memory_space<vmem>>)
      %dma_wait3A_140 = arith.constant 1 : i32
      %dma_wait3A_141 = arith.constant 0 : i32
      %dma_wait3A_142 = arith.constant 0 : i32
      %dma_wait3A_143 = tpu.memref_slice %arg7[%dma_wait3A_140, %dma_wait3A_141, %dma_wait3A_142] : memref<4x128x64xf32, #tpu.memory_space<vmem>> -> memref<1x128x64xf32, #tpu.memory_space<vmem>>
      %dma_wait3A_144 = tpu.memref_squeeze %dma_wait3A_143 : memref<1x128x64xf32, #tpu.memory_space<vmem>> -> memref<128x64xf32, #tpu.memory_space<vmem>>
      %dma_wait3A_145 = arith.constant 0 : i32
      %dma_wait3A_146 = arith.constant 0 : i32
      %dma_wait3A_147 = tpu.memref_slice %arg2[%dma_wait3A_145, %dma_wait3A_146] : memref<20480x64xf32, #tpu.memory_space<hbm>> -> memref<20480x64xf32, #tpu.memory_space<hbm>>
      tpu.wait_indirect_dma semaphore(%arg18 : memref<!tpu.dma_semaphore, #tpu.memory_space<semaphore_mem>>) src(%dma_wait3A_147 : memref<20480x64xf32, #tpu.memory_space<hbm>>) dst(%dma_wait3A_144 : memref<128x64xf32, #tpu.memory_space<vmem>>)
      %dma_wait3A_148 = arith.constant 2 : i32
      %dma_wait3A_149 = arith.constant 0 : i32
      %dma_wait3A_150 = arith.constant 0 : i32
      %dma_wait3A_151 = tpu.memref_slice %arg7[%dma_wait3A_148, %dma_wait3A_149, %dma_wait3A_150] : memref<4x128x64xf32, #tpu.memory_space<vmem>> -> memref<1x128x64xf32, #tpu.memory_space<vmem>>
      %dma_wait3A_152 = tpu.memref_squeeze %dma_wait3A_151 : memref<1x128x64xf32, #tpu.memory_space<vmem>> -> memref<128x64xf32, #tpu.memory_space<vmem>>
      %dma_wait3A_153 = arith.constant 0 : i32
      %dma_wait3A_154 = arith.constant 0 : i32
      %dma_wait3A_155 = tpu.memref_slice %arg2[%dma_wait3A_153, %dma_wait3A_154] : memref<20480x64xf32, #tpu.memory_space<hbm>> -> memref<20480x64xf32, #tpu.memory_space<hbm>>
      tpu.wait_indirect_dma semaphore(%arg18 : memref<!tpu.dma_semaphore, #tpu.memory_space<semaphore_mem>>) src(%dma_wait3A_155 : memref<20480x64xf32, #tpu.memory_space<hbm>>) dst(%dma_wait3A_152 : memref<128x64xf32, #tpu.memory_space<vmem>>)
      %dma_wait3A_156 = arith.constant 3 : i32
      %dma_wait3A_157 = arith.constant 0 : i32
      %dma_wait3A_158 = arith.constant 0 : i32
      %dma_wait3A_159 = tpu.memref_slice %arg7[%dma_wait3A_156, %dma_wait3A_157, %dma_wait3A_158] : memref<4x128x64xf32, #tpu.memory_space<vmem>> -> memref<1x128x64xf32, #tpu.memory_space<vmem>>
      %dma_wait3A_160 = tpu.memref_squeeze %dma_wait3A_159 : memref<1x128x64xf32, #tpu.memory_space<vmem>> -> memref<128x64xf32, #tpu.memory_space<vmem>>
      %dma_wait3A_161 = arith.constant 0 : i32
      %dma_wait3A_162 = arith.constant 0 : i32
      %dma_wait3A_163 = tpu.memref_slice %arg2[%dma_wait3A_161, %dma_wait3A_162] : memref<20480x64xf32, #tpu.memory_space<hbm>> -> memref<20480x64xf32, #tpu.memory_space<hbm>>
      tpu.wait_indirect_dma semaphore(%arg18 : memref<!tpu.dma_semaphore, #tpu.memory_space<semaphore_mem>>) src(%dma_wait3A_163 : memref<20480x64xf32, #tpu.memory_space<hbm>>) dst(%dma_wait3A_160 : memref<128x64xf32, #tpu.memory_space<vmem>>)
      %add3A_164 = arith.constant 2 : i32
      %add3A_165 = arith.addi %add3A_131, %add3A_164 : i32
      %lt3A = arith.constant 40 : i32
      %lt3A_166 = arith.cmpi slt, %add3A_165, %lt3A : i32
      %convert_element_type3A = arith.extui %lt3A_166 : i1 to i32
      %cond3A = arith.constant 0 : i32
      %cond3A_167 = arith.cmpi ne, %convert_element_type3A, %cond3A : i32
      scf.if %cond3A_167 {
        %add3A_465 = arith.constant 2 : i32
        %add3A_466 = arith.addi %add3A_131, %add3A_465 : i32
        %mul3A_467 = arith.constant 4 : i32
        %mul3A_468 = arith.muli %add3A_466, %mul3A_467 : i32
        %add3A_469 = arith.constant 0 : i32
        %add3A_470 = arith.addi %mul3A_468, %add3A_469 : i32
        %mul3A_471 = arith.constant 128 : i32
        %mul3A_472 = arith.muli %add3A_470, %mul3A_471 : i32
        %add3A_473 = arith.addi %add3A_32, %mul3A_472 : i32
        %dma_start3A_474 = tpu.memref_slice %arg3[%add3A_473] : memref<655360xi32, #tpu.memory_space<hbm>> -> memref<128xi32, #tpu.memory_space<hbm>>
        %dma_start3A_475 = tpu.memref_slice %arg3[%add3A_473] : memref<655360xi32, #tpu.memory_space<hbm>> -> memref<128xi32, #tpu.memory_space<hbm>>
        tpu.enqueue_dma source(%dma_start3A_475 : memref<128xi32, #tpu.memory_space<hbm>>) target(%arg9 : memref<128xi32, #tpu.memory_space<vmem>>) target_semaphore(%arg20 : memref<!tpu.dma_semaphore, #tpu.memory_space<semaphore_mem>>)
        %mul3A_476 = arith.constant 4 : i32
        %mul3A_477 = arith.muli %add3A_466, %mul3A_476 : i32
        %add3A_478 = arith.constant 1 : i32
        %add3A_479 = arith.addi %mul3A_477, %add3A_478 : i32
        %mul3A_480 = arith.constant 128 : i32
        %mul3A_481 = arith.muli %add3A_479, %mul3A_480 : i32
        %add3A_482 = arith.addi %add3A_32, %mul3A_481 : i32
        %dma_start3A_483 = tpu.memref_slice %arg3[%add3A_482] : memref<655360xi32, #tpu.memory_space<hbm>> -> memref<128xi32, #tpu.memory_space<hbm>>
        %dma_start3A_484 = tpu.memref_slice %arg3[%add3A_482] : memref<655360xi32, #tpu.memory_space<hbm>> -> memref<128xi32, #tpu.memory_space<hbm>>
        tpu.enqueue_dma source(%dma_start3A_484 : memref<128xi32, #tpu.memory_space<hbm>>) target(%arg10 : memref<128xi32, #tpu.memory_space<vmem>>) target_semaphore(%arg20 : memref<!tpu.dma_semaphore, #tpu.memory_space<semaphore_mem>>)
        %mul3A_485 = arith.constant 4 : i32
        %mul3A_486 = arith.muli %add3A_466, %mul3A_485 : i32
        %add3A_487 = arith.constant 2 : i32
        %add3A_488 = arith.addi %mul3A_486, %add3A_487 : i32
        %mul3A_489 = arith.constant 128 : i32
        %mul3A_490 = arith.muli %add3A_488, %mul3A_489 : i32
        %add3A_491 = arith.addi %add3A_32, %mul3A_490 : i32
        %dma_start3A_492 = tpu.memref_slice %arg3[%add3A_491] : memref<655360xi32, #tpu.memory_space<hbm>> -> memref<128xi32, #tpu.memory_space<hbm>>
        %dma_start3A_493 = tpu.memref_slice %arg3[%add3A_491] : memref<655360xi32, #tpu.memory_space<hbm>> -> memref<128xi32, #tpu.memory_space<hbm>>
        tpu.enqueue_dma source(%dma_start3A_493 : memref<128xi32, #tpu.memory_space<hbm>>) target(%arg11 : memref<128xi32, #tpu.memory_space<vmem>>) target_semaphore(%arg20 : memref<!tpu.dma_semaphore, #tpu.memory_space<semaphore_mem>>)
        %mul3A_494 = arith.constant 4 : i32
        %mul3A_495 = arith.muli %add3A_466, %mul3A_494 : i32
        %add3A_496 = arith.constant 3 : i32
        %add3A_497 = arith.addi %mul3A_495, %add3A_496 : i32
        %mul3A_498 = arith.constant 128 : i32
        %mul3A_499 = arith.muli %add3A_497, %mul3A_498 : i32
        %add3A_500 = arith.addi %add3A_32, %mul3A_499 : i32
        %dma_start3A_501 = tpu.memref_slice %arg3[%add3A_500] : memref<655360xi32, #tpu.memory_space<hbm>> -> memref<128xi32, #tpu.memory_space<hbm>>
        %dma_start3A_502 = tpu.memref_slice %arg3[%add3A_500] : memref<655360xi32, #tpu.memory_space<hbm>> -> memref<128xi32, #tpu.memory_space<hbm>>
        tpu.enqueue_dma source(%dma_start3A_502 : memref<128xi32, #tpu.memory_space<hbm>>) target(%arg12 : memref<128xi32, #tpu.memory_space<vmem>>) target_semaphore(%arg20 : memref<!tpu.dma_semaphore, #tpu.memory_space<semaphore_mem>>)
      } else {
      }
      %add3A_168 = arith.constant 1 : i32
      %add3A_169 = arith.addi %add3A_131, %add3A_168 : i32
      %lt3A_170 = arith.constant 40 : i32
      %lt3A_171 = arith.cmpi slt, %add3A_169, %lt3A_170 : i32
      %convert_element_type3A_172 = arith.extui %lt3A_171 : i1 to i32
      %cond3A_173 = arith.constant 0 : i32
      %cond3A_174 = arith.cmpi ne, %convert_element_type3A_172, %cond3A_173 : i32
      scf.if %cond3A_174 {
        %add3A_465 = arith.constant 1 : i32
        %add3A_466 = arith.addi %add3A_131, %add3A_465 : i32
        %mul3A_467 = arith.constant 4 : i32
        %mul3A_468 = arith.muli %add3A_466, %mul3A_467 : i32
        %add3A_469 = arith.constant 0 : i32
        %add3A_470 = arith.addi %mul3A_468, %add3A_469 : i32
        %mul3A_471 = arith.constant 128 : i32
        %mul3A_472 = arith.muli %add3A_470, %mul3A_471 : i32
        %add3A_473 = arith.addi %add3A_32, %mul3A_472 : i32
        %dma_wait3A_474 = tpu.memref_slice %arg3[%add3A_473] : memref<655360xi32, #tpu.memory_space<hbm>> -> memref<128xi32, #tpu.memory_space<hbm>>
        %dma_wait3A_475 = tpu.memref_slice %arg3[%add3A_473] : memref<655360xi32, #tpu.memory_space<hbm>> -> memref<128xi32, #tpu.memory_space<hbm>>
        tpu.wait_dma2 semaphore(%arg20 : memref<!tpu.dma_semaphore, #tpu.memory_space<semaphore_mem>>) src(%dma_wait3A_475 : memref<128xi32, #tpu.memory_space<hbm>>) dst(%arg13 : memref<128xi32, #tpu.memory_space<vmem>>)
        %mul3A_476 = arith.constant 4 : i32
        %mul3A_477 = arith.muli %add3A_466, %mul3A_476 : i32
        %add3A_478 = arith.constant 1 : i32
        %add3A_479 = arith.addi %mul3A_477, %add3A_478 : i32
        %mul3A_480 = arith.constant 128 : i32
        %mul3A_481 = arith.muli %add3A_479, %mul3A_480 : i32
        %add3A_482 = arith.addi %add3A_32, %mul3A_481 : i32
        %dma_wait3A_483 = tpu.memref_slice %arg3[%add3A_482] : memref<655360xi32, #tpu.memory_space<hbm>> -> memref<128xi32, #tpu.memory_space<hbm>>
        %dma_wait3A_484 = tpu.memref_slice %arg3[%add3A_482] : memref<655360xi32, #tpu.memory_space<hbm>> -> memref<128xi32, #tpu.memory_space<hbm>>
        tpu.wait_dma2 semaphore(%arg20 : memref<!tpu.dma_semaphore, #tpu.memory_space<semaphore_mem>>) src(%dma_wait3A_484 : memref<128xi32, #tpu.memory_space<hbm>>) dst(%arg14 : memref<128xi32, #tpu.memory_space<vmem>>)
        %mul3A_485 = arith.constant 4 : i32
        %mul3A_486 = arith.muli %add3A_466, %mul3A_485 : i32
        %add3A_487 = arith.constant 2 : i32
        %add3A_488 = arith.addi %mul3A_486, %add3A_487 : i32
        %mul3A_489 = arith.constant 128 : i32
        %mul3A_490 = arith.muli %add3A_488, %mul3A_489 : i32
        %add3A_491 = arith.addi %add3A_32, %mul3A_490 : i32
        %dma_wait3A_492 = tpu.memref_slice %arg3[%add3A_491] : memref<655360xi32, #tpu.memory_space<hbm>> -> memref<128xi32, #tpu.memory_space<hbm>>
        %dma_wait3A_493 = tpu.memref_slice %arg3[%add3A_491] : memref<655360xi32, #tpu.memory_space<hbm>> -> memref<128xi32, #tpu.memory_space<hbm>>
        tpu.wait_dma2 semaphore(%arg20 : memref<!tpu.dma_semaphore, #tpu.memory_space<semaphore_mem>>) src(%dma_wait3A_493 : memref<128xi32, #tpu.memory_space<hbm>>) dst(%arg15 : memref<128xi32, #tpu.memory_space<vmem>>)
        %mul3A_494 = arith.constant 4 : i32
        %mul3A_495 = arith.muli %add3A_466, %mul3A_494 : i32
        %add3A_496 = arith.constant 3 : i32
        %add3A_497 = arith.addi %mul3A_495, %add3A_496 : i32
        %mul3A_498 = arith.constant 128 : i32
        %mul3A_499 = arith.muli %add3A_497, %mul3A_498 : i32
        %add3A_500 = arith.addi %add3A_32, %mul3A_499 : i32
        %dma_wait3A_501 = tpu.memref_slice %arg3[%add3A_500] : memref<655360xi32, #tpu.memory_space<hbm>> -> memref<128xi32, #tpu.memory_space<hbm>>
        %dma_wait3A_502 = tpu.memref_slice %arg3[%add3A_500] : memref<655360xi32, #tpu.memory_space<hbm>> -> memref<128xi32, #tpu.memory_space<hbm>>
        tpu.wait_dma2 semaphore(%arg20 : memref<!tpu.dma_semaphore, #tpu.memory_space<semaphore_mem>>) src(%dma_wait3A_502 : memref<128xi32, #tpu.memory_space<hbm>>) dst(%arg16 : memref<128xi32, #tpu.memory_space<vmem>>)
        %add3A_503 = arith.constant 1 : i32
        %add3A_504 = arith.addi %add3A_131, %add3A_503 : i32
        %dma_start3A_505 = arith.constant 0 : i32
        %dma_start3A_506 = arith.constant 0 : i32
        %dma_start3A_507 = arith.constant 0 : i32
        %dma_start3A_508 = tpu.memref_slice %arg8[%dma_start3A_505, %dma_start3A_506, %dma_start3A_507] : memref<4x128x64xf32, #tpu.memory_space<vmem>> -> memref<1x128x64xf32, #tpu.memory_space<vmem>>
        %dma_start3A_509 = tpu.memref_squeeze %dma_start3A_508 : memref<1x128x64xf32, #tpu.memory_space<vmem>> -> memref<128x64xf32, #tpu.memory_space<vmem>>
        %dma_start3A_510 = arith.constant 0 : i32
        %dma_start3A_511 = arith.constant 0 : i32
        %dma_start3A_512 = tpu.memref_slice %arg2[%dma_start3A_510, %dma_start3A_511] : memref<20480x64xf32, #tpu.memory_space<hbm>> -> memref<20480x64xf32, #tpu.memory_space<hbm>>
        tpu.enqueue_indirect_dma source(%dma_start3A_512 : memref<20480x64xf32, #tpu.memory_space<hbm>>) target(%dma_start3A_509 : memref<128x64xf32, #tpu.memory_space<vmem>>) offsets(%arg13 : memref<128xi32, #tpu.memory_space<vmem>>) semaphore(%arg18 : memref<!tpu.dma_semaphore, #tpu.memory_space<semaphore_mem>>)
        %dma_start3A_513 = arith.constant 1 : i32
        %dma_start3A_514 = arith.constant 0 : i32
        %dma_start3A_515 = arith.constant 0 : i32
        %dma_start3A_516 = tpu.memref_slice %arg8[%dma_start3A_513, %dma_start3A_514, %dma_start3A_515] : memref<4x128x64xf32, #tpu.memory_space<vmem>> -> memref<1x128x64xf32, #tpu.memory_space<vmem>>
        %dma_start3A_517 = tpu.memref_squeeze %dma_start3A_516 : memref<1x128x64xf32, #tpu.memory_space<vmem>> -> memref<128x64xf32, #tpu.memory_space<vmem>>
        %dma_start3A_518 = arith.constant 0 : i32
        %dma_start3A_519 = arith.constant 0 : i32
        %dma_start3A_520 = tpu.memref_slice %arg2[%dma_start3A_518, %dma_start3A_519] : memref<20480x64xf32, #tpu.memory_space<hbm>> -> memref<20480x64xf32, #tpu.memory_space<hbm>>
        tpu.enqueue_indirect_dma source(%dma_start3A_520 : memref<20480x64xf32, #tpu.memory_space<hbm>>) target(%dma_start3A_517 : memref<128x64xf32, #tpu.memory_space<vmem>>) offsets(%arg14 : memref<128xi32, #tpu.memory_space<vmem>>) semaphore(%arg18 : memref<!tpu.dma_semaphore, #tpu.memory_space<semaphore_mem>>)
        %dma_start3A_521 = arith.constant 2 : i32
        %dma_start3A_522 = arith.constant 0 : i32
        %dma_start3A_523 = arith.constant 0 : i32
        %dma_start3A_524 = tpu.memref_slice %arg8[%dma_start3A_521, %dma_start3A_522, %dma_start3A_523] : memref<4x128x64xf32, #tpu.memory_space<vmem>> -> memref<1x128x64xf32, #tpu.memory_space<vmem>>
        %dma_start3A_525 = tpu.memref_squeeze %dma_start3A_524 : memref<1x128x64xf32, #tpu.memory_space<vmem>> -> memref<128x64xf32, #tpu.memory_space<vmem>>
        %dma_start3A_526 = arith.constant 0 : i32
        %dma_start3A_527 = arith.constant 0 : i32
        %dma_start3A_528 = tpu.memref_slice %arg2[%dma_start3A_526, %dma_start3A_527] : memref<20480x64xf32, #tpu.memory_space<hbm>> -> memref<20480x64xf32, #tpu.memory_space<hbm>>
        tpu.enqueue_indirect_dma source(%dma_start3A_528 : memref<20480x64xf32, #tpu.memory_space<hbm>>) target(%dma_start3A_525 : memref<128x64xf32, #tpu.memory_space<vmem>>) offsets(%arg15 : memref<128xi32, #tpu.memory_space<vmem>>) semaphore(%arg18 : memref<!tpu.dma_semaphore, #tpu.memory_space<semaphore_mem>>)
        %dma_start3A_529 = arith.constant 3 : i32
        %dma_start3A_530 = arith.constant 0 : i32
        %dma_start3A_531 = arith.constant 0 : i32
        %dma_start3A_532 = tpu.memref_slice %arg8[%dma_start3A_529, %dma_start3A_530, %dma_start3A_531] : memref<4x128x64xf32, #tpu.memory_space<vmem>> -> memref<1x128x64xf32, #tpu.memory_space<vmem>>
        %dma_start3A_533 = tpu.memref_squeeze %dma_start3A_532 : memref<1x128x64xf32, #tpu.memory_space<vmem>> -> memref<128x64xf32, #tpu.memory_space<vmem>>
        %dma_start3A_534 = arith.constant 0 : i32
        %dma_start3A_535 = arith.constant 0 : i32
        %dma_start3A_536 = tpu.memref_slice %arg2[%dma_start3A_534, %dma_start3A_535] : memref<20480x64xf32, #tpu.memory_space<hbm>> -> memref<20480x64xf32, #tpu.memory_space<hbm>>
        tpu.enqueue_indirect_dma source(%dma_start3A_536 : memref<20480x64xf32, #tpu.memory_space<hbm>>) target(%dma_start3A_533 : memref<128x64xf32, #tpu.memory_space<vmem>>) offsets(%arg16 : memref<128xi32, #tpu.memory_space<vmem>>) semaphore(%arg18 : memref<!tpu.dma_semaphore, #tpu.memory_space<semaphore_mem>>)
      } else {
      }
      %mul3A_175 = arith.constant 4 : i32
      %mul3A_176 = arith.muli %add3A_131, %mul3A_175 : i32
      %add3A_177 = arith.constant 0 : i32
      %add3A_178 = arith.addi %mul3A_176, %add3A_177 : i32
      %dma_start3A_179 = arith.constant 0 : i32
      %dma_start3A_180 = arith.constant 0 : i32
      %dma_start3A_181 = arith.constant 0 : i32
      %dma_start3A_182 = tpu.memref_slice %arg7[%dma_start3A_179, %dma_start3A_180, %dma_start3A_181] : memref<4x128x64xf32, #tpu.memory_space<vmem>> -> memref<1x128x64xf32, #tpu.memory_space<vmem>>
      %dma_start3A_183 = tpu.memref_squeeze %dma_start3A_182 : memref<1x128x64xf32, #tpu.memory_space<vmem>> -> memref<128x64xf32, #tpu.memory_space<vmem>>
      %dma_start3A_184 = arith.constant 0 : i32
      %dma_start3A_185 = tpu.memref_slice %arg6[%add3A_178, %dma_start3A_184] : memref<160x128xi32, #tpu.memory_space<vmem>> -> memref<1x128xi32, #tpu.memory_space<vmem>>
      %dma_start3A_186 = tpu.memref_squeeze %dma_start3A_185 : memref<1x128xi32, #tpu.memory_space<vmem>> -> memref<128xi32, #tpu.memory_space<vmem>>
      %dma_start3A_187 = arith.constant 0 : i32
      %dma_start3A_188 = arith.constant 0 : i32
      %dma_start3A_189 = tpu.memref_slice %arg17[%dma_start3A_187, %dma_start3A_188] : memref<10240x64xf32, #tpu.memory_space<vmem_shared>> -> memref<10240x64xf32, #tpu.memory_space<vmem_shared>>
      tpu.enqueue_indirect_dma source(%dma_start3A_183 : memref<128x64xf32, #tpu.memory_space<vmem>>) target(%dma_start3A_189 : memref<10240x64xf32, #tpu.memory_space<vmem_shared>>) offsets(%dma_start3A_186 : memref<128xi32, #tpu.memory_space<vmem>>) semaphore(%arg19 : memref<!tpu.dma_semaphore, #tpu.memory_space<semaphore_mem>>) {add = true}
      %mul3A_190 = arith.constant 4 : i32
      %mul3A_191 = arith.muli %add3A_131, %mul3A_190 : i32
      %add3A_192 = arith.constant 1 : i32
      %add3A_193 = arith.addi %mul3A_191, %add3A_192 : i32
      %dma_start3A_194 = arith.constant 1 : i32
      %dma_start3A_195 = arith.constant 0 : i32
      %dma_start3A_196 = arith.constant 0 : i32
      %dma_start3A_197 = tpu.memref_slice %arg7[%dma_start3A_194, %dma_start3A_195, %dma_start3A_196] : memref<4x128x64xf32, #tpu.memory_space<vmem>> -> memref<1x128x64xf32, #tpu.memory_space<vmem>>
      %dma_start3A_198 = tpu.memref_squeeze %dma_start3A_197 : memref<1x128x64xf32, #tpu.memory_space<vmem>> -> memref<128x64xf32, #tpu.memory_space<vmem>>
      %dma_start3A_199 = arith.constant 0 : i32
      %dma_start3A_200 = tpu.memref_slice %arg6[%add3A_193, %dma_start3A_199] : memref<160x128xi32, #tpu.memory_space<vmem>> -> memref<1x128xi32, #tpu.memory_space<vmem>>
      %dma_start3A_201 = tpu.memref_squeeze %dma_start3A_200 : memref<1x128xi32, #tpu.memory_space<vmem>> -> memref<128xi32, #tpu.memory_space<vmem>>
      %dma_start3A_202 = arith.constant 0 : i32
      %dma_start3A_203 = arith.constant 0 : i32
      %dma_start3A_204 = tpu.memref_slice %arg17[%dma_start3A_202, %dma_start3A_203] : memref<10240x64xf32, #tpu.memory_space<vmem_shared>> -> memref<10240x64xf32, #tpu.memory_space<vmem_shared>>
      tpu.enqueue_indirect_dma source(%dma_start3A_198 : memref<128x64xf32, #tpu.memory_space<vmem>>) target(%dma_start3A_204 : memref<10240x64xf32, #tpu.memory_space<vmem_shared>>) offsets(%dma_start3A_201 : memref<128xi32, #tpu.memory_space<vmem>>) semaphore(%arg19 : memref<!tpu.dma_semaphore, #tpu.memory_space<semaphore_mem>>) {add = true}
      %mul3A_205 = arith.constant 4 : i32
      %mul3A_206 = arith.muli %add3A_131, %mul3A_205 : i32
      %add3A_207 = arith.constant 2 : i32
      %add3A_208 = arith.addi %mul3A_206, %add3A_207 : i32
      %dma_start3A_209 = arith.constant 2 : i32
      %dma_start3A_210 = arith.constant 0 : i32
      %dma_start3A_211 = arith.constant 0 : i32
      %dma_start3A_212 = tpu.memref_slice %arg7[%dma_start3A_209, %dma_start3A_210, %dma_start3A_211] : memref<4x128x64xf32, #tpu.memory_space<vmem>> -> memref<1x128x64xf32, #tpu.memory_space<vmem>>
      %dma_start3A_213 = tpu.memref_squeeze %dma_start3A_212 : memref<1x128x64xf32, #tpu.memory_space<vmem>> -> memref<128x64xf32, #tpu.memory_space<vmem>>
      %dma_start3A_214 = arith.constant 0 : i32
      %dma_start3A_215 = tpu.memref_slice %arg6[%add3A_208, %dma_start3A_214] : memref<160x128xi32, #tpu.memory_space<vmem>> -> memref<1x128xi32, #tpu.memory_space<vmem>>
      %dma_start3A_216 = tpu.memref_squeeze %dma_start3A_215 : memref<1x128xi32, #tpu.memory_space<vmem>> -> memref<128xi32, #tpu.memory_space<vmem>>
      %dma_start3A_217 = arith.constant 0 : i32
      %dma_start3A_218 = arith.constant 0 : i32
      %dma_start3A_219 = tpu.memref_slice %arg17[%dma_start3A_217, %dma_start3A_218] : memref<10240x64xf32, #tpu.memory_space<vmem_shared>> -> memref<10240x64xf32, #tpu.memory_space<vmem_shared>>
      tpu.enqueue_indirect_dma source(%dma_start3A_213 : memref<128x64xf32, #tpu.memory_space<vmem>>) target(%dma_start3A_219 : memref<10240x64xf32, #tpu.memory_space<vmem_shared>>) offsets(%dma_start3A_216 : memref<128xi32, #tpu.memory_space<vmem>>) semaphore(%arg19 : memref<!tpu.dma_semaphore, #tpu.memory_space<semaphore_mem>>) {add = true}
      %mul3A_220 = arith.constant 4 : i32
      %mul3A_221 = arith.muli %add3A_131, %mul3A_220 : i32
      %add3A_222 = arith.constant 3 : i32
      %add3A_223 = arith.addi %mul3A_221, %add3A_222 : i32
      %dma_start3A_224 = arith.constant 3 : i32
      %dma_start3A_225 = arith.constant 0 : i32
      %dma_start3A_226 = arith.constant 0 : i32
      %dma_start3A_227 = tpu.memref_slice %arg7[%dma_start3A_224, %dma_start3A_225, %dma_start3A_226] : memref<4x128x64xf32, #tpu.memory_space<vmem>> -> memref<1x128x64xf32, #tpu.memory_space<vmem>>
      %dma_start3A_228 = tpu.memref_squeeze %dma_start3A_227 : memref<1x128x64xf32, #tpu.memory_space<vmem>> -> memref<128x64xf32, #tpu.memory_space<vmem>>
      %dma_start3A_229 = arith.constant 0 : i32
      %dma_start3A_230 = tpu.memref_slice %arg6[%add3A_223, %dma_start3A_229] : memref<160x128xi32, #tpu.memory_space<vmem>> -> memref<1x128xi32, #tpu.memory_space<vmem>>
      %dma_start3A_231 = tpu.memref_squeeze %dma_start3A_230 : memref<1x128xi32, #tpu.memory_space<vmem>> -> memref<128xi32, #tpu.memory_space<vmem>>
      %dma_start3A_232 = arith.constant 0 : i32
      %dma_start3A_233 = arith.constant 0 : i32
      %dma_start3A_234 = tpu.memref_slice %arg17[%dma_start3A_232, %dma_start3A_233] : memref<10240x64xf32, #tpu.memory_space<vmem_shared>> -> memref<10240x64xf32, #tpu.memory_space<vmem_shared>>
      tpu.enqueue_indirect_dma source(%dma_start3A_228 : memref<128x64xf32, #tpu.memory_space<vmem>>) target(%dma_start3A_234 : memref<10240x64xf32, #tpu.memory_space<vmem_shared>>) offsets(%dma_start3A_231 : memref<128xi32, #tpu.memory_space<vmem>>) semaphore(%arg19 : memref<!tpu.dma_semaphore, #tpu.memory_space<semaphore_mem>>) {add = true}
      %mul3A_235 = arith.constant 4 : i32
      %mul3A_236 = arith.muli %add3A_131, %mul3A_235 : i32
      %add3A_237 = arith.constant 0 : i32
      %add3A_238 = arith.addi %mul3A_236, %add3A_237 : i32
      %dma_wait3A_239 = arith.constant 0 : i32
      %dma_wait3A_240 = arith.constant 0 : i32
      %dma_wait3A_241 = arith.constant 0 : i32
      %dma_wait3A_242 = tpu.memref_slice %arg7[%dma_wait3A_239, %dma_wait3A_240, %dma_wait3A_241] : memref<4x128x64xf32, #tpu.memory_space<vmem>> -> memref<1x128x64xf32, #tpu.memory_space<vmem>>
      %dma_wait3A_243 = tpu.memref_squeeze %dma_wait3A_242 : memref<1x128x64xf32, #tpu.memory_space<vmem>> -> memref<128x64xf32, #tpu.memory_space<vmem>>
      %dma_wait3A_244 = arith.constant 0 : i32
      %dma_wait3A_245 = tpu.memref_slice %arg6[%add3A_238, %dma_wait3A_244] : memref<160x128xi32, #tpu.memory_space<vmem>> -> memref<1x128xi32, #tpu.memory_space<vmem>>
      %dma_wait3A_246 = tpu.memref_squeeze %dma_wait3A_245 : memref<1x128xi32, #tpu.memory_space<vmem>> -> memref<128xi32, #tpu.memory_space<vmem>>
      %dma_wait3A_247 = arith.constant 0 : i32
      %dma_wait3A_248 = arith.constant 0 : i32
      %dma_wait3A_249 = tpu.memref_slice %arg17[%dma_wait3A_247, %dma_wait3A_248] : memref<10240x64xf32, #tpu.memory_space<vmem_shared>> -> memref<10240x64xf32, #tpu.memory_space<vmem_shared>>
      tpu.wait_indirect_dma semaphore(%arg19 : memref<!tpu.dma_semaphore, #tpu.memory_space<semaphore_mem>>) src(%dma_wait3A_243 : memref<128x64xf32, #tpu.memory_space<vmem>>) dst(%dma_wait3A_249 : memref<10240x64xf32, #tpu.memory_space<vmem_shared>>)
      %mul3A_250 = arith.constant 4 : i32
      %mul3A_251 = arith.muli %add3A_131, %mul3A_250 : i32
      %add3A_252 = arith.constant 1 : i32
      %add3A_253 = arith.addi %mul3A_251, %add3A_252 : i32
      %dma_wait3A_254 = arith.constant 1 : i32
      %dma_wait3A_255 = arith.constant 0 : i32
      %dma_wait3A_256 = arith.constant 0 : i32
      %dma_wait3A_257 = tpu.memref_slice %arg7[%dma_wait3A_254, %dma_wait3A_255, %dma_wait3A_256] : memref<4x128x64xf32, #tpu.memory_space<vmem>> -> memref<1x128x64xf32, #tpu.memory_space<vmem>>
      %dma_wait3A_258 = tpu.memref_squeeze %dma_wait3A_257 : memref<1x128x64xf32, #tpu.memory_space<vmem>> -> memref<128x64xf32, #tpu.memory_space<vmem>>
      %dma_wait3A_259 = arith.constant 0 : i32
      %dma_wait3A_260 = tpu.memref_slice %arg6[%add3A_253, %dma_wait3A_259] : memref<160x128xi32, #tpu.memory_space<vmem>> -> memref<1x128xi32, #tpu.memory_space<vmem>>
      %dma_wait3A_261 = tpu.memref_squeeze %dma_wait3A_260 : memref<1x128xi32, #tpu.memory_space<vmem>> -> memref<128xi32, #tpu.memory_space<vmem>>
      %dma_wait3A_262 = arith.constant 0 : i32
      %dma_wait3A_263 = arith.constant 0 : i32
      %dma_wait3A_264 = tpu.memref_slice %arg17[%dma_wait3A_262, %dma_wait3A_263] : memref<10240x64xf32, #tpu.memory_space<vmem_shared>> -> memref<10240x64xf32, #tpu.memory_space<vmem_shared>>
      tpu.wait_indirect_dma semaphore(%arg19 : memref<!tpu.dma_semaphore, #tpu.memory_space<semaphore_mem>>) src(%dma_wait3A_258 : memref<128x64xf32, #tpu.memory_space<vmem>>) dst(%dma_wait3A_264 : memref<10240x64xf32, #tpu.memory_space<vmem_shared>>)
      %mul3A_265 = arith.constant 4 : i32
      %mul3A_266 = arith.muli %add3A_131, %mul3A_265 : i32
      %add3A_267 = arith.constant 2 : i32
      %add3A_268 = arith.addi %mul3A_266, %add3A_267 : i32
      %dma_wait3A_269 = arith.constant 2 : i32
      %dma_wait3A_270 = arith.constant 0 : i32
      %dma_wait3A_271 = arith.constant 0 : i32
      %dma_wait3A_272 = tpu.memref_slice %arg7[%dma_wait3A_269, %dma_wait3A_270, %dma_wait3A_271] : memref<4x128x64xf32, #tpu.memory_space<vmem>> -> memref<1x128x64xf32, #tpu.memory_space<vmem>>
      %dma_wait3A_273 = tpu.memref_squeeze %dma_wait3A_272 : memref<1x128x64xf32, #tpu.memory_space<vmem>> -> memref<128x64xf32, #tpu.memory_space<vmem>>
      %dma_wait3A_274 = arith.constant 0 : i32
      %dma_wait3A_275 = tpu.memref_slice %arg6[%add3A_268, %dma_wait3A_274] : memref<160x128xi32, #tpu.memory_space<vmem>> -> memref<1x128xi32, #tpu.memory_space<vmem>>
      %dma_wait3A_276 = tpu.memref_squeeze %dma_wait3A_275 : memref<1x128xi32, #tpu.memory_space<vmem>> -> memref<128xi32, #tpu.memory_space<vmem>>
      %dma_wait3A_277 = arith.constant 0 : i32
      %dma_wait3A_278 = arith.constant 0 : i32
      %dma_wait3A_279 = tpu.memref_slice %arg17[%dma_wait3A_277, %dma_wait3A_278] : memref<10240x64xf32, #tpu.memory_space<vmem_shared>> -> memref<10240x64xf32, #tpu.memory_space<vmem_shared>>
      tpu.wait_indirect_dma semaphore(%arg19 : memref<!tpu.dma_semaphore, #tpu.memory_space<semaphore_mem>>) src(%dma_wait3A_273 : memref<128x64xf32, #tpu.memory_space<vmem>>) dst(%dma_wait3A_279 : memref<10240x64xf32, #tpu.memory_space<vmem_shared>>)
      %mul3A_280 = arith.constant 4 : i32
      %mul3A_281 = arith.muli %add3A_131, %mul3A_280 : i32
      %add3A_282 = arith.constant 3 : i32
      %add3A_283 = arith.addi %mul3A_281, %add3A_282 : i32
      %dma_wait3A_284 = arith.constant 3 : i32
      %dma_wait3A_285 = arith.constant 0 : i32
      %dma_wait3A_286 = arith.constant 0 : i32
      %dma_wait3A_287 = tpu.memref_slice %arg7[%dma_wait3A_284, %dma_wait3A_285, %dma_wait3A_286] : memref<4x128x64xf32, #tpu.memory_space<vmem>> -> memref<1x128x64xf32, #tpu.memory_space<vmem>>
      %dma_wait3A_288 = tpu.memref_squeeze %dma_wait3A_287 : memref<1x128x64xf32, #tpu.memory_space<vmem>> -> memref<128x64xf32, #tpu.memory_space<vmem>>
      %dma_wait3A_289 = arith.constant 0 : i32
      %dma_wait3A_290 = tpu.memref_slice %arg6[%add3A_283, %dma_wait3A_289] : memref<160x128xi32, #tpu.memory_space<vmem>> -> memref<1x128xi32, #tpu.memory_space<vmem>>
      %dma_wait3A_291 = tpu.memref_squeeze %dma_wait3A_290 : memref<1x128xi32, #tpu.memory_space<vmem>> -> memref<128xi32, #tpu.memory_space<vmem>>
      %dma_wait3A_292 = arith.constant 0 : i32
      %dma_wait3A_293 = arith.constant 0 : i32
      %dma_wait3A_294 = tpu.memref_slice %arg17[%dma_wait3A_292, %dma_wait3A_293] : memref<10240x64xf32, #tpu.memory_space<vmem_shared>> -> memref<10240x64xf32, #tpu.memory_space<vmem_shared>>
      tpu.wait_indirect_dma semaphore(%arg19 : memref<!tpu.dma_semaphore, #tpu.memory_space<semaphore_mem>>) src(%dma_wait3A_288 : memref<128x64xf32, #tpu.memory_space<vmem>>) dst(%dma_wait3A_294 : memref<10240x64xf32, #tpu.memory_space<vmem_shared>>)
      %mul3A_295 = arith.constant 2 : i32
      %mul3A_296 = arith.muli %mul3A_295, %add3A_127 : i32
      %add3A_297 = arith.constant 1 : i32
      %add3A_298 = arith.addi %mul3A_296, %add3A_297 : i32
      %dma_wait3A_299 = arith.constant 0 : i32
      %dma_wait3A_300 = arith.constant 0 : i32
      %dma_wait3A_301 = arith.constant 0 : i32
      %dma_wait3A_302 = tpu.memref_slice %arg8[%dma_wait3A_299, %dma_wait3A_300, %dma_wait3A_301] : memref<4x128x64xf32, #tpu.memory_space<vmem>> -> memref<1x128x64xf32, #tpu.memory_space<vmem>>
      %dma_wait3A_303 = tpu.memref_squeeze %dma_wait3A_302 : memref<1x128x64xf32, #tpu.memory_space<vmem>> -> memref<128x64xf32, #tpu.memory_space<vmem>>
      %dma_wait3A_304 = arith.constant 0 : i32
      %dma_wait3A_305 = arith.constant 0 : i32
      %dma_wait3A_306 = tpu.memref_slice %arg2[%dma_wait3A_304, %dma_wait3A_305] : memref<20480x64xf32, #tpu.memory_space<hbm>> -> memref<20480x64xf32, #tpu.memory_space<hbm>>
      tpu.wait_indirect_dma semaphore(%arg18 : memref<!tpu.dma_semaphore, #tpu.memory_space<semaphore_mem>>) src(%dma_wait3A_306 : memref<20480x64xf32, #tpu.memory_space<hbm>>) dst(%dma_wait3A_303 : memref<128x64xf32, #tpu.memory_space<vmem>>)
      %dma_wait3A_307 = arith.constant 1 : i32
      %dma_wait3A_308 = arith.constant 0 : i32
      %dma_wait3A_309 = arith.constant 0 : i32
      %dma_wait3A_310 = tpu.memref_slice %arg8[%dma_wait3A_307, %dma_wait3A_308, %dma_wait3A_309] : memref<4x128x64xf32, #tpu.memory_space<vmem>> -> memref<1x128x64xf32, #tpu.memory_space<vmem>>
      %dma_wait3A_311 = tpu.memref_squeeze %dma_wait3A_310 : memref<1x128x64xf32, #tpu.memory_space<vmem>> -> memref<128x64xf32, #tpu.memory_space<vmem>>
      %dma_wait3A_312 = arith.constant 0 : i32
      %dma_wait3A_313 = arith.constant 0 : i32
      %dma_wait3A_314 = tpu.memref_slice %arg2[%dma_wait3A_312, %dma_wait3A_313] : memref<20480x64xf32, #tpu.memory_space<hbm>> -> memref<20480x64xf32, #tpu.memory_space<hbm>>
      tpu.wait_indirect_dma semaphore(%arg18 : memref<!tpu.dma_semaphore, #tpu.memory_space<semaphore_mem>>) src(%dma_wait3A_314 : memref<20480x64xf32, #tpu.memory_space<hbm>>) dst(%dma_wait3A_311 : memref<128x64xf32, #tpu.memory_space<vmem>>)
      %dma_wait3A_315 = arith.constant 2 : i32
      %dma_wait3A_316 = arith.constant 0 : i32
      %dma_wait3A_317 = arith.constant 0 : i32
      %dma_wait3A_318 = tpu.memref_slice %arg8[%dma_wait3A_315, %dma_wait3A_316, %dma_wait3A_317] : memref<4x128x64xf32, #tpu.memory_space<vmem>> -> memref<1x128x64xf32, #tpu.memory_space<vmem>>
      %dma_wait3A_319 = tpu.memref_squeeze %dma_wait3A_318 : memref<1x128x64xf32, #tpu.memory_space<vmem>> -> memref<128x64xf32, #tpu.memory_space<vmem>>
      %dma_wait3A_320 = arith.constant 0 : i32
      %dma_wait3A_321 = arith.constant 0 : i32
      %dma_wait3A_322 = tpu.memref_slice %arg2[%dma_wait3A_320, %dma_wait3A_321] : memref<20480x64xf32, #tpu.memory_space<hbm>> -> memref<20480x64xf32, #tpu.memory_space<hbm>>
      tpu.wait_indirect_dma semaphore(%arg18 : memref<!tpu.dma_semaphore, #tpu.memory_space<semaphore_mem>>) src(%dma_wait3A_322 : memref<20480x64xf32, #tpu.memory_space<hbm>>) dst(%dma_wait3A_319 : memref<128x64xf32, #tpu.memory_space<vmem>>)
      %dma_wait3A_323 = arith.constant 3 : i32
      %dma_wait3A_324 = arith.constant 0 : i32
      %dma_wait3A_325 = arith.constant 0 : i32
      %dma_wait3A_326 = tpu.memref_slice %arg8[%dma_wait3A_323, %dma_wait3A_324, %dma_wait3A_325] : memref<4x128x64xf32, #tpu.memory_space<vmem>> -> memref<1x128x64xf32, #tpu.memory_space<vmem>>
      %dma_wait3A_327 = tpu.memref_squeeze %dma_wait3A_326 : memref<1x128x64xf32, #tpu.memory_space<vmem>> -> memref<128x64xf32, #tpu.memory_space<vmem>>
      %dma_wait3A_328 = arith.constant 0 : i32
      %dma_wait3A_329 = arith.constant 0 : i32
      %dma_wait3A_330 = tpu.memref_slice %arg2[%dma_wait3A_328, %dma_wait3A_329] : memref<20480x64xf32, #tpu.memory_space<hbm>> -> memref<20480x64xf32, #tpu.memory_space<hbm>>
      tpu.wait_indirect_dma semaphore(%arg18 : memref<!tpu.dma_semaphore, #tpu.memory_space<semaphore_mem>>) src(%dma_wait3A_330 : memref<20480x64xf32, #tpu.memory_space<hbm>>) dst(%dma_wait3A_327 : memref<128x64xf32, #tpu.memory_space<vmem>>)
      %add3A_331 = arith.constant 2 : i32
      %add3A_332 = arith.addi %add3A_298, %add3A_331 : i32
      %lt3A_333 = arith.constant 40 : i32
      %lt3A_334 = arith.cmpi slt, %add3A_332, %lt3A_333 : i32
      %convert_element_type3A_335 = arith.extui %lt3A_334 : i1 to i32
      %cond3A_336 = arith.constant 0 : i32
      %cond3A_337 = arith.cmpi ne, %convert_element_type3A_335, %cond3A_336 : i32
      scf.if %cond3A_337 {
        %add3A_465 = arith.constant 2 : i32
        %add3A_466 = arith.addi %add3A_298, %add3A_465 : i32
        %mul3A_467 = arith.constant 4 : i32
        %mul3A_468 = arith.muli %add3A_466, %mul3A_467 : i32
        %add3A_469 = arith.constant 0 : i32
        %add3A_470 = arith.addi %mul3A_468, %add3A_469 : i32
        %mul3A_471 = arith.constant 128 : i32
        %mul3A_472 = arith.muli %add3A_470, %mul3A_471 : i32
        %add3A_473 = arith.addi %add3A_32, %mul3A_472 : i32
        %dma_start3A_474 = tpu.memref_slice %arg3[%add3A_473] : memref<655360xi32, #tpu.memory_space<hbm>> -> memref<128xi32, #tpu.memory_space<hbm>>
        %dma_start3A_475 = tpu.memref_slice %arg3[%add3A_473] : memref<655360xi32, #tpu.memory_space<hbm>> -> memref<128xi32, #tpu.memory_space<hbm>>
        tpu.enqueue_dma source(%dma_start3A_475 : memref<128xi32, #tpu.memory_space<hbm>>) target(%arg13 : memref<128xi32, #tpu.memory_space<vmem>>) target_semaphore(%arg20 : memref<!tpu.dma_semaphore, #tpu.memory_space<semaphore_mem>>)
        %mul3A_476 = arith.constant 4 : i32
        %mul3A_477 = arith.muli %add3A_466, %mul3A_476 : i32
        %add3A_478 = arith.constant 1 : i32
        %add3A_479 = arith.addi %mul3A_477, %add3A_478 : i32
        %mul3A_480 = arith.constant 128 : i32
        %mul3A_481 = arith.muli %add3A_479, %mul3A_480 : i32
        %add3A_482 = arith.addi %add3A_32, %mul3A_481 : i32
        %dma_start3A_483 = tpu.memref_slice %arg3[%add3A_482] : memref<655360xi32, #tpu.memory_space<hbm>> -> memref<128xi32, #tpu.memory_space<hbm>>
        %dma_start3A_484 = tpu.memref_slice %arg3[%add3A_482] : memref<655360xi32, #tpu.memory_space<hbm>> -> memref<128xi32, #tpu.memory_space<hbm>>
        tpu.enqueue_dma source(%dma_start3A_484 : memref<128xi32, #tpu.memory_space<hbm>>) target(%arg14 : memref<128xi32, #tpu.memory_space<vmem>>) target_semaphore(%arg20 : memref<!tpu.dma_semaphore, #tpu.memory_space<semaphore_mem>>)
        %mul3A_485 = arith.constant 4 : i32
        %mul3A_486 = arith.muli %add3A_466, %mul3A_485 : i32
        %add3A_487 = arith.constant 2 : i32
        %add3A_488 = arith.addi %mul3A_486, %add3A_487 : i32
        %mul3A_489 = arith.constant 128 : i32
        %mul3A_490 = arith.muli %add3A_488, %mul3A_489 : i32
        %add3A_491 = arith.addi %add3A_32, %mul3A_490 : i32
        %dma_start3A_492 = tpu.memref_slice %arg3[%add3A_491] : memref<655360xi32, #tpu.memory_space<hbm>> -> memref<128xi32, #tpu.memory_space<hbm>>
        %dma_start3A_493 = tpu.memref_slice %arg3[%add3A_491] : memref<655360xi32, #tpu.memory_space<hbm>> -> memref<128xi32, #tpu.memory_space<hbm>>
        tpu.enqueue_dma source(%dma_start3A_493 : memref<128xi32, #tpu.memory_space<hbm>>) target(%arg15 : memref<128xi32, #tpu.memory_space<vmem>>) target_semaphore(%arg20 : memref<!tpu.dma_semaphore, #tpu.memory_space<semaphore_mem>>)
        %mul3A_494 = arith.constant 4 : i32
        %mul3A_495 = arith.muli %add3A_466, %mul3A_494 : i32
        %add3A_496 = arith.constant 3 : i32
        %add3A_497 = arith.addi %mul3A_495, %add3A_496 : i32
        %mul3A_498 = arith.constant 128 : i32
        %mul3A_499 = arith.muli %add3A_497, %mul3A_498 : i32
        %add3A_500 = arith.addi %add3A_32, %mul3A_499 : i32
        %dma_start3A_501 = tpu.memref_slice %arg3[%add3A_500] : memref<655360xi32, #tpu.memory_space<hbm>> -> memref<128xi32, #tpu.memory_space<hbm>>
        %dma_start3A_502 = tpu.memref_slice %arg3[%add3A_500] : memref<655360xi32, #tpu.memory_space<hbm>> -> memref<128xi32, #tpu.memory_space<hbm>>
        tpu.enqueue_dma source(%dma_start3A_502 : memref<128xi32, #tpu.memory_space<hbm>>) target(%arg16 : memref<128xi32, #tpu.memory_space<vmem>>) target_semaphore(%arg20 : memref<!tpu.dma_semaphore, #tpu.memory_space<semaphore_mem>>)
      } else {
      }
      %add3A_338 = arith.constant 1 : i32
      %add3A_339 = arith.addi %add3A_298, %add3A_338 : i32
      %lt3A_340 = arith.constant 40 : i32
      %lt3A_341 = arith.cmpi slt, %add3A_339, %lt3A_340 : i32
      %convert_element_type3A_342 = arith.extui %lt3A_341 : i1 to i32
      %cond3A_343 = arith.constant 0 : i32
      %cond3A_344 = arith.cmpi ne, %convert_element_type3A_342, %cond3A_343 : i32
      scf.if %cond3A_344 {
        %add3A_465 = arith.constant 1 : i32
        %add3A_466 = arith.addi %add3A_298, %add3A_465 : i32
        %mul3A_467 = arith.constant 4 : i32
        %mul3A_468 = arith.muli %add3A_466, %mul3A_467 : i32
        %add3A_469 = arith.constant 0 : i32
        %add3A_470 = arith.addi %mul3A_468, %add3A_469 : i32
        %mul3A_471 = arith.constant 128 : i32
        %mul3A_472 = arith.muli %add3A_470, %mul3A_471 : i32
        %add3A_473 = arith.addi %add3A_32, %mul3A_472 : i32
        %dma_wait3A_474 = tpu.memref_slice %arg3[%add3A_473] : memref<655360xi32, #tpu.memory_space<hbm>> -> memref<128xi32, #tpu.memory_space<hbm>>
        %dma_wait3A_475 = tpu.memref_slice %arg3[%add3A_473] : memref<655360xi32, #tpu.memory_space<hbm>> -> memref<128xi32, #tpu.memory_space<hbm>>
        tpu.wait_dma2 semaphore(%arg20 : memref<!tpu.dma_semaphore, #tpu.memory_space<semaphore_mem>>) src(%dma_wait3A_475 : memref<128xi32, #tpu.memory_space<hbm>>) dst(%arg9 : memref<128xi32, #tpu.memory_space<vmem>>)
        %mul3A_476 = arith.constant 4 : i32
        %mul3A_477 = arith.muli %add3A_466, %mul3A_476 : i32
        %add3A_478 = arith.constant 1 : i32
        %add3A_479 = arith.addi %mul3A_477, %add3A_478 : i32
        %mul3A_480 = arith.constant 128 : i32
        %mul3A_481 = arith.muli %add3A_479, %mul3A_480 : i32
        %add3A_482 = arith.addi %add3A_32, %mul3A_481 : i32
        %dma_wait3A_483 = tpu.memref_slice %arg3[%add3A_482] : memref<655360xi32, #tpu.memory_space<hbm>> -> memref<128xi32, #tpu.memory_space<hbm>>
        %dma_wait3A_484 = tpu.memref_slice %arg3[%add3A_482] : memref<655360xi32, #tpu.memory_space<hbm>> -> memref<128xi32, #tpu.memory_space<hbm>>
        tpu.wait_dma2 semaphore(%arg20 : memref<!tpu.dma_semaphore, #tpu.memory_space<semaphore_mem>>) src(%dma_wait3A_484 : memref<128xi32, #tpu.memory_space<hbm>>) dst(%arg10 : memref<128xi32, #tpu.memory_space<vmem>>)
        %mul3A_485 = arith.constant 4 : i32
        %mul3A_486 = arith.muli %add3A_466, %mul3A_485 : i32
        %add3A_487 = arith.constant 2 : i32
        %add3A_488 = arith.addi %mul3A_486, %add3A_487 : i32
        %mul3A_489 = arith.constant 128 : i32
        %mul3A_490 = arith.muli %add3A_488, %mul3A_489 : i32
        %add3A_491 = arith.addi %add3A_32, %mul3A_490 : i32
        %dma_wait3A_492 = tpu.memref_slice %arg3[%add3A_491] : memref<655360xi32, #tpu.memory_space<hbm>> -> memref<128xi32, #tpu.memory_space<hbm>>
        %dma_wait3A_493 = tpu.memref_slice %arg3[%add3A_491] : memref<655360xi32, #tpu.memory_space<hbm>> -> memref<128xi32, #tpu.memory_space<hbm>>
        tpu.wait_dma2 semaphore(%arg20 : memref<!tpu.dma_semaphore, #tpu.memory_space<semaphore_mem>>) src(%dma_wait3A_493 : memref<128xi32, #tpu.memory_space<hbm>>) dst(%arg11 : memref<128xi32, #tpu.memory_space<vmem>>)
        %mul3A_494 = arith.constant 4 : i32
        %mul3A_495 = arith.muli %add3A_466, %mul3A_494 : i32
        %add3A_496 = arith.constant 3 : i32
        %add3A_497 = arith.addi %mul3A_495, %add3A_496 : i32
        %mul3A_498 = arith.constant 128 : i32
        %mul3A_499 = arith.muli %add3A_497, %mul3A_498 : i32
        %add3A_500 = arith.addi %add3A_32, %mul3A_499 : i32
        %dma_wait3A_501 = tpu.memref_slice %arg3[%add3A_500] : memref<655360xi32, #tpu.memory_space<hbm>> -> memref<128xi32, #tpu.memory_space<hbm>>
        %dma_wait3A_502 = tpu.memref_slice %arg3[%add3A_500] : memref<655360xi32, #tpu.memory_space<hbm>> -> memref<128xi32, #tpu.memory_space<hbm>>
        tpu.wait_dma2 semaphore(%arg20 : memref<!tpu.dma_semaphore, #tpu.memory_space<semaphore_mem>>) src(%dma_wait3A_502 : memref<128xi32, #tpu.memory_space<hbm>>) dst(%arg12 : memref<128xi32, #tpu.memory_space<vmem>>)
        %add3A_503 = arith.constant 1 : i32
        %add3A_504 = arith.addi %add3A_298, %add3A_503 : i32
        %dma_start3A_505 = arith.constant 0 : i32
        %dma_start3A_506 = arith.constant 0 : i32
        %dma_start3A_507 = arith.constant 0 : i32
        %dma_start3A_508 = tpu.memref_slice %arg7[%dma_start3A_505, %dma_start3A_506, %dma_start3A_507] : memref<4x128x64xf32, #tpu.memory_space<vmem>> -> memref<1x128x64xf32, #tpu.memory_space<vmem>>
        %dma_start3A_509 = tpu.memref_squeeze %dma_start3A_508 : memref<1x128x64xf32, #tpu.memory_space<vmem>> -> memref<128x64xf32, #tpu.memory_space<vmem>>
        %dma_start3A_510 = arith.constant 0 : i32
        %dma_start3A_511 = arith.constant 0 : i32
        %dma_start3A_512 = tpu.memref_slice %arg2[%dma_start3A_510, %dma_start3A_511] : memref<20480x64xf32, #tpu.memory_space<hbm>> -> memref<20480x64xf32, #tpu.memory_space<hbm>>
        tpu.enqueue_indirect_dma source(%dma_start3A_512 : memref<20480x64xf32, #tpu.memory_space<hbm>>) target(%dma_start3A_509 : memref<128x64xf32, #tpu.memory_space<vmem>>) offsets(%arg9 : memref<128xi32, #tpu.memory_space<vmem>>) semaphore(%arg18 : memref<!tpu.dma_semaphore, #tpu.memory_space<semaphore_mem>>)
        %dma_start3A_513 = arith.constant 1 : i32
        %dma_start3A_514 = arith.constant 0 : i32
        %dma_start3A_515 = arith.constant 0 : i32
        %dma_start3A_516 = tpu.memref_slice %arg7[%dma_start3A_513, %dma_start3A_514, %dma_start3A_515] : memref<4x128x64xf32, #tpu.memory_space<vmem>> -> memref<1x128x64xf32, #tpu.memory_space<vmem>>
        %dma_start3A_517 = tpu.memref_squeeze %dma_start3A_516 : memref<1x128x64xf32, #tpu.memory_space<vmem>> -> memref<128x64xf32, #tpu.memory_space<vmem>>
        %dma_start3A_518 = arith.constant 0 : i32
        %dma_start3A_519 = arith.constant 0 : i32
        %dma_start3A_520 = tpu.memref_slice %arg2[%dma_start3A_518, %dma_start3A_519] : memref<20480x64xf32, #tpu.memory_space<hbm>> -> memref<20480x64xf32, #tpu.memory_space<hbm>>
        tpu.enqueue_indirect_dma source(%dma_start3A_520 : memref<20480x64xf32, #tpu.memory_space<hbm>>) target(%dma_start3A_517 : memref<128x64xf32, #tpu.memory_space<vmem>>) offsets(%arg10 : memref<128xi32, #tpu.memory_space<vmem>>) semaphore(%arg18 : memref<!tpu.dma_semaphore, #tpu.memory_space<semaphore_mem>>)
        %dma_start3A_521 = arith.constant 2 : i32
        %dma_start3A_522 = arith.constant 0 : i32
        %dma_start3A_523 = arith.constant 0 : i32
        %dma_start3A_524 = tpu.memref_slice %arg7[%dma_start3A_521, %dma_start3A_522, %dma_start3A_523] : memref<4x128x64xf32, #tpu.memory_space<vmem>> -> memref<1x128x64xf32, #tpu.memory_space<vmem>>
        %dma_start3A_525 = tpu.memref_squeeze %dma_start3A_524 : memref<1x128x64xf32, #tpu.memory_space<vmem>> -> memref<128x64xf32, #tpu.memory_space<vmem>>
        %dma_start3A_526 = arith.constant 0 : i32
        %dma_start3A_527 = arith.constant 0 : i32
        %dma_start3A_528 = tpu.memref_slice %arg2[%dma_start3A_526, %dma_start3A_527] : memref<20480x64xf32, #tpu.memory_space<hbm>> -> memref<20480x64xf32, #tpu.memory_space<hbm>>
        tpu.enqueue_indirect_dma source(%dma_start3A_528 : memref<20480x64xf32, #tpu.memory_space<hbm>>) target(%dma_start3A_525 : memref<128x64xf32, #tpu.memory_space<vmem>>) offsets(%arg11 : memref<128xi32, #tpu.memory_space<vmem>>) semaphore(%arg18 : memref<!tpu.dma_semaphore, #tpu.memory_space<semaphore_mem>>)
        %dma_start3A_529 = arith.constant 3 : i32
        %dma_start3A_530 = arith.constant 0 : i32
        %dma_start3A_531 = arith.constant 0 : i32
        %dma_start3A_532 = tpu.memref_slice %arg7[%dma_start3A_529, %dma_start3A_530, %dma_start3A_531] : memref<4x128x64xf32, #tpu.memory_space<vmem>> -> memref<1x128x64xf32, #tpu.memory_space<vmem>>
        %dma_start3A_533 = tpu.memref_squeeze %dma_start3A_532 : memref<1x128x64xf32, #tpu.memory_space<vmem>> -> memref<128x64xf32, #tpu.memory_space<vmem>>
        %dma_start3A_534 = arith.constant 0 : i32
        %dma_start3A_535 = arith.constant 0 : i32
        %dma_start3A_536 = tpu.memref_slice %arg2[%dma_start3A_534, %dma_start3A_535] : memref<20480x64xf32, #tpu.memory_space<hbm>> -> memref<20480x64xf32, #tpu.memory_space<hbm>>
        tpu.enqueue_indirect_dma source(%dma_start3A_536 : memref<20480x64xf32, #tpu.memory_space<hbm>>) target(%dma_start3A_533 : memref<128x64xf32, #tpu.memory_space<vmem>>) offsets(%arg12 : memref<128xi32, #tpu.memory_space<vmem>>) semaphore(%arg18 : memref<!tpu.dma_semaphore, #tpu.memory_space<semaphore_mem>>)
      } else {
      }
      %mul3A_345 = arith.constant 4 : i32
      %mul3A_346 = arith.muli %add3A_298, %mul3A_345 : i32
      %add3A_347 = arith.constant 0 : i32
      %add3A_348 = arith.addi %mul3A_346, %add3A_347 : i32
      %dma_start3A_349 = arith.constant 0 : i32
      %dma_start3A_350 = arith.constant 0 : i32
      %dma_start3A_351 = arith.constant 0 : i32
      %dma_start3A_352 = tpu.memref_slice %arg8[%dma_start3A_349, %dma_start3A_350, %dma_start3A_351] : memref<4x128x64xf32, #tpu.memory_space<vmem>> -> memref<1x128x64xf32, #tpu.memory_space<vmem>>
      %dma_start3A_353 = tpu.memref_squeeze %dma_start3A_352 : memref<1x128x64xf32, #tpu.memory_space<vmem>> -> memref<128x64xf32, #tpu.memory_space<vmem>>
      %dma_start3A_354 = arith.constant 0 : i32
      %dma_start3A_355 = tpu.memref_slice %arg6[%add3A_348, %dma_start3A_354] : memref<160x128xi32, #tpu.memory_space<vmem>> -> memref<1x128xi32, #tpu.memory_space<vmem>>
      %dma_start3A_356 = tpu.memref_squeeze %dma_start3A_355 : memref<1x128xi32, #tpu.memory_space<vmem>> -> memref<128xi32, #tpu.memory_space<vmem>>
      %dma_start3A_357 = arith.constant 0 : i32
      %dma_start3A_358 = arith.constant 0 : i32
      %dma_start3A_359 = tpu.memref_slice %arg17[%dma_start3A_357, %dma_start3A_358] : memref<10240x64xf32, #tpu.memory_space<vmem_shared>> -> memref<10240x64xf32, #tpu.memory_space<vmem_shared>>
      tpu.enqueue_indirect_dma source(%dma_start3A_353 : memref<128x64xf32, #tpu.memory_space<vmem>>) target(%dma_start3A_359 : memref<10240x64xf32, #tpu.memory_space<vmem_shared>>) offsets(%dma_start3A_356 : memref<128xi32, #tpu.memory_space<vmem>>) semaphore(%arg19 : memref<!tpu.dma_semaphore, #tpu.memory_space<semaphore_mem>>) {add = true}
      %mul3A_360 = arith.constant 4 : i32
      %mul3A_361 = arith.muli %add3A_298, %mul3A_360 : i32
      %add3A_362 = arith.constant 1 : i32
      %add3A_363 = arith.addi %mul3A_361, %add3A_362 : i32
      %dma_start3A_364 = arith.constant 1 : i32
      %dma_start3A_365 = arith.constant 0 : i32
      %dma_start3A_366 = arith.constant 0 : i32
      %dma_start3A_367 = tpu.memref_slice %arg8[%dma_start3A_364, %dma_start3A_365, %dma_start3A_366] : memref<4x128x64xf32, #tpu.memory_space<vmem>> -> memref<1x128x64xf32, #tpu.memory_space<vmem>>
      %dma_start3A_368 = tpu.memref_squeeze %dma_start3A_367 : memref<1x128x64xf32, #tpu.memory_space<vmem>> -> memref<128x64xf32, #tpu.memory_space<vmem>>
      %dma_start3A_369 = arith.constant 0 : i32
      %dma_start3A_370 = tpu.memref_slice %arg6[%add3A_363, %dma_start3A_369] : memref<160x128xi32, #tpu.memory_space<vmem>> -> memref<1x128xi32, #tpu.memory_space<vmem>>
      %dma_start3A_371 = tpu.memref_squeeze %dma_start3A_370 : memref<1x128xi32, #tpu.memory_space<vmem>> -> memref<128xi32, #tpu.memory_space<vmem>>
      %dma_start3A_372 = arith.constant 0 : i32
      %dma_start3A_373 = arith.constant 0 : i32
      %dma_start3A_374 = tpu.memref_slice %arg17[%dma_start3A_372, %dma_start3A_373] : memref<10240x64xf32, #tpu.memory_space<vmem_shared>> -> memref<10240x64xf32, #tpu.memory_space<vmem_shared>>
      tpu.enqueue_indirect_dma source(%dma_start3A_368 : memref<128x64xf32, #tpu.memory_space<vmem>>) target(%dma_start3A_374 : memref<10240x64xf32, #tpu.memory_space<vmem_shared>>) offsets(%dma_start3A_371 : memref<128xi32, #tpu.memory_space<vmem>>) semaphore(%arg19 : memref<!tpu.dma_semaphore, #tpu.memory_space<semaphore_mem>>) {add = true}
      %mul3A_375 = arith.constant 4 : i32
      %mul3A_376 = arith.muli %add3A_298, %mul3A_375 : i32
      %add3A_377 = arith.constant 2 : i32
      %add3A_378 = arith.addi %mul3A_376, %add3A_377 : i32
      %dma_start3A_379 = arith.constant 2 : i32
      %dma_start3A_380 = arith.constant 0 : i32
      %dma_start3A_381 = arith.constant 0 : i32
      %dma_start3A_382 = tpu.memref_slice %arg8[%dma_start3A_379, %dma_start3A_380, %dma_start3A_381] : memref<4x128x64xf32, #tpu.memory_space<vmem>> -> memref<1x128x64xf32, #tpu.memory_space<vmem>>
      %dma_start3A_383 = tpu.memref_squeeze %dma_start3A_382 : memref<1x128x64xf32, #tpu.memory_space<vmem>> -> memref<128x64xf32, #tpu.memory_space<vmem>>
      %dma_start3A_384 = arith.constant 0 : i32
      %dma_start3A_385 = tpu.memref_slice %arg6[%add3A_378, %dma_start3A_384] : memref<160x128xi32, #tpu.memory_space<vmem>> -> memref<1x128xi32, #tpu.memory_space<vmem>>
      %dma_start3A_386 = tpu.memref_squeeze %dma_start3A_385 : memref<1x128xi32, #tpu.memory_space<vmem>> -> memref<128xi32, #tpu.memory_space<vmem>>
      %dma_start3A_387 = arith.constant 0 : i32
      %dma_start3A_388 = arith.constant 0 : i32
      %dma_start3A_389 = tpu.memref_slice %arg17[%dma_start3A_387, %dma_start3A_388] : memref<10240x64xf32, #tpu.memory_space<vmem_shared>> -> memref<10240x64xf32, #tpu.memory_space<vmem_shared>>
      tpu.enqueue_indirect_dma source(%dma_start3A_383 : memref<128x64xf32, #tpu.memory_space<vmem>>) target(%dma_start3A_389 : memref<10240x64xf32, #tpu.memory_space<vmem_shared>>) offsets(%dma_start3A_386 : memref<128xi32, #tpu.memory_space<vmem>>) semaphore(%arg19 : memref<!tpu.dma_semaphore, #tpu.memory_space<semaphore_mem>>) {add = true}
      %mul3A_390 = arith.constant 4 : i32
      %mul3A_391 = arith.muli %add3A_298, %mul3A_390 : i32
      %add3A_392 = arith.constant 3 : i32
      %add3A_393 = arith.addi %mul3A_391, %add3A_392 : i32
      %dma_start3A_394 = arith.constant 3 : i32
      %dma_start3A_395 = arith.constant 0 : i32
      %dma_start3A_396 = arith.constant 0 : i32
      %dma_start3A_397 = tpu.memref_slice %arg8[%dma_start3A_394, %dma_start3A_395, %dma_start3A_396] : memref<4x128x64xf32, #tpu.memory_space<vmem>> -> memref<1x128x64xf32, #tpu.memory_space<vmem>>
      %dma_start3A_398 = tpu.memref_squeeze %dma_start3A_397 : memref<1x128x64xf32, #tpu.memory_space<vmem>> -> memref<128x64xf32, #tpu.memory_space<vmem>>
      %dma_start3A_399 = arith.constant 0 : i32
      %dma_start3A_400 = tpu.memref_slice %arg6[%add3A_393, %dma_start3A_399] : memref<160x128xi32, #tpu.memory_space<vmem>> -> memref<1x128xi32, #tpu.memory_space<vmem>>
      %dma_start3A_401 = tpu.memref_squeeze %dma_start3A_400 : memref<1x128xi32, #tpu.memory_space<vmem>> -> memref<128xi32, #tpu.memory_space<vmem>>
      %dma_start3A_402 = arith.constant 0 : i32
      %dma_start3A_403 = arith.constant 0 : i32
      %dma_start3A_404 = tpu.memref_slice %arg17[%dma_start3A_402, %dma_start3A_403] : memref<10240x64xf32, #tpu.memory_space<vmem_shared>> -> memref<10240x64xf32, #tpu.memory_space<vmem_shared>>
      tpu.enqueue_indirect_dma source(%dma_start3A_398 : memref<128x64xf32, #tpu.memory_space<vmem>>) target(%dma_start3A_404 : memref<10240x64xf32, #tpu.memory_space<vmem_shared>>) offsets(%dma_start3A_401 : memref<128xi32, #tpu.memory_space<vmem>>) semaphore(%arg19 : memref<!tpu.dma_semaphore, #tpu.memory_space<semaphore_mem>>) {add = true}
      %mul3A_405 = arith.constant 4 : i32
      %mul3A_406 = arith.muli %add3A_298, %mul3A_405 : i32
      %add3A_407 = arith.constant 0 : i32
      %add3A_408 = arith.addi %mul3A_406, %add3A_407 : i32
      %dma_wait3A_409 = arith.constant 0 : i32
      %dma_wait3A_410 = arith.constant 0 : i32
      %dma_wait3A_411 = arith.constant 0 : i32
      %dma_wait3A_412 = tpu.memref_slice %arg8[%dma_wait3A_409, %dma_wait3A_410, %dma_wait3A_411] : memref<4x128x64xf32, #tpu.memory_space<vmem>> -> memref<1x128x64xf32, #tpu.memory_space<vmem>>
      %dma_wait3A_413 = tpu.memref_squeeze %dma_wait3A_412 : memref<1x128x64xf32, #tpu.memory_space<vmem>> -> memref<128x64xf32, #tpu.memory_space<vmem>>
      %dma_wait3A_414 = arith.constant 0 : i32
      %dma_wait3A_415 = tpu.memref_slice %arg6[%add3A_408, %dma_wait3A_414] : memref<160x128xi32, #tpu.memory_space<vmem>> -> memref<1x128xi32, #tpu.memory_space<vmem>>
      %dma_wait3A_416 = tpu.memref_squeeze %dma_wait3A_415 : memref<1x128xi32, #tpu.memory_space<vmem>> -> memref<128xi32, #tpu.memory_space<vmem>>
      %dma_wait3A_417 = arith.constant 0 : i32
      %dma_wait3A_418 = arith.constant 0 : i32
      %dma_wait3A_419 = tpu.memref_slice %arg17[%dma_wait3A_417, %dma_wait3A_418] : memref<10240x64xf32, #tpu.memory_space<vmem_shared>> -> memref<10240x64xf32, #tpu.memory_space<vmem_shared>>
      tpu.wait_indirect_dma semaphore(%arg19 : memref<!tpu.dma_semaphore, #tpu.memory_space<semaphore_mem>>) src(%dma_wait3A_413 : memref<128x64xf32, #tpu.memory_space<vmem>>) dst(%dma_wait3A_419 : memref<10240x64xf32, #tpu.memory_space<vmem_shared>>)
      %mul3A_420 = arith.constant 4 : i32
      %mul3A_421 = arith.muli %add3A_298, %mul3A_420 : i32
      %add3A_422 = arith.constant 1 : i32
      %add3A_423 = arith.addi %mul3A_421, %add3A_422 : i32
      %dma_wait3A_424 = arith.constant 1 : i32
      %dma_wait3A_425 = arith.constant 0 : i32
      %dma_wait3A_426 = arith.constant 0 : i32
      %dma_wait3A_427 = tpu.memref_slice %arg8[%dma_wait3A_424, %dma_wait3A_425, %dma_wait3A_426] : memref<4x128x64xf32, #tpu.memory_space<vmem>> -> memref<1x128x64xf32, #tpu.memory_space<vmem>>
      %dma_wait3A_428 = tpu.memref_squeeze %dma_wait3A_427 : memref<1x128x64xf32, #tpu.memory_space<vmem>> -> memref<128x64xf32, #tpu.memory_space<vmem>>
      %dma_wait3A_429 = arith.constant 0 : i32
      %dma_wait3A_430 = tpu.memref_slice %arg6[%add3A_423, %dma_wait3A_429] : memref<160x128xi32, #tpu.memory_space<vmem>> -> memref<1x128xi32, #tpu.memory_space<vmem>>
      %dma_wait3A_431 = tpu.memref_squeeze %dma_wait3A_430 : memref<1x128xi32, #tpu.memory_space<vmem>> -> memref<128xi32, #tpu.memory_space<vmem>>
      %dma_wait3A_432 = arith.constant 0 : i32
      %dma_wait3A_433 = arith.constant 0 : i32
      %dma_wait3A_434 = tpu.memref_slice %arg17[%dma_wait3A_432, %dma_wait3A_433] : memref<10240x64xf32, #tpu.memory_space<vmem_shared>> -> memref<10240x64xf32, #tpu.memory_space<vmem_shared>>
      tpu.wait_indirect_dma semaphore(%arg19 : memref<!tpu.dma_semaphore, #tpu.memory_space<semaphore_mem>>) src(%dma_wait3A_428 : memref<128x64xf32, #tpu.memory_space<vmem>>) dst(%dma_wait3A_434 : memref<10240x64xf32, #tpu.memory_space<vmem_shared>>)
      %mul3A_435 = arith.constant 4 : i32
      %mul3A_436 = arith.muli %add3A_298, %mul3A_435 : i32
      %add3A_437 = arith.constant 2 : i32
      %add3A_438 = arith.addi %mul3A_436, %add3A_437 : i32
      %dma_wait3A_439 = arith.constant 2 : i32
      %dma_wait3A_440 = arith.constant 0 : i32
      %dma_wait3A_441 = arith.constant 0 : i32
      %dma_wait3A_442 = tpu.memref_slice %arg8[%dma_wait3A_439, %dma_wait3A_440, %dma_wait3A_441] : memref<4x128x64xf32, #tpu.memory_space<vmem>> -> memref<1x128x64xf32, #tpu.memory_space<vmem>>
      %dma_wait3A_443 = tpu.memref_squeeze %dma_wait3A_442 : memref<1x128x64xf32, #tpu.memory_space<vmem>> -> memref<128x64xf32, #tpu.memory_space<vmem>>
      %dma_wait3A_444 = arith.constant 0 : i32
      %dma_wait3A_445 = tpu.memref_slice %arg6[%add3A_438, %dma_wait3A_444] : memref<160x128xi32, #tpu.memory_space<vmem>> -> memref<1x128xi32, #tpu.memory_space<vmem>>
      %dma_wait3A_446 = tpu.memref_squeeze %dma_wait3A_445 : memref<1x128xi32, #tpu.memory_space<vmem>> -> memref<128xi32, #tpu.memory_space<vmem>>
      %dma_wait3A_447 = arith.constant 0 : i32
      %dma_wait3A_448 = arith.constant 0 : i32
      %dma_wait3A_449 = tpu.memref_slice %arg17[%dma_wait3A_447, %dma_wait3A_448] : memref<10240x64xf32, #tpu.memory_space<vmem_shared>> -> memref<10240x64xf32, #tpu.memory_space<vmem_shared>>
      tpu.wait_indirect_dma semaphore(%arg19 : memref<!tpu.dma_semaphore, #tpu.memory_space<semaphore_mem>>) src(%dma_wait3A_443 : memref<128x64xf32, #tpu.memory_space<vmem>>) dst(%dma_wait3A_449 : memref<10240x64xf32, #tpu.memory_space<vmem_shared>>)
      %mul3A_450 = arith.constant 4 : i32
      %mul3A_451 = arith.muli %add3A_298, %mul3A_450 : i32
      %add3A_452 = arith.constant 3 : i32
      %add3A_453 = arith.addi %mul3A_451, %add3A_452 : i32
      %dma_wait3A_454 = arith.constant 3 : i32
      %dma_wait3A_455 = arith.constant 0 : i32
      %dma_wait3A_456 = arith.constant 0 : i32
      %dma_wait3A_457 = tpu.memref_slice %arg8[%dma_wait3A_454, %dma_wait3A_455, %dma_wait3A_456] : memref<4x128x64xf32, #tpu.memory_space<vmem>> -> memref<1x128x64xf32, #tpu.memory_space<vmem>>
      %dma_wait3A_458 = tpu.memref_squeeze %dma_wait3A_457 : memref<1x128x64xf32, #tpu.memory_space<vmem>> -> memref<128x64xf32, #tpu.memory_space<vmem>>
      %dma_wait3A_459 = arith.constant 0 : i32
      %dma_wait3A_460 = tpu.memref_slice %arg6[%add3A_453, %dma_wait3A_459] : memref<160x128xi32, #tpu.memory_space<vmem>> -> memref<1x128xi32, #tpu.memory_space<vmem>>
      %dma_wait3A_461 = tpu.memref_squeeze %dma_wait3A_460 : memref<1x128xi32, #tpu.memory_space<vmem>> -> memref<128xi32, #tpu.memory_space<vmem>>
      %dma_wait3A_462 = arith.constant 0 : i32
      %dma_wait3A_463 = arith.constant 0 : i32
      %dma_wait3A_464 = tpu.memref_slice %arg17[%dma_wait3A_462, %dma_wait3A_463] : memref<10240x64xf32, #tpu.memory_space<vmem_shared>> -> memref<10240x64xf32, #tpu.memory_space<vmem_shared>>
      tpu.wait_indirect_dma semaphore(%arg19 : memref<!tpu.dma_semaphore, #tpu.memory_space<semaphore_mem>>) src(%dma_wait3A_458 : memref<128x64xf32, #tpu.memory_space<vmem>>) dst(%dma_wait3A_464 : memref<10240x64xf32, #tpu.memory_space<vmem_shared>>)
    }
    %scan3A_115 = arith.constant 20 : i32
    %barrier3A_116 = arith.constant 0 : index
    tpu.barrier barrier_id(%barrier3A_116)
    %mul3A_117 = arith.constant 640 : i32
    %mul3A_118 = arith.muli %arg1, %mul3A_117 : i32
    %mul3A_119 = arith.constant 640 : i32
    %mul3A_120 = arith.muli %arg1, %mul3A_119 : i32
    %mul3A_121 = arith.constant 64 : i32
    %mul3A_122 = arith.muli %arg0, %mul3A_121 : i32
    "tpu.region"() ({
      %run_scoped3A_123 = tpu.sem_alloc : memref<!tpu.dma_semaphore, #tpu.memory_space<semaphore_mem>>
      %dma_start3A_124 = tpu.memref_slice %arg5[%mul3A_120, %mul3A_122] : memref<10240x128xf32, #tpu.memory_space<hbm>> -> memref<640x64xf32, #tpu.memory_space<hbm>>
      %dma_start3A_125 = arith.constant 0 : i32
      %dma_start3A_126 = tpu.memref_slice %arg17[%mul3A_118, %dma_start3A_125] : memref<10240x64xf32, #tpu.memory_space<vmem_shared>> -> memref<640x64xf32, #tpu.memory_space<vmem_shared>>
      tpu.enqueue_dma source(%dma_start3A_126 : memref<640x64xf32, #tpu.memory_space<vmem_shared>>) target(%dma_start3A_124 : memref<640x64xf32, #tpu.memory_space<hbm>>) target_semaphore(%run_scoped3A_123 : memref<!tpu.dma_semaphore, #tpu.memory_space<semaphore_mem>>)
      %dma_wait3A_127 = tpu.memref_slice %arg5[%mul3A_120, %mul3A_122] : memref<10240x128xf32, #tpu.memory_space<hbm>> -> memref<640x64xf32, #tpu.memory_space<hbm>>
      %dma_wait3A_128 = arith.constant 0 : i32
      %dma_wait3A_129 = tpu.memref_slice %arg17[%mul3A_118, %dma_wait3A_128] : memref<10240x64xf32, #tpu.memory_space<vmem_shared>> -> memref<640x64xf32, #tpu.memory_space<vmem_shared>>
      tpu.wait_dma2 semaphore(%run_scoped3A_123 : memref<!tpu.dma_semaphore, #tpu.memory_space<semaphore_mem>>) src(%dma_wait3A_129 : memref<640x64xf32, #tpu.memory_space<vmem_shared>>) dst(%dma_wait3A_127 : memref<640x64xf32, #tpu.memory_space<hbm>>)
      tpu.yield
    }) : () -> ()
    return
  }
}

#map = affine_map<(d0, d1) -> (0, 0)>
#map1 = affine_map<(d0, d1) -> (0)>
module attributes {stable_mosaic.version = 14 : i64} {
  func.func @k(%arg0: i32, %arg1: i32, %arg2: memref<20480x64xf32, #tpu.memory_space<hbm>>, %arg3: memref<655360xi32, #tpu.memory_space<hbm>>, %arg4: memref<2560x128xi32, #tpu.memory_space<hbm>>, %arg5: memref<10240x128xf32, #tpu.memory_space<hbm>>, %arg6: memref<160x128xi32, #tpu.memory_space<vmem>>, %arg7: memref<4x128x64xf32, #tpu.memory_space<vmem>>, %arg8: memref<4x128x64xf32, #tpu.memory_space<vmem>>, %arg9: memref<128xi32, #tpu.memory_space<vmem>>, %arg10: memref<128xi32, #tpu.memory_space<vmem>>, %arg11: memref<128xi32, #tpu.memory_space<vmem>>, %arg12: memref<128xi32, #tpu.memory_space<vmem>>, %arg13: memref<128xi32, #tpu.memory_space<vmem>>, %arg14: memref<128xi32, #tpu.memory_space<vmem>>, %arg15: memref<128xi32, #tpu.memory_space<vmem>>, %arg16: memref<128xi32, #tpu.memory_space<vmem>>, %arg17: memref<10240x64xf32, #tpu.memory_space<vmem_shared>>, %arg18: memref<!tpu.dma_semaphore, #tpu.memory_space<semaphore_mem>>, %arg19: memref<!tpu.dma_semaphore, #tpu.memory_space<semaphore_mem>>, %arg20: memref<!tpu.dma_semaphore, #tpu.memory_space<semaphore_mem>>) attributes {dimension_semantics = [#tpu.dimension_semantics<core_parallel>, #tpu.dimension_semantics<subcore_parallel>], iteration_bounds = array<i64: 2, 16>, scalar_prefetch = 0 : i64, scratch_operands = 15 : i64, tpu.core_type = #tpu.core_type<sc_vector_subcore>, window_params = [{transform_indices = #map}, {transform_indices = #map1}, {transform_indices = #map}, {transform_indices = #map}]} {
    %mul3A = arith.constant 160 : i32
    %mul3A_0 = arith.muli %arg1, %mul3A : i32
    "tpu.region"() ({
      %run_scoped3A_123 = tpu.sem_alloc : memref<!tpu.dma_semaphore, #tpu.memory_space<semaphore_mem>>
      %dma_start3A_124 = arith.constant 0 : i32
      %dma_start3A_125 = tpu.memref_slice %arg4[%mul3A_0, %dma_start3A_124] : memref<2560x128xi32, #tpu.memory_space<hbm>> -> memref<160x128xi32, #tpu.memory_space<hbm>>
      %dma_start3A_126 = arith.constant 0 : i32
      %dma_start3A_127 = tpu.memref_slice %arg4[%mul3A_0, %dma_start3A_126] : memref<2560x128xi32, #tpu.memory_space<hbm>> -> memref<160x128xi32, #tpu.memory_space<hbm>>
      tpu.enqueue_dma source(%dma_start3A_127 : memref<160x128xi32, #tpu.memory_space<hbm>>) target(%arg6 : memref<160x128xi32, #tpu.memory_space<vmem>>) target_semaphore(%run_scoped3A_123 : memref<!tpu.dma_semaphore, #tpu.memory_space<semaphore_mem>>)
      %dma_wait3A_128 = arith.constant 0 : i32
      %dma_wait3A_129 = tpu.memref_slice %arg4[%mul3A_0, %dma_wait3A_128] : memref<2560x128xi32, #tpu.memory_space<hbm>> -> memref<160x128xi32, #tpu.memory_space<hbm>>
      %dma_wait3A_130 = arith.constant 0 : i32
      %dma_wait3A_131 = tpu.memref_slice %arg4[%mul3A_0, %dma_wait3A_130] : memref<2560x128xi32, #tpu.memory_space<hbm>> -> memref<160x128xi32, #tpu.memory_space<hbm>>
      tpu.wait_dma2 semaphore(%run_scoped3A_123 : memref<!tpu.dma_semaphore, #tpu.memory_space<semaphore_mem>>) src(%dma_wait3A_131 : memref<160x128xi32, #tpu.memory_space<hbm>>) dst(%arg6 : memref<160x128xi32, #tpu.memory_space<vmem>>)
      tpu.yield
    }) : () -> ()
    %scan3A = arith.constant 0 : i32
    %scan3A_1 = arith.constant 128 : i32
    %scan3A_2 = arith.addi %scan3A, %scan3A_1 : i32
    %scan3A_3 = arith.constant 1 : i32
    scf.for %scan3A_123 = %scan3A to %scan3A_2 step %scan3A_3  : i32 {
      %mul3A_124 = arith.constant 1 : i32
      %mul3A_125 = arith.muli %scan3A_123, %mul3A_124 : i32
      %add3A_126 = arith.constant 0 : i32
      %add3A_127 = arith.addi %add3A_126, %mul3A_125 : i32
      %broadcast_in_dim3A = arith.constant 0.000000e+00 : f32
      %broadcast_in_dim3A_128 = vector.broadcast %broadcast_in_dim3A : f32 to vector<16xf32>
      %swap3A = arith.constant 0 : i32
      %swap3A_129 = arith.index_cast %swap3A : i32 to index
      %swap3A_130 = arith.index_cast %add3A_127 : i32 to index
      %swap3A_131 = arith.constant 0 : index
      %swap3A_132 = tpu.vector_load %arg7[%swap3A_129, %swap3A_130, %swap3A_131] {strides = array<i32>} : memref<4x128x64xf32, #tpu.memory_space<vmem>>, vector<1x1x16xf32>,
      %swap3A_133 = vector.shape_cast %swap3A_132 : vector<1x1x16xf32> to vector<16xf32>
      %swap3A_134 = vector.shape_cast %broadcast_in_dim3A_128 : vector<16xf32> to vector<1x1x16xf32>
      tpu.vector_store %arg7[%swap3A_129, %swap3A_130, %swap3A_131], %swap3A_134 {strides = array<i32>} : memref<4x128x64xf32, #tpu.memory_space<vmem>>, vector<1x1x16xf32>,
      %broadcast_in_dim3A_135 = arith.constant 0.000000e+00 : f32
      %broadcast_in_dim3A_136 = vector.broadcast %broadcast_in_dim3A_135 : f32 to vector<16xf32>
      %swap3A_137 = arith.constant 0 : i32
      %swap3A_138 = arith.index_cast %swap3A_137 : i32 to index
      %swap3A_139 = arith.index_cast %add3A_127 : i32 to index
      %swap3A_140 = arith.constant 16 : index
      %swap3A_141 = tpu.vector_load %arg7[%swap3A_138, %swap3A_139, %swap3A_140] {strides = array<i32>} : memref<4x128x64xf32, #tpu.memory_space<vmem>>, vector<1x1x16xf32>,
      %swap3A_142 = vector.shape_cast %swap3A_141 : vector<1x1x16xf32> to vector<16xf32>
      %swap3A_143 = vector.shape_cast %broadcast_in_dim3A_136 : vector<16xf32> to vector<1x1x16xf32>
      tpu.vector_store %arg7[%swap3A_138, %swap3A_139, %swap3A_140], %swap3A_143 {strides = array<i32>} : memref<4x128x64xf32, #tpu.memory_space<vmem>>, vector<1x1x16xf32>,
      %broadcast_in_dim3A_144 = arith.constant 0.000000e+00 : f32
      %broadcast_in_dim3A_145 = vector.broadcast %broadcast_in_dim3A_144 : f32 to vector<16xf32>
      %swap3A_146 = arith.constant 0 : i32
      %swap3A_147 = arith.index_cast %swap3A_146 : i32 to index
      %swap3A_148 = arith.index_cast %add3A_127 : i32 to index
      %swap3A_149 = arith.constant 32 : index
      %swap3A_150 = tpu.vector_load %arg7[%swap3A_147, %swap3A_148, %swap3A_149] {strides = array<i32>} : memref<4x128x64xf32, #tpu.memory_space<vmem>>, vector<1x1x16xf32>,
      %swap3A_151 = vector.shape_cast %swap3A_150 : vector<1x1x16xf32> to vector<16xf32>
      %swap3A_152 = vector.shape_cast %broadcast_in_dim3A_145 : vector<16xf32> to vector<1x1x16xf32>
      tpu.vector_store %arg7[%swap3A_147, %swap3A_148, %swap3A_149], %swap3A_152 {strides = array<i32>} : memref<4x128x64xf32, #tpu.memory_space<vmem>>, vector<1x1x16xf32>,
      %broadcast_in_dim3A_153 = arith.constant 0.000000e+00 : f32
      %broadcast_in_dim3A_154 = vector.broadcast %broadcast_in_dim3A_153 : f32 to vector<16xf32>
      %swap3A_155 = arith.constant 0 : i32
      %swap3A_156 = arith.index_cast %swap3A_155 : i32 to index
      %swap3A_157 = arith.index_cast %add3A_127 : i32 to index
      %swap3A_158 = arith.constant 48 : index
      %swap3A_159 = tpu.vector_load %arg7[%swap3A_156, %swap3A_157, %swap3A_158] {strides = array<i32>} : memref<4x128x64xf32, #tpu.memory_space<vmem>>, vector<1x1x16xf32>,
      %swap3A_160 = vector.shape_cast %swap3A_159 : vector<1x1x16xf32> to vector<16xf32>
      %swap3A_161 = vector.shape_cast %broadcast_in_dim3A_154 : vector<16xf32> to vector<1x1x16xf32>
      tpu.vector_store %arg7[%swap3A_156, %swap3A_157, %swap3A_158], %swap3A_161 {strides = array<i32>} : memref<4x128x64xf32, #tpu.memory_space<vmem>>, vector<1x1x16xf32>,
    }
    %scan3A_4 = arith.constant 128 : i32
    %mul3A_5 = arith.constant 640 : i32
    %mul3A_6 = arith.muli %arg1, %mul3A_5 : i32
    %add3A = arith.constant 0 : i32
    %add3A_7 = arith.addi %mul3A_6, %add3A : i32
    %run_scoped3A = arith.constant 0 : i32
    "tpu.region"() ({
      %run_scoped3A_123 = tpu.sem_alloc : memref<!tpu.dma_semaphore, #tpu.memory_space<semaphore_mem>>
      %dma_start3A_124 = arith.constant 0 : i32
      %dma_start3A_125 = arith.constant 0 : i32
      %dma_start3A_126 = tpu.memref_slice %arg7[%run_scoped3A, %dma_start3A_124, %dma_start3A_125] : memref<4x128x64xf32, #tpu.memory_space<vmem>> -> memref<1x128x64xf32, #tpu.memory_space<vmem>>
      %dma_start3A_127 = tpu.memref_squeeze %dma_start3A_126 : memref<1x128x64xf32, #tpu.memory_space<vmem>> -> memref<128x64xf32, #tpu.memory_space<vmem>>
      %dma_start3A_128 = arith.constant 0 : i32
      %dma_start3A_129 = tpu.memref_slice %arg17[%add3A_7, %dma_start3A_128] : memref<10240x64xf32, #tpu.memory_space<vmem_shared>> -> memref<128x64xf32, #tpu.memory_space<vmem_shared>>
      %dma_start3A_130 = arith.constant 0 : i32
      %dma_start3A_131 = tpu.memref_slice %arg17[%add3A_7, %dma_start3A_130] : memref<10240x64xf32, #tpu.memory_space<vmem_shared>> -> memref<128x64xf32, #tpu.memory_space<vmem_shared>>
      %dma_start3A_132 = arith.constant 0 : i32
      %dma_start3A_133 = arith.constant 0 : i32
      %dma_start3A_134 = tpu.memref_slice %arg7[%run_scoped3A, %dma_start3A_132, %dma_start3A_133] : memref<4x128x64xf32, #tpu.memory_space<vmem>> -> memref<1x128x64xf32, #tpu.memory_space<vmem>>
      %dma_start3A_135 = tpu.memref_squeeze %dma_start3A_134 : memref<1x128x64xf32, #tpu.memory_space<vmem>> -> memref<128x64xf32, #tpu.memory_space<vmem>>
      tpu.enqueue_dma source(%dma_start3A_135 : memref<128x64xf32, #tpu.memory_space<vmem>>) target(%dma_start3A_131 : memref<128x64xf32, #tpu.memory_space<vmem_shared>>) target_semaphore(%run_scoped3A_123 : memref<!tpu.dma_semaphore, #tpu.memory_space<semaphore_mem>>)
      %dma_wait3A_136 = arith.constant 0 : i32
      %dma_wait3A_137 = arith.constant 0 : i32
      %dma_wait3A_138 = tpu.memref_slice %arg7[%run_scoped3A, %dma_wait3A_136, %dma_wait3A_137] : memref<4x128x64xf32, #tpu.memory_space<vmem>> -> memref<1x128x64xf32, #tpu.memory_space<vmem>>
      %dma_wait3A_139 = tpu.memref_squeeze %dma_wait3A_138 : memref<1x128x64xf32, #tpu.memory_space<vmem>> -> memref<128x64xf32, #tpu.memory_space<vmem>>
      %dma_wait3A_140 = arith.constant 0 : i32
      %dma_wait3A_141 = tpu.memref_slice %arg17[%add3A_7, %dma_wait3A_140] : memref<10240x64xf32, #tpu.memory_space<vmem_shared>> -> memref<128x64xf32, #tpu.memory_space<vmem_shared>>
      %dma_wait3A_142 = arith.constant 0 : i32
      %dma_wait3A_143 = tpu.memref_slice %arg17[%add3A_7, %dma_wait3A_142] : memref<10240x64xf32, #tpu.memory_space<vmem_shared>> -> memref<128x64xf32, #tpu.memory_space<vmem_shared>>
      %dma_wait3A_144 = arith.constant 0 : i32
      %dma_wait3A_145 = arith.constant 0 : i32
      %dma_wait3A_146 = tpu.memref_slice %arg7[%run_scoped3A, %dma_wait3A_144, %dma_wait3A_145] : memref<4x128x64xf32, #tpu.memory_space<vmem>> -> memref<1x128x64xf32, #tpu.memory_space<vmem>>
      %dma_wait3A_147 = tpu.memref_squeeze %dma_wait3A_146 : memref<1x128x64xf32, #tpu.memory_space<vmem>> -> memref<128x64xf32, #tpu.memory_space<vmem>>
      tpu.wait_dma2 semaphore(%run_scoped3A_123 : memref<!tpu.dma_semaphore, #tpu.memory_space<semaphore_mem>>) src(%dma_wait3A_147 : memref<128x64xf32, #tpu.memory_space<vmem>>) dst(%dma_wait3A_143 : memref<128x64xf32, #tpu.memory_space<vmem_shared>>)
      tpu.yield
    }) : () -> ()
    %mul3A_8 = arith.constant 640 : i32
    %mul3A_9 = arith.muli %arg1, %mul3A_8 : i32
    %add3A_10 = arith.constant 128 : i32
    %add3A_11 = arith.addi %mul3A_9, %add3A_10 : i32
    %run_scoped3A_12 = arith.constant 0 : i32
    "tpu.region"() ({
      %run_scoped3A_123 = tpu.sem_alloc : memref<!tpu.dma_semaphore, #tpu.memory_space<semaphore_mem>>
      %dma_start3A_124 = arith.constant 0 : i32
      %dma_start3A_125 = arith.constant 0 : i32
      %dma_start3A_126 = tpu.memref_slice %arg7[%run_scoped3A_12, %dma_start3A_124, %dma_start3A_125] : memref<4x128x64xf32, #tpu.memory_space<vmem>> -> memref<1x128x64xf32, #tpu.memory_space<vmem>>
      %dma_start3A_127 = tpu.memref_squeeze %dma_start3A_126 : memref<1x128x64xf32, #tpu.memory_space<vmem>> -> memref<128x64xf32, #tpu.memory_space<vmem>>
      %dma_start3A_128 = arith.constant 0 : i32
      %dma_start3A_129 = tpu.memref_slice %arg17[%add3A_11, %dma_start3A_128] : memref<10240x64xf32, #tpu.memory_space<vmem_shared>> -> memref<128x64xf32, #tpu.memory_space<vmem_shared>>
      %dma_start3A_130 = arith.constant 0 : i32
      %dma_start3A_131 = tpu.memref_slice %arg17[%add3A_11, %dma_start3A_130] : memref<10240x64xf32, #tpu.memory_space<vmem_shared>> -> memref<128x64xf32, #tpu.memory_space<vmem_shared>>
      %dma_start3A_132 = arith.constant 0 : i32
      %dma_start3A_133 = arith.constant 0 : i32
      %dma_start3A_134 = tpu.memref_slice %arg7[%run_scoped3A_12, %dma_start3A_132, %dma_start3A_133] : memref<4x128x64xf32, #tpu.memory_space<vmem>> -> memref<1x128x64xf32, #tpu.memory_space<vmem>>
      %dma_start3A_135 = tpu.memref_squeeze %dma_start3A_134 : memref<1x128x64xf32, #tpu.memory_space<vmem>> -> memref<128x64xf32, #tpu.memory_space<vmem>>
      tpu.enqueue_dma source(%dma_start3A_135 : memref<128x64xf32, #tpu.memory_space<vmem>>) target(%dma_start3A_131 : memref<128x64xf32, #tpu.memory_space<vmem_shared>>) target_semaphore(%run_scoped3A_123 : memref<!tpu.dma_semaphore, #tpu.memory_space<semaphore_mem>>)
      %dma_wait3A_136 = arith.constant 0 : i32
      %dma_wait3A_137 = arith.constant 0 : i32
      %dma_wait3A_138 = tpu.memref_slice %arg7[%run_scoped3A_12, %dma_wait3A_136, %dma_wait3A_137] : memref<4x128x64xf32, #tpu.memory_space<vmem>> -> memref<1x128x64xf32, #tpu.memory_space<vmem>>
      %dma_wait3A_139 = tpu.memref_squeeze %dma_wait3A_138 : memref<1x128x64xf32, #tpu.memory_space<vmem>> -> memref<128x64xf32, #tpu.memory_space<vmem>>
      %dma_wait3A_140 = arith.constant 0 : i32
      %dma_wait3A_141 = tpu.memref_slice %arg17[%add3A_11, %dma_wait3A_140] : memref<10240x64xf32, #tpu.memory_space<vmem_shared>> -> memref<128x64xf32, #tpu.memory_space<vmem_shared>>
      %dma_wait3A_142 = arith.constant 0 : i32
      %dma_wait3A_143 = tpu.memref_slice %arg17[%add3A_11, %dma_wait3A_142] : memref<10240x64xf32, #tpu.memory_space<vmem_shared>> -> memref<128x64xf32, #tpu.memory_space<vmem_shared>>
      %dma_wait3A_144 = arith.constant 0 : i32
      %dma_wait3A_145 = arith.constant 0 : i32
      %dma_wait3A_146 = tpu.memref_slice %arg7[%run_scoped3A_12, %dma_wait3A_144, %dma_wait3A_145] : memref<4x128x64xf32, #tpu.memory_space<vmem>> -> memref<1x128x64xf32, #tpu.memory_space<vmem>>
      %dma_wait3A_147 = tpu.memref_squeeze %dma_wait3A_146 : memref<1x128x64xf32, #tpu.memory_space<vmem>> -> memref<128x64xf32, #tpu.memory_space<vmem>>
      tpu.wait_dma2 semaphore(%run_scoped3A_123 : memref<!tpu.dma_semaphore, #tpu.memory_space<semaphore_mem>>) src(%dma_wait3A_147 : memref<128x64xf32, #tpu.memory_space<vmem>>) dst(%dma_wait3A_143 : memref<128x64xf32, #tpu.memory_space<vmem_shared>>)
      tpu.yield
    }) : () -> ()
    %mul3A_13 = arith.constant 640 : i32
    %mul3A_14 = arith.muli %arg1, %mul3A_13 : i32
    %add3A_15 = arith.constant 256 : i32
    %add3A_16 = arith.addi %mul3A_14, %add3A_15 : i32
    %run_scoped3A_17 = arith.constant 0 : i32
    "tpu.region"() ({
      %run_scoped3A_123 = tpu.sem_alloc : memref<!tpu.dma_semaphore, #tpu.memory_space<semaphore_mem>>
      %dma_start3A_124 = arith.constant 0 : i32
      %dma_start3A_125 = arith.constant 0 : i32
      %dma_start3A_126 = tpu.memref_slice %arg7[%run_scoped3A_17, %dma_start3A_124, %dma_start3A_125] : memref<4x128x64xf32, #tpu.memory_space<vmem>> -> memref<1x128x64xf32, #tpu.memory_space<vmem>>
      %dma_start3A_127 = tpu.memref_squeeze %dma_start3A_126 : memref<1x128x64xf32, #tpu.memory_space<vmem>> -> memref<128x64xf32, #tpu.memory_space<vmem>>
      %dma_start3A_128 = arith.constant 0 : i32
      %dma_start3A_129 = tpu.memref_slice %arg17[%add3A_16, %dma_start3A_128] : memref<10240x64xf32, #tpu.memory_space<vmem_shared>> -> memref<128x64xf32, #tpu.memory_space<vmem_shared>>
      %dma_start3A_130 = arith.constant 0 : i32
      %dma_start3A_131 = tpu.memref_slice %arg17[%add3A_16, %dma_start3A_130] : memref<10240x64xf32, #tpu.memory_space<vmem_shared>> -> memref<128x64xf32, #tpu.memory_space<vmem_shared>>
      %dma_start3A_132 = arith.constant 0 : i32
      %dma_start3A_133 = arith.constant 0 : i32
      %dma_start3A_134 = tpu.memref_slice %arg7[%run_scoped3A_17, %dma_start3A_132, %dma_start3A_133] : memref<4x128x64xf32, #tpu.memory_space<vmem>> -> memref<1x128x64xf32, #tpu.memory_space<vmem>>
      %dma_start3A_135 = tpu.memref_squeeze %dma_start3A_134 : memref<1x128x64xf32, #tpu.memory_space<vmem>> -> memref<128x64xf32, #tpu.memory_space<vmem>>
      tpu.enqueue_dma source(%dma_start3A_135 : memref<128x64xf32, #tpu.memory_space<vmem>>) target(%dma_start3A_131 : memref<128x64xf32, #tpu.memory_space<vmem_shared>>) target_semaphore(%run_scoped3A_123 : memref<!tpu.dma_semaphore, #tpu.memory_space<semaphore_mem>>)
      %dma_wait3A_136 = arith.constant 0 : i32
      %dma_wait3A_137 = arith.constant 0 : i32
      %dma_wait3A_138 = tpu.memref_slice %arg7[%run_scoped3A_17, %dma_wait3A_136, %dma_wait3A_137] : memref<4x128x64xf32, #tpu.memory_space<vmem>> -> memref<1x128x64xf32, #tpu.memory_space<vmem>>
      %dma_wait3A_139 = tpu.memref_squeeze %dma_wait3A_138 : memref<1x128x64xf32, #tpu.memory_space<vmem>> -> memref<128x64xf32, #tpu.memory_space<vmem>>
      %dma_wait3A_140 = arith.constant 0 : i32
      %dma_wait3A_141 = tpu.memref_slice %arg17[%add3A_16, %dma_wait3A_140] : memref<10240x64xf32, #tpu.memory_space<vmem_shared>> -> memref<128x64xf32, #tpu.memory_space<vmem_shared>>
      %dma_wait3A_142 = arith.constant 0 : i32
      %dma_wait3A_143 = tpu.memref_slice %arg17[%add3A_16, %dma_wait3A_142] : memref<10240x64xf32, #tpu.memory_space<vmem_shared>> -> memref<128x64xf32, #tpu.memory_space<vmem_shared>>
      %dma_wait3A_144 = arith.constant 0 : i32
      %dma_wait3A_145 = arith.constant 0 : i32
      %dma_wait3A_146 = tpu.memref_slice %arg7[%run_scoped3A_17, %dma_wait3A_144, %dma_wait3A_145] : memref<4x128x64xf32, #tpu.memory_space<vmem>> -> memref<1x128x64xf32, #tpu.memory_space<vmem>>
      %dma_wait3A_147 = tpu.memref_squeeze %dma_wait3A_146 : memref<1x128x64xf32, #tpu.memory_space<vmem>> -> memref<128x64xf32, #tpu.memory_space<vmem>>
      tpu.wait_dma2 semaphore(%run_scoped3A_123 : memref<!tpu.dma_semaphore, #tpu.memory_space<semaphore_mem>>) src(%dma_wait3A_147 : memref<128x64xf32, #tpu.memory_space<vmem>>) dst(%dma_wait3A_143 : memref<128x64xf32, #tpu.memory_space<vmem_shared>>)
      tpu.yield
    }) : () -> ()
    %mul3A_18 = arith.constant 640 : i32
    %mul3A_19 = arith.muli %arg1, %mul3A_18 : i32
    %add3A_20 = arith.constant 384 : i32
    %add3A_21 = arith.addi %mul3A_19, %add3A_20 : i32
    %run_scoped3A_22 = arith.constant 0 : i32
    "tpu.region"() ({
      %run_scoped3A_123 = tpu.sem_alloc : memref<!tpu.dma_semaphore, #tpu.memory_space<semaphore_mem>>
      %dma_start3A_124 = arith.constant 0 : i32
      %dma_start3A_125 = arith.constant 0 : i32
      %dma_start3A_126 = tpu.memref_slice %arg7[%run_scoped3A_22, %dma_start3A_124, %dma_start3A_125] : memref<4x128x64xf32, #tpu.memory_space<vmem>> -> memref<1x128x64xf32, #tpu.memory_space<vmem>>
      %dma_start3A_127 = tpu.memref_squeeze %dma_start3A_126 : memref<1x128x64xf32, #tpu.memory_space<vmem>> -> memref<128x64xf32, #tpu.memory_space<vmem>>
      %dma_start3A_128 = arith.constant 0 : i32
      %dma_start3A_129 = tpu.memref_slice %arg17[%add3A_21, %dma_start3A_128] : memref<10240x64xf32, #tpu.memory_space<vmem_shared>> -> memref<128x64xf32, #tpu.memory_space<vmem_shared>>
      %dma_start3A_130 = arith.constant 0 : i32
      %dma_start3A_131 = tpu.memref_slice %arg17[%add3A_21, %dma_start3A_130] : memref<10240x64xf32, #tpu.memory_space<vmem_shared>> -> memref<128x64xf32, #tpu.memory_space<vmem_shared>>
      %dma_start3A_132 = arith.constant 0 : i32
      %dma_start3A_133 = arith.constant 0 : i32
      %dma_start3A_134 = tpu.memref_slice %arg7[%run_scoped3A_22, %dma_start3A_132, %dma_start3A_133] : memref<4x128x64xf32, #tpu.memory_space<vmem>> -> memref<1x128x64xf32, #tpu.memory_space<vmem>>
      %dma_start3A_135 = tpu.memref_squeeze %dma_start3A_134 : memref<1x128x64xf32, #tpu.memory_space<vmem>> -> memref<128x64xf32, #tpu.memory_space<vmem>>
      tpu.enqueue_dma source(%dma_start3A_135 : memref<128x64xf32, #tpu.memory_space<vmem>>) target(%dma_start3A_131 : memref<128x64xf32, #tpu.memory_space<vmem_shared>>) target_semaphore(%run_scoped3A_123 : memref<!tpu.dma_semaphore, #tpu.memory_space<semaphore_mem>>)
      %dma_wait3A_136 = arith.constant 0 : i32
      %dma_wait3A_137 = arith.constant 0 : i32
      %dma_wait3A_138 = tpu.memref_slice %arg7[%run_scoped3A_22, %dma_wait3A_136, %dma_wait3A_137] : memref<4x128x64xf32, #tpu.memory_space<vmem>> -> memref<1x128x64xf32, #tpu.memory_space<vmem>>
      %dma_wait3A_139 = tpu.memref_squeeze %dma_wait3A_138 : memref<1x128x64xf32, #tpu.memory_space<vmem>> -> memref<128x64xf32, #tpu.memory_space<vmem>>
      %dma_wait3A_140 = arith.constant 0 : i32
      %dma_wait3A_141 = tpu.memref_slice %arg17[%add3A_21, %dma_wait3A_140] : memref<10240x64xf32, #tpu.memory_space<vmem_shared>> -> memref<128x64xf32, #tpu.memory_space<vmem_shared>>
      %dma_wait3A_142 = arith.constant 0 : i32
      %dma_wait3A_143 = tpu.memref_slice %arg17[%add3A_21, %dma_wait3A_142] : memref<10240x64xf32, #tpu.memory_space<vmem_shared>> -> memref<128x64xf32, #tpu.memory_space<vmem_shared>>
      %dma_wait3A_144 = arith.constant 0 : i32
      %dma_wait3A_145 = arith.constant 0 : i32
      %dma_wait3A_146 = tpu.memref_slice %arg7[%run_scoped3A_22, %dma_wait3A_144, %dma_wait3A_145] : memref<4x128x64xf32, #tpu.memory_space<vmem>> -> memref<1x128x64xf32, #tpu.memory_space<vmem>>
      %dma_wait3A_147 = tpu.memref_squeeze %dma_wait3A_146 : memref<1x128x64xf32, #tpu.memory_space<vmem>> -> memref<128x64xf32, #tpu.memory_space<vmem>>
      tpu.wait_dma2 semaphore(%run_scoped3A_123 : memref<!tpu.dma_semaphore, #tpu.memory_space<semaphore_mem>>) src(%dma_wait3A_147 : memref<128x64xf32, #tpu.memory_space<vmem>>) dst(%dma_wait3A_143 : memref<128x64xf32, #tpu.memory_space<vmem_shared>>)
      tpu.yield
    }) : () -> ()
    %mul3A_23 = arith.constant 640 : i32
    %mul3A_24 = arith.muli %arg1, %mul3A_23 : i32
    %add3A_25 = arith.constant 512 : i32
    %add3A_26 = arith.addi %mul3A_24, %add3A_25 : i32
    %run_scoped3A_27 = arith.constant 0 : i32
    "tpu.region"() ({
      %run_scoped3A_123 = tpu.sem_alloc : memref<!tpu.dma_semaphore, #tpu.memory_space<semaphore_mem>>
      %dma_start3A_124 = arith.constant 0 : i32
      %dma_start3A_125 = arith.constant 0 : i32
      %dma_start3A_126 = tpu.memref_slice %arg7[%run_scoped3A_27, %dma_start3A_124, %dma_start3A_125] : memref<4x128x64xf32, #tpu.memory_space<vmem>> -> memref<1x128x64xf32, #tpu.memory_space<vmem>>
      %dma_start3A_127 = tpu.memref_squeeze %dma_start3A_126 : memref<1x128x64xf32, #tpu.memory_space<vmem>> -> memref<128x64xf32, #tpu.memory_space<vmem>>
      %dma_start3A_128 = arith.constant 0 : i32
      %dma_start3A_129 = tpu.memref_slice %arg17[%add3A_26, %dma_start3A_128] : memref<10240x64xf32, #tpu.memory_space<vmem_shared>> -> memref<128x64xf32, #tpu.memory_space<vmem_shared>>
      %dma_start3A_130 = arith.constant 0 : i32
      %dma_start3A_131 = tpu.memref_slice %arg17[%add3A_26, %dma_start3A_130] : memref<10240x64xf32, #tpu.memory_space<vmem_shared>> -> memref<128x64xf32, #tpu.memory_space<vmem_shared>>
      %dma_start3A_132 = arith.constant 0 : i32
      %dma_start3A_133 = arith.constant 0 : i32
      %dma_start3A_134 = tpu.memref_slice %arg7[%run_scoped3A_27, %dma_start3A_132, %dma_start3A_133] : memref<4x128x64xf32, #tpu.memory_space<vmem>> -> memref<1x128x64xf32, #tpu.memory_space<vmem>>
      %dma_start3A_135 = tpu.memref_squeeze %dma_start3A_134 : memref<1x128x64xf32, #tpu.memory_space<vmem>> -> memref<128x64xf32, #tpu.memory_space<vmem>>
      tpu.enqueue_dma source(%dma_start3A_135 : memref<128x64xf32, #tpu.memory_space<vmem>>) target(%dma_start3A_131 : memref<128x64xf32, #tpu.memory_space<vmem_shared>>) target_semaphore(%run_scoped3A_123 : memref<!tpu.dma_semaphore, #tpu.memory_space<semaphore_mem>>)
      %dma_wait3A_136 = arith.constant 0 : i32
      %dma_wait3A_137 = arith.constant 0 : i32
      %dma_wait3A_138 = tpu.memref_slice %arg7[%run_scoped3A_27, %dma_wait3A_136, %dma_wait3A_137] : memref<4x128x64xf32, #tpu.memory_space<vmem>> -> memref<1x128x64xf32, #tpu.memory_space<vmem>>
      %dma_wait3A_139 = tpu.memref_squeeze %dma_wait3A_138 : memref<1x128x64xf32, #tpu.memory_space<vmem>> -> memref<128x64xf32, #tpu.memory_space<vmem>>
      %dma_wait3A_140 = arith.constant 0 : i32
      %dma_wait3A_141 = tpu.memref_slice %arg17[%add3A_26, %dma_wait3A_140] : memref<10240x64xf32, #tpu.memory_space<vmem_shared>> -> memref<128x64xf32, #tpu.memory_space<vmem_shared>>
      %dma_wait3A_142 = arith.constant 0 : i32
      %dma_wait3A_143 = tpu.memref_slice %arg17[%add3A_26, %dma_wait3A_142] : memref<10240x64xf32, #tpu.memory_space<vmem_shared>> -> memref<128x64xf32, #tpu.memory_space<vmem_shared>>
      %dma_wait3A_144 = arith.constant 0 : i32
      %dma_wait3A_145 = arith.constant 0 : i32
      %dma_wait3A_146 = tpu.memref_slice %arg7[%run_scoped3A_27, %dma_wait3A_144, %dma_wait3A_145] : memref<4x128x64xf32, #tpu.memory_space<vmem>> -> memref<1x128x64xf32, #tpu.memory_space<vmem>>
      %dma_wait3A_147 = tpu.memref_squeeze %dma_wait3A_146 : memref<1x128x64xf32, #tpu.memory_space<vmem>> -> memref<128x64xf32, #tpu.memory_space<vmem>>
      tpu.wait_dma2 semaphore(%run_scoped3A_123 : memref<!tpu.dma_semaphore, #tpu.memory_space<semaphore_mem>>) src(%dma_wait3A_147 : memref<128x64xf32, #tpu.memory_space<vmem>>) dst(%dma_wait3A_143 : memref<128x64xf32, #tpu.memory_space<vmem_shared>>)
      tpu.yield
    }) : () -> ()
    %barrier3A = arith.constant 0 : index
    tpu.barrier barrier_id(%barrier3A)
    %mul3A_28 = arith.constant 327680 : i32
    %mul3A_29 = arith.muli %arg0, %mul3A_28 : i32
    %mul3A_30 = arith.constant 20480 : i32
    %mul3A_31 = arith.muli %arg1, %mul3A_30 : i32
    %add3A_32 = arith.addi %mul3A_29, %mul3A_31 : i32
    %add3A_33 = arith.constant 0 : i32
    %add3A_34 = arith.addi %add3A_32, %add3A_33 : i32
    %dma_start3A = tpu.memref_slice %arg3[%add3A_34] : memref<655360xi32, #tpu.memory_space<hbm>> -> memref<128xi32, #tpu.memory_space<hbm>>
    %dma_start3A_35 = tpu.memref_slice %arg3[%add3A_34] : memref<655360xi32, #tpu.memory_space<hbm>> -> memref<128xi32, #tpu.memory_space<hbm>>
    tpu.enqueue_dma source(%dma_start3A_35 : memref<128xi32, #tpu.memory_space<hbm>>) target(%arg9 : memref<128xi32, #tpu.memory_space<vmem>>) target_semaphore(%arg20 : memref<!tpu.dma_semaphore, #tpu.memory_space<semaphore_mem>>)
    %add3A_36 = arith.constant 128 : i32
    %add3A_37 = arith.addi %add3A_32, %add3A_36 : i32
    %dma_start3A_38 = tpu.memref_slice %arg3[%add3A_37] : memref<655360xi32, #tpu.memory_space<hbm>> -> memref<128xi32, #tpu.memory_space<hbm>>
    %dma_start3A_39 = tpu.memref_slice %arg3[%add3A_37] : memref<655360xi32, #tpu.memory_space<hbm>> -> memref<128xi32, #tpu.memory_space<hbm>>
    tpu.enqueue_dma source(%dma_start3A_39 : memref<128xi32, #tpu.memory_space<hbm>>) target(%arg10 : memref<128xi32, #tpu.memory_space<vmem>>) target_semaphore(%arg20 : memref<!tpu.dma_semaphore, #tpu.memory_space<semaphore_mem>>)
    %add3A_40 = arith.constant 256 : i32
    %add3A_41 = arith.addi %add3A_32, %add3A_40 : i32
    %dma_start3A_42 = tpu.memref_slice %arg3[%add3A_41] : memref<655360xi32, #tpu.memory_space<hbm>> -> memref<128xi32, #tpu.memory_space<hbm>>
    %dma_start3A_43 = tpu.memref_slice %arg3[%add3A_41] : memref<655360xi32, #tpu.memory_space<hbm>> -> memref<128xi32, #tpu.memory_space<hbm>>
    tpu.enqueue_dma source(%dma_start3A_43 : memref<128xi32, #tpu.memory_space<hbm>>) target(%arg11 : memref<128xi32, #tpu.memory_space<vmem>>) target_semaphore(%arg20 : memref<!tpu.dma_semaphore, #tpu.memory_space<semaphore_mem>>)
    %add3A_44 = arith.constant 384 : i32
    %add3A_45 = arith.addi %add3A_32, %add3A_44 : i32
    %dma_start3A_46 = tpu.memref_slice %arg3[%add3A_45] : memref<655360xi32, #tpu.memory_space<hbm>> -> memref<128xi32, #tpu.memory_space<hbm>>
    %dma_start3A_47 = tpu.memref_slice %arg3[%add3A_45] : memref<655360xi32, #tpu.memory_space<hbm>> -> memref<128xi32, #tpu.memory_space<hbm>>
    tpu.enqueue_dma source(%dma_start3A_47 : memref<128xi32, #tpu.memory_space<hbm>>) target(%arg12 : memref<128xi32, #tpu.memory_space<vmem>>) target_semaphore(%arg20 : memref<!tpu.dma_semaphore, #tpu.memory_space<semaphore_mem>>)
    %add3A_48 = arith.constant 512 : i32
    %add3A_49 = arith.addi %add3A_32, %add3A_48 : i32
    %dma_start3A_50 = tpu.memref_slice %arg3[%add3A_49] : memref<655360xi32, #tpu.memory_space<hbm>> -> memref<128xi32, #tpu.memory_space<hbm>>
    %dma_start3A_51 = tpu.memref_slice %arg3[%add3A_49] : memref<655360xi32, #tpu.memory_space<hbm>> -> memref<128xi32, #tpu.memory_space<hbm>>
    tpu.enqueue_dma source(%dma_start3A_51 : memref<128xi32, #tpu.memory_space<hbm>>) target(%arg13 : memref<128xi32, #tpu.memory_space<vmem>>) target_semaphore(%arg20 : memref<!tpu.dma_semaphore, #tpu.memory_space<semaphore_mem>>)
    %add3A_52 = arith.constant 640 : i32
    %add3A_53 = arith.addi %add3A_32, %add3A_52 : i32
    %dma_start3A_54 = tpu.memref_slice %arg3[%add3A_53] : memref<655360xi32, #tpu.memory_space<hbm>> -> memref<128xi32, #tpu.memory_space<hbm>>
    %dma_start3A_55 = tpu.memref_slice %arg3[%add3A_53] : memref<655360xi32, #tpu.memory_space<hbm>> -> memref<128xi32, #tpu.memory_space<hbm>>
    tpu.enqueue_dma source(%dma_start3A_55 : memref<128xi32, #tpu.memory_space<hbm>>) target(%arg14 : memref<128xi32, #tpu.memory_space<vmem>>) target_semaphore(%arg20 : memref<!tpu.dma_semaphore, #tpu.memory_space<semaphore_mem>>)
    %add3A_56 = arith.constant 768 : i32
    %add3A_57 = arith.addi %add3A_32, %add3A_56 : i32
    %dma_start3A_58 = tpu.memref_slice %arg3[%add3A_57] : memref<655360xi32, #tpu.memory_space<hbm>> -> memref<128xi32, #tpu.memory_space<hbm>>
    %dma_start3A_59 = tpu.memref_slice %arg3[%add3A_57] : memref<655360xi32, #tpu.memory_space<hbm>> -> memref<128xi32, #tpu.memory_space<hbm>>
    tpu.enqueue_dma source(%dma_start3A_59 : memref<128xi32, #tpu.memory_space<hbm>>) target(%arg15 : memref<128xi32, #tpu.memory_space<vmem>>) target_semaphore(%arg20 : memref<!tpu.dma_semaphore, #tpu.memory_space<semaphore_mem>>)
    %add3A_60 = arith.constant 896 : i32
    %add3A_61 = arith.addi %add3A_32, %add3A_60 : i32
    %dma_start3A_62 = tpu.memref_slice %arg3[%add3A_61] : memref<655360xi32, #tpu.memory_space<hbm>> -> memref<128xi32, #tpu.memory_space<hbm>>
    %dma_start3A_63 = tpu.memref_slice %arg3[%add3A_61] : memref<655360xi32, #tpu.memory_space<hbm>> -> memref<128xi32, #tpu.memory_space<hbm>>
    tpu.enqueue_dma source(%dma_start3A_63 : memref<128xi32, #tpu.memory_space<hbm>>) target(%arg16 : memref<128xi32, #tpu.memory_space<vmem>>) target_semaphore(%arg20 : memref<!tpu.dma_semaphore, #tpu.memory_space<semaphore_mem>>)
    %add3A_64 = arith.constant 0 : i32
    %add3A_65 = arith.addi %add3A_32, %add3A_64 : i32
    %dma_wait3A = tpu.memref_slice %arg3[%add3A_65] : memref<655360xi32, #tpu.memory_space<hbm>> -> memref<128xi32, #tpu.memory_space<hbm>>
    %dma_wait3A_66 = tpu.memref_slice %arg3[%add3A_65] : memref<655360xi32, #tpu.memory_space<hbm>> -> memref<128xi32, #tpu.memory_space<hbm>>
    tpu.wait_dma2 semaphore(%arg20 : memref<!tpu.dma_semaphore, #tpu.memory_space<semaphore_mem>>) src(%dma_wait3A_66 : memref<128xi32, #tpu.memory_space<hbm>>) dst(%arg9 : memref<128xi32, #tpu.memory_space<vmem>>)
    %add3A_67 = arith.constant 128 : i32
    %add3A_68 = arith.addi %add3A_32, %add3A_67 : i32
    %dma_wait3A_69 = tpu.memref_slice %arg3[%add3A_68] : memref<655360xi32, #tpu.memory_space<hbm>> -> memref<128xi32, #tpu.memory_space<hbm>>
    %dma_wait3A_70 = tpu.memref_slice %arg3[%add3A_68] : memref<655360xi32, #tpu.memory_space<hbm>> -> memref<128xi32, #tpu.memory_space<hbm>>
    tpu.wait_dma2 semaphore(%arg20 : memref<!tpu.dma_semaphore, #tpu.memory_space<semaphore_mem>>) src(%dma_wait3A_70 : memref<128xi32, #tpu.memory_space<hbm>>) dst(%arg10 : memref<128xi32, #tpu.memory_space<vmem>>)
    %add3A_71 = arith.constant 256 : i32
    %add3A_72 = arith.addi %add3A_32, %add3A_71 : i32
    %dma_wait3A_73 = tpu.memref_slice %arg3[%add3A_72] : memref<655360xi32, #tpu.memory_space<hbm>> -> memref<128xi32, #tpu.memory_space<hbm>>
    %dma_wait3A_74 = tpu.memref_slice %arg3[%add3A_72] : memref<655360xi32, #tpu.memory_space<hbm>> -> memref<128xi32, #tpu.memory_space<hbm>>
    tpu.wait_dma2 semaphore(%arg20 : memref<!tpu.dma_semaphore, #tpu.memory_space<semaphore_mem>>) src(%dma_wait3A_74 : memref<128xi32, #tpu.memory_space<hbm>>) dst(%arg11 : memref<128xi32, #tpu.memory_space<vmem>>)
    %add3A_75 = arith.constant 384 : i32
    %add3A_76 = arith.addi %add3A_32, %add3A_75 : i32
    %dma_wait3A_77 = tpu.memref_slice %arg3[%add3A_76] : memref<655360xi32, #tpu.memory_space<hbm>> -> memref<128xi32, #tpu.memory_space<hbm>>
    %dma_wait3A_78 = tpu.memref_slice %arg3[%add3A_76] : memref<655360xi32, #tpu.memory_space<hbm>> -> memref<128xi32, #tpu.memory_space<hbm>>
    tpu.wait_dma2 semaphore(%arg20 : memref<!tpu.dma_semaphore, #tpu.memory_space<semaphore_mem>>) src(%dma_wait3A_78 : memref<128xi32, #tpu.memory_space<hbm>>) dst(%arg12 : memref<128xi32, #tpu.memory_space<vmem>>)
    %dma_start3A_79 = arith.constant 0 : i32
    %dma_start3A_80 = arith.constant 0 : i32
    %dma_start3A_81 = arith.constant 0 : i32
    %dma_start3A_82 = tpu.memref_slice %arg7[%dma_start3A_79, %dma_start3A_80, %dma_start3A_81] : memref<4x128x64xf32, #tpu.memory_space<vmem>> -> memref<1x128x64xf32, #tpu.memory_space<vmem>>
    %dma_start3A_83 = tpu.memref_squeeze %dma_start3A_82 : memref<1x128x64xf32, #tpu.memory_space<vmem>> -> memref<128x64xf32, #tpu.memory_space<vmem>>
    %dma_start3A_84 = arith.constant 0 : i32
    %dma_start3A_85 = arith.constant 0 : i32
    %dma_start3A_86 = tpu.memref_slice %arg2[%dma_start3A_84, %dma_start3A_85] : memref<20480x64xf32, #tpu.memory_space<hbm>> -> memref<20480x64xf32, #tpu.memory_space<hbm>>
    tpu.enqueue_indirect_dma source(%dma_start3A_86 : memref<20480x64xf32, #tpu.memory_space<hbm>>) target(%dma_start3A_83 : memref<128x64xf32, #tpu.memory_space<vmem>>) offsets(%arg9 : memref<128xi32, #tpu.memory_space<vmem>>) semaphore(%arg18 : memref<!tpu.dma_semaphore, #tpu.memory_space<semaphore_mem>>)
    %dma_start3A_87 = arith.constant 1 : i32
    %dma_start3A_88 = arith.constant 0 : i32
    %dma_start3A_89 = arith.constant 0 : i32
    %dma_start3A_90 = tpu.memref_slice %arg7[%dma_start3A_87, %dma_start3A_88, %dma_start3A_89] : memref<4x128x64xf32, #tpu.memory_space<vmem>> -> memref<1x128x64xf32, #tpu.memory_space<vmem>>
    %dma_start3A_91 = tpu.memref_squeeze %dma_start3A_90 : memref<1x128x64xf32, #tpu.memory_space<vmem>> -> memref<128x64xf32, #tpu.memory_space<vmem>>
    %dma_start3A_92 = arith.constant 0 : i32
    %dma_start3A_93 = arith.constant 0 : i32
    %dma_start3A_94 = tpu.memref_slice %arg2[%dma_start3A_92, %dma_start3A_93] : memref<20480x64xf32, #tpu.memory_space<hbm>> -> memref<20480x64xf32, #tpu.memory_space<hbm>>
    tpu.enqueue_indirect_dma source(%dma_start3A_94 : memref<20480x64xf32, #tpu.memory_space<hbm>>) target(%dma_start3A_91 : memref<128x64xf32, #tpu.memory_space<vmem>>) offsets(%arg10 : memref<128xi32, #tpu.memory_space<vmem>>) semaphore(%arg18 : memref<!tpu.dma_semaphore, #tpu.memory_space<semaphore_mem>>)
    %dma_start3A_95 = arith.constant 2 : i32
    %dma_start3A_96 = arith.constant 0 : i32
    %dma_start3A_97 = arith.constant 0 : i32
    %dma_start3A_98 = tpu.memref_slice %arg7[%dma_start3A_95, %dma_start3A_96, %dma_start3A_97] : memref<4x128x64xf32, #tpu.memory_space<vmem>> -> memref<1x128x64xf32, #tpu.memory_space<vmem>>
    %dma_start3A_99 = tpu.memref_squeeze %dma_start3A_98 : memref<1x128x64xf32, #tpu.memory_space<vmem>> -> memref<128x64xf32, #tpu.memory_space<vmem>>
    %dma_start3A_100 = arith.constant 0 : i32
    %dma_start3A_101 = arith.constant 0 : i32
    %dma_start3A_102 = tpu.memref_slice %arg2[%dma_start3A_100, %dma_start3A_101] : memref<20480x64xf32, #tpu.memory_space<hbm>> -> memref<20480x64xf32, #tpu.memory_space<hbm>>
    tpu.enqueue_indirect_dma source(%dma_start3A_102 : memref<20480x64xf32, #tpu.memory_space<hbm>>) target(%dma_start3A_99 : memref<128x64xf32, #tpu.memory_space<vmem>>) offsets(%arg11 : memref<128xi32, #tpu.memory_space<vmem>>) semaphore(%arg18 : memref<!tpu.dma_semaphore, #tpu.memory_space<semaphore_mem>>)
    %dma_start3A_103 = arith.constant 3 : i32
    %dma_start3A_104 = arith.constant 0 : i32
    %dma_start3A_105 = arith.constant 0 : i32
    %dma_start3A_106 = tpu.memref_slice %arg7[%dma_start3A_103, %dma_start3A_104, %dma_start3A_105] : memref<4x128x64xf32, #tpu.memory_space<vmem>> -> memref<1x128x64xf32, #tpu.memory_space<vmem>>
    %dma_start3A_107 = tpu.memref_squeeze %dma_start3A_106 : memref<1x128x64xf32, #tpu.memory_space<vmem>> -> memref<128x64xf32, #tpu.memory_space<vmem>>
    %dma_start3A_108 = arith.constant 0 : i32
    %dma_start3A_109 = arith.constant 0 : i32
    %dma_start3A_110 = tpu.memref_slice %arg2[%dma_start3A_108, %dma_start3A_109] : memref<20480x64xf32, #tpu.memory_space<hbm>> -> memref<20480x64xf32, #tpu.memory_space<hbm>>
    tpu.enqueue_indirect_dma source(%dma_start3A_110 : memref<20480x64xf32, #tpu.memory_space<hbm>>) target(%dma_start3A_107 : memref<128x64xf32, #tpu.memory_space<vmem>>) offsets(%arg12 : memref<128xi32, #tpu.memory_space<vmem>>) semaphore(%arg18 : memref<!tpu.dma_semaphore, #tpu.memory_space<semaphore_mem>>)
    %scan3A_111 = arith.constant 0 : i32
    %scan3A_112 = arith.constant 20 : i32
    %scan3A_113 = arith.addi %scan3A_111, %scan3A_112 : i32
    %scan3A_114 = arith.constant 1 : i32
    scf.for %scan3A_123 = %scan3A_111 to %scan3A_113 step %scan3A_114  : i32 {
      %mul3A_124 = arith.constant 1 : i32
      %mul3A_125 = arith.muli %scan3A_123, %mul3A_124 : i32
      %add3A_126 = arith.constant 0 : i32
      %add3A_127 = arith.addi %add3A_126, %mul3A_125 : i32
      %mul3A_128 = arith.constant 2 : i32
      %mul3A_129 = arith.muli %mul3A_128, %add3A_127 : i32
      %add3A_130 = arith.constant 0 : i32
      %add3A_131 = arith.addi %mul3A_129, %add3A_130 : i32
      %dma_wait3A_132 = arith.constant 0 : i32
      %dma_wait3A_133 = arith.constant 0 : i32
      %dma_wait3A_134 = arith.constant 0 : i32
      %dma_wait3A_135 = tpu.memref_slice %arg7[%dma_wait3A_132, %dma_wait3A_133, %dma_wait3A_134] : memref<4x128x64xf32, #tpu.memory_space<vmem>> -> memref<1x128x64xf32, #tpu.memory_space<vmem>>
      %dma_wait3A_136 = tpu.memref_squeeze %dma_wait3A_135 : memref<1x128x64xf32, #tpu.memory_space<vmem>> -> memref<128x64xf32, #tpu.memory_space<vmem>>
      %dma_wait3A_137 = arith.constant 0 : i32
      %dma_wait3A_138 = arith.constant 0 : i32
      %dma_wait3A_139 = tpu.memref_slice %arg2[%dma_wait3A_137, %dma_wait3A_138] : memref<20480x64xf32, #tpu.memory_space<hbm>> -> memref<20480x64xf32, #tpu.memory_space<hbm>>
      tpu.wait_indirect_dma semaphore(%arg18 : memref<!tpu.dma_semaphore, #tpu.memory_space<semaphore_mem>>) src(%dma_wait3A_139 : memref<20480x64xf32, #tpu.memory_space<hbm>>) dst(%dma_wait3A_136 : memref<128x64xf32, #tpu.memory_space<vmem>>)
      %dma_wait3A_140 = arith.constant 1 : i32
      %dma_wait3A_141 = arith.constant 0 : i32
      %dma_wait3A_142 = arith.constant 0 : i32
      %dma_wait3A_143 = tpu.memref_slice %arg7[%dma_wait3A_140, %dma_wait3A_141, %dma_wait3A_142] : memref<4x128x64xf32, #tpu.memory_space<vmem>> -> memref<1x128x64xf32, #tpu.memory_space<vmem>>
      %dma_wait3A_144 = tpu.memref_squeeze %dma_wait3A_143 : memref<1x128x64xf32, #tpu.memory_space<vmem>> -> memref<128x64xf32, #tpu.memory_space<vmem>>
      %dma_wait3A_145 = arith.constant 0 : i32
      %dma_wait3A_146 = arith.constant 0 : i32
      %dma_wait3A_147 = tpu.memref_slice %arg2[%dma_wait3A_145, %dma_wait3A_146] : memref<20480x64xf32, #tpu.memory_space<hbm>> -> memref<20480x64xf32, #tpu.memory_space<hbm>>
      tpu.wait_indirect_dma semaphore(%arg18 : memref<!tpu.dma_semaphore, #tpu.memory_space<semaphore_mem>>) src(%dma_wait3A_147 : memref<20480x64xf32, #tpu.memory_space<hbm>>) dst(%dma_wait3A_144 : memref<128x64xf32, #tpu.memory_space<vmem>>)
      %dma_wait3A_148 = arith.constant 2 : i32
      %dma_wait3A_149 = arith.constant 0 : i32
      %dma_wait3A_150 = arith.constant 0 : i32
      %dma_wait3A_151 = tpu.memref_slice %arg7[%dma_wait3A_148, %dma_wait3A_149, %dma_wait3A_150] : memref<4x128x64xf32, #tpu.memory_space<vmem>> -> memref<1x128x64xf32, #tpu.memory_space<vmem>>
      %dma_wait3A_152 = tpu.memref_squeeze %dma_wait3A_151 : memref<1x128x64xf32, #tpu.memory_space<vmem>> -> memref<128x64xf32, #tpu.memory_space<vmem>>
      %dma_wait3A_153 = arith.constant 0 : i32
      %dma_wait3A_154 = arith.constant 0 : i32
      %dma_wait3A_155 = tpu.memref_slice %arg2[%dma_wait3A_153, %dma_wait3A_154] : memref<20480x64xf32, #tpu.memory_space<hbm>> -> memref<20480x64xf32, #tpu.memory_space<hbm>>
      tpu.wait_indirect_dma semaphore(%arg18 : memref<!tpu.dma_semaphore, #tpu.memory_space<semaphore_mem>>) src(%dma_wait3A_155 : memref<20480x64xf32, #tpu.memory_space<hbm>>) dst(%dma_wait3A_152 : memref<128x64xf32, #tpu.memory_space<vmem>>)
      %dma_wait3A_156 = arith.constant 3 : i32
      %dma_wait3A_157 = arith.constant 0 : i32
      %dma_wait3A_158 = arith.constant 0 : i32
      %dma_wait3A_159 = tpu.memref_slice %arg7[%dma_wait3A_156, %dma_wait3A_157, %dma_wait3A_158] : memref<4x128x64xf32, #tpu.memory_space<vmem>> -> memref<1x128x64xf32, #tpu.memory_space<vmem>>
      %dma_wait3A_160 = tpu.memref_squeeze %dma_wait3A_159 : memref<1x128x64xf32, #tpu.memory_space<vmem>> -> memref<128x64xf32, #tpu.memory_space<vmem>>
      %dma_wait3A_161 = arith.constant 0 : i32
      %dma_wait3A_162 = arith.constant 0 : i32
      %dma_wait3A_163 = tpu.memref_slice %arg2[%dma_wait3A_161, %dma_wait3A_162] : memref<20480x64xf32, #tpu.memory_space<hbm>> -> memref<20480x64xf32, #tpu.memory_space<hbm>>
      tpu.wait_indirect_dma semaphore(%arg18 : memref<!tpu.dma_semaphore, #tpu.memory_space<semaphore_mem>>) src(%dma_wait3A_163 : memref<20480x64xf32, #tpu.memory_space<hbm>>) dst(%dma_wait3A_160 : memref<128x64xf32, #tpu.memory_space<vmem>>)
      %add3A_164 = arith.constant 2 : i32
      %add3A_165 = arith.addi %add3A_131, %add3A_164 : i32
      %lt3A = arith.constant 40 : i32
      %lt3A_166 = arith.cmpi slt, %add3A_165, %lt3A : i32
      %convert_element_type3A = arith.extui %lt3A_166 : i1 to i32
      %cond3A = arith.constant 0 : i32
      %cond3A_167 = arith.cmpi ne, %convert_element_type3A, %cond3A : i32
      scf.if %cond3A_167 {
        %add3A_465 = arith.constant 2 : i32
        %add3A_466 = arith.addi %add3A_131, %add3A_465 : i32
        %mul3A_467 = arith.constant 4 : i32
        %mul3A_468 = arith.muli %add3A_466, %mul3A_467 : i32
        %add3A_469 = arith.constant 0 : i32
        %add3A_470 = arith.addi %mul3A_468, %add3A_469 : i32
        %mul3A_471 = arith.constant 128 : i32
        %mul3A_472 = arith.muli %add3A_470, %mul3A_471 : i32
        %add3A_473 = arith.addi %add3A_32, %mul3A_472 : i32
        %dma_start3A_474 = tpu.memref_slice %arg3[%add3A_473] : memref<655360xi32, #tpu.memory_space<hbm>> -> memref<128xi32, #tpu.memory_space<hbm>>
        %dma_start3A_475 = tpu.memref_slice %arg3[%add3A_473] : memref<655360xi32, #tpu.memory_space<hbm>> -> memref<128xi32, #tpu.memory_space<hbm>>
        tpu.enqueue_dma source(%dma_start3A_475 : memref<128xi32, #tpu.memory_space<hbm>>) target(%arg9 : memref<128xi32, #tpu.memory_space<vmem>>) target_semaphore(%arg20 : memref<!tpu.dma_semaphore, #tpu.memory_space<semaphore_mem>>)
        %mul3A_476 = arith.constant 4 : i32
        %mul3A_477 = arith.muli %add3A_466, %mul3A_476 : i32
        %add3A_478 = arith.constant 1 : i32
        %add3A_479 = arith.addi %mul3A_477, %add3A_478 : i32
        %mul3A_480 = arith.constant 128 : i32
        %mul3A_481 = arith.muli %add3A_479, %mul3A_480 : i32
        %add3A_482 = arith.addi %add3A_32, %mul3A_481 : i32
        %dma_start3A_483 = tpu.memref_slice %arg3[%add3A_482] : memref<655360xi32, #tpu.memory_space<hbm>> -> memref<128xi32, #tpu.memory_space<hbm>>
        %dma_start3A_484 = tpu.memref_slice %arg3[%add3A_482] : memref<655360xi32, #tpu.memory_space<hbm>> -> memref<128xi32, #tpu.memory_space<hbm>>
        tpu.enqueue_dma source(%dma_start3A_484 : memref<128xi32, #tpu.memory_space<hbm>>) target(%arg10 : memref<128xi32, #tpu.memory_space<vmem>>) target_semaphore(%arg20 : memref<!tpu.dma_semaphore, #tpu.memory_space<semaphore_mem>>)
        %mul3A_485 = arith.constant 4 : i32
        %mul3A_486 = arith.muli %add3A_466, %mul3A_485 : i32
        %add3A_487 = arith.constant 2 : i32
        %add3A_488 = arith.addi %mul3A_486, %add3A_487 : i32
        %mul3A_489 = arith.constant 128 : i32
        %mul3A_490 = arith.muli %add3A_488, %mul3A_489 : i32
        %add3A_491 = arith.addi %add3A_32, %mul3A_490 : i32
        %dma_start3A_492 = tpu.memref_slice %arg3[%add3A_491] : memref<655360xi32, #tpu.memory_space<hbm>> -> memref<128xi32, #tpu.memory_space<hbm>>
        %dma_start3A_493 = tpu.memref_slice %arg3[%add3A_491] : memref<655360xi32, #tpu.memory_space<hbm>> -> memref<128xi32, #tpu.memory_space<hbm>>
        tpu.enqueue_dma source(%dma_start3A_493 : memref<128xi32, #tpu.memory_space<hbm>>) target(%arg11 : memref<128xi32, #tpu.memory_space<vmem>>) target_semaphore(%arg20 : memref<!tpu.dma_semaphore, #tpu.memory_space<semaphore_mem>>)
        %mul3A_494 = arith.constant 4 : i32
        %mul3A_495 = arith.muli %add3A_466, %mul3A_494 : i32
        %add3A_496 = arith.constant 3 : i32
        %add3A_497 = arith.addi %mul3A_495, %add3A_496 : i32
        %mul3A_498 = arith.constant 128 : i32
        %mul3A_499 = arith.muli %add3A_497, %mul3A_498 : i32
        %add3A_500 = arith.addi %add3A_32, %mul3A_499 : i32
        %dma_start3A_501 = tpu.memref_slice %arg3[%add3A_500] : memref<655360xi32, #tpu.memory_space<hbm>> -> memref<128xi32, #tpu.memory_space<hbm>>
        %dma_start3A_502 = tpu.memref_slice %arg3[%add3A_500] : memref<655360xi32, #tpu.memory_space<hbm>> -> memref<128xi32, #tpu.memory_space<hbm>>
        tpu.enqueue_dma source(%dma_start3A_502 : memref<128xi32, #tpu.memory_space<hbm>>) target(%arg12 : memref<128xi32, #tpu.memory_space<vmem>>) target_semaphore(%arg20 : memref<!tpu.dma_semaphore, #tpu.memory_space<semaphore_mem>>)
      } else {
      }
      %add3A_168 = arith.constant 1 : i32
      %add3A_169 = arith.addi %add3A_131, %add3A_168 : i32
      %lt3A_170 = arith.constant 40 : i32
      %lt3A_171 = arith.cmpi slt, %add3A_169, %lt3A_170 : i32
      %convert_element_type3A_172 = arith.extui %lt3A_171 : i1 to i32
      %cond3A_173 = arith.constant 0 : i32
      %cond3A_174 = arith.cmpi ne, %convert_element_type3A_172, %cond3A_173 : i32
      scf.if %cond3A_174 {
        %add3A_465 = arith.constant 1 : i32
        %add3A_466 = arith.addi %add3A_131, %add3A_465 : i32
        %mul3A_467 = arith.constant 4 : i32
        %mul3A_468 = arith.muli %add3A_466, %mul3A_467 : i32
        %add3A_469 = arith.constant 0 : i32
        %add3A_470 = arith.addi %mul3A_468, %add3A_469 : i32
        %mul3A_471 = arith.constant 128 : i32
        %mul3A_472 = arith.muli %add3A_470, %mul3A_471 : i32
        %add3A_473 = arith.addi %add3A_32, %mul3A_472 : i32
        %dma_wait3A_474 = tpu.memref_slice %arg3[%add3A_473] : memref<655360xi32, #tpu.memory_space<hbm>> -> memref<128xi32, #tpu.memory_space<hbm>>
        %dma_wait3A_475 = tpu.memref_slice %arg3[%add3A_473] : memref<655360xi32, #tpu.memory_space<hbm>> -> memref<128xi32, #tpu.memory_space<hbm>>
        tpu.wait_dma2 semaphore(%arg20 : memref<!tpu.dma_semaphore, #tpu.memory_space<semaphore_mem>>) src(%dma_wait3A_475 : memref<128xi32, #tpu.memory_space<hbm>>) dst(%arg13 : memref<128xi32, #tpu.memory_space<vmem>>)
        %mul3A_476 = arith.constant 4 : i32
        %mul3A_477 = arith.muli %add3A_466, %mul3A_476 : i32
        %add3A_478 = arith.constant 1 : i32
        %add3A_479 = arith.addi %mul3A_477, %add3A_478 : i32
        %mul3A_480 = arith.constant 128 : i32
        %mul3A_481 = arith.muli %add3A_479, %mul3A_480 : i32
        %add3A_482 = arith.addi %add3A_32, %mul3A_481 : i32
        %dma_wait3A_483 = tpu.memref_slice %arg3[%add3A_482] : memref<655360xi32, #tpu.memory_space<hbm>> -> memref<128xi32, #tpu.memory_space<hbm>>
        %dma_wait3A_484 = tpu.memref_slice %arg3[%add3A_482] : memref<655360xi32, #tpu.memory_space<hbm>> -> memref<128xi32, #tpu.memory_space<hbm>>
        tpu.wait_dma2 semaphore(%arg20 : memref<!tpu.dma_semaphore, #tpu.memory_space<semaphore_mem>>) src(%dma_wait3A_484 : memref<128xi32, #tpu.memory_space<hbm>>) dst(%arg14 : memref<128xi32, #tpu.memory_space<vmem>>)
        %mul3A_485 = arith.constant 4 : i32
        %mul3A_486 = arith.muli %add3A_466, %mul3A_485 : i32
        %add3A_487 = arith.constant 2 : i32
        %add3A_488 = arith.addi %mul3A_486, %add3A_487 : i32
        %mul3A_489 = arith.constant 128 : i32
        %mul3A_490 = arith.muli %add3A_488, %mul3A_489 : i32
        %add3A_491 = arith.addi %add3A_32, %mul3A_490 : i32
        %dma_wait3A_492 = tpu.memref_slice %arg3[%add3A_491] : memref<655360xi32, #tpu.memory_space<hbm>> -> memref<128xi32, #tpu.memory_space<hbm>>
        %dma_wait3A_493 = tpu.memref_slice %arg3[%add3A_491] : memref<655360xi32, #tpu.memory_space<hbm>> -> memref<128xi32, #tpu.memory_space<hbm>>
        tpu.wait_dma2 semaphore(%arg20 : memref<!tpu.dma_semaphore, #tpu.memory_space<semaphore_mem>>) src(%dma_wait3A_493 : memref<128xi32, #tpu.memory_space<hbm>>) dst(%arg15 : memref<128xi32, #tpu.memory_space<vmem>>)
        %mul3A_494 = arith.constant 4 : i32
        %mul3A_495 = arith.muli %add3A_466, %mul3A_494 : i32
        %add3A_496 = arith.constant 3 : i32
        %add3A_497 = arith.addi %mul3A_495, %add3A_496 : i32
        %mul3A_498 = arith.constant 128 : i32
        %mul3A_499 = arith.muli %add3A_497, %mul3A_498 : i32
        %add3A_500 = arith.addi %add3A_32, %mul3A_499 : i32
        %dma_wait3A_501 = tpu.memref_slice %arg3[%add3A_500] : memref<655360xi32, #tpu.memory_space<hbm>> -> memref<128xi32, #tpu.memory_space<hbm>>
        %dma_wait3A_502 = tpu.memref_slice %arg3[%add3A_500] : memref<655360xi32, #tpu.memory_space<hbm>> -> memref<128xi32, #tpu.memory_space<hbm>>
        tpu.wait_dma2 semaphore(%arg20 : memref<!tpu.dma_semaphore, #tpu.memory_space<semaphore_mem>>) src(%dma_wait3A_502 : memref<128xi32, #tpu.memory_space<hbm>>) dst(%arg16 : memref<128xi32, #tpu.memory_space<vmem>>)
        %add3A_503 = arith.constant 1 : i32
        %add3A_504 = arith.addi %add3A_131, %add3A_503 : i32
        %dma_start3A_505 = arith.constant 0 : i32
        %dma_start3A_506 = arith.constant 0 : i32
        %dma_start3A_507 = arith.constant 0 : i32
        %dma_start3A_508 = tpu.memref_slice %arg8[%dma_start3A_505, %dma_start3A_506, %dma_start3A_507] : memref<4x128x64xf32, #tpu.memory_space<vmem>> -> memref<1x128x64xf32, #tpu.memory_space<vmem>>
        %dma_start3A_509 = tpu.memref_squeeze %dma_start3A_508 : memref<1x128x64xf32, #tpu.memory_space<vmem>> -> memref<128x64xf32, #tpu.memory_space<vmem>>
        %dma_start3A_510 = arith.constant 0 : i32
        %dma_start3A_511 = arith.constant 0 : i32
        %dma_start3A_512 = tpu.memref_slice %arg2[%dma_start3A_510, %dma_start3A_511] : memref<20480x64xf32, #tpu.memory_space<hbm>> -> memref<20480x64xf32, #tpu.memory_space<hbm>>
        tpu.enqueue_indirect_dma source(%dma_start3A_512 : memref<20480x64xf32, #tpu.memory_space<hbm>>) target(%dma_start3A_509 : memref<128x64xf32, #tpu.memory_space<vmem>>) offsets(%arg13 : memref<128xi32, #tpu.memory_space<vmem>>) semaphore(%arg18 : memref<!tpu.dma_semaphore, #tpu.memory_space<semaphore_mem>>)
        %dma_start3A_513 = arith.constant 1 : i32
        %dma_start3A_514 = arith.constant 0 : i32
        %dma_start3A_515 = arith.constant 0 : i32
        %dma_start3A_516 = tpu.memref_slice %arg8[%dma_start3A_513, %dma_start3A_514, %dma_start3A_515] : memref<4x128x64xf32, #tpu.memory_space<vmem>> -> memref<1x128x64xf32, #tpu.memory_space<vmem>>
        %dma_start3A_517 = tpu.memref_squeeze %dma_start3A_516 : memref<1x128x64xf32, #tpu.memory_space<vmem>> -> memref<128x64xf32, #tpu.memory_space<vmem>>
        %dma_start3A_518 = arith.constant 0 : i32
        %dma_start3A_519 = arith.constant 0 : i32
        %dma_start3A_520 = tpu.memref_slice %arg2[%dma_start3A_518, %dma_start3A_519] : memref<20480x64xf32, #tpu.memory_space<hbm>> -> memref<20480x64xf32, #tpu.memory_space<hbm>>
        tpu.enqueue_indirect_dma source(%dma_start3A_520 : memref<20480x64xf32, #tpu.memory_space<hbm>>) target(%dma_start3A_517 : memref<128x64xf32, #tpu.memory_space<vmem>>) offsets(%arg14 : memref<128xi32, #tpu.memory_space<vmem>>) semaphore(%arg18 : memref<!tpu.dma_semaphore, #tpu.memory_space<semaphore_mem>>)
        %dma_start3A_521 = arith.constant 2 : i32
        %dma_start3A_522 = arith.constant 0 : i32
        %dma_start3A_523 = arith.constant 0 : i32
        %dma_start3A_524 = tpu.memref_slice %arg8[%dma_start3A_521, %dma_start3A_522, %dma_start3A_523] : memref<4x128x64xf32, #tpu.memory_space<vmem>> -> memref<1x128x64xf32, #tpu.memory_space<vmem>>
        %dma_start3A_525 = tpu.memref_squeeze %dma_start3A_524 : memref<1x128x64xf32, #tpu.memory_space<vmem>> -> memref<128x64xf32, #tpu.memory_space<vmem>>
        %dma_start3A_526 = arith.constant 0 : i32
        %dma_start3A_527 = arith.constant 0 : i32
        %dma_start3A_528 = tpu.memref_slice %arg2[%dma_start3A_526, %dma_start3A_527] : memref<20480x64xf32, #tpu.memory_space<hbm>> -> memref<20480x64xf32, #tpu.memory_space<hbm>>
        tpu.enqueue_indirect_dma source(%dma_start3A_528 : memref<20480x64xf32, #tpu.memory_space<hbm>>) target(%dma_start3A_525 : memref<128x64xf32, #tpu.memory_space<vmem>>) offsets(%arg15 : memref<128xi32, #tpu.memory_space<vmem>>) semaphore(%arg18 : memref<!tpu.dma_semaphore, #tpu.memory_space<semaphore_mem>>)
        %dma_start3A_529 = arith.constant 3 : i32
        %dma_start3A_530 = arith.constant 0 : i32
        %dma_start3A_531 = arith.constant 0 : i32
        %dma_start3A_532 = tpu.memref_slice %arg8[%dma_start3A_529, %dma_start3A_530, %dma_start3A_531] : memref<4x128x64xf32, #tpu.memory_space<vmem>> -> memref<1x128x64xf32, #tpu.memory_space<vmem>>
        %dma_start3A_533 = tpu.memref_squeeze %dma_start3A_532 : memref<1x128x64xf32, #tpu.memory_space<vmem>> -> memref<128x64xf32, #tpu.memory_space<vmem>>
        %dma_start3A_534 = arith.constant 0 : i32
        %dma_start3A_535 = arith.constant 0 : i32
        %dma_start3A_536 = tpu.memref_slice %arg2[%dma_start3A_534, %dma_start3A_535] : memref<20480x64xf32, #tpu.memory_space<hbm>> -> memref<20480x64xf32, #tpu.memory_space<hbm>>
        tpu.enqueue_indirect_dma source(%dma_start3A_536 : memref<20480x64xf32, #tpu.memory_space<hbm>>) target(%dma_start3A_533 : memref<128x64xf32, #tpu.memory_space<vmem>>) offsets(%arg16 : memref<128xi32, #tpu.memory_space<vmem>>) semaphore(%arg18 : memref<!tpu.dma_semaphore, #tpu.memory_space<semaphore_mem>>)
      } else {
      }
      %mul3A_175 = arith.constant 4 : i32
      %mul3A_176 = arith.muli %add3A_131, %mul3A_175 : i32
      %add3A_177 = arith.constant 0 : i32
      %add3A_178 = arith.addi %mul3A_176, %add3A_177 : i32
      %dma_start3A_179 = arith.constant 0 : i32
      %dma_start3A_180 = arith.constant 0 : i32
      %dma_start3A_181 = arith.constant 0 : i32
      %dma_start3A_182 = tpu.memref_slice %arg7[%dma_start3A_179, %dma_start3A_180, %dma_start3A_181] : memref<4x128x64xf32, #tpu.memory_space<vmem>> -> memref<1x128x64xf32, #tpu.memory_space<vmem>>
      %dma_start3A_183 = tpu.memref_squeeze %dma_start3A_182 : memref<1x128x64xf32, #tpu.memory_space<vmem>> -> memref<128x64xf32, #tpu.memory_space<vmem>>
      %dma_start3A_184 = arith.constant 0 : i32
      %dma_start3A_185 = tpu.memref_slice %arg6[%add3A_178, %dma_start3A_184] : memref<160x128xi32, #tpu.memory_space<vmem>> -> memref<1x128xi32, #tpu.memory_space<vmem>>
      %dma_start3A_186 = tpu.memref_squeeze %dma_start3A_185 : memref<1x128xi32, #tpu.memory_space<vmem>> -> memref<128xi32, #tpu.memory_space<vmem>>
      %dma_start3A_187 = arith.constant 0 : i32
      %dma_start3A_188 = arith.constant 0 : i32
      %dma_start3A_189 = tpu.memref_slice %arg17[%dma_start3A_187, %dma_start3A_188] : memref<10240x64xf32, #tpu.memory_space<vmem_shared>> -> memref<10240x64xf32, #tpu.memory_space<vmem_shared>>
      tpu.enqueue_indirect_dma source(%dma_start3A_183 : memref<128x64xf32, #tpu.memory_space<vmem>>) target(%dma_start3A_189 : memref<10240x64xf32, #tpu.memory_space<vmem_shared>>) offsets(%dma_start3A_186 : memref<128xi32, #tpu.memory_space<vmem>>) semaphore(%arg19 : memref<!tpu.dma_semaphore, #tpu.memory_space<semaphore_mem>>) {add = true}
      %mul3A_190 = arith.constant 4 : i32
      %mul3A_191 = arith.muli %add3A_131, %mul3A_190 : i32
      %add3A_192 = arith.constant 1 : i32
      %add3A_193 = arith.addi %mul3A_191, %add3A_192 : i32
      %dma_start3A_194 = arith.constant 1 : i32
      %dma_start3A_195 = arith.constant 0 : i32
      %dma_start3A_196 = arith.constant 0 : i32
      %dma_start3A_197 = tpu.memref_slice %arg7[%dma_start3A_194, %dma_start3A_195, %dma_start3A_196] : memref<4x128x64xf32, #tpu.memory_space<vmem>> -> memref<1x128x64xf32, #tpu.memory_space<vmem>>
      %dma_start3A_198 = tpu.memref_squeeze %dma_start3A_197 : memref<1x128x64xf32, #tpu.memory_space<vmem>> -> memref<128x64xf32, #tpu.memory_space<vmem>>
      %dma_start3A_199 = arith.constant 0 : i32
      %dma_start3A_200 = tpu.memref_slice %arg6[%add3A_193, %dma_start3A_199] : memref<160x128xi32, #tpu.memory_space<vmem>> -> memref<1x128xi32, #tpu.memory_space<vmem>>
      %dma_start3A_201 = tpu.memref_squeeze %dma_start3A_200 : memref<1x128xi32, #tpu.memory_space<vmem>> -> memref<128xi32, #tpu.memory_space<vmem>>
      %dma_start3A_202 = arith.constant 0 : i32
      %dma_start3A_203 = arith.constant 0 : i32
      %dma_start3A_204 = tpu.memref_slice %arg17[%dma_start3A_202, %dma_start3A_203] : memref<10240x64xf32, #tpu.memory_space<vmem_shared>> -> memref<10240x64xf32, #tpu.memory_space<vmem_shared>>
      tpu.enqueue_indirect_dma source(%dma_start3A_198 : memref<128x64xf32, #tpu.memory_space<vmem>>) target(%dma_start3A_204 : memref<10240x64xf32, #tpu.memory_space<vmem_shared>>) offsets(%dma_start3A_201 : memref<128xi32, #tpu.memory_space<vmem>>) semaphore(%arg19 : memref<!tpu.dma_semaphore, #tpu.memory_space<semaphore_mem>>) {add = true}
      %mul3A_205 = arith.constant 4 : i32
      %mul3A_206 = arith.muli %add3A_131, %mul3A_205 : i32
      %add3A_207 = arith.constant 2 : i32
      %add3A_208 = arith.addi %mul3A_206, %add3A_207 : i32
      %dma_start3A_209 = arith.constant 2 : i32
      %dma_start3A_210 = arith.constant 0 : i32
      %dma_start3A_211 = arith.constant 0 : i32
      %dma_start3A_212 = tpu.memref_slice %arg7[%dma_start3A_209, %dma_start3A_210, %dma_start3A_211] : memref<4x128x64xf32, #tpu.memory_space<vmem>> -> memref<1x128x64xf32, #tpu.memory_space<vmem>>
      %dma_start3A_213 = tpu.memref_squeeze %dma_start3A_212 : memref<1x128x64xf32, #tpu.memory_space<vmem>> -> memref<128x64xf32, #tpu.memory_space<vmem>>
      %dma_start3A_214 = arith.constant 0 : i32
      %dma_start3A_215 = tpu.memref_slice %arg6[%add3A_208, %dma_start3A_214] : memref<160x128xi32, #tpu.memory_space<vmem>> -> memref<1x128xi32, #tpu.memory_space<vmem>>
      %dma_start3A_216 = tpu.memref_squeeze %dma_start3A_215 : memref<1x128xi32, #tpu.memory_space<vmem>> -> memref<128xi32, #tpu.memory_space<vmem>>
      %dma_start3A_217 = arith.constant 0 : i32
      %dma_start3A_218 = arith.constant 0 : i32
      %dma_start3A_219 = tpu.memref_slice %arg17[%dma_start3A_217, %dma_start3A_218] : memref<10240x64xf32, #tpu.memory_space<vmem_shared>> -> memref<10240x64xf32, #tpu.memory_space<vmem_shared>>
      tpu.enqueue_indirect_dma source(%dma_start3A_213 : memref<128x64xf32, #tpu.memory_space<vmem>>) target(%dma_start3A_219 : memref<10240x64xf32, #tpu.memory_space<vmem_shared>>) offsets(%dma_start3A_216 : memref<128xi32, #tpu.memory_space<vmem>>) semaphore(%arg19 : memref<!tpu.dma_semaphore, #tpu.memory_space<semaphore_mem>>) {add = true}
      %mul3A_220 = arith.constant 4 : i32
      %mul3A_221 = arith.muli %add3A_131, %mul3A_220 : i32
      %add3A_222 = arith.constant 3 : i32
      %add3A_223 = arith.addi %mul3A_221, %add3A_222 : i32
      %dma_start3A_224 = arith.constant 3 : i32
      %dma_start3A_225 = arith.constant 0 : i32
      %dma_start3A_226 = arith.constant 0 : i32
      %dma_start3A_227 = tpu.memref_slice %arg7[%dma_start3A_224, %dma_start3A_225, %dma_start3A_226] : memref<4x128x64xf32, #tpu.memory_space<vmem>> -> memref<1x128x64xf32, #tpu.memory_space<vmem>>
      %dma_start3A_228 = tpu.memref_squeeze %dma_start3A_227 : memref<1x128x64xf32, #tpu.memory_space<vmem>> -> memref<128x64xf32, #tpu.memory_space<vmem>>
      %dma_start3A_229 = arith.constant 0 : i32
      %dma_start3A_230 = tpu.memref_slice %arg6[%add3A_223, %dma_start3A_229] : memref<160x128xi32, #tpu.memory_space<vmem>> -> memref<1x128xi32, #tpu.memory_space<vmem>>
      %dma_start3A_231 = tpu.memref_squeeze %dma_start3A_230 : memref<1x128xi32, #tpu.memory_space<vmem>> -> memref<128xi32, #tpu.memory_space<vmem>>
      %dma_start3A_232 = arith.constant 0 : i32
      %dma_start3A_233 = arith.constant 0 : i32
      %dma_start3A_234 = tpu.memref_slice %arg17[%dma_start3A_232, %dma_start3A_233] : memref<10240x64xf32, #tpu.memory_space<vmem_shared>> -> memref<10240x64xf32, #tpu.memory_space<vmem_shared>>
      tpu.enqueue_indirect_dma source(%dma_start3A_228 : memref<128x64xf32, #tpu.memory_space<vmem>>) target(%dma_start3A_234 : memref<10240x64xf32, #tpu.memory_space<vmem_shared>>) offsets(%dma_start3A_231 : memref<128xi32, #tpu.memory_space<vmem>>) semaphore(%arg19 : memref<!tpu.dma_semaphore, #tpu.memory_space<semaphore_mem>>) {add = true}
      %mul3A_235 = arith.constant 4 : i32
      %mul3A_236 = arith.muli %add3A_131, %mul3A_235 : i32
      %add3A_237 = arith.constant 0 : i32
      %add3A_238 = arith.addi %mul3A_236, %add3A_237 : i32
      %dma_wait3A_239 = arith.constant 0 : i32
      %dma_wait3A_240 = arith.constant 0 : i32
      %dma_wait3A_241 = arith.constant 0 : i32
      %dma_wait3A_242 = tpu.memref_slice %arg7[%dma_wait3A_239, %dma_wait3A_240, %dma_wait3A_241] : memref<4x128x64xf32, #tpu.memory_space<vmem>> -> memref<1x128x64xf32, #tpu.memory_space<vmem>>
      %dma_wait3A_243 = tpu.memref_squeeze %dma_wait3A_242 : memref<1x128x64xf32, #tpu.memory_space<vmem>> -> memref<128x64xf32, #tpu.memory_space<vmem>>
      %dma_wait3A_244 = arith.constant 0 : i32
      %dma_wait3A_245 = tpu.memref_slice %arg6[%add3A_238, %dma_wait3A_244] : memref<160x128xi32, #tpu.memory_space<vmem>> -> memref<1x128xi32, #tpu.memory_space<vmem>>
      %dma_wait3A_246 = tpu.memref_squeeze %dma_wait3A_245 : memref<1x128xi32, #tpu.memory_space<vmem>> -> memref<128xi32, #tpu.memory_space<vmem>>
      %dma_wait3A_247 = arith.constant 0 : i32
      %dma_wait3A_248 = arith.constant 0 : i32
      %dma_wait3A_249 = tpu.memref_slice %arg17[%dma_wait3A_247, %dma_wait3A_248] : memref<10240x64xf32, #tpu.memory_space<vmem_shared>> -> memref<10240x64xf32, #tpu.memory_space<vmem_shared>>
      tpu.wait_indirect_dma semaphore(%arg19 : memref<!tpu.dma_semaphore, #tpu.memory_space<semaphore_mem>>) src(%dma_wait3A_243 : memref<128x64xf32, #tpu.memory_space<vmem>>) dst(%dma_wait3A_249 : memref<10240x64xf32, #tpu.memory_space<vmem_shared>>)
      %mul3A_250 = arith.constant 4 : i32
      %mul3A_251 = arith.muli %add3A_131, %mul3A_250 : i32
      %add3A_252 = arith.constant 1 : i32
      %add3A_253 = arith.addi %mul3A_251, %add3A_252 : i32
      %dma_wait3A_254 = arith.constant 1 : i32
      %dma_wait3A_255 = arith.constant 0 : i32
      %dma_wait3A_256 = arith.constant 0 : i32
      %dma_wait3A_257 = tpu.memref_slice %arg7[%dma_wait3A_254, %dma_wait3A_255, %dma_wait3A_256] : memref<4x128x64xf32, #tpu.memory_space<vmem>> -> memref<1x128x64xf32, #tpu.memory_space<vmem>>
      %dma_wait3A_258 = tpu.memref_squeeze %dma_wait3A_257 : memref<1x128x64xf32, #tpu.memory_space<vmem>> -> memref<128x64xf32, #tpu.memory_space<vmem>>
      %dma_wait3A_259 = arith.constant 0 : i32
      %dma_wait3A_260 = tpu.memref_slice %arg6[%add3A_253, %dma_wait3A_259] : memref<160x128xi32, #tpu.memory_space<vmem>> -> memref<1x128xi32, #tpu.memory_space<vmem>>
      %dma_wait3A_261 = tpu.memref_squeeze %dma_wait3A_260 : memref<1x128xi32, #tpu.memory_space<vmem>> -> memref<128xi32, #tpu.memory_space<vmem>>
      %dma_wait3A_262 = arith.constant 0 : i32
      %dma_wait3A_263 = arith.constant 0 : i32
      %dma_wait3A_264 = tpu.memref_slice %arg17[%dma_wait3A_262, %dma_wait3A_263] : memref<10240x64xf32, #tpu.memory_space<vmem_shared>> -> memref<10240x64xf32, #tpu.memory_space<vmem_shared>>
      tpu.wait_indirect_dma semaphore(%arg19 : memref<!tpu.dma_semaphore, #tpu.memory_space<semaphore_mem>>) src(%dma_wait3A_258 : memref<128x64xf32, #tpu.memory_space<vmem>>) dst(%dma_wait3A_264 : memref<10240x64xf32, #tpu.memory_space<vmem_shared>>)
      %mul3A_265 = arith.constant 4 : i32
      %mul3A_266 = arith.muli %add3A_131, %mul3A_265 : i32
      %add3A_267 = arith.constant 2 : i32
      %add3A_268 = arith.addi %mul3A_266, %add3A_267 : i32
      %dma_wait3A_269 = arith.constant 2 : i32
      %dma_wait3A_270 = arith.constant 0 : i32
      %dma_wait3A_271 = arith.constant 0 : i32
      %dma_wait3A_272 = tpu.memref_slice %arg7[%dma_wait3A_269, %dma_wait3A_270, %dma_wait3A_271] : memref<4x128x64xf32, #tpu.memory_space<vmem>> -> memref<1x128x64xf32, #tpu.memory_space<vmem>>
      %dma_wait3A_273 = tpu.memref_squeeze %dma_wait3A_272 : memref<1x128x64xf32, #tpu.memory_space<vmem>> -> memref<128x64xf32, #tpu.memory_space<vmem>>
      %dma_wait3A_274 = arith.constant 0 : i32
      %dma_wait3A_275 = tpu.memref_slice %arg6[%add3A_268, %dma_wait3A_274] : memref<160x128xi32, #tpu.memory_space<vmem>> -> memref<1x128xi32, #tpu.memory_space<vmem>>
      %dma_wait3A_276 = tpu.memref_squeeze %dma_wait3A_275 : memref<1x128xi32, #tpu.memory_space<vmem>> -> memref<128xi32, #tpu.memory_space<vmem>>
      %dma_wait3A_277 = arith.constant 0 : i32
      %dma_wait3A_278 = arith.constant 0 : i32
      %dma_wait3A_279 = tpu.memref_slice %arg17[%dma_wait3A_277, %dma_wait3A_278] : memref<10240x64xf32, #tpu.memory_space<vmem_shared>> -> memref<10240x64xf32, #tpu.memory_space<vmem_shared>>
      tpu.wait_indirect_dma semaphore(%arg19 : memref<!tpu.dma_semaphore, #tpu.memory_space<semaphore_mem>>) src(%dma_wait3A_273 : memref<128x64xf32, #tpu.memory_space<vmem>>) dst(%dma_wait3A_279 : memref<10240x64xf32, #tpu.memory_space<vmem_shared>>)
      %mul3A_280 = arith.constant 4 : i32
      %mul3A_281 = arith.muli %add3A_131, %mul3A_280 : i32
      %add3A_282 = arith.constant 3 : i32
      %add3A_283 = arith.addi %mul3A_281, %add3A_282 : i32
      %dma_wait3A_284 = arith.constant 3 : i32
      %dma_wait3A_285 = arith.constant 0 : i32
      %dma_wait3A_286 = arith.constant 0 : i32
      %dma_wait3A_287 = tpu.memref_slice %arg7[%dma_wait3A_284, %dma_wait3A_285, %dma_wait3A_286] : memref<4x128x64xf32, #tpu.memory_space<vmem>> -> memref<1x128x64xf32, #tpu.memory_space<vmem>>
      %dma_wait3A_288 = tpu.memref_squeeze %dma_wait3A_287 : memref<1x128x64xf32, #tpu.memory_space<vmem>> -> memref<128x64xf32, #tpu.memory_space<vmem>>
      %dma_wait3A_289 = arith.constant 0 : i32
      %dma_wait3A_290 = tpu.memref_slice %arg6[%add3A_283, %dma_wait3A_289] : memref<160x128xi32, #tpu.memory_space<vmem>> -> memref<1x128xi32, #tpu.memory_space<vmem>>
      %dma_wait3A_291 = tpu.memref_squeeze %dma_wait3A_290 : memref<1x128xi32, #tpu.memory_space<vmem>> -> memref<128xi32, #tpu.memory_space<vmem>>
      %dma_wait3A_292 = arith.constant 0 : i32
      %dma_wait3A_293 = arith.constant 0 : i32
      %dma_wait3A_294 = tpu.memref_slice %arg17[%dma_wait3A_292, %dma_wait3A_293] : memref<10240x64xf32, #tpu.memory_space<vmem_shared>> -> memref<10240x64xf32, #tpu.memory_space<vmem_shared>>
      tpu.wait_indirect_dma semaphore(%arg19 : memref<!tpu.dma_semaphore, #tpu.memory_space<semaphore_mem>>) src(%dma_wait3A_288 : memref<128x64xf32, #tpu.memory_space<vmem>>) dst(%dma_wait3A_294 : memref<10240x64xf32, #tpu.memory_space<vmem_shared>>)
      %mul3A_295 = arith.constant 2 : i32
      %mul3A_296 = arith.muli %mul3A_295, %add3A_127 : i32
      %add3A_297 = arith.constant 1 : i32
      %add3A_298 = arith.addi %mul3A_296, %add3A_297 : i32
      %dma_wait3A_299 = arith.constant 0 : i32
      %dma_wait3A_300 = arith.constant 0 : i32
      %dma_wait3A_301 = arith.constant 0 : i32
      %dma_wait3A_302 = tpu.memref_slice %arg8[%dma_wait3A_299, %dma_wait3A_300, %dma_wait3A_301] : memref<4x128x64xf32, #tpu.memory_space<vmem>> -> memref<1x128x64xf32, #tpu.memory_space<vmem>>
      %dma_wait3A_303 = tpu.memref_squeeze %dma_wait3A_302 : memref<1x128x64xf32, #tpu.memory_space<vmem>> -> memref<128x64xf32, #tpu.memory_space<vmem>>
      %dma_wait3A_304 = arith.constant 0 : i32
      %dma_wait3A_305 = arith.constant 0 : i32
      %dma_wait3A_306 = tpu.memref_slice %arg2[%dma_wait3A_304, %dma_wait3A_305] : memref<20480x64xf32, #tpu.memory_space<hbm>> -> memref<20480x64xf32, #tpu.memory_space<hbm>>
      tpu.wait_indirect_dma semaphore(%arg18 : memref<!tpu.dma_semaphore, #tpu.memory_space<semaphore_mem>>) src(%dma_wait3A_306 : memref<20480x64xf32, #tpu.memory_space<hbm>>) dst(%dma_wait3A_303 : memref<128x64xf32, #tpu.memory_space<vmem>>)
      %dma_wait3A_307 = arith.constant 1 : i32
      %dma_wait3A_308 = arith.constant 0 : i32
      %dma_wait3A_309 = arith.constant 0 : i32
      %dma_wait3A_310 = tpu.memref_slice %arg8[%dma_wait3A_307, %dma_wait3A_308, %dma_wait3A_309] : memref<4x128x64xf32, #tpu.memory_space<vmem>> -> memref<1x128x64xf32, #tpu.memory_space<vmem>>
      %dma_wait3A_311 = tpu.memref_squeeze %dma_wait3A_310 : memref<1x128x64xf32, #tpu.memory_space<vmem>> -> memref<128x64xf32, #tpu.memory_space<vmem>>
      %dma_wait3A_312 = arith.constant 0 : i32
      %dma_wait3A_313 = arith.constant 0 : i32
      %dma_wait3A_314 = tpu.memref_slice %arg2[%dma_wait3A_312, %dma_wait3A_313] : memref<20480x64xf32, #tpu.memory_space<hbm>> -> memref<20480x64xf32, #tpu.memory_space<hbm>>
      tpu.wait_indirect_dma semaphore(%arg18 : memref<!tpu.dma_semaphore, #tpu.memory_space<semaphore_mem>>) src(%dma_wait3A_314 : memref<20480x64xf32, #tpu.memory_space<hbm>>) dst(%dma_wait3A_311 : memref<128x64xf32, #tpu.memory_space<vmem>>)
      %dma_wait3A_315 = arith.constant 2 : i32
      %dma_wait3A_316 = arith.constant 0 : i32
      %dma_wait3A_317 = arith.constant 0 : i32
      %dma_wait3A_318 = tpu.memref_slice %arg8[%dma_wait3A_315, %dma_wait3A_316, %dma_wait3A_317] : memref<4x128x64xf32, #tpu.memory_space<vmem>> -> memref<1x128x64xf32, #tpu.memory_space<vmem>>
      %dma_wait3A_319 = tpu.memref_squeeze %dma_wait3A_318 : memref<1x128x64xf32, #tpu.memory_space<vmem>> -> memref<128x64xf32, #tpu.memory_space<vmem>>
      %dma_wait3A_320 = arith.constant 0 : i32
      %dma_wait3A_321 = arith.constant 0 : i32
      %dma_wait3A_322 = tpu.memref_slice %arg2[%dma_wait3A_320, %dma_wait3A_321] : memref<20480x64xf32, #tpu.memory_space<hbm>> -> memref<20480x64xf32, #tpu.memory_space<hbm>>
      tpu.wait_indirect_dma semaphore(%arg18 : memref<!tpu.dma_semaphore, #tpu.memory_space<semaphore_mem>>) src(%dma_wait3A_322 : memref<20480x64xf32, #tpu.memory_space<hbm>>) dst(%dma_wait3A_319 : memref<128x64xf32, #tpu.memory_space<vmem>>)
      %dma_wait3A_323 = arith.constant 3 : i32
      %dma_wait3A_324 = arith.constant 0 : i32
      %dma_wait3A_325 = arith.constant 0 : i32
      %dma_wait3A_326 = tpu.memref_slice %arg8[%dma_wait3A_323, %dma_wait3A_324, %dma_wait3A_325] : memref<4x128x64xf32, #tpu.memory_space<vmem>> -> memref<1x128x64xf32, #tpu.memory_space<vmem>>
      %dma_wait3A_327 = tpu.memref_squeeze %dma_wait3A_326 : memref<1x128x64xf32, #tpu.memory_space<vmem>> -> memref<128x64xf32, #tpu.memory_space<vmem>>
      %dma_wait3A_328 = arith.constant 0 : i32
      %dma_wait3A_329 = arith.constant 0 : i32
      %dma_wait3A_330 = tpu.memref_slice %arg2[%dma_wait3A_328, %dma_wait3A_329] : memref<20480x64xf32, #tpu.memory_space<hbm>> -> memref<20480x64xf32, #tpu.memory_space<hbm>>
      tpu.wait_indirect_dma semaphore(%arg18 : memref<!tpu.dma_semaphore, #tpu.memory_space<semaphore_mem>>) src(%dma_wait3A_330 : memref<20480x64xf32, #tpu.memory_space<hbm>>) dst(%dma_wait3A_327 : memref<128x64xf32, #tpu.memory_space<vmem>>)
      %add3A_331 = arith.constant 2 : i32
      %add3A_332 = arith.addi %add3A_298, %add3A_331 : i32
      %lt3A_333 = arith.constant 40 : i32
      %lt3A_334 = arith.cmpi slt, %add3A_332, %lt3A_333 : i32
      %convert_element_type3A_335 = arith.extui %lt3A_334 : i1 to i32
      %cond3A_336 = arith.constant 0 : i32
      %cond3A_337 = arith.cmpi ne, %convert_element_type3A_335, %cond3A_336 : i32
      scf.if %cond3A_337 {
        %add3A_465 = arith.constant 2 : i32
        %add3A_466 = arith.addi %add3A_298, %add3A_465 : i32
        %mul3A_467 = arith.constant 4 : i32
        %mul3A_468 = arith.muli %add3A_466, %mul3A_467 : i32
        %add3A_469 = arith.constant 0 : i32
        %add3A_470 = arith.addi %mul3A_468, %add3A_469 : i32
        %mul3A_471 = arith.constant 128 : i32
        %mul3A_472 = arith.muli %add3A_470, %mul3A_471 : i32
        %add3A_473 = arith.addi %add3A_32, %mul3A_472 : i32
        %dma_start3A_474 = tpu.memref_slice %arg3[%add3A_473] : memref<655360xi32, #tpu.memory_space<hbm>> -> memref<128xi32, #tpu.memory_space<hbm>>
        %dma_start3A_475 = tpu.memref_slice %arg3[%add3A_473] : memref<655360xi32, #tpu.memory_space<hbm>> -> memref<128xi32, #tpu.memory_space<hbm>>
        tpu.enqueue_dma source(%dma_start3A_475 : memref<128xi32, #tpu.memory_space<hbm>>) target(%arg13 : memref<128xi32, #tpu.memory_space<vmem>>) target_semaphore(%arg20 : memref<!tpu.dma_semaphore, #tpu.memory_space<semaphore_mem>>)
        %mul3A_476 = arith.constant 4 : i32
        %mul3A_477 = arith.muli %add3A_466, %mul3A_476 : i32
        %add3A_478 = arith.constant 1 : i32
        %add3A_479 = arith.addi %mul3A_477, %add3A_478 : i32
        %mul3A_480 = arith.constant 128 : i32
        %mul3A_481 = arith.muli %add3A_479, %mul3A_480 : i32
        %add3A_482 = arith.addi %add3A_32, %mul3A_481 : i32
        %dma_start3A_483 = tpu.memref_slice %arg3[%add3A_482] : memref<655360xi32, #tpu.memory_space<hbm>> -> memref<128xi32, #tpu.memory_space<hbm>>
        %dma_start3A_484 = tpu.memref_slice %arg3[%add3A_482] : memref<655360xi32, #tpu.memory_space<hbm>> -> memref<128xi32, #tpu.memory_space<hbm>>
        tpu.enqueue_dma source(%dma_start3A_484 : memref<128xi32, #tpu.memory_space<hbm>>) target(%arg14 : memref<128xi32, #tpu.memory_space<vmem>>) target_semaphore(%arg20 : memref<!tpu.dma_semaphore, #tpu.memory_space<semaphore_mem>>)
        %mul3A_485 = arith.constant 4 : i32
        %mul3A_486 = arith.muli %add3A_466, %mul3A_485 : i32
        %add3A_487 = arith.constant 2 : i32
        %add3A_488 = arith.addi %mul3A_486, %add3A_487 : i32
        %mul3A_489 = arith.constant 128 : i32
        %mul3A_490 = arith.muli %add3A_488, %mul3A_489 : i32
        %add3A_491 = arith.addi %add3A_32, %mul3A_490 : i32
        %dma_start3A_492 = tpu.memref_slice %arg3[%add3A_491] : memref<655360xi32, #tpu.memory_space<hbm>> -> memref<128xi32, #tpu.memory_space<hbm>>
        %dma_start3A_493 = tpu.memref_slice %arg3[%add3A_491] : memref<655360xi32, #tpu.memory_space<hbm>> -> memref<128xi32, #tpu.memory_space<hbm>>
        tpu.enqueue_dma source(%dma_start3A_493 : memref<128xi32, #tpu.memory_space<hbm>>) target(%arg15 : memref<128xi32, #tpu.memory_space<vmem>>) target_semaphore(%arg20 : memref<!tpu.dma_semaphore, #tpu.memory_space<semaphore_mem>>)
        %mul3A_494 = arith.constant 4 : i32
        %mul3A_495 = arith.muli %add3A_466, %mul3A_494 : i32
        %add3A_496 = arith.constant 3 : i32
        %add3A_497 = arith.addi %mul3A_495, %add3A_496 : i32
        %mul3A_498 = arith.constant 128 : i32
        %mul3A_499 = arith.muli %add3A_497, %mul3A_498 : i32
        %add3A_500 = arith.addi %add3A_32, %mul3A_499 : i32
        %dma_start3A_501 = tpu.memref_slice %arg3[%add3A_500] : memref<655360xi32, #tpu.memory_space<hbm>> -> memref<128xi32, #tpu.memory_space<hbm>>
        %dma_start3A_502 = tpu.memref_slice %arg3[%add3A_500] : memref<655360xi32, #tpu.memory_space<hbm>> -> memref<128xi32, #tpu.memory_space<hbm>>
        tpu.enqueue_dma source(%dma_start3A_502 : memref<128xi32, #tpu.memory_space<hbm>>) target(%arg16 : memref<128xi32, #tpu.memory_space<vmem>>) target_semaphore(%arg20 : memref<!tpu.dma_semaphore, #tpu.memory_space<semaphore_mem>>)
      } else {
      }
      %add3A_338 = arith.constant 1 : i32
      %add3A_339 = arith.addi %add3A_298, %add3A_338 : i32
      %lt3A_340 = arith.constant 40 : i32
      %lt3A_341 = arith.cmpi slt, %add3A_339, %lt3A_340 : i32
      %convert_element_type3A_342 = arith.extui %lt3A_341 : i1 to i32
      %cond3A_343 = arith.constant 0 : i32
      %cond3A_344 = arith.cmpi ne, %convert_element_type3A_342, %cond3A_343 : i32
      scf.if %cond3A_344 {
        %add3A_465 = arith.constant 1 : i32
        %add3A_466 = arith.addi %add3A_298, %add3A_465 : i32
        %mul3A_467 = arith.constant 4 : i32
        %mul3A_468 = arith.muli %add3A_466, %mul3A_467 : i32
        %add3A_469 = arith.constant 0 : i32
        %add3A_470 = arith.addi %mul3A_468, %add3A_469 : i32
        %mul3A_471 = arith.constant 128 : i32
        %mul3A_472 = arith.muli %add3A_470, %mul3A_471 : i32
        %add3A_473 = arith.addi %add3A_32, %mul3A_472 : i32
        %dma_wait3A_474 = tpu.memref_slice %arg3[%add3A_473] : memref<655360xi32, #tpu.memory_space<hbm>> -> memref<128xi32, #tpu.memory_space<hbm>>
        %dma_wait3A_475 = tpu.memref_slice %arg3[%add3A_473] : memref<655360xi32, #tpu.memory_space<hbm>> -> memref<128xi32, #tpu.memory_space<hbm>>
        tpu.wait_dma2 semaphore(%arg20 : memref<!tpu.dma_semaphore, #tpu.memory_space<semaphore_mem>>) src(%dma_wait3A_475 : memref<128xi32, #tpu.memory_space<hbm>>) dst(%arg9 : memref<128xi32, #tpu.memory_space<vmem>>)
        %mul3A_476 = arith.constant 4 : i32
        %mul3A_477 = arith.muli %add3A_466, %mul3A_476 : i32
        %add3A_478 = arith.constant 1 : i32
        %add3A_479 = arith.addi %mul3A_477, %add3A_478 : i32
        %mul3A_480 = arith.constant 128 : i32
        %mul3A_481 = arith.muli %add3A_479, %mul3A_480 : i32
        %add3A_482 = arith.addi %add3A_32, %mul3A_481 : i32
        %dma_wait3A_483 = tpu.memref_slice %arg3[%add3A_482] : memref<655360xi32, #tpu.memory_space<hbm>> -> memref<128xi32, #tpu.memory_space<hbm>>
        %dma_wait3A_484 = tpu.memref_slice %arg3[%add3A_482] : memref<655360xi32, #tpu.memory_space<hbm>> -> memref<128xi32, #tpu.memory_space<hbm>>
        tpu.wait_dma2 semaphore(%arg20 : memref<!tpu.dma_semaphore, #tpu.memory_space<semaphore_mem>>) src(%dma_wait3A_484 : memref<128xi32, #tpu.memory_space<hbm>>) dst(%arg10 : memref<128xi32, #tpu.memory_space<vmem>>)
        %mul3A_485 = arith.constant 4 : i32
        %mul3A_486 = arith.muli %add3A_466, %mul3A_485 : i32
        %add3A_487 = arith.constant 2 : i32
        %add3A_488 = arith.addi %mul3A_486, %add3A_487 : i32
        %mul3A_489 = arith.constant 128 : i32
        %mul3A_490 = arith.muli %add3A_488, %mul3A_489 : i32
        %add3A_491 = arith.addi %add3A_32, %mul3A_490 : i32
        %dma_wait3A_492 = tpu.memref_slice %arg3[%add3A_491] : memref<655360xi32, #tpu.memory_space<hbm>> -> memref<128xi32, #tpu.memory_space<hbm>>
        %dma_wait3A_493 = tpu.memref_slice %arg3[%add3A_491] : memref<655360xi32, #tpu.memory_space<hbm>> -> memref<128xi32, #tpu.memory_space<hbm>>
        tpu.wait_dma2 semaphore(%arg20 : memref<!tpu.dma_semaphore, #tpu.memory_space<semaphore_mem>>) src(%dma_wait3A_493 : memref<128xi32, #tpu.memory_space<hbm>>) dst(%arg11 : memref<128xi32, #tpu.memory_space<vmem>>)
        %mul3A_494 = arith.constant 4 : i32
        %mul3A_495 = arith.muli %add3A_466, %mul3A_494 : i32
        %add3A_496 = arith.constant 3 : i32
        %add3A_497 = arith.addi %mul3A_495, %add3A_496 : i32
        %mul3A_498 = arith.constant 128 : i32
        %mul3A_499 = arith.muli %add3A_497, %mul3A_498 : i32
        %add3A_500 = arith.addi %add3A_32, %mul3A_499 : i32
        %dma_wait3A_501 = tpu.memref_slice %arg3[%add3A_500] : memref<655360xi32, #tpu.memory_space<hbm>> -> memref<128xi32, #tpu.memory_space<hbm>>
        %dma_wait3A_502 = tpu.memref_slice %arg3[%add3A_500] : memref<655360xi32, #tpu.memory_space<hbm>> -> memref<128xi32, #tpu.memory_space<hbm>>
        tpu.wait_dma2 semaphore(%arg20 : memref<!tpu.dma_semaphore, #tpu.memory_space<semaphore_mem>>) src(%dma_wait3A_502 : memref<128xi32, #tpu.memory_space<hbm>>) dst(%arg12 : memref<128xi32, #tpu.memory_space<vmem>>)
        %add3A_503 = arith.constant 1 : i32
        %add3A_504 = arith.addi %add3A_298, %add3A_503 : i32
        %dma_start3A_505 = arith.constant 0 : i32
        %dma_start3A_506 = arith.constant 0 : i32
        %dma_start3A_507 = arith.constant 0 : i32
        %dma_start3A_508 = tpu.memref_slice %arg7[%dma_start3A_505, %dma_start3A_506, %dma_start3A_507] : memref<4x128x64xf32, #tpu.memory_space<vmem>> -> memref<1x128x64xf32, #tpu.memory_space<vmem>>
        %dma_start3A_509 = tpu.memref_squeeze %dma_start3A_508 : memref<1x128x64xf32, #tpu.memory_space<vmem>> -> memref<128x64xf32, #tpu.memory_space<vmem>>
        %dma_start3A_510 = arith.constant 0 : i32
        %dma_start3A_511 = arith.constant 0 : i32
        %dma_start3A_512 = tpu.memref_slice %arg2[%dma_start3A_510, %dma_start3A_511] : memref<20480x64xf32, #tpu.memory_space<hbm>> -> memref<20480x64xf32, #tpu.memory_space<hbm>>
        tpu.enqueue_indirect_dma source(%dma_start3A_512 : memref<20480x64xf32, #tpu.memory_space<hbm>>) target(%dma_start3A_509 : memref<128x64xf32, #tpu.memory_space<vmem>>) offsets(%arg9 : memref<128xi32, #tpu.memory_space<vmem>>) semaphore(%arg18 : memref<!tpu.dma_semaphore, #tpu.memory_space<semaphore_mem>>)
        %dma_start3A_513 = arith.constant 1 : i32
        %dma_start3A_514 = arith.constant 0 : i32
        %dma_start3A_515 = arith.constant 0 : i32
        %dma_start3A_516 = tpu.memref_slice %arg7[%dma_start3A_513, %dma_start3A_514, %dma_start3A_515] : memref<4x128x64xf32, #tpu.memory_space<vmem>> -> memref<1x128x64xf32, #tpu.memory_space<vmem>>
        %dma_start3A_517 = tpu.memref_squeeze %dma_start3A_516 : memref<1x128x64xf32, #tpu.memory_space<vmem>> -> memref<128x64xf32, #tpu.memory_space<vmem>>
        %dma_start3A_518 = arith.constant 0 : i32
        %dma_start3A_519 = arith.constant 0 : i32
        %dma_start3A_520 = tpu.memref_slice %arg2[%dma_start3A_518, %dma_start3A_519] : memref<20480x64xf32, #tpu.memory_space<hbm>> -> memref<20480x64xf32, #tpu.memory_space<hbm>>
        tpu.enqueue_indirect_dma source(%dma_start3A_520 : memref<20480x64xf32, #tpu.memory_space<hbm>>) target(%dma_start3A_517 : memref<128x64xf32, #tpu.memory_space<vmem>>) offsets(%arg10 : memref<128xi32, #tpu.memory_space<vmem>>) semaphore(%arg18 : memref<!tpu.dma_semaphore, #tpu.memory_space<semaphore_mem>>)
        %dma_start3A_521 = arith.constant 2 : i32
        %dma_start3A_522 = arith.constant 0 : i32
        %dma_start3A_523 = arith.constant 0 : i32
        %dma_start3A_524 = tpu.memref_slice %arg7[%dma_start3A_521, %dma_start3A_522, %dma_start3A_523] : memref<4x128x64xf32, #tpu.memory_space<vmem>> -> memref<1x128x64xf32, #tpu.memory_space<vmem>>
        %dma_start3A_525 = tpu.memref_squeeze %dma_start3A_524 : memref<1x128x64xf32, #tpu.memory_space<vmem>> -> memref<128x64xf32, #tpu.memory_space<vmem>>
        %dma_start3A_526 = arith.constant 0 : i32
        %dma_start3A_527 = arith.constant 0 : i32
        %dma_start3A_528 = tpu.memref_slice %arg2[%dma_start3A_526, %dma_start3A_527] : memref<20480x64xf32, #tpu.memory_space<hbm>> -> memref<20480x64xf32, #tpu.memory_space<hbm>>
        tpu.enqueue_indirect_dma source(%dma_start3A_528 : memref<20480x64xf32, #tpu.memory_space<hbm>>) target(%dma_start3A_525 : memref<128x64xf32, #tpu.memory_space<vmem>>) offsets(%arg11 : memref<128xi32, #tpu.memory_space<vmem>>) semaphore(%arg18 : memref<!tpu.dma_semaphore, #tpu.memory_space<semaphore_mem>>)
        %dma_start3A_529 = arith.constant 3 : i32
        %dma_start3A_530 = arith.constant 0 : i32
        %dma_start3A_531 = arith.constant 0 : i32
        %dma_start3A_532 = tpu.memref_slice %arg7[%dma_start3A_529, %dma_start3A_530, %dma_start3A_531] : memref<4x128x64xf32, #tpu.memory_space<vmem>> -> memref<1x128x64xf32, #tpu.memory_space<vmem>>
        %dma_start3A_533 = tpu.memref_squeeze %dma_start3A_532 : memref<1x128x64xf32, #tpu.memory_space<vmem>> -> memref<128x64xf32, #tpu.memory_space<vmem>>
        %dma_start3A_534 = arith.constant 0 : i32
        %dma_start3A_535 = arith.constant 0 : i32
        %dma_start3A_536 = tpu.memref_slice %arg2[%dma_start3A_534, %dma_start3A_535] : memref<20480x64xf32, #tpu.memory_space<hbm>> -> memref<20480x64xf32, #tpu.memory_space<hbm>>
        tpu.enqueue_indirect_dma source(%dma_start3A_536 : memref<20480x64xf32, #tpu.memory_space<hbm>>) target(%dma_start3A_533 : memref<128x64xf32, #tpu.memory_space<vmem>>) offsets(%arg12 : memref<128xi32, #tpu.memory_space<vmem>>) semaphore(%arg18 : memref<!tpu.dma_semaphore, #tpu.memory_space<semaphore_mem>>)
      } else {
      }
      %mul3A_345 = arith.constant 4 : i32
      %mul3A_346 = arith.muli %add3A_298, %mul3A_345 : i32
      %add3A_347 = arith.constant 0 : i32
      %add3A_348 = arith.addi %mul3A_346, %add3A_347 : i32
      %dma_start3A_349 = arith.constant 0 : i32
      %dma_start3A_350 = arith.constant 0 : i32
      %dma_start3A_351 = arith.constant 0 : i32
      %dma_start3A_352 = tpu.memref_slice %arg8[%dma_start3A_349, %dma_start3A_350, %dma_start3A_351] : memref<4x128x64xf32, #tpu.memory_space<vmem>> -> memref<1x128x64xf32, #tpu.memory_space<vmem>>
      %dma_start3A_353 = tpu.memref_squeeze %dma_start3A_352 : memref<1x128x64xf32, #tpu.memory_space<vmem>> -> memref<128x64xf32, #tpu.memory_space<vmem>>
      %dma_start3A_354 = arith.constant 0 : i32
      %dma_start3A_355 = tpu.memref_slice %arg6[%add3A_348, %dma_start3A_354] : memref<160x128xi32, #tpu.memory_space<vmem>> -> memref<1x128xi32, #tpu.memory_space<vmem>>
      %dma_start3A_356 = tpu.memref_squeeze %dma_start3A_355 : memref<1x128xi32, #tpu.memory_space<vmem>> -> memref<128xi32, #tpu.memory_space<vmem>>
      %dma_start3A_357 = arith.constant 0 : i32
      %dma_start3A_358 = arith.constant 0 : i32
      %dma_start3A_359 = tpu.memref_slice %arg17[%dma_start3A_357, %dma_start3A_358] : memref<10240x64xf32, #tpu.memory_space<vmem_shared>> -> memref<10240x64xf32, #tpu.memory_space<vmem_shared>>
      tpu.enqueue_indirect_dma source(%dma_start3A_353 : memref<128x64xf32, #tpu.memory_space<vmem>>) target(%dma_start3A_359 : memref<10240x64xf32, #tpu.memory_space<vmem_shared>>) offsets(%dma_start3A_356 : memref<128xi32, #tpu.memory_space<vmem>>) semaphore(%arg19 : memref<!tpu.dma_semaphore, #tpu.memory_space<semaphore_mem>>) {add = true}
      %mul3A_360 = arith.constant 4 : i32
      %mul3A_361 = arith.muli %add3A_298, %mul3A_360 : i32
      %add3A_362 = arith.constant 1 : i32
      %add3A_363 = arith.addi %mul3A_361, %add3A_362 : i32
      %dma_start3A_364 = arith.constant 1 : i32
      %dma_start3A_365 = arith.constant 0 : i32
      %dma_start3A_366 = arith.constant 0 : i32
      %dma_start3A_367 = tpu.memref_slice %arg8[%dma_start3A_364, %dma_start3A_365, %dma_start3A_366] : memref<4x128x64xf32, #tpu.memory_space<vmem>> -> memref<1x128x64xf32, #tpu.memory_space<vmem>>
      %dma_start3A_368 = tpu.memref_squeeze %dma_start3A_367 : memref<1x128x64xf32, #tpu.memory_space<vmem>> -> memref<128x64xf32, #tpu.memory_space<vmem>>
      %dma_start3A_369 = arith.constant 0 : i32
      %dma_start3A_370 = tpu.memref_slice %arg6[%add3A_363, %dma_start3A_369] : memref<160x128xi32, #tpu.memory_space<vmem>> -> memref<1x128xi32, #tpu.memory_space<vmem>>
      %dma_start3A_371 = tpu.memref_squeeze %dma_start3A_370 : memref<1x128xi32, #tpu.memory_space<vmem>> -> memref<128xi32, #tpu.memory_space<vmem>>
      %dma_start3A_372 = arith.constant 0 : i32
      %dma_start3A_373 = arith.constant 0 : i32
      %dma_start3A_374 = tpu.memref_slice %arg17[%dma_start3A_372, %dma_start3A_373] : memref<10240x64xf32, #tpu.memory_space<vmem_shared>> -> memref<10240x64xf32, #tpu.memory_space<vmem_shared>>
      tpu.enqueue_indirect_dma source(%dma_start3A_368 : memref<128x64xf32, #tpu.memory_space<vmem>>) target(%dma_start3A_374 : memref<10240x64xf32, #tpu.memory_space<vmem_shared>>) offsets(%dma_start3A_371 : memref<128xi32, #tpu.memory_space<vmem>>) semaphore(%arg19 : memref<!tpu.dma_semaphore, #tpu.memory_space<semaphore_mem>>) {add = true}
      %mul3A_375 = arith.constant 4 : i32
      %mul3A_376 = arith.muli %add3A_298, %mul3A_375 : i32
      %add3A_377 = arith.constant 2 : i32
      %add3A_378 = arith.addi %mul3A_376, %add3A_377 : i32
      %dma_start3A_379 = arith.constant 2 : i32
      %dma_start3A_380 = arith.constant 0 : i32
      %dma_start3A_381 = arith.constant 0 : i32
      %dma_start3A_382 = tpu.memref_slice %arg8[%dma_start3A_379, %dma_start3A_380, %dma_start3A_381] : memref<4x128x64xf32, #tpu.memory_space<vmem>> -> memref<1x128x64xf32, #tpu.memory_space<vmem>>
      %dma_start3A_383 = tpu.memref_squeeze %dma_start3A_382 : memref<1x128x64xf32, #tpu.memory_space<vmem>> -> memref<128x64xf32, #tpu.memory_space<vmem>>
      %dma_start3A_384 = arith.constant 0 : i32
      %dma_start3A_385 = tpu.memref_slice %arg6[%add3A_378, %dma_start3A_384] : memref<160x128xi32, #tpu.memory_space<vmem>> -> memref<1x128xi32, #tpu.memory_space<vmem>>
      %dma_start3A_386 = tpu.memref_squeeze %dma_start3A_385 : memref<1x128xi32, #tpu.memory_space<vmem>> -> memref<128xi32, #tpu.memory_space<vmem>>
      %dma_start3A_387 = arith.constant 0 : i32
      %dma_start3A_388 = arith.constant 0 : i32
      %dma_start3A_389 = tpu.memref_slice %arg17[%dma_start3A_387, %dma_start3A_388] : memref<10240x64xf32, #tpu.memory_space<vmem_shared>> -> memref<10240x64xf32, #tpu.memory_space<vmem_shared>>
      tpu.enqueue_indirect_dma source(%dma_start3A_383 : memref<128x64xf32, #tpu.memory_space<vmem>>) target(%dma_start3A_389 : memref<10240x64xf32, #tpu.memory_space<vmem_shared>>) offsets(%dma_start3A_386 : memref<128xi32, #tpu.memory_space<vmem>>) semaphore(%arg19 : memref<!tpu.dma_semaphore, #tpu.memory_space<semaphore_mem>>) {add = true}
      %mul3A_390 = arith.constant 4 : i32
      %mul3A_391 = arith.muli %add3A_298, %mul3A_390 : i32
      %add3A_392 = arith.constant 3 : i32
      %add3A_393 = arith.addi %mul3A_391, %add3A_392 : i32
      %dma_start3A_394 = arith.constant 3 : i32
      %dma_start3A_395 = arith.constant 0 : i32
      %dma_start3A_396 = arith.constant 0 : i32
      %dma_start3A_397 = tpu.memref_slice %arg8[%dma_start3A_394, %dma_start3A_395, %dma_start3A_396] : memref<4x128x64xf32, #tpu.memory_space<vmem>> -> memref<1x128x64xf32, #tpu.memory_space<vmem>>
      %dma_start3A_398 = tpu.memref_squeeze %dma_start3A_397 : memref<1x128x64xf32, #tpu.memory_space<vmem>> -> memref<128x64xf32, #tpu.memory_space<vmem>>
      %dma_start3A_399 = arith.constant 0 : i32
      %dma_start3A_400 = tpu.memref_slice %arg6[%add3A_393, %dma_start3A_399] : memref<160x128xi32, #tpu.memory_space<vmem>> -> memref<1x128xi32, #tpu.memory_space<vmem>>
      %dma_start3A_401 = tpu.memref_squeeze %dma_start3A_400 : memref<1x128xi32, #tpu.memory_space<vmem>> -> memref<128xi32, #tpu.memory_space<vmem>>
      %dma_start3A_402 = arith.constant 0 : i32
      %dma_start3A_403 = arith.constant 0 : i32
      %dma_start3A_404 = tpu.memref_slice %arg17[%dma_start3A_402, %dma_start3A_403] : memref<10240x64xf32, #tpu.memory_space<vmem_shared>> -> memref<10240x64xf32, #tpu.memory_space<vmem_shared>>
      tpu.enqueue_indirect_dma source(%dma_start3A_398 : memref<128x64xf32, #tpu.memory_space<vmem>>) target(%dma_start3A_404 : memref<10240x64xf32, #tpu.memory_space<vmem_shared>>) offsets(%dma_start3A_401 : memref<128xi32, #tpu.memory_space<vmem>>) semaphore(%arg19 : memref<!tpu.dma_semaphore, #tpu.memory_space<semaphore_mem>>) {add = true}
      %mul3A_405 = arith.constant 4 : i32
      %mul3A_406 = arith.muli %add3A_298, %mul3A_405 : i32
      %add3A_407 = arith.constant 0 : i32
      %add3A_408 = arith.addi %mul3A_406, %add3A_407 : i32
      %dma_wait3A_409 = arith.constant 0 : i32
      %dma_wait3A_410 = arith.constant 0 : i32
      %dma_wait3A_411 = arith.constant 0 : i32
      %dma_wait3A_412 = tpu.memref_slice %arg8[%dma_wait3A_409, %dma_wait3A_410, %dma_wait3A_411] : memref<4x128x64xf32, #tpu.memory_space<vmem>> -> memref<1x128x64xf32, #tpu.memory_space<vmem>>
      %dma_wait3A_413 = tpu.memref_squeeze %dma_wait3A_412 : memref<1x128x64xf32, #tpu.memory_space<vmem>> -> memref<128x64xf32, #tpu.memory_space<vmem>>
      %dma_wait3A_414 = arith.constant 0 : i32
      %dma_wait3A_415 = tpu.memref_slice %arg6[%add3A_408, %dma_wait3A_414] : memref<160x128xi32, #tpu.memory_space<vmem>> -> memref<1x128xi32, #tpu.memory_space<vmem>>
      %dma_wait3A_416 = tpu.memref_squeeze %dma_wait3A_415 : memref<1x128xi32, #tpu.memory_space<vmem>> -> memref<128xi32, #tpu.memory_space<vmem>>
      %dma_wait3A_417 = arith.constant 0 : i32
      %dma_wait3A_418 = arith.constant 0 : i32
      %dma_wait3A_419 = tpu.memref_slice %arg17[%dma_wait3A_417, %dma_wait3A_418] : memref<10240x64xf32, #tpu.memory_space<vmem_shared>> -> memref<10240x64xf32, #tpu.memory_space<vmem_shared>>
      tpu.wait_indirect_dma semaphore(%arg19 : memref<!tpu.dma_semaphore, #tpu.memory_space<semaphore_mem>>) src(%dma_wait3A_413 : memref<128x64xf32, #tpu.memory_space<vmem>>) dst(%dma_wait3A_419 : memref<10240x64xf32, #tpu.memory_space<vmem_shared>>)
      %mul3A_420 = arith.constant 4 : i32
      %mul3A_421 = arith.muli %add3A_298, %mul3A_420 : i32
      %add3A_422 = arith.constant 1 : i32
      %add3A_423 = arith.addi %mul3A_421, %add3A_422 : i32
      %dma_wait3A_424 = arith.constant 1 : i32
      %dma_wait3A_425 = arith.constant 0 : i32
      %dma_wait3A_426 = arith.constant 0 : i32
      %dma_wait3A_427 = tpu.memref_slice %arg8[%dma_wait3A_424, %dma_wait3A_425, %dma_wait3A_426] : memref<4x128x64xf32, #tpu.memory_space<vmem>> -> memref<1x128x64xf32, #tpu.memory_space<vmem>>
      %dma_wait3A_428 = tpu.memref_squeeze %dma_wait3A_427 : memref<1x128x64xf32, #tpu.memory_space<vmem>> -> memref<128x64xf32, #tpu.memory_space<vmem>>
      %dma_wait3A_429 = arith.constant 0 : i32
      %dma_wait3A_430 = tpu.memref_slice %arg6[%add3A_423, %dma_wait3A_429] : memref<160x128xi32, #tpu.memory_space<vmem>> -> memref<1x128xi32, #tpu.memory_space<vmem>>
      %dma_wait3A_431 = tpu.memref_squeeze %dma_wait3A_430 : memref<1x128xi32, #tpu.memory_space<vmem>> -> memref<128xi32, #tpu.memory_space<vmem>>
      %dma_wait3A_432 = arith.constant 0 : i32
      %dma_wait3A_433 = arith.constant 0 : i32
      %dma_wait3A_434 = tpu.memref_slice %arg17[%dma_wait3A_432, %dma_wait3A_433] : memref<10240x64xf32, #tpu.memory_space<vmem_shared>> -> memref<10240x64xf32, #tpu.memory_space<vmem_shared>>
      tpu.wait_indirect_dma semaphore(%arg19 : memref<!tpu.dma_semaphore, #tpu.memory_space<semaphore_mem>>) src(%dma_wait3A_428 : memref<128x64xf32, #tpu.memory_space<vmem>>) dst(%dma_wait3A_434 : memref<10240x64xf32, #tpu.memory_space<vmem_shared>>)
      %mul3A_435 = arith.constant 4 : i32
      %mul3A_436 = arith.muli %add3A_298, %mul3A_435 : i32
      %add3A_437 = arith.constant 2 : i32
      %add3A_438 = arith.addi %mul3A_436, %add3A_437 : i32
      %dma_wait3A_439 = arith.constant 2 : i32
      %dma_wait3A_440 = arith.constant 0 : i32
      %dma_wait3A_441 = arith.constant 0 : i32
      %dma_wait3A_442 = tpu.memref_slice %arg8[%dma_wait3A_439, %dma_wait3A_440, %dma_wait3A_441] : memref<4x128x64xf32, #tpu.memory_space<vmem>> -> memref<1x128x64xf32, #tpu.memory_space<vmem>>
      %dma_wait3A_443 = tpu.memref_squeeze %dma_wait3A_442 : memref<1x128x64xf32, #tpu.memory_space<vmem>> -> memref<128x64xf32, #tpu.memory_space<vmem>>
      %dma_wait3A_444 = arith.constant 0 : i32
      %dma_wait3A_445 = tpu.memref_slice %arg6[%add3A_438, %dma_wait3A_444] : memref<160x128xi32, #tpu.memory_space<vmem>> -> memref<1x128xi32, #tpu.memory_space<vmem>>
      %dma_wait3A_446 = tpu.memref_squeeze %dma_wait3A_445 : memref<1x128xi32, #tpu.memory_space<vmem>> -> memref<128xi32, #tpu.memory_space<vmem>>
      %dma_wait3A_447 = arith.constant 0 : i32
      %dma_wait3A_448 = arith.constant 0 : i32
      %dma_wait3A_449 = tpu.memref_slice %arg17[%dma_wait3A_447, %dma_wait3A_448] : memref<10240x64xf32, #tpu.memory_space<vmem_shared>> -> memref<10240x64xf32, #tpu.memory_space<vmem_shared>>
      tpu.wait_indirect_dma semaphore(%arg19 : memref<!tpu.dma_semaphore, #tpu.memory_space<semaphore_mem>>) src(%dma_wait3A_443 : memref<128x64xf32, #tpu.memory_space<vmem>>) dst(%dma_wait3A_449 : memref<10240x64xf32, #tpu.memory_space<vmem_shared>>)
      %mul3A_450 = arith.constant 4 : i32
      %mul3A_451 = arith.muli %add3A_298, %mul3A_450 : i32
      %add3A_452 = arith.constant 3 : i32
      %add3A_453 = arith.addi %mul3A_451, %add3A_452 : i32
      %dma_wait3A_454 = arith.constant 3 : i32
      %dma_wait3A_455 = arith.constant 0 : i32
      %dma_wait3A_456 = arith.constant 0 : i32
      %dma_wait3A_457 = tpu.memref_slice %arg8[%dma_wait3A_454, %dma_wait3A_455, %dma_wait3A_456] : memref<4x128x64xf32, #tpu.memory_space<vmem>> -> memref<1x128x64xf32, #tpu.memory_space<vmem>>
      %dma_wait3A_458 = tpu.memref_squeeze %dma_wait3A_457 : memref<1x128x64xf32, #tpu.memory_space<vmem>> -> memref<128x64xf32, #tpu.memory_space<vmem>>
      %dma_wait3A_459 = arith.constant 0 : i32
      %dma_wait3A_460 = tpu.memref_slice %arg6[%add3A_453, %dma_wait3A_459] : memref<160x128xi32, #tpu.memory_space<vmem>> -> memref<1x128xi32, #tpu.memory_space<vmem>>
      %dma_wait3A_461 = tpu.memref_squeeze %dma_wait3A_460 : memref<1x128xi32, #tpu.memory_space<vmem>> -> memref<128xi32, #tpu.memory_space<vmem>>
      %dma_wait3A_462 = arith.constant 0 : i32
      %dma_wait3A_463 = arith.constant 0 : i32
      %dma_wait3A_464 = tpu.memref_slice %arg17[%dma_wait3A_462, %dma_wait3A_463] : memref<10240x64xf32, #tpu.memory_space<vmem_shared>> -> memref<10240x64xf32, #tpu.memory_space<vmem_shared>>
      tpu.wait_indirect_dma semaphore(%arg19 : memref<!tpu.dma_semaphore, #tpu.memory_space<semaphore_mem>>) src(%dma_wait3A_458 : memref<128x64xf32, #tpu.memory_space<vmem>>) dst(%dma_wait3A_464 : memref<10240x64xf32, #tpu.memory_space<vmem_shared>>)
    }
    %scan3A_115 = arith.constant 20 : i32
    %barrier3A_116 = arith.constant 0 : index
    tpu.barrier barrier_id(%barrier3A_116)
    %mul3A_117 = arith.constant 640 : i32
    %mul3A_118 = arith.muli %arg1, %mul3A_117 : i32
    %mul3A_119 = arith.constant 640 : i32
    %mul3A_120 = arith.muli %arg1, %mul3A_119 : i32
    %mul3A_121 = arith.constant 64 : i32
    %mul3A_122 = arith.muli %arg0, %mul3A_121 : i32
    "tpu.region"() ({
      %run_scoped3A_123 = tpu.sem_alloc : memref<!tpu.dma_semaphore, #tpu.memory_space<semaphore_mem>>
      %dma_start3A_124 = tpu.memref_slice %arg5[%mul3A_120, %mul3A_122] : memref<10240x128xf32, #tpu.memory_space<hbm>> -> memref<640x64xf32, #tpu.memory_space<hbm>>
      %dma_start3A_125 = arith.constant 0 : i32
      %dma_start3A_126 = tpu.memref_slice %arg17[%mul3A_118, %dma_start3A_125] : memref<10240x64xf32, #tpu.memory_space<vmem_shared>> -> memref<640x64xf32, #tpu.memory_space<vmem_shared>>
      tpu.enqueue_dma source(%dma_start3A_126 : memref<640x64xf32, #tpu.memory_space<vmem_shared>>) target(%dma_start3A_124 : memref<640x64xf32, #tpu.memory_space<hbm>>) target_semaphore(%run_scoped3A_123 : memref<!tpu.dma_semaphore, #tpu.memory_space<semaphore_mem>>)
      %dma_wait3A_127 = tpu.memref_slice %arg5[%mul3A_120, %mul3A_122] : memref<10240x128xf32, #tpu.memory_space<hbm>> -> memref<640x64xf32, #tpu.memory_space<hbm>>
      %dma_wait3A_128 = arith.constant 0 : i32
      %dma_wait3A_129 = tpu.memref_slice %arg17[%mul3A_118, %dma_wait3A_128] : memref<10240x64xf32, #tpu.memory_space<vmem_shared>> -> memref<640x64xf32, #tpu.memory_space<vmem_shared>>
      tpu.wait_dma2 semaphore(%run_scoped3A_123 : memref<!tpu.dma_semaphore, #tpu.memory_space<semaphore_mem>>) src(%dma_wait3A_129 : memref<640x64xf32, #tpu.memory_space<vmem_shared>>) dst(%dma_wait3A_127 : memref<640x64xf32, #tpu.memory_space<hbm>>)
      tpu.yield
    }) : () -> ()
    return
  }
}

module attributes {stable_mosaic.version = 14 : i64} {
  func.func @body(%arg0: i32, %arg1: memref<1024x128xf32, #tpu.memory_space<vmem>>, %arg2: memref<128x128xf32, #tpu.memory_space<vmem>>, %arg3: memref<2x1024x1xf32, #tpu.memory_space<vmem>>, %arg4: memref<1024x128xf32, #tpu.memory_space<vmem>>) attributes {dimension_semantics = [#tpu.dimension_semantics<arbitrary>], iteration_bounds = array<i64: 10>, scalar_prefetch = 0 : i64, scratch_operands = 0 : i64, tpu.core_type = #tpu.core_type<tc>, window_params = [{transform_indices = @transform_0, window_bounds = array<i64: 1024, 128>}, {pipeline_mode = #tpu.pipeline_mode<synchronous>, transform_indices = @transform_1, window_bounds = array<i64: 128, 128>}, {transform_indices = @transform_2, window_bounds = array<i64: 2, 1024, 1>}, {transform_indices = @transform_3, window_bounds = array<i64: 1024, 128>}]} {
    %get3A = arith.constant 0 : index
    %get3A_0 = arith.constant 0 : index
    %get3A_1 = vector.load %arg1[%get3A, %get3A_0] : memref<1024x128xf32, #tpu.memory_space<vmem>>, vector<1024x128xf32>
    %get3A_2 = arith.constant 0 : index
    %get3A_3 = arith.constant 0 : index
    %get3A_4 = vector.load %arg2[%get3A_2, %get3A_3] : memref<128x128xf32, #tpu.memory_space<vmem>>, vector<128x128xf32>
    %dot_general3A = arith.constant dense<0.000000e+00> : vector<1024x128xf32>
    %dot_general3A_5 = tpu.matmul %get3A_1, %get3A_4, %dot_general3A {dimension_numbers = #tpu.dot_dimension_numbers<[1], [0], [0], [1], [0, 0, 1, 1], [], []>, transpose_lhs_hint = false} : vector<1024x128xf32>, vector<128x128xf32>, vector<1024x128xf32> -> vector<1024x128xf32>
    %get3A_6 = arith.constant 0 : index
    %get3A_7 = arith.constant 0 : index
    %get3A_8 = arith.constant 0 : index
    %get3A_9 = vector.load %arg3[%get3A_6, %get3A_7, %get3A_8] : memref<2x1024x1xf32, #tpu.memory_space<vmem>>, vector<1x1024x1xf32>
    %get3A_10 = vector.shape_cast %get3A_9 : vector<1x1024x1xf32> to vector<1024x1xf32>
    %get3A_11 = arith.constant 1 : index
    %get3A_12 = arith.constant 0 : index
    %get3A_13 = arith.constant 0 : index
    %get3A_14 = vector.load %arg3[%get3A_11, %get3A_12, %get3A_13] : memref<2x1024x1xf32, #tpu.memory_space<vmem>>, vector<1x1024x1xf32>
    %get3A_15 = vector.shape_cast %get3A_14 : vector<1x1024x1xf32> to vector<1024x1xf32>
    %add3A = arith.addf %get3A_10, %get3A_15 : vector<1024x1xf32>
    %add3A_16 = arith.constant 1.000000e+00 : f32
    %add3A_17 = vector.broadcast %add3A_16 : f32 to vector<1024x1xf32>
    %add3A_18 = arith.addf %add3A, %add3A_17 : vector<1024x1xf32>
    %iota3A = tpu.iota {dimensions = array<i32: 0>} : vector<1024x1xi32>
    %mul3A = arith.constant 1024 : i32
    %mul3A_19 = arith.muli %arg0, %mul3A : i32
    %add3A_20 = vector.broadcast %mul3A_19 : i32 to vector<1024x1xi32>
    %add3A_21 = arith.addi %iota3A, %add3A_20 : vector<1024x1xi32>
    %lt3A = arith.constant 10000 : i32
    %lt3A_22 = vector.broadcast %lt3A : i32 to vector<1024x1xi32>
    %lt3A_23 = arith.cmpi slt, %add3A_21, %lt3A_22 : vector<1024x1xi32>
    %rsqrt3A = math.rsqrt %add3A_18 : vector<1024x1xf32>
    %jit3A = arith.constant 0.000000e+00 : f32
    %broadcast_in_dim3A = vector.broadcast %jit3A : f32 to vector<1024x1xf32>
    %select_n3A = arith.select %lt3A_23, %rsqrt3A, %broadcast_in_dim3A : vector<1024x1xi1>, vector<1024x1xf32>
    %mul3A_24 = vector.broadcast %select_n3A : vector<1024x1xf32> to vector<1024x128xf32>
    %mul3A_25 = arith.mulf %dot_general3A_5, %mul3A_24 : vector<1024x128xf32>
    %swap3A = arith.constant 0 : index
    %swap3A_26 = arith.constant 0 : index
    %swap3A_27 = vector.load %arg4[%swap3A, %swap3A_26] : memref<1024x128xf32, #tpu.memory_space<vmem>>, vector<1024x128xf32>
    tpu.vector_store %arg4[%swap3A, %swap3A_26], %mul3A_25 {strides = array<i32>} : memref<1024x128xf32, #tpu.memory_space<vmem>>, vector<1024x128xf32>,
    return
  }
  func.func @transform_0(%arg0: i32) -> (i32, i32) {
    %c0_i32 = arith.constant 0 : i32
    %c0_i32_0 = arith.constant 0 : i32
    return %arg0, %c0_i32 : i32, i32
  }
  func.func @transform_1(%arg0: i32) -> (i32, i32) {
    %c0_i32 = arith.constant 0 : i32
    %c0_i32_0 = arith.constant 0 : i32
    %c0_i32_1 = arith.constant 0 : i32
    return %c0_i32, %c0_i32_0 : i32, i32
  }
  func.func @transform_2(%arg0: i32) -> (i32, i32, i32) {
    %c0_i32 = arith.constant 0 : i32
    %c0_i32_0 = arith.constant 0 : i32
    %c0_i32_1 = arith.constant 0 : i32
    return %c0_i32, %arg0, %c0_i32_0 : i32, i32, i32
  }
  func.func @transform_3(%arg0: i32) -> (i32, i32) {
    %c0_i32 = arith.constant 0 : i32
    %c0_i32_0 = arith.constant 0 : i32
    return %arg0, %c0_i32 : i32, i32
  }
}

module attributes {stable_mosaic.version = 14 : i64} {
  func.func @body(%arg0: i32, %arg1: memref<1024x128xf32, #tpu.memory_space<vmem>>, %arg2: memref<1024x128xf32, #tpu.memory_space<vmem>>, %arg3: memref<2x1024x1xf32, #tpu.memory_space<vmem>>, %arg4: memref<1x128xf32, #tpu.memory_space<vmem>>, %arg5: memref<1x128xf32, #tpu.memory_space<vmem>>, %arg6: memref<1x128xf32, #tpu.memory_space<vmem>>, %arg7: memref<128x128xf32, #tpu.memory_space<vmem>>, %arg8: memref<1024x128xf32, #tpu.memory_space<vmem>>) attributes {dimension_semantics = [#tpu.dimension_semantics<arbitrary>], iteration_bounds = array<i64: 10>, scalar_prefetch = 0 : i64, scratch_operands = 0 : i64, tpu.core_type = #tpu.core_type<tc>, window_params = [{transform_indices = @transform_0, window_bounds = array<i64: 1024, 128>}, {transform_indices = @transform_1, window_bounds = array<i64: 1024, 128>}, {transform_indices = @transform_2, window_bounds = array<i64: 2, 1024, 1>}, {pipeline_mode = #tpu.pipeline_mode<synchronous>, transform_indices = @transform_3, window_bounds = array<i64: 1, 128>}, {pipeline_mode = #tpu.pipeline_mode<synchronous>, transform_indices = @transform_4, window_bounds = array<i64: 1, 128>}, {pipeline_mode = #tpu.pipeline_mode<synchronous>, transform_indices = @transform_5, window_bounds = array<i64: 1, 128>}, {pipeline_mode = #tpu.pipeline_mode<synchronous>, transform_indices = @transform_6, window_bounds = array<i64: 128, 128>}, {transform_indices = @transform_7, window_bounds = array<i64: 1024, 128>}]} {
    %get3A = arith.constant 0 : index
    %get3A_0 = arith.constant 0 : index
    %get3A_1 = arith.constant 0 : index
    %get3A_2 = vector.load %arg3[%get3A, %get3A_0, %get3A_1] : memref<2x1024x1xf32, #tpu.memory_space<vmem>>, vector<1x1024x1xf32>
    %get3A_3 = vector.shape_cast %get3A_2 : vector<1x1024x1xf32> to vector<1024x1xf32>
    %get3A_4 = arith.constant 1 : index
    %get3A_5 = arith.constant 0 : index
    %get3A_6 = arith.constant 0 : index
    %get3A_7 = vector.load %arg3[%get3A_4, %get3A_5, %get3A_6] : memref<2x1024x1xf32, #tpu.memory_space<vmem>>, vector<1x1024x1xf32>
    %get3A_8 = vector.shape_cast %get3A_7 : vector<1x1024x1xf32> to vector<1024x1xf32>
    %add3A = arith.addf %get3A_3, %get3A_8 : vector<1024x1xf32>
    %add3A_9 = arith.constant 1.000000e+00 : f32
    %add3A_10 = vector.broadcast %add3A_9 : f32 to vector<1024x1xf32>
    %add3A_11 = arith.addf %add3A, %add3A_10 : vector<1024x1xf32>
    %iota3A = tpu.iota {dimensions = array<i32: 0>} : vector<1024x1xi32>
    %mul3A = arith.constant 1024 : i32
    %mul3A_12 = arith.muli %arg0, %mul3A : i32
    %add3A_13 = vector.broadcast %mul3A_12 : i32 to vector<1024x1xi32>
    %add3A_14 = arith.addi %iota3A, %add3A_13 : vector<1024x1xi32>
    %lt3A = arith.constant 10000 : i32
    %lt3A_15 = vector.broadcast %lt3A : i32 to vector<1024x1xi32>
    %lt3A_16 = arith.cmpi slt, %add3A_14, %lt3A_15 : vector<1024x1xi32>
    %rsqrt3A = math.rsqrt %add3A_11 : vector<1024x1xf32>
    %jit3A = arith.constant 0.000000e+00 : f32
    %broadcast_in_dim3A = vector.broadcast %jit3A : f32 to vector<1024x1xf32>
    %select_n3A = arith.select %lt3A_16, %rsqrt3A, %broadcast_in_dim3A : vector<1024x1xi1>, vector<1024x1xf32>
    %get3A_17 = arith.constant 0 : index
    %get3A_18 = arith.constant 0 : index
    %get3A_19 = vector.load %arg1[%get3A_17, %get3A_18] : memref<1024x128xf32, #tpu.memory_space<vmem>>, vector<1024x128xf32>
    %get3A_20 = arith.constant 0 : index
    %get3A_21 = arith.constant 0 : index
    %get3A_22 = vector.load %arg2[%get3A_20, %get3A_21] : memref<1024x128xf32, #tpu.memory_space<vmem>>, vector<1024x128xf32>
    %add3A_23 = arith.addf %get3A_19, %get3A_22 : vector<1024x128xf32>
    %mul3A_24 = vector.broadcast %select_n3A : vector<1024x1xf32> to vector<1024x128xf32>
    %mul3A_25 = arith.mulf %add3A_23, %mul3A_24 : vector<1024x128xf32>
    %get3A_26 = arith.constant 0 : index
    %get3A_27 = arith.constant 0 : index
    %get3A_28 = vector.load %arg4[%get3A_26, %get3A_27] : memref<1x128xf32, #tpu.memory_space<vmem>>, vector<1x128xf32>
    %add3A_29 = vector.broadcast %get3A_28 : vector<1x128xf32> to vector<1024x128xf32>
    %add3A_30 = arith.addf %mul3A_25, %add3A_29 : vector<1024x128xf32>
    %max3A = arith.constant 0.000000e+00 : f32
    %max3A_31 = vector.broadcast %max3A : f32 to vector<1024x128xf32>
    %max3A_32 = arith.maximumf %add3A_30, %max3A_31 : vector<1024x128xf32>
    %reduce_sum3A = arith.constant dense<0.000000e+00> : vector<1024xf32>
    %reduce_sum3A_33 = vector.multi_reduction <add>, %max3A_32, %reduce_sum3A [1] : vector<1024x128xf32> to vector<1024xf32>
    %broadcast_in_dim3A_34 = vector.shape_cast %reduce_sum3A_33 : vector<1024xf32> to vector<1024x1xf32>
    %div3A = arith.constant 1.280000e+02 : f32
    %div3A_35 = vector.broadcast %div3A : f32 to vector<1024x1xf32>
    %div3A_36 = arith.divf %broadcast_in_dim3A_34, %div3A_35 : vector<1024x1xf32>
    %sub3A = vector.broadcast %div3A_36 : vector<1024x1xf32> to vector<1024x128xf32>
    %sub3A_37 = arith.subf %max3A_32, %sub3A : vector<1024x128xf32>
    %integer_pow3A = arith.mulf %sub3A_37, %sub3A_37 : vector<1024x128xf32>
    %reduce_sum3A_38 = arith.constant dense<0.000000e+00> : vector<1024xf32>
    %reduce_sum3A_39 = vector.multi_reduction <add>, %integer_pow3A, %reduce_sum3A_38 [1] : vector<1024x128xf32> to vector<1024xf32>
    %broadcast_in_dim3A_40 = vector.shape_cast %reduce_sum3A_39 : vector<1024xf32> to vector<1024x1xf32>
    %div3A_41 = arith.constant 1.280000e+02 : f32
    %div3A_42 = vector.broadcast %div3A_41 : f32 to vector<1024x1xf32>
    %div3A_43 = arith.divf %broadcast_in_dim3A_40, %div3A_42 : vector<1024x1xf32>
    %sub3A_44 = vector.broadcast %div3A_36 : vector<1024x1xf32> to vector<1024x128xf32>
    %sub3A_45 = arith.subf %max3A_32, %sub3A_44 : vector<1024x128xf32>
    %add3A_46 = arith.constant 9.99999974E-6 : f32
    %add3A_47 = vector.broadcast %add3A_46 : f32 to vector<1024x1xf32>
    %add3A_48 = arith.addf %div3A_43, %add3A_47 : vector<1024x1xf32>
    %rsqrt3A_49 = math.rsqrt %add3A_48 : vector<1024x1xf32>
    %mul3A_50 = vector.broadcast %rsqrt3A_49 : vector<1024x1xf32> to vector<1024x128xf32>
    %mul3A_51 = arith.mulf %sub3A_45, %mul3A_50 : vector<1024x128xf32>
    %get3A_52 = arith.constant 0 : index
    %get3A_53 = arith.constant 0 : index
    %get3A_54 = vector.load %arg5[%get3A_52, %get3A_53] : memref<1x128xf32, #tpu.memory_space<vmem>>, vector<1x128xf32>
    %mul3A_55 = vector.broadcast %get3A_54 : vector<1x128xf32> to vector<1024x128xf32>
    %mul3A_56 = arith.mulf %mul3A_51, %mul3A_55 : vector<1024x128xf32>
    %get3A_57 = arith.constant 0 : index
    %get3A_58 = arith.constant 0 : index
    %get3A_59 = vector.load %arg6[%get3A_57, %get3A_58] : memref<1x128xf32, #tpu.memory_space<vmem>>, vector<1x128xf32>
    %add3A_60 = vector.broadcast %get3A_59 : vector<1x128xf32> to vector<1024x128xf32>
    %add3A_61 = arith.addf %mul3A_56, %add3A_60 : vector<1024x128xf32>
    %get3A_62 = arith.constant 0 : index
    %get3A_63 = arith.constant 0 : index
    %get3A_64 = vector.load %arg7[%get3A_62, %get3A_63] : memref<128x128xf32, #tpu.memory_space<vmem>>, vector<128x128xf32>
    %dot_general3A = arith.constant dense<0.000000e+00> : vector<1024x128xf32>
    %dot_general3A_65 = tpu.matmul %add3A_61, %get3A_64, %dot_general3A {dimension_numbers = #tpu.dot_dimension_numbers<[1], [0], [0], [1], [0, 0, 1, 1], [], []>, transpose_lhs_hint = false} : vector<1024x128xf32>, vector<128x128xf32>, vector<1024x128xf32> -> vector<1024x128xf32>
    %mul3A_66 = vector.broadcast %select_n3A : vector<1024x1xf32> to vector<1024x128xf32>
    %mul3A_67 = arith.mulf %dot_general3A_65, %mul3A_66 : vector<1024x128xf32>
    %swap3A = arith.constant 0 : index
    %swap3A_68 = arith.constant 0 : index
    %swap3A_69 = vector.load %arg8[%swap3A, %swap3A_68] : memref<1024x128xf32, #tpu.memory_space<vmem>>, vector<1024x128xf32>
    tpu.vector_store %arg8[%swap3A, %swap3A_68], %mul3A_67 {strides = array<i32>} : memref<1024x128xf32, #tpu.memory_space<vmem>>, vector<1024x128xf32>,
    return
  }
  func.func @transform_0(%arg0: i32) -> (i32, i32) {
    %c0_i32 = arith.constant 0 : i32
    %c0_i32_0 = arith.constant 0 : i32
    return %arg0, %c0_i32 : i32, i32
  }
  func.func @transform_1(%arg0: i32) -> (i32, i32) {
    %c0_i32 = arith.constant 0 : i32
    %c0_i32_0 = arith.constant 0 : i32
    return %arg0, %c0_i32 : i32, i32
  }
  func.func @transform_2(%arg0: i32) -> (i32, i32, i32) {
    %c0_i32 = arith.constant 0 : i32
    %c0_i32_0 = arith.constant 0 : i32
    %c0_i32_1 = arith.constant 0 : i32
    return %c0_i32, %arg0, %c0_i32_0 : i32, i32, i32
  }
  func.func @transform_3(%arg0: i32) -> (i32, i32) {
    %c0_i32 = arith.constant 0 : i32
    %c0_i32_0 = arith.constant 0 : i32
    %c0_i32_1 = arith.constant 0 : i32
    return %c0_i32, %c0_i32_0 : i32, i32
  }
  func.func @transform_4(%arg0: i32) -> (i32, i32) {
    %c0_i32 = arith.constant 0 : i32
    %c0_i32_0 = arith.constant 0 : i32
    %c0_i32_1 = arith.constant 0 : i32
    return %c0_i32, %c0_i32_0 : i32, i32
  }
  func.func @transform_5(%arg0: i32) -> (i32, i32) {
    %c0_i32 = arith.constant 0 : i32
    %c0_i32_0 = arith.constant 0 : i32
    %c0_i32_1 = arith.constant 0 : i32
    return %c0_i32, %c0_i32_0 : i32, i32
  }
  func.func @transform_6(%arg0: i32) -> (i32, i32) {
    %c0_i32 = arith.constant 0 : i32
    %c0_i32_0 = arith.constant 0 : i32
    %c0_i32_1 = arith.constant 0 : i32
    return %c0_i32, %c0_i32_0 : i32, i32
  }
  func.func @transform_7(%arg0: i32) -> (i32, i32) {
    %c0_i32 = arith.constant 0 : i32
    %c0_i32_0 = arith.constant 0 : i32
    return %arg0, %c0_i32 : i32, i32
  }
}

module attributes {stable_mosaic.version = 14 : i64} {
  func.func @body(%arg0: i32, %arg1: memref<1024x128xf32, #tpu.memory_space<vmem>>, %arg2: memref<1024x128xf32, #tpu.memory_space<vmem>>, %arg3: memref<2x1024x1xf32, #tpu.memory_space<vmem>>, %arg4: memref<1x128xf32, #tpu.memory_space<vmem>>, %arg5: memref<128x128xf32, #tpu.memory_space<vmem>>, %arg6: memref<1x128xf32, #tpu.memory_space<vmem>>, %arg7: memref<128x128xf32, #tpu.memory_space<vmem>>, %arg8: memref<1x128xf32, #tpu.memory_space<vmem>>, %arg9: memref<1024x128xf32, #tpu.memory_space<vmem>>) attributes {dimension_semantics = [#tpu.dimension_semantics<arbitrary>], iteration_bounds = array<i64: 10>, scalar_prefetch = 0 : i64, scratch_operands = 0 : i64, tpu.core_type = #tpu.core_type<tc>, window_params = [{transform_indices = @transform_0, window_bounds = array<i64: 1024, 128>}, {transform_indices = @transform_1, window_bounds = array<i64: 1024, 128>}, {transform_indices = @transform_2, window_bounds = array<i64: 2, 1024, 1>}, {pipeline_mode = #tpu.pipeline_mode<synchronous>, transform_indices = @transform_3, window_bounds = array<i64: 1, 128>}, {pipeline_mode = #tpu.pipeline_mode<synchronous>, transform_indices = @transform_4, window_bounds = array<i64: 128, 128>}, {pipeline_mode = #tpu.pipeline_mode<synchronous>, transform_indices = @transform_5, window_bounds = array<i64: 1, 128>}, {pipeline_mode = #tpu.pipeline_mode<synchronous>, transform_indices = @transform_6, window_bounds = array<i64: 128, 128>}, {pipeline_mode = #tpu.pipeline_mode<synchronous>, transform_indices = @transform_7, window_bounds = array<i64: 1, 128>}, {transform_indices = @transform_8, window_bounds = array<i64: 1024, 128>}]} {
    %get3A = arith.constant 0 : index
    %get3A_0 = arith.constant 0 : index
    %get3A_1 = arith.constant 0 : index
    %get3A_2 = vector.load %arg3[%get3A, %get3A_0, %get3A_1] : memref<2x1024x1xf32, #tpu.memory_space<vmem>>, vector<1x1024x1xf32>
    %get3A_3 = vector.shape_cast %get3A_2 : vector<1x1024x1xf32> to vector<1024x1xf32>
    %get3A_4 = arith.constant 1 : index
    %get3A_5 = arith.constant 0 : index
    %get3A_6 = arith.constant 0 : index
    %get3A_7 = vector.load %arg3[%get3A_4, %get3A_5, %get3A_6] : memref<2x1024x1xf32, #tpu.memory_space<vmem>>, vector<1x1024x1xf32>
    %get3A_8 = vector.shape_cast %get3A_7 : vector<1x1024x1xf32> to vector<1024x1xf32>
    %add3A = arith.addf %get3A_3, %get3A_8 : vector<1024x1xf32>
    %add3A_9 = arith.constant 1.000000e+00 : f32
    %add3A_10 = vector.broadcast %add3A_9 : f32 to vector<1024x1xf32>
    %add3A_11 = arith.addf %add3A, %add3A_10 : vector<1024x1xf32>
    %iota3A = tpu.iota {dimensions = array<i32: 0>} : vector<1024x1xi32>
    %mul3A = arith.constant 1024 : i32
    %mul3A_12 = arith.muli %arg0, %mul3A : i32
    %add3A_13 = vector.broadcast %mul3A_12 : i32 to vector<1024x1xi32>
    %add3A_14 = arith.addi %iota3A, %add3A_13 : vector<1024x1xi32>
    %lt3A = arith.constant 10000 : i32
    %lt3A_15 = vector.broadcast %lt3A : i32 to vector<1024x1xi32>
    %lt3A_16 = arith.cmpi slt, %add3A_14, %lt3A_15 : vector<1024x1xi32>
    %rsqrt3A = math.rsqrt %add3A_11 : vector<1024x1xf32>
    %jit3A = arith.constant 0.000000e+00 : f32
    %broadcast_in_dim3A = vector.broadcast %jit3A : f32 to vector<1024x1xf32>
    %select_n3A = arith.select %lt3A_16, %rsqrt3A, %broadcast_in_dim3A : vector<1024x1xi1>, vector<1024x1xf32>
    %get3A_17 = arith.constant 0 : index
    %get3A_18 = arith.constant 0 : index
    %get3A_19 = vector.load %arg1[%get3A_17, %get3A_18] : memref<1024x128xf32, #tpu.memory_space<vmem>>, vector<1024x128xf32>
    %get3A_20 = arith.constant 0 : index
    %get3A_21 = arith.constant 0 : index
    %get3A_22 = vector.load %arg2[%get3A_20, %get3A_21] : memref<1024x128xf32, #tpu.memory_space<vmem>>, vector<1024x128xf32>
    %add3A_23 = arith.addf %get3A_19, %get3A_22 : vector<1024x128xf32>
    %mul3A_24 = vector.broadcast %select_n3A : vector<1024x1xf32> to vector<1024x128xf32>
    %mul3A_25 = arith.mulf %add3A_23, %mul3A_24 : vector<1024x128xf32>
    %get3A_26 = arith.constant 0 : index
    %get3A_27 = arith.constant 0 : index
    %get3A_28 = vector.load %arg4[%get3A_26, %get3A_27] : memref<1x128xf32, #tpu.memory_space<vmem>>, vector<1x128xf32>
    %add3A_29 = vector.broadcast %get3A_28 : vector<1x128xf32> to vector<1024x128xf32>
    %add3A_30 = arith.addf %mul3A_25, %add3A_29 : vector<1024x128xf32>
    %max3A = arith.constant 0.000000e+00 : f32
    %max3A_31 = vector.broadcast %max3A : f32 to vector<1024x128xf32>
    %max3A_32 = arith.maximumf %add3A_30, %max3A_31 : vector<1024x128xf32>
    %get3A_33 = arith.constant 0 : index
    %get3A_34 = arith.constant 0 : index
    %get3A_35 = vector.load %arg5[%get3A_33, %get3A_34] : memref<128x128xf32, #tpu.memory_space<vmem>>, vector<128x128xf32>
    %dot_general3A = arith.constant dense<0.000000e+00> : vector<1024x128xf32>
    %dot_general3A_36 = tpu.matmul %max3A_32, %get3A_35, %dot_general3A {dimension_numbers = #tpu.dot_dimension_numbers<[1], [0], [0], [1], [0, 0, 1, 1], [], []>, transpose_lhs_hint = false} : vector<1024x128xf32>, vector<128x128xf32>, vector<1024x128xf32> -> vector<1024x128xf32>
    %get3A_37 = arith.constant 0 : index
    %get3A_38 = arith.constant 0 : index
    %get3A_39 = vector.load %arg6[%get3A_37, %get3A_38] : memref<1x128xf32, #tpu.memory_space<vmem>>, vector<1x128xf32>
    %add3A_40 = vector.broadcast %get3A_39 : vector<1x128xf32> to vector<1024x128xf32>
    %add3A_41 = arith.addf %dot_general3A_36, %add3A_40 : vector<1024x128xf32>
    %get3A_42 = arith.constant 0 : index
    %get3A_43 = arith.constant 0 : index
    %get3A_44 = vector.load %arg7[%get3A_42, %get3A_43] : memref<128x128xf32, #tpu.memory_space<vmem>>, vector<128x128xf32>
    %dot_general3A_45 = arith.constant dense<0.000000e+00> : vector<1024x128xf32>
    %dot_general3A_46 = tpu.matmul %add3A_41, %get3A_44, %dot_general3A_45 {dimension_numbers = #tpu.dot_dimension_numbers<[1], [0], [0], [1], [0, 0, 1, 1], [], []>, transpose_lhs_hint = false} : vector<1024x128xf32>, vector<128x128xf32>, vector<1024x128xf32> -> vector<1024x128xf32>
    %get3A_47 = arith.constant 0 : index
    %get3A_48 = arith.constant 0 : index
    %get3A_49 = vector.load %arg8[%get3A_47, %get3A_48] : memref<1x128xf32, #tpu.memory_space<vmem>>, vector<1x128xf32>
    %add3A_50 = vector.broadcast %get3A_49 : vector<1x128xf32> to vector<1024x128xf32>
    %add3A_51 = arith.addf %dot_general3A_46, %add3A_50 : vector<1024x128xf32>
    %swap3A = arith.constant 0 : index
    %swap3A_52 = arith.constant 0 : index
    %swap3A_53 = vector.load %arg9[%swap3A, %swap3A_52] : memref<1024x128xf32, #tpu.memory_space<vmem>>, vector<1024x128xf32>
    tpu.vector_store %arg9[%swap3A, %swap3A_52], %add3A_51 {strides = array<i32>} : memref<1024x128xf32, #tpu.memory_space<vmem>>, vector<1024x128xf32>,
    return
  }
  func.func @transform_0(%arg0: i32) -> (i32, i32) {
    %c0_i32 = arith.constant 0 : i32
    %c0_i32_0 = arith.constant 0 : i32
    return %arg0, %c0_i32 : i32, i32
  }
  func.func @transform_1(%arg0: i32) -> (i32, i32) {
    %c0_i32 = arith.constant 0 : i32
    %c0_i32_0 = arith.constant 0 : i32
    return %arg0, %c0_i32 : i32, i32
  }
  func.func @transform_2(%arg0: i32) -> (i32, i32, i32) {
    %c0_i32 = arith.constant 0 : i32
    %c0_i32_0 = arith.constant 0 : i32
    %c0_i32_1 = arith.constant 0 : i32
    return %c0_i32, %arg0, %c0_i32_0 : i32, i32, i32
  }
  func.func @transform_3(%arg0: i32) -> (i32, i32) {
    %c0_i32 = arith.constant 0 : i32
    %c0_i32_0 = arith.constant 0 : i32
    %c0_i32_1 = arith.constant 0 : i32
    return %c0_i32, %c0_i32_0 : i32, i32
  }
  func.func @transform_4(%arg0: i32) -> (i32, i32) {
    %c0_i32 = arith.constant 0 : i32
    %c0_i32_0 = arith.constant 0 : i32
    %c0_i32_1 = arith.constant 0 : i32
    return %c0_i32, %c0_i32_0 : i32, i32
  }
  func.func @transform_5(%arg0: i32) -> (i32, i32) {
    %c0_i32 = arith.constant 0 : i32
    %c0_i32_0 = arith.constant 0 : i32
    %c0_i32_1 = arith.constant 0 : i32
    return %c0_i32, %c0_i32_0 : i32, i32
  }
  func.func @transform_6(%arg0: i32) -> (i32, i32) {
    %c0_i32 = arith.constant 0 : i32
    %c0_i32_0 = arith.constant 0 : i32
    %c0_i32_1 = arith.constant 0 : i32
    return %c0_i32, %c0_i32_0 : i32, i32
  }
  func.func @transform_7(%arg0: i32) -> (i32, i32) {
    %c0_i32 = arith.constant 0 : i32
    %c0_i32_0 = arith.constant 0 : i32
    %c0_i32_1 = arith.constant 0 : i32
    return %c0_i32, %c0_i32_0 : i32, i32
  }
  func.func @transform_8(%arg0: i32) -> (i32, i32) {
    %c0_i32 = arith.constant 0 : i32
    %c0_i32_0 = arith.constant 0 : i32
    return %arg0, %c0_i32 : i32, i32
  }
}

</mosaic_0001>

<sc_bundles>
// kernel: kernel.10.cloned.1.call-start
scs
__scs_entry_jumppad:
0x0: {  	(pc) =	sbr.rel $0x88, $3  }
0x1: {  	(tag) =	ssettag $0x0;
	lr =	simm.s32 $0x1  }
0x2: {  	[smem:$0x3F91] =	sst lr;
	_ =	strace $0xD0000000  }
0x3: {  	_ = 	snop  }
0x4: {  	_ = 	snop  }
0x5: {  	_ = 	snop  }
0x6: {  	_ = 	snop  }
0x7: {  	_ = 	snop  }
__scs_overlays_trampoline_lowered:
0x8: {  	[smem:$0x3FA0] =	sst s0  }
0x9: {  	[smem:$0x3FA1] =	sst s1  }
0xa: {  	[smem:$0x3FA2] =	sst s2  }
0xb: {  	[smem:$0x3FA3] =	sst s3  }
0xc: {  	[smem:$0x3FA4] =	sst s4  }
0xd: {  	[smem:$0x3FA5] =	sst s5  }
0xe: {  	[smem:$0x3FA6] =	sst s6  }
0xf: {  	[smem:$0x3FA7] =	sst s7  }
0x10: {  	[smem:$0x3FA8] =	sst s8  }
0x11: {  	[smem:$0x3FA9] =	sst s9;
	s0 =	simm.s32 @!p0 $0x0  }
0x12: {  	s1 =	sld [smem:$0x3F8F];
	s0 =	simm.s32 @p0 $0x1  }
0x13: {  	[smem:$0x3FAA] =	sst s0;
	s0 =	simm.s32 @!p1 $0x0  }
0x14: {  	s2 =	sld [smem:$0x3F8E];
	s0 =	simm.s32 @p1 $0x1  }
0x15: {  	[smem:$0x3FAB] =	sst s0;
	s0 =	simm.s32 @!p2 $0x0  }
0x16: {  	s3 =	sld [smem:$0x3FDB];
	s0 =	simm.s32 @p2 $0x1  }
0x17: {  	s4 =	simm.s32 $0x1BF5;
	[smem:$0x3FAD] =	sst s0  }
0x18: {  	s0 =	sld [smem:$0x3F90];
	_ =	swait.ge [sflag:s4], $0x0  }
0x19: {  	s7 =	sld [smem:$0x3F91]  }
0x1a: {  	s8 =	sadd.s32 $0xFFFFE003, lr  }
0x1b: {  	s9 =	sadd.s32 $0xFFFFFEF7, lr;
	s5 =	simm.s32 $0xFFFFFFFF;
	p2 =	slt.u32 s8, $0xFFFFF086  }
0x1c: {  	p1 =	slt.u32 s9, $0xF7A;
	s5 =	simm.s32 @!p2 $0x0  }
0x1d: {  	s5 =	simm.s32 @p1 $0x1;
	p0 =	seq.s32 s7, s2  }
0x1e: {  	s7 =	smul.u32 @!p0 $0xF7A, s2;
	p2 =	seq.s32 @!p0 s5, $0x0  }
0x1f: {  	s9 =	smul.u32 $0xF7A, s1;
	s8 =	simm.s32 @!p0 $0x1BF5;
	p2 =	por !p2, p0  }
0x20: {  	[sflag:s8] =	ssyncset.s32 @!p0 $0xFFFFF086;
	s6 =	sadd.s32 @!p0 s3, s7;
	s7 =	simm.s32 @!p0 $0x108  }
0x21: {  	s3 =	sadd.s32 s3, s9;
	s6 =	sadd.s32 @!p0 $0x88, s6;
	s7 =	simm.s32 @p2 $0x1082  }
0x22: {  	[simem:s7], [sflag:s8] =	dma.local @!p0 [hbm:s6], $0xF7A  }
0x23: {  	s9 =	sor.u32 $0xD0000000, s2;
	s6 =	simm.s32 $0x108;
	_ =	swait.ge @!p0 [sflag:s8], $0x0  }
0x24: {  	s3 =	sadd.s32 $0x88, s3;
	s6 =	simm.s32 @!p1 $0x1082;
	[sflag:s4] =	ssyncset.s32 $0xFFFFF086  }
0x25: {  	[simem:s6], [sflag:s4] =	dma.local [hbm:s3], $0xF7A  }
0x26: {  	[smem:$0x3F91] =	sst s1;
	(tag) =	ssettag s2;
	_ =	strace s9  }
0x27: {  	s1 =	sld [smem:$0x3FA1]  }
0x28: {  	s2 =	sld [smem:$0x3FA2]  }
0x29: {  	s4 =	sld [smem:$0x3FA4]  }
0x2a: {  	p0 =	seq.s32 s5, $0x0;
	s5 =	sld [smem:$0x3FA5]  }
0x2b: {  	s6 =	sld [smem:$0x3FA6]  }
0x2c: {  	s7 =	sld [smem:$0x3FA7]  }
0x2d: {  	s3 =	simm.s32 $0x108;
	s8 =	sld [smem:$0x3FA8]  }
0x2e: {  	s3 =	simm.s32 @!p0 $0x1082;
	s9 =	sld [smem:$0x3FA9]  }
0x2f: {  	lr =	sadd.s32 s0, s3;
	s0 =	sld [smem:$0x3FA0]  }
0x30: {  	s3 =	sld [smem:$0x3FA3]  }
0x31: {  	[smem:$0x3FAC] =	sst s10  }
0x32: {  	s10 =	sld [smem:$0x3FAA];
	_ =	sdelay $0x3  }
0x33: {  	p0 =	seq.s32 s10, $0x1;
	s10 =	sld [smem:$0x3FAC];
	_ =	sdelay $0x3  }
0x34: {  	[smem:$0x3FAC] =	sst s10  }
0x35: {  	s10 =	sld [smem:$0x3FAB];
	_ =	sdelay $0x3  }
0x36: {  	p1 =	seq.s32 s10, $0x1;
	s10 =	sld [smem:$0x3FAC];
	_ =	sdelay $0x3  }
0x37: {  	[smem:$0x3FAC] =	sst s10  }
0x38: {  	s10 =	sld [smem:$0x3FAD]  }
0x39: {  	_ = 	snop;
	(pc) =	sbr.ind lr, $3  }
0x3a: {  	_ = 	snop  }
0x3b: {  	_ = 	snop  }
0x3c: {  	p2 =	seq.s32 s10, $0x1;
	s10 =	sld [smem:$0x3FAC]  }
0x3d: {  	_ =	shalt  }
0x3e: {  	_ =	shalt  }
0x3f: {  	_ =	shalt  }
0x40: {  	_ =	shalt  }
0x41: {  	_ =	shalt  }
0x42: {  	_ =	shalt  }
0x43: {  	_ =	shalt  }
0x44: {  	_ =	shalt  }
0x45: {  	_ =	shalt  }
0x46: {  	_ =	shalt  }
0x47: {  	_ =	shalt  }
0x48: {  	_ =	shalt  }
0x49: {  	_ =	shalt  }
0x4a: {  	_ =	shalt  }
0x4b: {  	_ =	shalt  }
0x4c: {  	_ =	shalt  }
0x4d: {  	_ =	shalt  }
0x4e: {  	_ =	shalt  }
0x4f: {  	_ =	shalt  }
0x50: {  	_ =	shalt  }
0x51: {  	_ =	shalt  }
0x52: {  	_ =	shalt  }
0x53: {  	_ =	shalt  }
0x54: {  	_ =	shalt  }
0x55: {  	_ =	shalt  }
0x56: {  	_ =	shalt  }
0x57: {  	_ =	shalt  }
0x58: {  	_ =	shalt  }
0x59: {  	_ =	shalt  }
0x5a: {  	_ =	shalt  }
0x5b: {  	_ =	shalt  }
0x5c: {  	_ =	shalt  }
0x5d: {  	_ =	shalt  }
0x5e: {  	_ =	shalt  }
0x5f: {  	_ =	shalt  }
0x60: {  	_ =	shalt  }
0x61: {  	_ =	shalt  }
0x62: {  	_ =	shalt  }
0x63: {  	_ =	shalt  }
0x64: {  	_ =	shalt  }
0x65: {  	_ =	shalt  }
0x66: {  	_ =	shalt  }
0x67: {  	_ =	shalt  }
0x68: {  	_ =	shalt  }
0x69: {  	_ =	shalt  }
0x6a: {  	_ =	shalt  }
0x6b: {  	_ =	shalt  }
0x6c: {  	_ =	shalt  }
0x6d: {  	_ =	shalt  }
0x6e: {  	_ =	shalt  }
0x6f: {  	_ =	shalt  }
0x70: {  	_ =	shalt  }
0x71: {  	_ =	shalt  }
0x72: {  	_ =	shalt  }
0x73: {  	_ =	shalt  }
0x74: {  	_ =	shalt  }
0x75: {  	_ =	shalt  }
0x76: {  	_ =	shalt  }
0x77: {  	_ =	shalt  }
0x78: {  	_ =	shalt  }
0x79: {  	_ =	shalt  }
0x7a: {  	_ =	shalt  }
0x7b: {  	_ =	shalt  }
0x7c: {  	_ =	shalt  }
0x7d: {  	_ =	shalt  }
0x7e: {  	_ =	shalt  }
0x7f: {  	_ =	shalt  }
0x80: {  	_ =	shalt  }
0x81: {  	_ =	shalt  }
0x82: {  	_ =	shalt  }
0x83: {  	_ =	shalt  }
0x84: {  	_ =	shalt  }
0x85: {  	_ =	shalt  }
0x86: {  	_ =	shalt  }
0x87: {  	_ =	shalt  }
.Lfunc_end0:
.L_simem_size_0:
called_computation_lowered:
.L_overlay_start_0:
0x88: {  	s2 =	sld [smem:$0x3FD9]  }
0x89: {  	s3 =	sld [smem:$0x3FFE];
	_ =	sdelay $0x1  }
0x8a: {  	s1 =	srdreg.scid  }
0x8b: {  	s0 =	sand.u32 $0x1, s1  }
0x8c: {  	s16 =	sshll.u32 s0, $0xA;
	s2 =	sadd.s32 s3, s2  }
0x8d: {  	s2 =	sadd.s32 s2, s16  }
0x8e: {  	[smem:$0x3FB8] =	sst s2  }
0x8f: {  	_ = 	snop  }
0x90: {  	(tm) =	ssettm $0x1  }
0x91: {  	s17 =	sld [smem:$0x3FFB];
	_ =	sdelay $0x3  }
0x92: {  	_ =	strace s17  }
0x93: {  	s2 =	sld [smem:$0x3FFC];
	_ =	sdelay $0x3  }
0x94: {  	_ =	strace s2  }
0x95: {  	s2 =	sld [smem:$0x3FFD];
	_ =	sdelay $0x3  }
0x96: {  	_ =	strace s2  }
0x97: {  	_ =	strace $0x8FFFFFFF  }
0x98: {  	s18 =	sld [smem:$0x3FDB];
	_ =	sdelay $0x1  }
0x99: {  	s19 =	simm.s32 $_scs_section_size  }
0x9a: {  	s4 =	simm.s32 $_size__tile_overlayer_lowered;
	s5 =	simm.s32 $_tile_overlayer_lowered  }
0x9b: {  	s22 =	simm.s32 $0x1BFF;
	s21 =	sshll.u32 s5, $0x1;
	s2 =	sadd.s32 s19, s18  }
0x9c: {  	s6 =	simm.s32 $0x0;
	s20 =	sshll.u32 s4, $0x1;
	s4 =	sadd.s32 s21, s2  }
0x9d: {  	[timem:s6], [sflag:s22] =	dma.local [hbm:s4], s20  }
0x9e: {  	_ =	swait.ge [sflag:s22], s20  }
0x9f: {  	s3 =	ssub.s32 $0x0, s20;
	[sflag:s22] =	ssyncset.done $0x0  }
0xa0: {  	[sflag:s22] =	ssyncadd.s32 s3;
	_ =	sdelay $0x1  }
0xa1: {  	s23 =	simm.s32 $0x1B8B  }
0xa2: {  	_ =	swait.ge [sflag:s23], $0x1  }
0xa3: {  	[sflag:s23] =	ssyncset.done $0x0  }
0xa4: {  	s25 =	simm.s32 $0x1B8E;
	s24 =	sld [smem:$0x3FFE];
	[sflag:s23] =	ssyncadd.s32 $0xFFFFFFFF  }
0xa5: {  	s26 =	simm.s32 $execute0_lowered;
	[smem:$0x3FD2] =	sst s25  }
0xa6: {  	s4 =	sshll.u32 s26, $0x1;
	_ =	strace $0x80000046;
	[dreg:$0x1] =	wrdreg $0xFFFFFFFF  }
0xa7: {  	s28 =	simm.s32 $_size_execute0_lowered;
	s2 =	sadd.s32 s2, s4;
	[dreg:$0x0] =	wrdreg $0x0  }
0xa8: {  	s4 =	sshll.u32 s28, $0x1;
	[dreg:$0x2] =	wrdreg s2  }
0xa9: {  	[dreg:$0x3] =	wrdreg s4  }
0xaa: {  	[dreg:$0x4] =	wrdreg $0xC0  }
0xab: {  	_ =	task [dreg:s6], $0x5FFFF  }
0xac: {  	[dreg:$0x1] =	wrdreg $0xFFFFFFFF  }
0xad: {  	[dreg:$0x0] =	wrdreg $0x60  }
0xae: {  	[dreg:$0x2] =	wrdreg s24  }
0xaf: {  	[dreg:$0x3] =	wrdreg $0x2B000  }
0xb0: {  	[dreg:$0x4] =	wrdreg $0x9  }
0xb1: {  	_ =	task.clear_ibuf [dreg:s6], $0x5FFFF;
	_ =	strace $0x90000046  }
0xb2: {  	s29 =	simm.s32 $0x9;
	_ =	strace $0x80000048  }
0xb3: {  	_ =	swait.ge [sflag:s29], $0x1  }
0xb4: {  	[sflag:s29] =	ssyncadd.s32 $0xFFFFFFFF  }
0xb5: {  	_ =	strace $0x90000048  }
0xb6: {  	_ =	sfence  }
0xb7: {  	s30 =	sld [smem:$0x0];
	_ =	sdelay $0x2  }
0xb8: {  	s31 =	sshll.u32 s1, $0xD;
	s1 =	sshrl.u32 s1, $0x2  }
0xb9: {  	s3 =	sand.u32 $0x4000, s31;
	s1 =	sadd.s32 s1, s30  }
0xba: {  	s0 =	sor.u32 s3, s0;
	s1 =	sshll.u32 s1, $0x11  }
0xbb: {  	s0 =	sor.u32 s1, s0  }
0xbc: {  	s0 =	sadd.s32 $0x8F2B, s0  }
0xbd: {  	[sflag:s0] =	ssyncadd.remote.s32 $0x1  }
0xbe: {  	_ =	sfence.sel $0xFFFF  }
0xbf: {  	[dreg:$0x0] =	wrdreg $0xFFFFFFFF;
	(pc) =	sbr.abs _section_cstart, $3  }
0xc0: {  	[dreg:$0x1] =	wrdreg $0xFFFFFFFF  }
0xc1: {  	_ =	task.clear_ibuf [dreg:s6], $0x2FFFF;
	_ =	strace $0x9FFFFFFF  }
0xc2: {  	(tm) =	ssettm $0x7FFFFFFF  }
0xc3: {  	_ =	shalt  }
tec
execute0_lowered:
.L_overlay_start_1:
0x0: {  	(tag) =	ssettag $0x1  }
0x1: {  	s4 =	rddreg [dreg:$0x0]  }
0x2: {  	s2 =	rddreg [dreg:$0x1];
	s3 =	srdreg.scid  }
0x3: {  	s1 =	stileid.u32;
	s0 =	rddreg [dreg:$0x2];
	s10 =	simm.s32 $0x80  }
0x4: {  	s11 =	simm.s32 $0x2800;
	s14 =	simm.s32 $0x0;
	s5 =	sand.u32 $0x1, s3  }
0x5: {  	s6 =	smul.u32 $0x280, s1;
	s3 =	simm.s32 $0x0;
	s12 =	sshll.u32 s1, $0x6  }
0x6: {  	s7 =	sshll.u32 s5, $0x4;
	s8 =	smul.u32 $0x2800, s5;
	[smem:$0x7FF] =	sst s3  }
0x7: {  	s5 =	ssub.s32 $0x2, s5;
	s12 =	sor.u32 $0x1C01, s12;
	s7 =	sor.u32 s1, s7  }
0x8: {  	s9 =	sshrl.u32 s5, $0x1;
	s7 =	smul.u32 $0x500, s7;
	s8 =	sadd.s32 s6, s8  }
0x9: {  	_ =	strace $0x80000047;
	s9 =	ssub.s32 s5, s9;
	s8 =	sshrl.u32 s8, $0x3  }
0xa: {  	s5 =	sadd.s32 s6, s2;
	s7 =	sadd.s32 s7, s4;
	s8 =	sadd.s32 s8, s4  }
0xb: {  	s13 =	sshrl.u32 s5, $0x3;
	s4 =	sadd.s32 $0x5400, s7;
	s6 =	sadd.s32 $0xF400, s8  }
0xc: {  	v0 =	vimm.f32 $1.000000000e+00;
	v1 =	vimm.f32 $0.0e+00;
	s7 =	smax.u32 s9, $0x1;
	s8 =	simm.s32 $0x1;
	s9 =	simm.s32 $0x2880  }
.LBB2_1:
0xd: {  	[tilespmem:s3], [sflag:$0x1] =	stream.linear.gather [hbm4b:s4+s3], $0x2800, $0x38;
	[tilespmem:$0x2D80] =	vst v63  }
0xe: {  	_ =	swait.ge [sflag:s8], $0x2800  }
0xf: {  	[sflag:s8] =	ssyncset.done $0x0  }
0x10: {  	[sflag:s8] =	ssyncadd.s32 $0xFFFFD800  }
0x11: {  	[tilespmem:$0x2800] =	vst v0  }
0x12: {  	[tilespmem:$0x2810] =	vst v0  }
0x13: {  	[tilespmem:$0x2820] =	vst v0  }
0x14: {  	[tilespmem:$0x2830] =	vst v0  }
0x15: {  	[tilespmem:$0x2840] =	vst v0  }
0x16: {  	[tilespmem:$0x2850] =	vst v0  }
0x17: {  	[tilespmem:$0x2860] =	vst v0  }
0x18: {  	[tilespmem:$0x2870] =	vst v0  }
0x19: {  	[tilespmem:$0x2880] =	vst v1  }
0x1a: {  	[tilespmem:$0x2890] =	vst v1  }
0x1b: {  	[tilespmem:$0x28A0] =	vst v1  }
0x1c: {  	[tilespmem:$0x28B0] =	vst v1  }
0x1d: {  	[tilespmem:$0x28C0] =	vst v1  }
0x1e: {  	[tilespmem:$0x28D0] =	vst v1  }
0x1f: {  	[tilespmem:$0x28E0] =	vst v1  }
0x20: {  	[tilespmem:$0x28F0] =	vst v1  }
0x21: {  	[tilespmem:$0x2900] =	vst v1  }
0x22: {  	[tilespmem:$0x2910] =	vst v1  }
0x23: {  	[tilespmem:$0x2920] =	vst v1  }
0x24: {  	[tilespmem:$0x2930] =	vst v1  }
0x25: {  	[tilespmem:$0x2940] =	vst v1  }
0x26: {  	[tilespmem:$0x2950] =	vst v1  }
0x27: {  	[tilespmem:$0x2960] =	vst v1  }
0x28: {  	[tilespmem:$0x2970] =	vst v1  }
0x29: {  	[tilespmem:$0x2980] =	vst v1  }
0x2a: {  	[tilespmem:$0x2990] =	vst v1  }
0x2b: {  	[tilespmem:$0x29A0] =	vst v1  }
0x2c: {  	[tilespmem:$0x29B0] =	vst v1  }
0x2d: {  	[tilespmem:$0x29C0] =	vst v1  }
0x2e: {  	[tilespmem:$0x29D0] =	vst v1  }
0x2f: {  	[tilespmem:$0x29E0] =	vst v1  }
0x30: {  	[tilespmem:$0x29F0] =	vst v1  }
0x31: {  	[tilespmem:$0x2A00] =	vst v1  }
0x32: {  	[tilespmem:$0x2A10] =	vst v1  }
0x33: {  	[tilespmem:$0x2A20] =	vst v1  }
0x34: {  	[tilespmem:$0x2A30] =	vst v1  }
0x35: {  	[tilespmem:$0x2A40] =	vst v1  }
0x36: {  	[tilespmem:$0x2A50] =	vst v1  }
0x37: {  	[tilespmem:$0x2A60] =	vst v1  }
0x38: {  	[tilespmem:$0x2A70] =	vst v1  }
0x39: {  	[tilespmem:$0x2A80] =	vst v1  }
0x3a: {  	[tilespmem:$0x2A90] =	vst v1  }
0x3b: {  	[tilespmem:$0x2AA0] =	vst v1  }
0x3c: {  	[tilespmem:$0x2AB0] =	vst v1  }
0x3d: {  	[tilespmem:$0x2AC0] =	vst v1  }
0x3e: {  	[tilespmem:$0x2AD0] =	vst v1  }
0x3f: {  	[tilespmem:$0x2AE0] =	vst v1  }
0x40: {  	[tilespmem:$0x2AF0] =	vst v1  }
0x41: {  	[spmem:s5] =	stream.linear.scatter [tilespmem:s9], [sflag:$0x1], $0x280, $0x38;
	[tilespmem:$0x2D80] =	vst v63  }
0x42: {  	_ =	swait.ge [sflag:s8], $0x280  }
0x43: {  	[sflag:s8] =	ssyncset.done $0x0  }
0x44: {  	[sflag:s8] =	ssyncadd.s32 $0xFFFFFD80  }
0x45: {  	s15 =	simm.s32 $0x0;
	[bflag:$0x0] =	sbarrier.arrive $0xFFFF  }
0x46: {  	[spmem:s2] =	stream.indirect.scatter.add.f32 [tilespmem:s11], [sflag:$0x1], $0x1, s15, s10, $0xb8;
	[tilespmem:$0x2D80] =	vst v63  }
0x47: {  	_ =	swait.ge [sflag:s8], $0x80  }
0x48: {  	s15 =	simm.s32 $0x200;
	[sflag:s8] =	ssyncset.done $0x0  }
.LBB2_2:
0x49: {  	s16 =	sshra.s32 s15, $0x2;
	[sflag:s8] =	ssyncadd.s32 $0xFFFFFF80;
	p0 =	sne.s32 s15, $0x9E00  }
0x4a: {  	[spmem:s2] =	stream.indirect.scatter.add.f32 [tilespmem:s11], [sflag:$0x1], $0x1, s16, s10, $0xb8;
	[tilespmem:$0x2D80] =	vst v63  }
.Ltmp0:
0x4b: {  	_ = 	snop;
	(pc) =	sbr.rel @p0 .LBB2_2-.Ltmp0, $4  }
0x4c: {  	_ = 	snop  }
0x4d: {  	s15 =	sadd.s32 $0x200, s15  }
0x4e: {  	_ =	swait.ge [sflag:s8], $0x80  }
0x4f: {  	[sflag:s8] =	ssyncset.done $0x0  }
0x50: {  	s14 =	sadd.s32 $0x1, s14  }
0x51: {  	[sflag:s8] =	ssyncadd.s32 $0xFFFFFF80;
	p0 =	sne.s32 s14, s7  }
.Ltmp1:
0x52: {  	[bflag:$0x0] =	sbarrier.arrive $0xFFFF;
	(pc) =	sbr.rel @p0 .LBB2_1-.Ltmp1, $4  }
0x53: {  	[hbm:s6], [sflag:s12] =	dma.local [spmem:s13], $0x50  }
0x54: {  	_ =	swait.ge [sflag:s8], $0x50  }
0x55: {  	[sflag:s8] =	ssyncset.done $0x0  }
0x56: {  	[sflag:s8] =	ssyncadd.s32 $0xFFFFFFB0  }
0x57: {  	_ =	sfence.sel $0x180000  }
0x58: {  	[bflag:$0x0] =	sbarrier.arrive $0xFFFF  }
0x59: {  	p0 =	sne.s32 s1, $0x0;
	_ =	strace $0x90000047  }
0x5a: {  	s0 =	sadd.s32 @!p0 $0x100000, s0;
	[bflag:$0x2] =	sbarrier.arrive $0xFFFF  }
0x5b: {  	[sflag:s0] =	ssyncadd.tile.s32 @!p0 $0x1;
	_ =	shalt  }
.Lfunc_end2:
_tile_overlayer_lowered:
.L_overlay_start_2:
0x5c: {  	(tag) =	ssettag $0x2  }
0x5d: {  	s0 =	rddreg [dreg:$0x0];
	s2 =	stileid.u32  }
0x5e: {  	s1 =	rddreg [dreg:$0x1];
	p0 =	sne.s32 s2, $0x0  }
0x5f: {  	s3 =	rddreg [dreg:$0x2];
	[bflag:$0x3] =	sbarrier.arrive $0xFFFF;
	s2 =	simm.s32 @!p0 $0x1C01  }
0x60: {  	[timem:s3], [sflag:s2] =	dma.local @!p0 [hbm:s0], s1  }
0x61: {  	s0 =	simm.s32 @!p0 $0x1  }
0x62: {  	_ =	swait.ge @!p0 [sflag:s0], s1  }
0x63: {  	s1 =	ssub.s32 @!p0 $0x0, s1;
	[sflag:s0] =	ssyncset.done @!p0 $0x0  }
0x64: {  	[sflag:s0] =	ssyncadd.s32 @!p0 s1  }
0x65: {  	[bflag:$0x3] =	sbarrier.arrive $0xFFFF  }
0x66: {  	_ =	shalt  }

// kernel: kernel.13.cloned.1.call-start
scs
__scs_entry_jumppad:
0x0: {  	(pc) =	sbr.rel $0x88, $3  }
0x1: {  	(tag) =	ssettag $0x0;
	lr =	simm.s32 $0x1  }
0x2: {  	[smem:$0x3F91] =	sst lr;
	_ =	strace $0xD0000000  }
0x3: {  	_ = 	snop  }
0x4: {  	_ = 	snop  }
0x5: {  	_ = 	snop  }
0x6: {  	_ = 	snop  }
0x7: {  	_ = 	snop  }
__scs_overlays_trampoline_lowered:
0x8: {  	[smem:$0x3FA0] =	sst s0  }
0x9: {  	[smem:$0x3FA1] =	sst s1  }
0xa: {  	[smem:$0x3FA2] =	sst s2  }
0xb: {  	[smem:$0x3FA3] =	sst s3  }
0xc: {  	[smem:$0x3FA4] =	sst s4  }
0xd: {  	[smem:$0x3FA5] =	sst s5  }
0xe: {  	[smem:$0x3FA6] =	sst s6  }
0xf: {  	[smem:$0x3FA7] =	sst s7  }
0x10: {  	[smem:$0x3FA8] =	sst s8  }
0x11: {  	[smem:$0x3FA9] =	sst s9;
	s0 =	simm.s32 @!p0 $0x0  }
0x12: {  	s1 =	sld [smem:$0x3F8F];
	s0 =	simm.s32 @p0 $0x1  }
0x13: {  	[smem:$0x3FAA] =	sst s0;
	s0 =	simm.s32 @!p1 $0x0  }
0x14: {  	s2 =	sld [smem:$0x3F8E];
	s0 =	simm.s32 @p1 $0x1  }
0x15: {  	[smem:$0x3FAB] =	sst s0;
	s0 =	simm.s32 @!p2 $0x0  }
0x16: {  	s3 =	sld [smem:$0x3FDB];
	s0 =	simm.s32 @p2 $0x1  }
0x17: {  	s4 =	simm.s32 $0x1BF5;
	[smem:$0x3FAD] =	sst s0  }
0x18: {  	s0 =	sld [smem:$0x3F90];
	_ =	swait.ge [sflag:s4], $0x0  }
0x19: {  	s7 =	sld [smem:$0x3F91]  }
0x1a: {  	s8 =	sadd.s32 $0xFFFFE003, lr  }
0x1b: {  	s9 =	sadd.s32 $0xFFFFFEF7, lr;
	s5 =	simm.s32 $0xFFFFFFFF;
	p2 =	slt.u32 s8, $0xFFFFF086  }
0x1c: {  	p1 =	slt.u32 s9, $0xF7A;
	s5 =	simm.s32 @!p2 $0x0  }
0x1d: {  	s5 =	simm.s32 @p1 $0x1;
	p0 =	seq.s32 s7, s2  }
0x1e: {  	s7 =	smul.u32 @!p0 $0xF7A, s2;
	p2 =	seq.s32 @!p0 s5, $0x0  }
0x1f: {  	s9 =	smul.u32 $0xF7A, s1;
	s8 =	simm.s32 @!p0 $0x1BF5;
	p2 =	por !p2, p0  }
0x20: {  	[sflag:s8] =	ssyncset.s32 @!p0 $0xFFFFF086;
	s6 =	sadd.s32 @!p0 s3, s7;
	s7 =	simm.s32 @!p0 $0x108  }
0x21: {  	s3 =	sadd.s32 s3, s9;
	s6 =	sadd.s32 @!p0 $0x88, s6;
	s7 =	simm.s32 @p2 $0x1082  }
0x22: {  	[simem:s7], [sflag:s8] =	dma.local @!p0 [hbm:s6], $0xF7A  }
0x23: {  	s9 =	sor.u32 $0xD0000000, s2;
	s6 =	simm.s32 $0x108;
	_ =	swait.ge @!p0 [sflag:s8], $0x0  }
0x24: {  	s3 =	sadd.s32 $0x88, s3;
	s6 =	simm.s32 @!p1 $0x1082;
	[sflag:s4] =	ssyncset.s32 $0xFFFFF086  }
0x25: {  	[simem:s6], [sflag:s4] =	dma.local [hbm:s3], $0xF7A  }
0x26: {  	[smem:$0x3F91] =	sst s1;
	(tag) =	ssettag s2;
	_ =	strace s9  }
0x27: {  	s1 =	sld [smem:$0x3FA1]  }
0x28: {  	s2 =	sld [smem:$0x3FA2]  }
0x29: {  	s4 =	sld [smem:$0x3FA4]  }
0x2a: {  	p0 =	seq.s32 s5, $0x0;
	s5 =	sld [smem:$0x3FA5]  }
0x2b: {  	s6 =	sld [smem:$0x3FA6]  }
0x2c: {  	s7 =	sld [smem:$0x3FA7]  }
0x2d: {  	s3 =	simm.s32 $0x108;
	s8 =	sld [smem:$0x3FA8]  }
0x2e: {  	s3 =	simm.s32 @!p0 $0x1082;
	s9 =	sld [smem:$0x3FA9]  }
0x2f: {  	lr =	sadd.s32 s0, s3;
	s0 =	sld [smem:$0x3FA0]  }
0x30: {  	s3 =	sld [smem:$0x3FA3]  }
0x31: {  	[smem:$0x3FAC] =	sst s10  }
0x32: {  	s10 =	sld [smem:$0x3FAA];
	_ =	sdelay $0x3  }
0x33: {  	p0 =	seq.s32 s10, $0x1;
	s10 =	sld [smem:$0x3FAC];
	_ =	sdelay $0x3  }
0x34: {  	[smem:$0x3FAC] =	sst s10  }
0x35: {  	s10 =	sld [smem:$0x3FAB];
	_ =	sdelay $0x3  }
0x36: {  	p1 =	seq.s32 s10, $0x1;
	s10 =	sld [smem:$0x3FAC];
	_ =	sdelay $0x3  }
0x37: {  	[smem:$0x3FAC] =	sst s10  }
0x38: {  	s10 =	sld [smem:$0x3FAD]  }
0x39: {  	_ = 	snop;
	(pc) =	sbr.ind lr, $3  }
0x3a: {  	_ = 	snop  }
0x3b: {  	_ = 	snop  }
0x3c: {  	p2 =	seq.s32 s10, $0x1;
	s10 =	sld [smem:$0x3FAC]  }
0x3d: {  	_ =	shalt  }
0x3e: {  	_ =	shalt  }
0x3f: {  	_ =	shalt  }
0x40: {  	_ =	shalt  }
0x41: {  	_ =	shalt  }
0x42: {  	_ =	shalt  }
0x43: {  	_ =	shalt  }
0x44: {  	_ =	shalt  }
0x45: {  	_ =	shalt  }
0x46: {  	_ =	shalt  }
0x47: {  	_ =	shalt  }
0x48: {  	_ =	shalt  }
0x49: {  	_ =	shalt  }
0x4a: {  	_ =	shalt  }
0x4b: {  	_ =	shalt  }
0x4c: {  	_ =	shalt  }
0x4d: {  	_ =	shalt  }
0x4e: {  	_ =	shalt  }
0x4f: {  	_ =	shalt  }
0x50: {  	_ =	shalt  }
0x51: {  	_ =	shalt  }
0x52: {  	_ =	shalt  }
0x53: {  	_ =	shalt  }
0x54: {  	_ =	shalt  }
0x55: {  	_ =	shalt  }
0x56: {  	_ =	shalt  }
0x57: {  	_ =	shalt  }
0x58: {  	_ =	shalt  }
0x59: {  	_ =	shalt  }
0x5a: {  	_ =	shalt  }
0x5b: {  	_ =	shalt  }
0x5c: {  	_ =	shalt  }
0x5d: {  	_ =	shalt  }
0x5e: {  	_ =	shalt  }
0x5f: {  	_ =	shalt  }
0x60: {  	_ =	shalt  }
0x61: {  	_ =	shalt  }
0x62: {  	_ =	shalt  }
0x63: {  	_ =	shalt  }
0x64: {  	_ =	shalt  }
0x65: {  	_ =	shalt  }
0x66: {  	_ =	shalt  }
0x67: {  	_ =	shalt  }
0x68: {  	_ =	shalt  }
0x69: {  	_ =	shalt  }
0x6a: {  	_ =	shalt  }
0x6b: {  	_ =	shalt  }
0x6c: {  	_ =	shalt  }
0x6d: {  	_ =	shalt  }
0x6e: {  	_ =	shalt  }
0x6f: {  	_ =	shalt  }
0x70: {  	_ =	shalt  }
0x71: {  	_ =	shalt  }
0x72: {  	_ =	shalt  }
0x73: {  	_ =	shalt  }
0x74: {  	_ =	shalt  }
0x75: {  	_ =	shalt  }
0x76: {  	_ =	shalt  }
0x77: {  	_ =	shalt  }
0x78: {  	_ =	shalt  }
0x79: {  	_ =	shalt  }
0x7a: {  	_ =	shalt  }
0x7b: {  	_ =	shalt  }
0x7c: {  	_ =	shalt  }
0x7d: {  	_ =	shalt  }
0x7e: {  	_ =	shalt  }
0x7f: {  	_ =	shalt  }
0x80: {  	_ =	shalt  }
0x81: {  	_ =	shalt  }
0x82: {  	_ =	shalt  }
0x83: {  	_ =	shalt  }
0x84: {  	_ =	shalt  }
0x85: {  	_ =	shalt  }
0x86: {  	_ =	shalt  }
0x87: {  	_ =	shalt  }
.Lfunc_end0:
.L_simem_size_0:
called_computation.1_lowered:
.L_overlay_start_0:
0x88: {  	s2 =	sld [smem:$0x3FD9]  }
0x89: {  	s3 =	sld [smem:$0x3FFE];
	_ =	sdelay $0x1  }
0x8a: {  	s1 =	srdreg.scid  }
0x8b: {  	s0 =	sand.u32 $0x1, s1  }
0x8c: {  	s17 =	sshll.u32 s0, $0xA;
	s2 =	sadd.s32 s3, s2  }
0x8d: {  	s2 =	sadd.s32 s2, s17  }
0x8e: {  	[smem:$0x3FB8] =	sst s2  }
0x8f: {  	_ = 	snop  }
0x90: {  	s2 =	sld [smem:$0x3FD0];
	(tm) =	ssettm $0x1  }
0x91: {  	s18 =	sld [smem:$0x3FFB];
	_ =	sdelay $0x3  }
0x92: {  	_ =	strace s18  }
0x93: {  	s3 =	sld [smem:$0x3FFC];
	_ =	sdelay $0x3  }
0x94: {  	_ =	strace s3  }
0x95: {  	s3 =	sld [smem:$0x3FFD];
	_ =	sdelay $0x3  }
0x96: {  	_ =	strace s3  }
0x97: {  	_ =	strace $0x8FFFFFFF  }
0x98: {  	s19 =	sld [smem:$0x3FDB];
	_ =	sdelay $0x1  }
0x99: {  	s4 =	simm.s32 $_scs_section_size  }
0x9a: {  	s5 =	simm.s32 $_size__tile_overlayer_lowered;
	s6 =	simm.s32 $_tile_overlayer_lowered  }
0x9b: {  	s22 =	simm.s32 $0x1BFF;
	s21 =	sshll.u32 s6, $0x1;
	s3 =	sadd.s32 s4, s19  }
0x9c: {  	s7 =	simm.s32 $0x0;
	s20 =	sshll.u32 s5, $0x1;
	s5 =	sadd.s32 s21, s3  }
0x9d: {  	[timem:s7], [sflag:s22] =	dma.local [hbm:s5], s20  }
0x9e: {  	_ =	swait.ge [sflag:s22], s20  }
0x9f: {  	s4 =	ssub.s32 $0x0, s20;
	[sflag:s22] =	ssyncset.done $0x0  }
0xa0: {  	[sflag:s22] =	ssyncadd.s32 s4;
	_ =	sdelay $0x1  }
0xa1: {  	s23 =	simm.s32 $0x1B8B  }
0xa2: {  	_ =	swait.ge [sflag:s23], $0x1  }
0xa3: {  	[sflag:s23] =	ssyncset.done $0x0  }
0xa4: {  	s25 =	simm.s32 $0x1B8E;
	s24 =	sld [smem:$0x3FFE];
	[sflag:s23] =	ssyncadd.s32 $0xFFFFFFFF  }
0xa5: {  	s26 =	simm.s32 $execute0_lowered;
	[smem:$0x3FD2] =	sst s25  }
0xa6: {  	s5 =	sshll.u32 s26, $0x1;
	_ =	strace $0x80000049;
	[dreg:$0x1] =	wrdreg $0xFFFFFFFF  }
0xa7: {  	s28 =	simm.s32 $_size_execute0_lowered;
	s3 =	sadd.s32 s3, s5;
	[dreg:$0x0] =	wrdreg $0x0  }
0xa8: {  	s5 =	sshll.u32 s28, $0x1;
	[dreg:$0x2] =	wrdreg s3  }
0xa9: {  	[dreg:$0x3] =	wrdreg s5  }
0xaa: {  	[dreg:$0x4] =	wrdreg $0xC0  }
0xab: {  	_ =	task [dreg:s7], $0x5FFFF  }
0xac: {  	[dreg:$0x1] =	wrdreg $0xFFFFFFFF  }
0xad: {  	[dreg:$0x0] =	wrdreg $0x60  }
0xae: {  	[dreg:$0x2] =	wrdreg s24  }
0xaf: {  	[dreg:$0x3] =	wrdreg s2  }
0xb0: {  	[dreg:$0x4] =	wrdreg $0x154000  }
0xb1: {  	[dreg:$0x5] =	wrdreg $0x9  }
0xb2: {  	_ =	task.clear_ibuf [dreg:s7], $0x6FFFF;
	_ =	strace $0x90000049  }
0xb3: {  	s29 =	simm.s32 $0x9;
	_ =	strace $0x8000004B  }
0xb4: {  	_ =	swait.ge [sflag:s29], $0x1  }
0xb5: {  	[sflag:s29] =	ssyncadd.s32 $0xFFFFFFFF  }
0xb6: {  	_ =	strace $0x9000004B  }
0xb7: {  	_ =	sfence  }
0xb8: {  	s30 =	sld [smem:$0x0];
	_ =	sdelay $0x2  }
0xb9: {  	s31 =	sshll.u32 s1, $0xD;
	s1 =	sshrl.u32 s1, $0x2  }
0xba: {  	s3 =	sand.u32 $0x4000, s31;
	s1 =	sadd.s32 s1, s30  }
0xbb: {  	s0 =	sor.u32 s3, s0;
	s1 =	sshll.u32 s1, $0x11  }
0xbc: {  	s0 =	sor.u32 s1, s0  }
0xbd: {  	s0 =	sadd.s32 $0x8F2B, s0  }
0xbe: {  	[sflag:s0] =	ssyncadd.remote.s32 $0x1  }
0xbf: {  	_ =	sfence.sel $0xFFFF  }
0xc0: {  	[dreg:$0x0] =	wrdreg $0xFFFFFFFF;
	(pc) =	sbr.abs _section_cstart, $3  }
0xc1: {  	[dreg:$0x1] =	wrdreg $0xFFFFFFFF  }
0xc2: {  	_ =	task.clear_ibuf [dreg:s7], $0x2FFFF;
	_ =	strace $0x9FFFFFFF  }
0xc3: {  	(tm) =	ssettm $0x7FFFFFFF  }
tec
execute0_lowered:
.L_overlay_start_1:
0x0: {  	(tag) =	ssettag $0x1  }
0x1: {  	s1 =	rddreg [dreg:$0x0]  }
0x2: {  	s0 =	rddreg [dreg:$0x1]  }
0x3: {  	s2 =	rddreg [dreg:$0x2]  }
0x4: {  	s3 =	simm.s32 $0x0;
	s9 =	stileid.u32;
	s4 =	srdreg.scid  }
0x5: {  	s28 =	simm.s32 $0x15200;
	s29 =	simm.s32 $0x15280;
	s16 =	smul.u32 $0xA00, s9  }
0x6: {  	s30 =	simm.s32 $0x15300;
	s31 =	simm.s32 $0x15380;
	s6 =	smul.u32 $0x14000, s9  }
0x7: {  	[smem:$0x7FF] =	sst s3;
	s5 =	sand.u32 $0x1, s4;
	s8 =	smul.u32 $0x28000, s9  }
0x8: {  	s4 =	sadd.s32 $0x5F400, s1;
	s9 =	smul.u32 $0x5000, s9;
	_ =	strace $0x8000004A  }
0x9: {  	s7 =	sshll.u32 s5, $0x6;
	s17 =	smul.u32 $0x50000, s5;
	s5 =	ssub.s32 $0x2, s5  }
0xa: {  	s3 =	sadd.s32 s16, s1;
	s6 =	sor.u32 s7, s6;
	s8 =	sshrl.u32 s8, $0x2  }
0xb: {  	s18 =	sshrl.u32 s5, $0x1;
	s6 =	sshrl.u32 s6, $0x3;
	s15 =	sadd.s32 s8, s2  }
0xc: {  	s7 =	sadd.s32 s9, s17;
	s3 =	sadd.s32 $0x5400, s3;
	s1 =	sadd.s32 s6, s1  }
0xd: {  	s6 =	ssub.s32 s5, s18;
	[dreg:$0xd] =	wrdreg s3;
	s19 =	sadd.s32 $0x2000, s15  }
0xe: {  	s20 =	sshrl.u32 s7, $0x3;
	s21 =	sadd.s32 $0x4000, s15;
	[dreg:$0xc] =	wrdreg s15  }
0xf: {  	s22 =	sadd.s32 $0x6000, s15;
	s23 =	sadd.s32 $0x8000, s15;
	[dreg:$0xe] =	wrdreg s19  }
0x10: {  	s9 =	sor.u32 $0x780, s7;
	s11 =	sor.u32 $0x700, s7;
	[dreg:$0xf] =	wrdreg s21  }
0x11: {  	s14 =	sor.u32 $0x680, s7;
	s17 =	sor.u32 $0x600, s7;
	[dreg:$0x10] =	wrdreg s22  }
0x12: {  	s18 =	sor.u32 $0x580, s7;
	s5 =	sadd.s32 s0, s20;
	[dreg:$0x12] =	wrdreg s23  }
0x13: {  	s3 =	sshrl.u32 s9, $0x3;
	s16 =	sshrl.u32 s14, $0x3;
	s20 =	sshrl.u32 s18, $0x3  }
0x14: {  	s22 =	sor.u32 $0x500, s7;
	s1 =	sadd.s32 $0x87400, s1;
	[dreg:$0x11] =	wrdreg s5  }
0x15: {  	s9 =	simm.s32 $0xD000;
	s24 =	sadd.s32 $0x10, s5;
	[dreg:$0x1a] =	wrdreg s1  }
0x16: {  	s14 =	simm.s32 $0x2;
	s25 =	sadd.s32 $0x20, s5;
	[dreg:$0x13] =	wrdreg s24  }
0x17: {  	s26 =	sadd.s32 $0x30, s5;
	s8 =	sadd.s32 $0x40, s5;
	[dreg:$0x14] =	wrdreg s25  }
0x18: {  	s10 =	sadd.s32 $0x50, s5;
	s12 =	sadd.s32 $0x60, s5;
	[dreg:$0x15] =	wrdreg s26  }
0x19: {  	s3 =	sadd.s32 s3, s0;
	s21 =	sadd.s32 s20, s0;
	[dreg:$0x16] =	wrdreg s8  }
0x1a: {  	s23 =	sshrl.u32 s22, $0x3;
	s5 =	sadd.s32 $0x70, s5;
	[dreg:$0x17] =	wrdreg s10  }
0x1b: {  	s22 =	simm.s32 $0x5000;
	s1 =	simm.s32 $0x7000;
	[dreg:$0x18] =	wrdreg s12  }
0x1c: {  	s8 =	sshrl.u32 s11, $0x3;
	[dreg:$0x4] =	wrdreg s3;
	s3 =	sadd.s32 s16, s0  }
0x1d: {  	[dreg:$0x8] =	wrdreg s21;
	s24 =	sor.u32 $0x480, s7;
	s7 =	sor.u32 $0x400, s7  }
0x1e: {  	[dreg:$0x19] =	wrdreg s5;
	s26 =	smax.u32 s6, $0x1;
	s21 =	simm.s32 $0x4  }
0x1f: {  	s6 =	simm.s32 $0x9000;
	s11 =	simm.s32 $0xF000;
	s12 =	simm.s32 $0x11000  }
0x20: {  	s10 =	simm.s32 $0x0;
	s13 =	sadd.s32 s8, s0;
	[dreg:$0x6] =	wrdreg s3  }
0x21: {  	s8 =	sshrl.u32 s17, $0x3;
	s3 =	sadd.s32 s23, s0;
	[dreg:$0x1b] =	wrdreg s26  }
0x22: {  	s7 =	sshrl.u32 s7, $0x3;
	[dreg:$0x5] =	wrdreg s13;
	s19 =	sadd.s32 s8, s0  }
0x23: {  	s8 =	sshrl.u32 s24, $0x3;
	[dreg:$0x9] =	wrdreg s3;
	s3 =	simm.s32 $0x80  }
0x24: {  	s13 =	simm.s32 $0x13000;
	[dreg:$0x7] =	wrdreg s19;
	s25 =	sadd.s32 s8, s0  }
0x25: {  	s0 =	sadd.s32 s7, s0;
	s7 =	simm.s32 $0xB000;
	[dreg:$0xa] =	wrdreg s25  }
0x26: {  	v0 =	vimm.f32 $0.0e+00;
	s8 =	simm.s32 $0x1;
	[dreg:$0xb] =	wrdreg s0;
	s0 =	simm.s32 $0x3  }
.LBB2_1:
0x27: {  	[dreg:$0x1c] =	wrdreg s10  }
0x28: {  	s5 =	simm.s32 $0x0;
	s26 =	rddreg [dreg:$0xd]  }
0x29: {  	[tilespmem:s5], [sflag:$0x4] =	stream.linear.gather [hbm4b:s26+s5], $0x5000, $0x38;
	[tilespmem:$0x1F400] =	vst v63  }
0x2a: {  	_ =	swait.ge [sflag:s21], $0x5000  }
0x2b: {  	[sflag:s21] =	ssyncset.done $0x0  }
0x2c: {  	s17 =	simm.s32 $0x100;
	s16 =	simm.s32 $0x0;
	[sflag:s21] =	ssyncadd.s32 $0xFFFFB000  }
.LBB2_2:
0x2d: {  	p0 =	sne.s32 s17, $0x7F00;
	[tilespmem:s16+$0x5030] =	vst v0;
	s18 =	smov.u32 s17;
	s17 =	sadd.s32 $0x100, s17  }
.Ltmp0:
0x2e: {  	[tilespmem:s16+$0x5020] =	vst v0;
	(pc) =	sbr.rel @p0 .LBB2_2-.Ltmp0, $3  }
0x2f: {  	[tilespmem:s16+$0x5000] =	vst v0  }
0x30: {  	[tilespmem:s16+$0x5010] =	vst v0;
	_ =	sdelay $0x1  }
0x31: {  	s16 =	sshra.s32 s18, $0x2  }
0x32: {  	[tilespmem:s16+$0x5030] =	vst v0  }
0x33: {  	[tilespmem:s16+$0x5020] =	vst v0  }
0x34: {  	[tilespmem:s16+$0x5000] =	vst v0  }
0x35: {  	[tilespmem:s16+$0x5010] =	vst v0  }
0x36: {  	[spmem:s15] =	stream.linear.scatter [tilespmem:s22], [sflag:$0x4], $0x2000, $0x38;
	[tilespmem:$0x1F400] =	vst v63  }
0x37: {  	_ =	swait.ge [sflag:s21], $0x2000  }
0x38: {  	[sflag:s21] =	ssyncset.done $0x0  }
0x39: {  	s5 =	rddreg [dreg:$0xe];
	[sflag:s21] =	ssyncadd.s32 $0xFFFFE000  }
0x3a: {  	[spmem:s5] =	stream.linear.scatter [tilespmem:s22], [sflag:$0x4], $0x2000, $0x38;
	[tilespmem:$0x1F400] =	vst v63  }
0x3b: {  	_ =	swait.ge [sflag:s21], $0x2000  }
0x3c: {  	[sflag:s21] =	ssyncset.done $0x0  }
0x3d: {  	s10 =	rddreg [dreg:$0xf];
	[sflag:s21] =	ssyncadd.s32 $0xFFFFE000  }
0x3e: {  	[spmem:s10] =	stream.linear.scatter [tilespmem:s22], [sflag:$0x4], $0x2000, $0x38;
	[tilespmem:$0x1F400] =	vst v63  }
0x3f: {  	_ =	swait.ge [sflag:s21], $0x2000  }
0x40: {  	[sflag:s21] =	ssyncset.done $0x0  }
0x41: {  	s15 =	rddreg [dreg:$0x10];
	[sflag:s21] =	ssyncadd.s32 $0xFFFFE000  }
0x42: {  	[spmem:s15] =	stream.linear.scatter [tilespmem:s22], [sflag:$0x4], $0x2000, $0x38;
	[tilespmem:$0x1F400] =	vst v63  }
0x43: {  	_ =	swait.ge [sflag:s21], $0x2000  }
0x44: {  	[sflag:s21] =	ssyncset.done $0x0  }
0x45: {  	s16 =	rddreg [dreg:$0x12];
	[sflag:s21] =	ssyncadd.s32 $0xFFFFE000  }
0x46: {  	[spmem:s16] =	stream.linear.scatter [tilespmem:s22], [sflag:$0x4], $0x2000, $0x38;
	[tilespmem:$0x1F400] =	vst v63  }
0x47: {  	_ =	swait.ge [sflag:s21], $0x2000  }
0x48: {  	[sflag:s21] =	ssyncset.done $0x0  }
0x49: {  	[sflag:s21] =	ssyncadd.s32 $0xFFFFE000  }
0x4a: {  	[bflag:$0x0] =	sbarrier.arrive $0xFFFF  }
0x4b: {  	s10 =	simm.s32 $0x15000;
	s16 =	simm.s32 $0x0;
	s17 =	rddreg [dreg:$0x11]  }
0x4c: {  	[tilespmem:s10], [sflag:$0x3] =	stream.linear.gather [hbm4b:s17+s16], $0x80, $0x38;
	[tilespmem:$0x1F400] =	vst v63  }
0x4d: {  	s15 =	simm.s32 $0x15080;
	s18 =	rddreg [dreg:$0x13]  }
0x4e: {  	[tilespmem:s15], [sflag:$0x3] =	stream.linear.gather [hbm4b:s18+s16], $0x80, $0x38;
	[tilespmem:$0x1F400] =	vst v63  }
0x4f: {  	s19 =	rddreg [dreg:$0x14];
	s17 =	simm.s32 $0x15100  }
0x50: {  	[tilespmem:s17], [sflag:$0x3] =	stream.linear.gather [hbm4b:s19+s16], $0x80, $0x38;
	[tilespmem:$0x1F400] =	vst v63  }
0x51: {  	s20 =	rddreg [dreg:$0x15];
	s18 =	simm.s32 $0x15180  }
0x52: {  	[tilespmem:s18], [sflag:$0x3] =	stream.linear.gather [hbm4b:s20+s16], $0x80, $0x38;
	[tilespmem:$0x1F400] =	vst v63  }
0x53: {  	s23 =	rddreg [dreg:$0x16]  }
0x54: {  	[tilespmem:s28], [sflag:$0x3] =	stream.linear.gather [hbm4b:s23+s16], $0x80, $0x38;
	[tilespmem:$0x1F400] =	vst v63  }
0x55: {  	s24 =	rddreg [dreg:$0x17]  }
0x56: {  	[tilespmem:s29], [sflag:$0x3] =	stream.linear.gather [hbm4b:s24+s16], $0x80, $0x38;
	[tilespmem:$0x1F400] =	vst v63  }
0x57: {  	s25 =	rddreg [dreg:$0x18]  }
0x58: {  	[tilespmem:s30], [sflag:$0x3] =	stream.linear.gather [hbm4b:s25+s16], $0x80, $0x38;
	[tilespmem:$0x1F400] =	vst v63  }
0x59: {  	s26 =	rddreg [dreg:$0x19]  }
0x5a: {  	[tilespmem:s31], [sflag:$0x3] =	stream.linear.gather [hbm4b:s26+s16], $0x80, $0x38;
	[tilespmem:$0x1F400] =	vst v63  }
0x5b: {  	_ =	swait.ge [sflag:s0], $0x80  }
0x5c: {  	[sflag:s0] =	ssyncset.done $0x0  }
0x5d: {  	[sflag:s0] =	ssyncadd.s32 $0xFFFFFF80  }
0x5e: {  	_ =	swait.ge [sflag:s0], $0x80  }
0x5f: {  	[sflag:s0] =	ssyncset.done $0x0  }
0x60: {  	[sflag:s0] =	ssyncadd.s32 $0xFFFFFF80  }
0x61: {  	_ =	swait.ge [sflag:s0], $0x80  }
0x62: {  	[sflag:s0] =	ssyncset.done $0x0  }
0x63: {  	[sflag:s0] =	ssyncadd.s32 $0xFFFFFF80  }
0x64: {  	_ =	swait.ge [sflag:s0], $0x80  }
0x65: {  	[sflag:s0] =	ssyncset.done $0x0  }
0x66: {  	[sflag:s0] =	ssyncadd.s32 $0xFFFFFF80  }
0x67: {  	[tilespmem:s22], [sflag:$0x1] =	stream.indirect.gather [hbm4b:s4+s3], $0x40, s10, s3, $0xb8;
	[tilespmem:$0x1F400] =	vst v63  }
0x68: {  	_ = 	snop  }
0x69: {  	[tilespmem:s1], [sflag:$0x1] =	stream.indirect.gather [hbm4b:s4+s3], $0x40, s15, s3, $0xb8;
	[tilespmem:$0x1F400] =	vst v63  }
0x6a: {  	_ = 	snop  }
0x6b: {  	[tilespmem:s6], [sflag:$0x1] =	stream.indirect.gather [hbm4b:s4+s3], $0x40, s17, s3, $0xb8;
	[tilespmem:$0x1F400] =	vst v63  }
0x6c: {  	_ = 	snop  }
0x6d: {  	[tilespmem:s7], [sflag:$0x1] =	stream.indirect.gather [hbm4b:s4+s3], $0x40, s18, s3, $0xb8;
	[tilespmem:$0x1F400] =	vst v63  }
0x6e: {  	_ =	swait.ge [sflag:s8], $0x2000  }
0x6f: {  	[sflag:s8] =	ssyncset.done $0x0  }
0x70: {  	[sflag:s8] =	ssyncadd.s32 $0xFFFFE000  }
0x71: {  	_ =	swait.ge [sflag:s8], $0x2000  }
0x72: {  	[sflag:s8] =	ssyncset.done $0x0  }
0x73: {  	[sflag:s8] =	ssyncadd.s32 $0xFFFFE000  }
0x74: {  	_ =	swait.ge [sflag:s8], $0x2000  }
0x75: {  	[sflag:s8] =	ssyncset.done $0x0  }
0x76: {  	p0 =	por $0x0, $0x0;
	[sflag:s8] =	ssyncadd.s32 $0xFFFFE000  }
0x77: {  	s23 =	simm.s32 @!p0 $0x0;
	_ =	swait.ge [sflag:s8], $0x2000  }
0x78: {  	s16 =	simm.s32 @!p0 $0x15000;
	s17 =	rddreg [dreg:$0xb];
	[sflag:s8] =	ssyncset.done $0x0  }
0x79: {  	s18 =	rddreg [dreg:$0xa];
	[sflag:s8] =	ssyncadd.s32 $0xFFFFE000;
	s17 =	sadd.s32 @!p0 $0x0, s17  }
0x7a: {  	[tilespmem:s16], [sflag:$0x3] =	stream.linear.gather @!p0 [hbm4b:s17+s23], $0x80, $0x38;
	[tilespmem:$0x1F400] =	vst v63  }
0x7b: {  	s19 =	rddreg [dreg:$0x9];
	s18 =	sadd.s32 @!p0 $0x0, s18;
	s17 =	simm.s32 @!p0 $0x15080  }
0x7c: {  	[tilespmem:s17], [sflag:$0x3] =	stream.linear.gather @!p0 [hbm4b:s18+s23], $0x80, $0x38;
	[tilespmem:$0x1F400] =	vst v63  }
0x7d: {  	s24 =	rddreg [dreg:$0x8];
	s19 =	sadd.s32 @!p0 $0x0, s19;
	s18 =	simm.s32 @!p0 $0x15100  }
0x7e: {  	[tilespmem:s18], [sflag:$0x3] =	stream.linear.gather @!p0 [hbm4b:s19+s23], $0x80, $0x38;
	[tilespmem:$0x1F400] =	vst v63  }
0x7f: {  	s24 =	sadd.s32 @!p0 $0x0, s24;
	s19 =	simm.s32 @!p0 $0x15180  }
0x80: {  	[tilespmem:s19], [sflag:$0x3] =	stream.linear.gather @!p0 [hbm4b:s24+s23], $0x80, $0x38;
	[tilespmem:$0x1F400] =	vst v63  }
0x81: {  	_ =	swait.ge [sflag:s0], $0x80  }
0x82: {  	[sflag:s0] =	ssyncset.done $0x0  }
0x83: {  	[sflag:s0] =	ssyncadd.s32 $0xFFFFFF80  }
0x84: {  	_ =	swait.ge [sflag:s0], $0x80  }
0x85: {  	[sflag:s0] =	ssyncset.done $0x0  }
0x86: {  	[sflag:s0] =	ssyncadd.s32 $0xFFFFFF80  }
0x87: {  	_ =	swait.ge [sflag:s0], $0x80  }
0x88: {  	[sflag:s0] =	ssyncset.done $0x0  }
0x89: {  	[sflag:s0] =	ssyncadd.s32 $0xFFFFFF80  }
0x8a: {  	_ =	swait.ge [sflag:s0], $0x80  }
0x8b: {  	[sflag:s0] =	ssyncset.done $0x0  }
0x8c: {  	[sflag:s0] =	ssyncadd.s32 $0xFFFFFF80  }
0x8d: {  	[tilespmem:s9], [sflag:$0x1] =	stream.indirect.gather [hbm4b:s4+s3], $0x40, s28, s3, $0xb8;
	[tilespmem:$0x1F400] =	vst v63  }
0x8e: {  	_ = 	snop  }
0x8f: {  	[tilespmem:s11], [sflag:$0x1] =	stream.indirect.gather [hbm4b:s4+s3], $0x40, s29, s3, $0xb8;
	[tilespmem:$0x1F400] =	vst v63  }
0x90: {  	_ = 	snop  }
0x91: {  	[tilespmem:s12], [sflag:$0x1] =	stream.indirect.gather [hbm4b:s4+s3], $0x40, s30, s3, $0xb8;
	[tilespmem:$0x1F400] =	vst v63  }
0x92: {  	_ = 	snop  }
0x93: {  	[tilespmem:s13], [sflag:$0x1] =	stream.indirect.gather [hbm4b:s4+s3], $0x40, s31, s3, $0xb8;
	[tilespmem:$0x1F400] =	vst v63  }
0x94: {  	s5 =	simm.s32 $0x0  }
0x95: {  	[spmem:s2] =	stream.indirect.scatter.add.f32 [tilespmem:s22], [sflag:$0x2], $0x40, s5, s3, $0xb8;
	[tilespmem:$0x1F400] =	vst v63  }
0x96: {  	s10 =	simm.s32 $0x80  }
0x97: {  	[spmem:s2] =	stream.indirect.scatter.add.f32 [tilespmem:s1], [sflag:$0x2], $0x40, s10, s3, $0xb8;
	[tilespmem:$0x1F400] =	vst v63  }
0x98: {  	s15 =	simm.s32 $0x100  }
0x99: {  	[spmem:s2] =	stream.indirect.scatter.add.f32 [tilespmem:s6], [sflag:$0x2], $0x40, s15, s3, $0xb8;
	[tilespmem:$0x1F400] =	vst v63  }
0x9a: {  	s20 =	simm.s32 $0x180  }
0x9b: {  	[spmem:s2] =	stream.indirect.scatter.add.f32 [tilespmem:s7], [sflag:$0x2], $0x40, s20, s3, $0xb8;
	[tilespmem:$0x1F400] =	vst v63  }
0x9c: {  	_ =	swait.ge [sflag:s14], $0x2000  }
0x9d: {  	[sflag:s14] =	ssyncset.done $0x0  }
0x9e: {  	[sflag:s14] =	ssyncadd.s32 $0xFFFFE000  }
0x9f: {  	_ =	swait.ge [sflag:s14], $0x2000  }
0xa0: {  	[sflag:s14] =	ssyncset.done $0x0  }
0xa1: {  	[sflag:s14] =	ssyncadd.s32 $0xFFFFE000  }
0xa2: {  	_ =	swait.ge [sflag:s14], $0x2000  }
0xa3: {  	[sflag:s14] =	ssyncset.done $0x0  }
0xa4: {  	[sflag:s14] =	ssyncadd.s32 $0xFFFFE000  }
0xa5: {  	_ =	swait.ge [sflag:s14], $0x2000  }
0xa6: {  	[sflag:s14] =	ssyncset.done $0x0  }
0xa7: {  	[sflag:s14] =	ssyncadd.s32 $0xFFFFE000  }
0xa8: {  	_ =	swait.ge [sflag:s8], $0x2000  }
0xa9: {  	[sflag:s8] =	ssyncset.done $0x0  }
0xaa: {  	[sflag:s8] =	ssyncadd.s32 $0xFFFFE000  }
0xab: {  	_ =	swait.ge [sflag:s8], $0x2000  }
0xac: {  	[sflag:s8] =	ssyncset.done $0x0  }
0xad: {  	[sflag:s8] =	ssyncadd.s32 $0xFFFFE000  }
0xae: {  	_ =	swait.ge [sflag:s8], $0x2000  }
0xaf: {  	[sflag:s8] =	ssyncset.done $0x0  }
0xb0: {  	[sflag:s8] =	ssyncadd.s32 $0xFFFFE000  }
0xb1: {  	_ =	swait.ge [sflag:s8], $0x2000  }
0xb2: {  	s26 =	simm.s32 @!p0 $0x15200;
	s24 =	rddreg [dreg:$0x7];
	[sflag:s8] =	ssyncset.done $0x0  }
0xb3: {  	s25 =	rddreg [dreg:$0x6];
	[sflag:s8] =	ssyncadd.s32 $0xFFFFE000;
	s24 =	sadd.s32 @!p0 $0x0, s24  }
0xb4: {  	[tilespmem:s26], [sflag:$0x3] =	stream.linear.gather @!p0 [hbm4b:s24+s23], $0x80, $0x38;
	[tilespmem:$0x1F400] =	vst v63  }
0xb5: {  	s25 =	sadd.s32 @!p0 $0x0, s25;
	s24 =	rddreg [dreg:$0x5];
	s26 =	simm.s32 @!p0 $0x15280  }
0xb6: {  	[tilespmem:s26], [sflag:$0x3] =	stream.linear.gather @!p0 [hbm4b:s25+s23], $0x80, $0x38;
	[tilespmem:$0x1F400] =	vst v63  }
0xb7: {  	s24 =	sadd.s32 @!p0 $0x0, s24;
	s25 =	rddreg [dreg:$0x4];
	s26 =	simm.s32 @!p0 $0x15300  }
0xb8: {  	[tilespmem:s26], [sflag:$0x3] =	stream.linear.gather @!p0 [hbm4b:s24+s23], $0x80, $0x38;
	[tilespmem:$0x1F400] =	vst v63  }
0xb9: {  	s25 =	sadd.s32 @!p0 $0x0, s25;
	s24 =	simm.s32 @!p0 $0x15380  }
0xba: {  	[tilespmem:s24], [sflag:$0x3] =	stream.linear.gather @!p0 [hbm4b:s25+s23], $0x80, $0x38;
	[tilespmem:$0x1F400] =	vst v63  }
0xbb: {  	s23 =	simm.s32 @!p0 $0x3  }
0xbc: {  	_ =	swait.ge @!p0 [sflag:s23], $0x80  }
0xbd: {  	[sflag:s23] =	ssyncset.done @!p0 $0x0  }
0xbe: {  	[sflag:s23] =	ssyncadd.s32 @!p0 $0xFFFFFF80  }
0xbf: {  	_ =	swait.ge @!p0 [sflag:s23], $0x80  }
0xc0: {  	[sflag:s23] =	ssyncset.done @!p0 $0x0  }
0xc1: {  	[sflag:s23] =	ssyncadd.s32 @!p0 $0xFFFFFF80  }
0xc2: {  	_ =	swait.ge @!p0 [sflag:s23], $0x80  }
0xc3: {  	[sflag:s23] =	ssyncset.done @!p0 $0x0  }
0xc4: {  	[sflag:s23] =	ssyncadd.s32 @!p0 $0xFFFFFF80  }
0xc5: {  	_ =	swait.ge @!p0 [sflag:s23], $0x80  }
0xc6: {  	[sflag:s23] =	ssyncset.done @!p0 $0x0  }
0xc7: {  	s24 =	simm.s32 @!p0 $0x80;
	[sflag:s23] =	ssyncadd.s32 @!p0 $0xFFFFFF80;
	s23 =	simm.s32 @!p0 $0x5000  }
0xc8: {  	[tilespmem:s23], [sflag:$0x1] =	stream.indirect.gather @!p0 [hbm4b:s4+s24], $0x40, s16, s24, $0xb8;
	[tilespmem:$0x1F400] =	vst v63  }
0xc9: {  	s16 =	simm.s32 @!p0 $0x7000  }
0xca: {  	[tilespmem:s16], [sflag:$0x1] =	stream.indirect.gather @!p0 [hbm4b:s4+s24], $0x40, s17, s24, $0xb8;
	[tilespmem:$0x1F400] =	vst v63  }
0xcb: {  	s16 =	simm.s32 @!p0 $0x9000  }
0xcc: {  	[tilespmem:s16], [sflag:$0x1] =	stream.indirect.gather @!p0 [hbm4b:s4+s24], $0x40, s18, s24, $0xb8;
	[tilespmem:$0x1F400] =	vst v63  }
0xcd: {  	s16 =	simm.s32 @!p0 $0xB000  }
0xce: {  	[tilespmem:s16], [sflag:$0x1] =	stream.indirect.gather @!p0 [hbm4b:s4+s24], $0x40, s19, s24, $0xb8;
	[tilespmem:$0x1F400] =	vst v63  }
0xcf: {  	s16 =	simm.s32 $0x200  }
0xd0: {  	[spmem:s2] =	stream.indirect.scatter.add.f32 [tilespmem:s9], [sflag:$0x2], $0x40, s16, s3, $0xb8;
	[tilespmem:$0x1F400] =	vst v63  }
0xd1: {  	s24 =	simm.s32 $0x280  }
0xd2: {  	[spmem:s2] =	stream.indirect.scatter.add.f32 [tilespmem:s11], [sflag:$0x2], $0x40, s24, s3, $0xb8;
	[tilespmem:$0x1F400] =	vst v63  }
0xd3: {  	s25 =	simm.s32 $0x300  }
0xd4: {  	[spmem:s2] =	stream.indirect.scatter.add.f32 [tilespmem:s12], [sflag:$0x2], $0x40, s25, s3, $0xb8;
	[tilespmem:$0x1F400] =	vst v63  }
0xd5: {  	s26 =	simm.s32 $0x380  }
0xd6: {  	[spmem:s2] =	stream.indirect.scatter.add.f32 [tilespmem:s13], [sflag:$0x2], $0x40, s26, s3, $0xb8;
	[tilespmem:$0x1F400] =	vst v63  }
0xd7: {  	_ =	swait.ge [sflag:s14], $0x2000  }
0xd8: {  	[sflag:s14] =	ssyncset.done $0x0  }
0xd9: {  	[sflag:s14] =	ssyncadd.s32 $0xFFFFE000  }
0xda: {  	_ =	swait.ge [sflag:s14], $0x2000  }
0xdb: {  	[sflag:s14] =	ssyncset.done $0x0  }
0xdc: {  	[sflag:s14] =	ssyncadd.s32 $0xFFFFE000  }
0xdd: {  	s17 =	simm.s32 $0x80;
	_ =	swait.ge [sflag:s14], $0x2000  }
.LBB2_4:
0xde: {  	[sflag:s14] =	ssyncset.done $0x0  }
0xdf: {  	[sflag:s14] =	ssyncadd.s32 $0xFFFFE000  }
0xe0: {  	_ =	swait.ge [sflag:s14], $0x2000  }
0xe1: {  	[sflag:s14] =	ssyncset.done $0x0  }
0xe2: {  	[sflag:s14] =	ssyncadd.s32 $0xFFFFE000  }
0xe3: {  	_ =	swait.ge [sflag:s8], $0x2000  }
0xe4: {  	[sflag:s8] =	ssyncset.done $0x0  }
0xe5: {  	[sflag:s8] =	ssyncadd.s32 $0xFFFFE000  }
0xe6: {  	_ =	swait.ge [sflag:s8], $0x2000  }
0xe7: {  	[sflag:s8] =	ssyncset.done $0x0  }
0xe8: {  	[sflag:s8] =	ssyncadd.s32 $0xFFFFE000  }
0xe9: {  	_ =	swait.ge [sflag:s8], $0x2000  }
0xea: {  	s23 =	smov.u32 s17;
	[sflag:s8] =	ssyncset.done $0x0  }
0xeb: {  	p1 =	seq.s32 s23, $0x980;
	[sflag:s8] =	ssyncadd.s32 $0xFFFFE000  }
0xec: {  	s18 =	simm.s32 @!p1 $0x15000;
	_ =	swait.ge [sflag:s8], $0x2000  }
0xed: {  	s19 =	simm.s32 @!p1 $0x0;
	s24 =	rddreg [dreg:$0xb];
	[sflag:s8] =	ssyncset.done $0x0  }
0xee: {  	s25 =	rddreg [dreg:$0xa];
	[sflag:s8] =	ssyncadd.s32 $0xFFFFE000;
	s24 =	sadd.s32 @!p1 s23, s24  }
0xef: {  	[tilespmem:s18], [sflag:$0x3] =	stream.linear.gather @!p1 [hbm4b:s24+s19], $0x80, $0x38;
	[tilespmem:$0x1F400] =	vst v63  }
0xf0: {  	s26 =	rddreg [dreg:$0x9];
	s25 =	sadd.s32 @!p1 s23, s25;
	s24 =	simm.s32 @!p1 $0x15080  }
0xf1: {  	[tilespmem:s24], [sflag:$0x3] =	stream.linear.gather @!p1 [hbm4b:s25+s19], $0x80, $0x38;
	[tilespmem:$0x1F400] =	vst v63  }
0xf2: {  	s20 =	rddreg [dreg:$0x8];
	s10 =	sadd.s32 @!p1 s23, s26;
	s26 =	simm.s32 @!p1 $0x15100  }
0xf3: {  	[tilespmem:s26], [sflag:$0x3] =	stream.linear.gather @!p1 [hbm4b:s10+s19], $0x80, $0x38;
	[tilespmem:$0x1F400] =	vst v63  }
0xf4: {  	s25 =	simm.s32 @!p1 $0x15180;
	s10 =	sadd.s32 @!p1 s23, s20  }
0xf5: {  	[tilespmem:s25], [sflag:$0x3] =	stream.linear.gather @!p1 [hbm4b:s10+s19], $0x80, $0x38;
	[tilespmem:$0x1F400] =	vst v63  }
0xf6: {  	_ =	swait.ge [sflag:s0], $0x80  }
0xf7: {  	[sflag:s0] =	ssyncset.done $0x0  }
0xf8: {  	[sflag:s0] =	ssyncadd.s32 $0xFFFFFF80  }
0xf9: {  	_ =	swait.ge [sflag:s0], $0x80  }
0xfa: {  	[sflag:s0] =	ssyncset.done $0x0  }
0xfb: {  	[sflag:s0] =	ssyncadd.s32 $0xFFFFFF80  }
0xfc: {  	_ =	swait.ge [sflag:s0], $0x80  }
0xfd: {  	[sflag:s0] =	ssyncset.done $0x0  }
0xfe: {  	[sflag:s0] =	ssyncadd.s32 $0xFFFFFF80  }
0xff: {  	_ =	swait.ge [sflag:s0], $0x80  }
0x100: {  	[sflag:s0] =	ssyncset.done $0x0  }
0x101: {  	[sflag:s0] =	ssyncadd.s32 $0xFFFFFF80  }
0x102: {  	[tilespmem:s9], [sflag:$0x1] =	stream.indirect.gather [hbm4b:s4+s3], $0x40, s28, s3, $0xb8;
	[tilespmem:$0x1F400] =	vst v63  }
0x103: {  	_ = 	snop  }
0x104: {  	[tilespmem:s11], [sflag:$0x1] =	stream.indirect.gather [hbm4b:s4+s3], $0x40, s29, s3, $0xb8;
	[tilespmem:$0x1F400] =	vst v63  }
0x105: {  	_ = 	snop  }
0x106: {  	[tilespmem:s12], [sflag:$0x1] =	stream.indirect.gather [hbm4b:s4+s3], $0x40, s30, s3, $0xb8;
	[tilespmem:$0x1F400] =	vst v63  }
0x107: {  	s16 =	sadd.s32 $0x400, s16  }
0x108: {  	[tilespmem:s13], [sflag:$0x1] =	stream.indirect.gather [hbm4b:s4+s3], $0x40, s31, s3, $0xb8;
	[tilespmem:$0x1F400] =	vst v63  }
0x109: {  	s5 =	sadd.s32 $0xFFFFFE00, s16  }
0x10a: {  	[spmem:s2] =	stream.indirect.scatter.add.f32 [tilespmem:s22], [sflag:$0x2], $0x40, s5, s3, $0xb8;
	[tilespmem:$0x1F400] =	vst v63  }
0x10b: {  	s15 =	sadd.s32 $0xFFFFFE80, s16  }
0x10c: {  	[spmem:s2] =	stream.indirect.scatter.add.f32 [tilespmem:s1], [sflag:$0x2], $0x40, s15, s3, $0xb8;
	[tilespmem:$0x1F400] =	vst v63  }
0x10d: {  	s5 =	sadd.s32 $0xFFFFFF00, s16  }
0x10e: {  	[spmem:s2] =	stream.indirect.scatter.add.f32 [tilespmem:s6], [sflag:$0x2], $0x40, s5, s3, $0xb8;
	[tilespmem:$0x1F400] =	vst v63  }
0x10f: {  	s15 =	sadd.s32 $0xFFFFFF80, s16  }
0x110: {  	[spmem:s2] =	stream.indirect.scatter.add.f32 [tilespmem:s7], [sflag:$0x2], $0x40, s15, s3, $0xb8;
	[tilespmem:$0x1F400] =	vst v63  }
0x111: {  	_ =	swait.ge [sflag:s14], $0x2000  }
0x112: {  	[sflag:s14] =	ssyncset.done $0x0  }
0x113: {  	[sflag:s14] =	ssyncadd.s32 $0xFFFFE000  }
0x114: {  	_ =	swait.ge [sflag:s14], $0x2000  }
0x115: {  	[sflag:s14] =	ssyncset.done $0x0  }
0x116: {  	[sflag:s14] =	ssyncadd.s32 $0xFFFFE000  }
0x117: {  	_ =	swait.ge [sflag:s14], $0x2000  }
0x118: {  	[sflag:s14] =	ssyncset.done $0x0  }
0x119: {  	[sflag:s14] =	ssyncadd.s32 $0xFFFFE000  }
0x11a: {  	_ =	swait.ge [sflag:s14], $0x2000  }
0x11b: {  	[sflag:s14] =	ssyncset.done $0x0  }
0x11c: {  	[sflag:s14] =	ssyncadd.s32 $0xFFFFE000  }
0x11d: {  	_ =	swait.ge [sflag:s8], $0x2000  }
0x11e: {  	[sflag:s8] =	ssyncset.done $0x0  }
0x11f: {  	[sflag:s8] =	ssyncadd.s32 $0xFFFFE000  }
0x120: {  	_ =	swait.ge [sflag:s8], $0x2000  }
0x121: {  	[sflag:s8] =	ssyncset.done $0x0  }
0x122: {  	[sflag:s8] =	ssyncadd.s32 $0xFFFFE000  }
0x123: {  	_ =	swait.ge [sflag:s8], $0x2000  }
0x124: {  	[sflag:s8] =	ssyncset.done $0x0  }
0x125: {  	[sflag:s8] =	ssyncadd.s32 $0xFFFFE000  }
0x126: {  	_ =	swait.ge [sflag:s8], $0x2000  }
0x127: {  	s5 =	simm.s32 @!p1 $0x15200;
	s10 =	rddreg [dreg:$0x7];
	[sflag:s8] =	ssyncset.done $0x0  }
0x128: {  	s20 =	rddreg [dreg:$0x6];
	[sflag:s8] =	ssyncadd.s32 $0xFFFFE000;
	s10 =	sadd.s32 @!p1 s23, s10  }
0x129: {  	[tilespmem:s5], [sflag:$0x3] =	stream.linear.gather @!p1 [hbm4b:s10+s19], $0x80, $0x38;
	[tilespmem:$0x1F400] =	vst v63  }
0x12a: {  	s15 =	rddreg [dreg:$0x5];
	s5 =	sadd.s32 @!p1 s23, s20;
	s10 =	simm.s32 @!p1 $0x15280  }
0x12b: {  	[tilespmem:s10], [sflag:$0x3] =	stream.linear.gather @!p1 [hbm4b:s5+s19], $0x80, $0x38;
	[tilespmem:$0x1F400] =	vst v63  }
0x12c: {  	s20 =	rddreg [dreg:$0x4];
	s5 =	sadd.s32 @!p1 s23, s15;
	s10 =	simm.s32 @!p1 $0x15300  }
0x12d: {  	[tilespmem:s10], [sflag:$0x3] =	stream.linear.gather @!p1 [hbm4b:s5+s19], $0x80, $0x38;
	[tilespmem:$0x1F400] =	vst v63  }
0x12e: {  	s15 =	simm.s32 @!p1 $0x15380;
	s5 =	sadd.s32 @!p1 s23, s20;
	s10 =	simm.s32 @!p1 $0x3  }
0x12f: {  	[tilespmem:s15], [sflag:$0x3] =	stream.linear.gather @!p1 [hbm4b:s5+s19], $0x80, $0x38;
	[tilespmem:$0x1F400] =	vst v63  }
0x130: {  	_ =	swait.ge @!p1 [sflag:s10], $0x80  }
0x131: {  	[sflag:s10] =	ssyncset.done @!p1 $0x0  }
0x132: {  	[sflag:s10] =	ssyncadd.s32 @!p1 $0xFFFFFF80  }
0x133: {  	_ =	swait.ge @!p1 [sflag:s10], $0x80  }
0x134: {  	[sflag:s10] =	ssyncset.done @!p1 $0x0  }
0x135: {  	[sflag:s10] =	ssyncadd.s32 @!p1 $0xFFFFFF80  }
0x136: {  	_ =	swait.ge @!p1 [sflag:s10], $0x80  }
0x137: {  	[sflag:s10] =	ssyncset.done @!p1 $0x0  }
0x138: {  	[sflag:s10] =	ssyncadd.s32 @!p1 $0xFFFFFF80  }
0x139: {  	_ =	swait.ge @!p1 [sflag:s10], $0x80  }
0x13a: {  	[sflag:s10] =	ssyncset.done @!p1 $0x0  }
0x13b: {  	s5 =	simm.s32 @!p1 $0x80;
	s15 =	simm.s32 @!p1 $0x5000;
	[sflag:s10] =	ssyncadd.s32 @!p1 $0xFFFFFF80  }
0x13c: {  	[tilespmem:s15], [sflag:$0x1] =	stream.indirect.gather @!p1 [hbm4b:s4+s5], $0x40, s18, s5, $0xb8;
	[tilespmem:$0x1F400] =	vst v63  }
0x13d: {  	s10 =	simm.s32 @!p1 $0x7000  }
0x13e: {  	[tilespmem:s10], [sflag:$0x1] =	stream.indirect.gather @!p1 [hbm4b:s4+s5], $0x40, s24, s5, $0xb8;
	[tilespmem:$0x1F400] =	vst v63  }
0x13f: {  	s15 =	simm.s32 @!p1 $0x9000  }
0x140: {  	[tilespmem:s15], [sflag:$0x1] =	stream.indirect.gather @!p1 [hbm4b:s4+s5], $0x40, s26, s5, $0xb8;
	[tilespmem:$0x1F400] =	vst v63  }
0x141: {  	s10 =	simm.s32 @!p1 $0xB000  }
0x142: {  	[tilespmem:s10], [sflag:$0x1] =	stream.indirect.gather @!p1 [hbm4b:s4+s5], $0x40, s25, s5, $0xb8;
	[tilespmem:$0x1F400] =	vst v63  }
0x143: {  	_ = 	snop  }
0x144: {  	[spmem:s2] =	stream.indirect.scatter.add.f32 [tilespmem:s9], [sflag:$0x2], $0x40, s16, s3, $0xb8;
	[tilespmem:$0x1F400] =	vst v63  }
0x145: {  	s24 =	sadd.s32 $0x80, s16  }
0x146: {  	[spmem:s2] =	stream.indirect.scatter.add.f32 [tilespmem:s11], [sflag:$0x2], $0x40, s24, s3, $0xb8;
	[tilespmem:$0x1F400] =	vst v63  }
0x147: {  	s25 =	sadd.s32 $0x100, s16  }
0x148: {  	[spmem:s2] =	stream.indirect.scatter.add.f32 [tilespmem:s12], [sflag:$0x2], $0x40, s25, s3, $0xb8;
	[tilespmem:$0x1F400] =	vst v63  }
0x149: {  	s26 =	sadd.s32 $0x180, s16  }
0x14a: {  	[spmem:s2] =	stream.indirect.scatter.add.f32 [tilespmem:s13], [sflag:$0x2], $0x40, s26, s3, $0xb8;
	[tilespmem:$0x1F400] =	vst v63  }
0x14b: {  	s17 =	sadd.s32 $0x80, s17;
	_ =	swait.ge [sflag:s14], $0x2000  }
0x14c: {  	p0 =	sne.s32 s17, $0xA00;
	[sflag:s14] =	ssyncset.done $0x0  }
.Ltmp1:
0x14d: {  	[sflag:s14] =	ssyncadd.s32 $0xFFFFE000;
	(pc) =	sbr.rel @p0 .LBB2_4-.Ltmp1, $4  }
0x14e: {  	_ =	swait.ge [sflag:s14], $0x2000  }
0x14f: {  	[sflag:s14] =	ssyncset.done $0x0  }
0x150: {  	[sflag:s14] =	ssyncadd.s32 $0xFFFFE000  }
0x151: {  	_ =	swait.ge [sflag:s14], $0x2000  }
0x152: {  	[sflag:s14] =	ssyncset.done $0x0  }
0x153: {  	[sflag:s14] =	ssyncadd.s32 $0xFFFFE000  }
0x154: {  	_ =	swait.ge [sflag:s14], $0x2000  }
0x155: {  	[sflag:s14] =	ssyncset.done $0x0  }
0x156: {  	[sflag:s14] =	ssyncadd.s32 $0xFFFFE000  }
0x157: {  	s5 =	stileid.u32;
	s17 =	simm.s32 $0x10;
	[bflag:$0x0] =	sbarrier.arrive $0xFFFF  }
0x158: {  	s18 =	simm.s32 $0x8;
	s5 =	sshll.u32 s5, $0x6;
	s15 =	rddreg [dreg:$0xc]  }
0x159: {  	s5 =	sor.u32 $0x1C04, s5;
	s16 =	rddreg [dreg:$0x1a];
	s10 =	sshrl.u32 s15, $0x3  }
0x15a: {  	[hbm:s16@s17], [sflag:s5] =	dma.strided [spmem:s10@s18], $0x1400, s8, $0x8   }
0x15b: {  	_ =	swait.ge [sflag:s21], $0x1400  }
0x15c: {  	s25 =	rddreg [dreg:$0x1c]  }
0x15d: {  	s26 =	rddreg [dreg:$0x1b];
	s10 =	sadd.s32 $0x1, s25  }
0x15e: {  	p0 =	sne.s32 s10, s26  }
.Ltmp2:
0x15f: {  	_ = 	snop;
	(pc) =	sbr.rel @p0 .LBB2_1-.Ltmp2, $3  }
0x160: {  	_ =	sdelay $0x1  }
0x161: {  	[sflag:s21] =	ssyncset.done $0x0  }
0x162: {  	[sflag:s21] =	ssyncadd.s32 $0xFFFFEC00  }
0x163: {  	_ =	sfence.sel $0x180000  }
0x164: {  	[bflag:$0x0] =	sbarrier.arrive $0xFFFF  }
0x165: {  	_ =	strace $0x9000004A  }
0x166: {  	s0 =	stileid.u32;
	[bflag:$0x2] =	sbarrier.arrive $0xFFFF  }
0x167: {  	p0 =	sne.s32 s0, $0x0;
	s0 =	rddreg [dreg:$0x3]  }
0x168: {  	s0 =	sadd.s32 @!p0 $0x100000, s0  }
0x169: {  	[sflag:s0] =	ssyncadd.tile.s32 @!p0 $0x1;
	_ =	shalt  }
.Lfunc_end2:
_tile_overlayer_lowered:
.L_overlay_start_2:
0x16a: {  	(tag) =	ssettag $0x2  }
0x16b: {  	s0 =	rddreg [dreg:$0x0];
	s2 =	stileid.u32  }
0x16c: {  	s1 =	rddreg [dreg:$0x1];
	p0 =	sne.s32 s2, $0x0  }
0x16d: {  	s3 =	rddreg [dreg:$0x2];
	[bflag:$0x3] =	sbarrier.arrive $0xFFFF;
	s2 =	simm.s32 @!p0 $0x1C04  }
0x16e: {  	[timem:s3], [sflag:s2] =	dma.local @!p0 [hbm:s0], s1  }
0x16f: {  	s0 =	simm.s32 @!p0 $0x4  }
0x170: {  	_ =	swait.ge @!p0 [sflag:s0], s1  }
0x171: {  	s1 =	ssub.s32 @!p0 $0x0, s1;
	[sflag:s0] =	ssyncset.done @!p0 $0x0  }
0x172: {  	[sflag:s0] =	ssyncadd.s32 @!p0 s1  }
0x173: {  	[bflag:$0x3] =	sbarrier.arrive $0xFFFF  }
0x174: {  	_ =	shalt  }

// kernel: kernel.16.cloned.1.call-start
scs
__scs_entry_jumppad:
0x0: {  	(pc) =	sbr.rel $0x88, $3  }
0x1: {  	(tag) =	ssettag $0x0;
	lr =	simm.s32 $0x1  }
0x2: {  	[smem:$0x3F91] =	sst lr;
	_ =	strace $0xD0000000  }
0x3: {  	_ = 	snop  }
0x4: {  	_ = 	snop  }
0x5: {  	_ = 	snop  }
0x6: {  	_ = 	snop  }
0x7: {  	_ = 	snop  }
__scs_overlays_trampoline_lowered:
0x8: {  	[smem:$0x3FA0] =	sst s0  }
0x9: {  	[smem:$0x3FA1] =	sst s1  }
0xa: {  	[smem:$0x3FA2] =	sst s2  }
0xb: {  	[smem:$0x3FA3] =	sst s3  }
0xc: {  	[smem:$0x3FA4] =	sst s4  }
0xd: {  	[smem:$0x3FA5] =	sst s5  }
0xe: {  	[smem:$0x3FA6] =	sst s6  }
0xf: {  	[smem:$0x3FA7] =	sst s7  }
0x10: {  	[smem:$0x3FA8] =	sst s8  }
0x11: {  	[smem:$0x3FA9] =	sst s9;
	s0 =	simm.s32 @!p0 $0x0  }
0x12: {  	s1 =	sld [smem:$0x3F8F];
	s0 =	simm.s32 @p0 $0x1  }
0x13: {  	[smem:$0x3FAA] =	sst s0;
	s0 =	simm.s32 @!p1 $0x0  }
0x14: {  	s2 =	sld [smem:$0x3F8E];
	s0 =	simm.s32 @p1 $0x1  }
0x15: {  	[smem:$0x3FAB] =	sst s0;
	s0 =	simm.s32 @!p2 $0x0  }
0x16: {  	s3 =	sld [smem:$0x3FDB];
	s0 =	simm.s32 @p2 $0x1  }
0x17: {  	s4 =	simm.s32 $0x1BF5;
	[smem:$0x3FAD] =	sst s0  }
0x18: {  	s0 =	sld [smem:$0x3F90];
	_ =	swait.ge [sflag:s4], $0x0  }
0x19: {  	s7 =	sld [smem:$0x3F91]  }
0x1a: {  	s8 =	sadd.s32 $0xFFFFE003, lr  }
0x1b: {  	s9 =	sadd.s32 $0xFFFFFEF7, lr;
	s5 =	simm.s32 $0xFFFFFFFF;
	p2 =	slt.u32 s8, $0xFFFFF086  }
0x1c: {  	p1 =	slt.u32 s9, $0xF7A;
	s5 =	simm.s32 @!p2 $0x0  }
0x1d: {  	s5 =	simm.s32 @p1 $0x1;
	p0 =	seq.s32 s7, s2  }
0x1e: {  	s7 =	smul.u32 @!p0 $0xF7A, s2;
	p2 =	seq.s32 @!p0 s5, $0x0  }
0x1f: {  	s9 =	smul.u32 $0xF7A, s1;
	s8 =	simm.s32 @!p0 $0x1BF5;
	p2 =	por !p2, p0  }
0x20: {  	[sflag:s8] =	ssyncset.s32 @!p0 $0xFFFFF086;
	s6 =	sadd.s32 @!p0 s3, s7;
	s7 =	simm.s32 @!p0 $0x108  }
0x21: {  	s3 =	sadd.s32 s3, s9;
	s6 =	sadd.s32 @!p0 $0x88, s6;
	s7 =	simm.s32 @p2 $0x1082  }
0x22: {  	[simem:s7], [sflag:s8] =	dma.local @!p0 [hbm:s6], $0xF7A  }
0x23: {  	s9 =	sor.u32 $0xD0000000, s2;
	s6 =	simm.s32 $0x108;
	_ =	swait.ge @!p0 [sflag:s8], $0x0  }
0x24: {  	s3 =	sadd.s32 $0x88, s3;
	s6 =	simm.s32 @!p1 $0x1082;
	[sflag:s4] =	ssyncset.s32 $0xFFFFF086  }
0x25: {  	[simem:s6], [sflag:s4] =	dma.local [hbm:s3], $0xF7A  }
0x26: {  	[smem:$0x3F91] =	sst s1;
	(tag) =	ssettag s2;
	_ =	strace s9  }
0x27: {  	s1 =	sld [smem:$0x3FA1]  }
0x28: {  	s2 =	sld [smem:$0x3FA2]  }
0x29: {  	s4 =	sld [smem:$0x3FA4]  }
0x2a: {  	p0 =	seq.s32 s5, $0x0;
	s5 =	sld [smem:$0x3FA5]  }
0x2b: {  	s6 =	sld [smem:$0x3FA6]  }
0x2c: {  	s7 =	sld [smem:$0x3FA7]  }
0x2d: {  	s3 =	simm.s32 $0x108;
	s8 =	sld [smem:$0x3FA8]  }
0x2e: {  	s3 =	simm.s32 @!p0 $0x1082;
	s9 =	sld [smem:$0x3FA9]  }
0x2f: {  	lr =	sadd.s32 s0, s3;
	s0 =	sld [smem:$0x3FA0]  }
0x30: {  	s3 =	sld [smem:$0x3FA3]  }
0x31: {  	[smem:$0x3FAC] =	sst s10  }
0x32: {  	s10 =	sld [smem:$0x3FAA];
	_ =	sdelay $0x3  }
0x33: {  	p0 =	seq.s32 s10, $0x1;
	s10 =	sld [smem:$0x3FAC];
	_ =	sdelay $0x3  }
0x34: {  	[smem:$0x3FAC] =	sst s10  }
0x35: {  	s10 =	sld [smem:$0x3FAB];
	_ =	sdelay $0x3  }
0x36: {  	p1 =	seq.s32 s10, $0x1;
	s10 =	sld [smem:$0x3FAC];
	_ =	sdelay $0x3  }
0x37: {  	[smem:$0x3FAC] =	sst s10  }
0x38: {  	s10 =	sld [smem:$0x3FAD]  }
0x39: {  	_ = 	snop;
	(pc) =	sbr.ind lr, $3  }
0x3a: {  	_ = 	snop  }
0x3b: {  	_ = 	snop  }
0x3c: {  	p2 =	seq.s32 s10, $0x1;
	s10 =	sld [smem:$0x3FAC]  }
0x3d: {  	_ =	shalt  }
0x3e: {  	_ =	shalt  }
0x3f: {  	_ =	shalt  }
0x40: {  	_ =	shalt  }
0x41: {  	_ =	shalt  }
0x42: {  	_ =	shalt  }
0x43: {  	_ =	shalt  }
0x44: {  	_ =	shalt  }
0x45: {  	_ =	shalt  }
0x46: {  	_ =	shalt  }
0x47: {  	_ =	shalt  }
0x48: {  	_ =	shalt  }
0x49: {  	_ =	shalt  }
0x4a: {  	_ =	shalt  }
0x4b: {  	_ =	shalt  }
0x4c: {  	_ =	shalt  }
0x4d: {  	_ =	shalt  }
0x4e: {  	_ =	shalt  }
0x4f: {  	_ =	shalt  }
0x50: {  	_ =	shalt  }
0x51: {  	_ =	shalt  }
0x52: {  	_ =	shalt  }
0x53: {  	_ =	shalt  }
0x54: {  	_ =	shalt  }
0x55: {  	_ =	shalt  }
0x56: {  	_ =	shalt  }
0x57: {  	_ =	shalt  }
0x58: {  	_ =	shalt  }
0x59: {  	_ =	shalt  }
0x5a: {  	_ =	shalt  }
0x5b: {  	_ =	shalt  }
0x5c: {  	_ =	shalt  }
0x5d: {  	_ =	shalt  }
0x5e: {  	_ =	shalt  }
0x5f: {  	_ =	shalt  }
0x60: {  	_ =	shalt  }
0x61: {  	_ =	shalt  }
0x62: {  	_ =	shalt  }
0x63: {  	_ =	shalt  }
0x64: {  	_ =	shalt  }
0x65: {  	_ =	shalt  }
0x66: {  	_ =	shalt  }
0x67: {  	_ =	shalt  }
0x68: {  	_ =	shalt  }
0x69: {  	_ =	shalt  }
0x6a: {  	_ =	shalt  }
0x6b: {  	_ =	shalt  }
0x6c: {  	_ =	shalt  }
0x6d: {  	_ =	shalt  }
0x6e: {  	_ =	shalt  }
0x6f: {  	_ =	shalt  }
0x70: {  	_ =	shalt  }
0x71: {  	_ =	shalt  }
0x72: {  	_ =	shalt  }
0x73: {  	_ =	shalt  }
0x74: {  	_ =	shalt  }
0x75: {  	_ =	shalt  }
0x76: {  	_ =	shalt  }
0x77: {  	_ =	shalt  }
0x78: {  	_ =	shalt  }
0x79: {  	_ =	shalt  }
0x7a: {  	_ =	shalt  }
0x7b: {  	_ =	shalt  }
0x7c: {  	_ =	shalt  }
0x7d: {  	_ =	shalt  }
0x7e: {  	_ =	shalt  }
0x7f: {  	_ =	shalt  }
0x80: {  	_ =	shalt  }
0x81: {  	_ =	shalt  }
0x82: {  	_ =	shalt  }
0x83: {  	_ =	shalt  }
0x84: {  	_ =	shalt  }
0x85: {  	_ =	shalt  }
0x86: {  	_ =	shalt  }
0x87: {  	_ =	shalt  }
.Lfunc_end0:
.L_simem_size_0:
called_computation.2_lowered:
.L_overlay_start_0:
0x88: {  	s2 =	sld [smem:$0x3FD9]  }
0x89: {  	s3 =	sld [smem:$0x3FFE];
	_ =	sdelay $0x1  }
0x8a: {  	s1 =	srdreg.scid  }
0x8b: {  	s0 =	sand.u32 $0x1, s1  }
0x8c: {  	s17 =	sshll.u32 s0, $0xA;
	s2 =	sadd.s32 s3, s2  }
0x8d: {  	s2 =	sadd.s32 s2, s17  }
0x8e: {  	[smem:$0x3FB8] =	sst s2  }
0x8f: {  	_ = 	snop  }
0x90: {  	s2 =	sld [smem:$0x3FD0];
	(tm) =	ssettm $0x1  }
0x91: {  	s18 =	sld [smem:$0x3FFB];
	_ =	sdelay $0x3  }
0x92: {  	_ =	strace s18  }
0x93: {  	s3 =	sld [smem:$0x3FFC];
	_ =	sdelay $0x3  }
0x94: {  	_ =	strace s3  }
0x95: {  	s3 =	sld [smem:$0x3FFD];
	_ =	sdelay $0x3  }
0x96: {  	_ =	strace s3  }
0x97: {  	_ =	strace $0x8FFFFFFF  }
0x98: {  	s19 =	sld [smem:$0x3FDB];
	_ =	sdelay $0x1  }
0x99: {  	s4 =	simm.s32 $_scs_section_size  }
0x9a: {  	s5 =	simm.s32 $_size__tile_overlayer_lowered;
	s6 =	simm.s32 $_tile_overlayer_lowered  }
0x9b: {  	s22 =	simm.s32 $0x1BFF;
	s21 =	sshll.u32 s6, $0x1;
	s3 =	sadd.s32 s4, s19  }
0x9c: {  	s7 =	simm.s32 $0x0;
	s20 =	sshll.u32 s5, $0x1;
	s5 =	sadd.s32 s21, s3  }
0x9d: {  	[timem:s7], [sflag:s22] =	dma.local [hbm:s5], s20  }
0x9e: {  	_ =	swait.ge [sflag:s22], s20  }
0x9f: {  	s4 =	ssub.s32 $0x0, s20;
	[sflag:s22] =	ssyncset.done $0x0  }
0xa0: {  	[sflag:s22] =	ssyncadd.s32 s4;
	_ =	sdelay $0x1  }
0xa1: {  	s23 =	simm.s32 $0x1B8B  }
0xa2: {  	_ =	swait.ge [sflag:s23], $0x1  }
0xa3: {  	[sflag:s23] =	ssyncset.done $0x0  }
0xa4: {  	s25 =	simm.s32 $0x1B8E;
	s24 =	sld [smem:$0x3FFE];
	[sflag:s23] =	ssyncadd.s32 $0xFFFFFFFF  }
0xa5: {  	s26 =	simm.s32 $execute0_lowered;
	[smem:$0x3FD2] =	sst s25  }
0xa6: {  	s5 =	sshll.u32 s26, $0x1;
	_ =	strace $0x8000004C;
	[dreg:$0x1] =	wrdreg $0xFFFFFFFF  }
0xa7: {  	s28 =	simm.s32 $_size_execute0_lowered;
	s3 =	sadd.s32 s3, s5;
	[dreg:$0x0] =	wrdreg $0x0  }
0xa8: {  	s5 =	sshll.u32 s28, $0x1;
	[dreg:$0x2] =	wrdreg s3  }
0xa9: {  	[dreg:$0x3] =	wrdreg s5  }
0xaa: {  	[dreg:$0x4] =	wrdreg $0xC0  }
0xab: {  	_ =	task [dreg:s7], $0x5FFFF  }
0xac: {  	[dreg:$0x1] =	wrdreg $0xFFFFFFFF  }
0xad: {  	[dreg:$0x0] =	wrdreg $0x60  }
0xae: {  	[dreg:$0x2] =	wrdreg s24  }
0xaf: {  	[dreg:$0x3] =	wrdreg s2  }
0xb0: {  	[dreg:$0x4] =	wrdreg $0x154000  }
0xb1: {  	[dreg:$0x5] =	wrdreg $0x9  }
0xb2: {  	_ =	task.clear_ibuf [dreg:s7], $0x6FFFF;
	_ =	strace $0x9000004C  }
0xb3: {  	s29 =	simm.s32 $0x9;
	_ =	strace $0x8000004E  }
0xb4: {  	_ =	swait.ge [sflag:s29], $0x1  }
0xb5: {  	[sflag:s29] =	ssyncadd.s32 $0xFFFFFFFF  }
0xb6: {  	_ =	strace $0x9000004E  }
0xb7: {  	_ =	sfence  }
0xb8: {  	s30 =	sld [smem:$0x0];
	_ =	sdelay $0x2  }
0xb9: {  	s31 =	sshll.u32 s1, $0xD;
	s1 =	sshrl.u32 s1, $0x2  }
0xba: {  	s3 =	sand.u32 $0x4000, s31;
	s1 =	sadd.s32 s1, s30  }
0xbb: {  	s0 =	sor.u32 s3, s0;
	s1 =	sshll.u32 s1, $0x11  }
0xbc: {  	s0 =	sor.u32 s1, s0  }
0xbd: {  	s0 =	sadd.s32 $0x8F2B, s0  }
0xbe: {  	[sflag:s0] =	ssyncadd.remote.s32 $0x1  }
0xbf: {  	_ =	sfence.sel $0xFFFF  }
0xc0: {  	[dreg:$0x0] =	wrdreg $0xFFFFFFFF;
	(pc) =	sbr.abs _section_cstart, $3  }
0xc1: {  	[dreg:$0x1] =	wrdreg $0xFFFFFFFF  }
0xc2: {  	_ =	task.clear_ibuf [dreg:s7], $0x2FFFF;
	_ =	strace $0x9FFFFFFF  }
0xc3: {  	(tm) =	ssettm $0x7FFFFFFF  }
tec
execute0_lowered:
.L_overlay_start_1:
0x0: {  	(tag) =	ssettag $0x1  }
0x1: {  	s1 =	rddreg [dreg:$0x0]  }
0x2: {  	s0 =	rddreg [dreg:$0x1]  }
0x3: {  	s2 =	rddreg [dreg:$0x2]  }
0x4: {  	s3 =	simm.s32 $0x0;
	s9 =	stileid.u32;
	s4 =	srdreg.scid  }
0x5: {  	s28 =	simm.s32 $0x15200;
	s29 =	simm.s32 $0x15280;
	s16 =	smul.u32 $0xA00, s9  }
0x6: {  	s30 =	simm.s32 $0x15300;
	s31 =	simm.s32 $0x15380;
	s6 =	smul.u32 $0x14000, s9  }
0x7: {  	[smem:$0x7FF] =	sst s3;
	s5 =	sand.u32 $0x1, s4;
	s8 =	smul.u32 $0x28000, s9  }
0x8: {  	s4 =	sadd.s32 $0x5F400, s1;
	s9 =	smul.u32 $0x5000, s9;
	_ =	strace $0x8000004D  }
0x9: {  	s7 =	sshll.u32 s5, $0x6;
	s17 =	smul.u32 $0x50000, s5;
	s5 =	ssub.s32 $0x2, s5  }
0xa: {  	s3 =	sadd.s32 s16, s1;
	s6 =	sor.u32 s7, s6;
	s8 =	sshrl.u32 s8, $0x2  }
0xb: {  	s18 =	sshrl.u32 s5, $0x1;
	s6 =	sshrl.u32 s6, $0x3;
	s15 =	sadd.s32 s8, s2  }
0xc: {  	s7 =	sadd.s32 s9, s17;
	s3 =	sadd.s32 $0x5400, s3;
	s1 =	sadd.s32 s6, s1  }
0xd: {  	s6 =	ssub.s32 s5, s18;
	[dreg:$0xd] =	wrdreg s3;
	s19 =	sadd.s32 $0x2000, s15  }
0xe: {  	s20 =	sshrl.u32 s7, $0x3;
	s21 =	sadd.s32 $0x4000, s15;
	[dreg:$0xc] =	wrdreg s15  }
0xf: {  	s22 =	sadd.s32 $0x6000, s15;
	s23 =	sadd.s32 $0x8000, s15;
	[dreg:$0xe] =	wrdreg s19  }
0x10: {  	s9 =	sor.u32 $0x780, s7;
	s11 =	sor.u32 $0x700, s7;
	[dreg:$0xf] =	wrdreg s21  }
0x11: {  	s14 =	sor.u32 $0x680, s7;
	s17 =	sor.u32 $0x600, s7;
	[dreg:$0x10] =	wrdreg s22  }
0x12: {  	s18 =	sor.u32 $0x580, s7;
	s5 =	sadd.s32 s0, s20;
	[dreg:$0x12] =	wrdreg s23  }
0x13: {  	s3 =	sshrl.u32 s9, $0x3;
	s16 =	sshrl.u32 s14, $0x3;
	s20 =	sshrl.u32 s18, $0x3  }
0x14: {  	s22 =	sor.u32 $0x500, s7;
	s1 =	sadd.s32 $0x87400, s1;
	[dreg:$0x11] =	wrdreg s5  }
0x15: {  	s9 =	simm.s32 $0xD000;
	s24 =	sadd.s32 $0x10, s5;
	[dreg:$0x1a] =	wrdreg s1  }
0x16: {  	s14 =	simm.s32 $0x2;
	s25 =	sadd.s32 $0x20, s5;
	[dreg:$0x13] =	wrdreg s24  }
0x17: {  	s26 =	sadd.s32 $0x30, s5;
	s8 =	sadd.s32 $0x40, s5;
	[dreg:$0x14] =	wrdreg s25  }
0x18: {  	s10 =	sadd.s32 $0x50, s5;
	s12 =	sadd.s32 $0x60, s5;
	[dreg:$0x15] =	wrdreg s26  }
0x19: {  	s3 =	sadd.s32 s3, s0;
	s21 =	sadd.s32 s20, s0;
	[dreg:$0x16] =	wrdreg s8  }
0x1a: {  	s23 =	sshrl.u32 s22, $0x3;
	s5 =	sadd.s32 $0x70, s5;
	[dreg:$0x17] =	wrdreg s10  }
0x1b: {  	s22 =	simm.s32 $0x5000;
	s1 =	simm.s32 $0x7000;
	[dreg:$0x18] =	wrdreg s12  }
0x1c: {  	s8 =	sshrl.u32 s11, $0x3;
	[dreg:$0x4] =	wrdreg s3;
	s3 =	sadd.s32 s16, s0  }
0x1d: {  	[dreg:$0x8] =	wrdreg s21;
	s24 =	sor.u32 $0x480, s7;
	s7 =	sor.u32 $0x400, s7  }
0x1e: {  	[dreg:$0x19] =	wrdreg s5;
	s26 =	smax.u32 s6, $0x1;
	s21 =	simm.s32 $0x4  }
0x1f: {  	s6 =	simm.s32 $0x9000;
	s11 =	simm.s32 $0xF000;
	s12 =	simm.s32 $0x11000  }
0x20: {  	s10 =	simm.s32 $0x0;
	s13 =	sadd.s32 s8, s0;
	[dreg:$0x6] =	wrdreg s3  }
0x21: {  	s8 =	sshrl.u32 s17, $0x3;
	s3 =	sadd.s32 s23, s0;
	[dreg:$0x1b] =	wrdreg s26  }
0x22: {  	s7 =	sshrl.u32 s7, $0x3;
	[dreg:$0x5] =	wrdreg s13;
	s19 =	sadd.s32 s8, s0  }
0x23: {  	s8 =	sshrl.u32 s24, $0x3;
	[dreg:$0x9] =	wrdreg s3;
	s3 =	simm.s32 $0x80  }
0x24: {  	s13 =	simm.s32 $0x13000;
	[dreg:$0x7] =	wrdreg s19;
	s25 =	sadd.s32 s8, s0  }
0x25: {  	s0 =	sadd.s32 s7, s0;
	s7 =	simm.s32 $0xB000;
	[dreg:$0xa] =	wrdreg s25  }
0x26: {  	v0 =	vimm.f32 $0.0e+00;
	s8 =	simm.s32 $0x1;
	[dreg:$0xb] =	wrdreg s0;
	s0 =	simm.s32 $0x3  }
.LBB2_1:
0x27: {  	[dreg:$0x1c] =	wrdreg s10  }
0x28: {  	s5 =	simm.s32 $0x0;
	s26 =	rddreg [dreg:$0xd]  }
0x29: {  	[tilespmem:s5], [sflag:$0x4] =	stream.linear.gather [hbm4b:s26+s5], $0x5000, $0x38;
	[tilespmem:$0x1F400] =	vst v63  }
0x2a: {  	_ =	swait.ge [sflag:s21], $0x5000  }
0x2b: {  	[sflag:s21] =	ssyncset.done $0x0  }
0x2c: {  	s17 =	simm.s32 $0x100;
	s16 =	simm.s32 $0x0;
	[sflag:s21] =	ssyncadd.s32 $0xFFFFB000  }
.LBB2_2:
0x2d: {  	p0 =	sne.s32 s17, $0x7F00;
	[tilespmem:s16+$0x5030] =	vst v0;
	s18 =	smov.u32 s17;
	s17 =	sadd.s32 $0x100, s17  }
.Ltmp0:
0x2e: {  	[tilespmem:s16+$0x5020] =	vst v0;
	(pc) =	sbr.rel @p0 .LBB2_2-.Ltmp0, $3  }
0x2f: {  	[tilespmem:s16+$0x5000] =	vst v0  }
0x30: {  	[tilespmem:s16+$0x5010] =	vst v0;
	_ =	sdelay $0x1  }
0x31: {  	s16 =	sshra.s32 s18, $0x2  }
0x32: {  	[tilespmem:s16+$0x5030] =	vst v0  }
0x33: {  	[tilespmem:s16+$0x5020] =	vst v0  }
0x34: {  	[tilespmem:s16+$0x5000] =	vst v0  }
0x35: {  	[tilespmem:s16+$0x5010] =	vst v0  }
0x36: {  	[spmem:s15] =	stream.linear.scatter [tilespmem:s22], [sflag:$0x4], $0x2000, $0x38;
	[tilespmem:$0x1F400] =	vst v63  }
0x37: {  	_ =	swait.ge [sflag:s21], $0x2000  }
0x38: {  	[sflag:s21] =	ssyncset.done $0x0  }
0x39: {  	s5 =	rddreg [dreg:$0xe];
	[sflag:s21] =	ssyncadd.s32 $0xFFFFE000  }
0x3a: {  	[spmem:s5] =	stream.linear.scatter [tilespmem:s22], [sflag:$0x4], $0x2000, $0x38;
	[tilespmem:$0x1F400] =	vst v63  }
0x3b: {  	_ =	swait.ge [sflag:s21], $0x2000  }
0x3c: {  	[sflag:s21] =	ssyncset.done $0x0  }
0x3d: {  	s10 =	rddreg [dreg:$0xf];
	[sflag:s21] =	ssyncadd.s32 $0xFFFFE000  }
0x3e: {  	[spmem:s10] =	stream.linear.scatter [tilespmem:s22], [sflag:$0x4], $0x2000, $0x38;
	[tilespmem:$0x1F400] =	vst v63  }
0x3f: {  	_ =	swait.ge [sflag:s21], $0x2000  }
0x40: {  	[sflag:s21] =	ssyncset.done $0x0  }
0x41: {  	s15 =	rddreg [dreg:$0x10];
	[sflag:s21] =	ssyncadd.s32 $0xFFFFE000  }
0x42: {  	[spmem:s15] =	stream.linear.scatter [tilespmem:s22], [sflag:$0x4], $0x2000, $0x38;
	[tilespmem:$0x1F400] =	vst v63  }
0x43: {  	_ =	swait.ge [sflag:s21], $0x2000  }
0x44: {  	[sflag:s21] =	ssyncset.done $0x0  }
0x45: {  	s16 =	rddreg [dreg:$0x12];
	[sflag:s21] =	ssyncadd.s32 $0xFFFFE000  }
0x46: {  	[spmem:s16] =	stream.linear.scatter [tilespmem:s22], [sflag:$0x4], $0x2000, $0x38;
	[tilespmem:$0x1F400] =	vst v63  }
0x47: {  	_ =	swait.ge [sflag:s21], $0x2000  }
0x48: {  	[sflag:s21] =	ssyncset.done $0x0  }
0x49: {  	[sflag:s21] =	ssyncadd.s32 $0xFFFFE000  }
0x4a: {  	[bflag:$0x0] =	sbarrier.arrive $0xFFFF  }
0x4b: {  	s10 =	simm.s32 $0x15000;
	s16 =	simm.s32 $0x0;
	s17 =	rddreg [dreg:$0x11]  }
0x4c: {  	[tilespmem:s10], [sflag:$0x3] =	stream.linear.gather [hbm4b:s17+s16], $0x80, $0x38;
	[tilespmem:$0x1F400] =	vst v63  }
0x4d: {  	s15 =	simm.s32 $0x15080;
	s18 =	rddreg [dreg:$0x13]  }
0x4e: {  	[tilespmem:s15], [sflag:$0x3] =	stream.linear.gather [hbm4b:s18+s16], $0x80, $0x38;
	[tilespmem:$0x1F400] =	vst v63  }
0x4f: {  	s19 =	rddreg [dreg:$0x14];
	s17 =	simm.s32 $0x15100  }
0x50: {  	[tilespmem:s17], [sflag:$0x3] =	stream.linear.gather [hbm4b:s19+s16], $0x80, $0x38;
	[tilespmem:$0x1F400] =	vst v63  }
0x51: {  	s20 =	rddreg [dreg:$0x15];
	s18 =	simm.s32 $0x15180  }
0x52: {  	[tilespmem:s18], [sflag:$0x3] =	stream.linear.gather [hbm4b:s20+s16], $0x80, $0x38;
	[tilespmem:$0x1F400] =	vst v63  }
0x53: {  	s23 =	rddreg [dreg:$0x16]  }
0x54: {  	[tilespmem:s28], [sflag:$0x3] =	stream.linear.gather [hbm4b:s23+s16], $0x80, $0x38;
	[tilespmem:$0x1F400] =	vst v63  }
0x55: {  	s24 =	rddreg [dreg:$0x17]  }
0x56: {  	[tilespmem:s29], [sflag:$0x3] =	stream.linear.gather [hbm4b:s24+s16], $0x80, $0x38;
	[tilespmem:$0x1F400] =	vst v63  }
0x57: {  	s25 =	rddreg [dreg:$0x18]  }
0x58: {  	[tilespmem:s30], [sflag:$0x3] =	stream.linear.gather [hbm4b:s25+s16], $0x80, $0x38;
	[tilespmem:$0x1F400] =	vst v63  }
0x59: {  	s26 =	rddreg [dreg:$0x19]  }
0x5a: {  	[tilespmem:s31], [sflag:$0x3] =	stream.linear.gather [hbm4b:s26+s16], $0x80, $0x38;
	[tilespmem:$0x1F400] =	vst v63  }
0x5b: {  	_ =	swait.ge [sflag:s0], $0x80  }
0x5c: {  	[sflag:s0] =	ssyncset.done $0x0  }
0x5d: {  	[sflag:s0] =	ssyncadd.s32 $0xFFFFFF80  }
0x5e: {  	_ =	swait.ge [sflag:s0], $0x80  }
0x5f: {  	[sflag:s0] =	ssyncset.done $0x0  }
0x60: {  	[sflag:s0] =	ssyncadd.s32 $0xFFFFFF80  }
0x61: {  	_ =	swait.ge [sflag:s0], $0x80  }
0x62: {  	[sflag:s0] =	ssyncset.done $0x0  }
0x63: {  	[sflag:s0] =	ssyncadd.s32 $0xFFFFFF80  }
0x64: {  	_ =	swait.ge [sflag:s0], $0x80  }
0x65: {  	[sflag:s0] =	ssyncset.done $0x0  }
0x66: {  	[sflag:s0] =	ssyncadd.s32 $0xFFFFFF80  }
0x67: {  	[tilespmem:s22], [sflag:$0x1] =	stream.indirect.gather [hbm4b:s4+s3], $0x40, s10, s3, $0xb8;
	[tilespmem:$0x1F400] =	vst v63  }
0x68: {  	_ = 	snop  }
0x69: {  	[tilespmem:s1], [sflag:$0x1] =	stream.indirect.gather [hbm4b:s4+s3], $0x40, s15, s3, $0xb8;
	[tilespmem:$0x1F400] =	vst v63  }
0x6a: {  	_ = 	snop  }
0x6b: {  	[tilespmem:s6], [sflag:$0x1] =	stream.indirect.gather [hbm4b:s4+s3], $0x40, s17, s3, $0xb8;
	[tilespmem:$0x1F400] =	vst v63  }
0x6c: {  	_ = 	snop  }
0x6d: {  	[tilespmem:s7], [sflag:$0x1] =	stream.indirect.gather [hbm4b:s4+s3], $0x40, s18, s3, $0xb8;
	[tilespmem:$0x1F400] =	vst v63  }
0x6e: {  	_ =	swait.ge [sflag:s8], $0x2000  }
0x6f: {  	[sflag:s8] =	ssyncset.done $0x0  }
0x70: {  	[sflag:s8] =	ssyncadd.s32 $0xFFFFE000  }
0x71: {  	_ =	swait.ge [sflag:s8], $0x2000  }
0x72: {  	[sflag:s8] =	ssyncset.done $0x0  }
0x73: {  	[sflag:s8] =	ssyncadd.s32 $0xFFFFE000  }
0x74: {  	_ =	swait.ge [sflag:s8], $0x2000  }
0x75: {  	[sflag:s8] =	ssyncset.done $0x0  }
0x76: {  	p0 =	por $0x0, $0x0;
	[sflag:s8] =	ssyncadd.s32 $0xFFFFE000  }
0x77: {  	s23 =	simm.s32 @!p0 $0x0;
	_ =	swait.ge [sflag:s8], $0x2000  }
0x78: {  	s16 =	simm.s32 @!p0 $0x15000;
	s17 =	rddreg [dreg:$0xb];
	[sflag:s8] =	ssyncset.done $0x0  }
0x79: {  	s18 =	rddreg [dreg:$0xa];
	[sflag:s8] =	ssyncadd.s32 $0xFFFFE000;
	s17 =	sadd.s32 @!p0 $0x0, s17  }
0x7a: {  	[tilespmem:s16], [sflag:$0x3] =	stream.linear.gather @!p0 [hbm4b:s17+s23], $0x80, $0x38;
	[tilespmem:$0x1F400] =	vst v63  }
0x7b: {  	s19 =	rddreg [dreg:$0x9];
	s18 =	sadd.s32 @!p0 $0x0, s18;
	s17 =	simm.s32 @!p0 $0x15080  }
0x7c: {  	[tilespmem:s17], [sflag:$0x3] =	stream.linear.gather @!p0 [hbm4b:s18+s23], $0x80, $0x38;
	[tilespmem:$0x1F400] =	vst v63  }
0x7d: {  	s24 =	rddreg [dreg:$0x8];
	s19 =	sadd.s32 @!p0 $0x0, s19;
	s18 =	simm.s32 @!p0 $0x15100  }
0x7e: {  	[tilespmem:s18], [sflag:$0x3] =	stream.linear.gather @!p0 [hbm4b:s19+s23], $0x80, $0x38;
	[tilespmem:$0x1F400] =	vst v63  }
0x7f: {  	s24 =	sadd.s32 @!p0 $0x0, s24;
	s19 =	simm.s32 @!p0 $0x15180  }
0x80: {  	[tilespmem:s19], [sflag:$0x3] =	stream.linear.gather @!p0 [hbm4b:s24+s23], $0x80, $0x38;
	[tilespmem:$0x1F400] =	vst v63  }
0x81: {  	_ =	swait.ge [sflag:s0], $0x80  }
0x82: {  	[sflag:s0] =	ssyncset.done $0x0  }
0x83: {  	[sflag:s0] =	ssyncadd.s32 $0xFFFFFF80  }
0x84: {  	_ =	swait.ge [sflag:s0], $0x80  }
0x85: {  	[sflag:s0] =	ssyncset.done $0x0  }
0x86: {  	[sflag:s0] =	ssyncadd.s32 $0xFFFFFF80  }
0x87: {  	_ =	swait.ge [sflag:s0], $0x80  }
0x88: {  	[sflag:s0] =	ssyncset.done $0x0  }
0x89: {  	[sflag:s0] =	ssyncadd.s32 $0xFFFFFF80  }
0x8a: {  	_ =	swait.ge [sflag:s0], $0x80  }
0x8b: {  	[sflag:s0] =	ssyncset.done $0x0  }
0x8c: {  	[sflag:s0] =	ssyncadd.s32 $0xFFFFFF80  }
0x8d: {  	[tilespmem:s9], [sflag:$0x1] =	stream.indirect.gather [hbm4b:s4+s3], $0x40, s28, s3, $0xb8;
	[tilespmem:$0x1F400] =	vst v63  }
0x8e: {  	_ = 	snop  }
0x8f: {  	[tilespmem:s11], [sflag:$0x1] =	stream.indirect.gather [hbm4b:s4+s3], $0x40, s29, s3, $0xb8;
	[tilespmem:$0x1F400] =	vst v63  }
0x90: {  	_ = 	snop  }
0x91: {  	[tilespmem:s12], [sflag:$0x1] =	stream.indirect.gather [hbm4b:s4+s3], $0x40, s30, s3, $0xb8;
	[tilespmem:$0x1F400] =	vst v63  }
0x92: {  	_ = 	snop  }
0x93: {  	[tilespmem:s13], [sflag:$0x1] =	stream.indirect.gather [hbm4b:s4+s3], $0x40, s31, s3, $0xb8;
	[tilespmem:$0x1F400] =	vst v63  }
0x94: {  	s5 =	simm.s32 $0x0  }
0x95: {  	[spmem:s2] =	stream.indirect.scatter.add.f32 [tilespmem:s22], [sflag:$0x2], $0x40, s5, s3, $0xb8;
	[tilespmem:$0x1F400] =	vst v63  }
0x96: {  	s10 =	simm.s32 $0x80  }
0x97: {  	[spmem:s2] =	stream.indirect.scatter.add.f32 [tilespmem:s1], [sflag:$0x2], $0x40, s10, s3, $0xb8;
	[tilespmem:$0x1F400] =	vst v63  }
0x98: {  	s15 =	simm.s32 $0x100  }
0x99: {  	[spmem:s2] =	stream.indirect.scatter.add.f32 [tilespmem:s6], [sflag:$0x2], $0x40, s15, s3, $0xb8;
	[tilespmem:$0x1F400] =	vst v63  }
0x9a: {  	s20 =	simm.s32 $0x180  }
0x9b: {  	[spmem:s2] =	stream.indirect.scatter.add.f32 [tilespmem:s7], [sflag:$0x2], $0x40, s20, s3, $0xb8;
	[tilespmem:$0x1F400] =	vst v63  }
0x9c: {  	_ =	swait.ge [sflag:s14], $0x2000  }
0x9d: {  	[sflag:s14] =	ssyncset.done $0x0  }
0x9e: {  	[sflag:s14] =	ssyncadd.s32 $0xFFFFE000  }
0x9f: {  	_ =	swait.ge [sflag:s14], $0x2000  }
0xa0: {  	[sflag:s14] =	ssyncset.done $0x0  }
0xa1: {  	[sflag:s14] =	ssyncadd.s32 $0xFFFFE000  }
0xa2: {  	_ =	swait.ge [sflag:s14], $0x2000  }
0xa3: {  	[sflag:s14] =	ssyncset.done $0x0  }
0xa4: {  	[sflag:s14] =	ssyncadd.s32 $0xFFFFE000  }
0xa5: {  	_ =	swait.ge [sflag:s14], $0x2000  }
0xa6: {  	[sflag:s14] =	ssyncset.done $0x0  }
0xa7: {  	[sflag:s14] =	ssyncadd.s32 $0xFFFFE000  }
0xa8: {  	_ =	swait.ge [sflag:s8], $0x2000  }
0xa9: {  	[sflag:s8] =	ssyncset.done $0x0  }
0xaa: {  	[sflag:s8] =	ssyncadd.s32 $0xFFFFE000  }
0xab: {  	_ =	swait.ge [sflag:s8], $0x2000  }
0xac: {  	[sflag:s8] =	ssyncset.done $0x0  }
0xad: {  	[sflag:s8] =	ssyncadd.s32 $0xFFFFE000  }
0xae: {  	_ =	swait.ge [sflag:s8], $0x2000  }
0xaf: {  	[sflag:s8] =	ssyncset.done $0x0  }
0xb0: {  	[sflag:s8] =	ssyncadd.s32 $0xFFFFE000  }
0xb1: {  	_ =	swait.ge [sflag:s8], $0x2000  }
0xb2: {  	s26 =	simm.s32 @!p0 $0x15200;
	s24 =	rddreg [dreg:$0x7];
	[sflag:s8] =	ssyncset.done $0x0  }
0xb3: {  	s25 =	rddreg [dreg:$0x6];
	[sflag:s8] =	ssyncadd.s32 $0xFFFFE000;
	s24 =	sadd.s32 @!p0 $0x0, s24  }
0xb4: {  	[tilespmem:s26], [sflag:$0x3] =	stream.linear.gather @!p0 [hbm4b:s24+s23], $0x80, $0x38;
	[tilespmem:$0x1F400] =	vst v63  }
0xb5: {  	s25 =	sadd.s32 @!p0 $0x0, s25;
	s24 =	rddreg [dreg:$0x5];
	s26 =	simm.s32 @!p0 $0x15280  }
0xb6: {  	[tilespmem:s26], [sflag:$0x3] =	stream.linear.gather @!p0 [hbm4b:s25+s23], $0x80, $0x38;
	[tilespmem:$0x1F400] =	vst v63  }
0xb7: {  	s24 =	sadd.s32 @!p0 $0x0, s24;
	s25 =	rddreg [dreg:$0x4];
	s26 =	simm.s32 @!p0 $0x15300  }
0xb8: {  	[tilespmem:s26], [sflag:$0x3] =	stream.linear.gather @!p0 [hbm4b:s24+s23], $0x80, $0x38;
	[tilespmem:$0x1F400] =	vst v63  }
0xb9: {  	s25 =	sadd.s32 @!p0 $0x0, s25;
	s24 =	simm.s32 @!p0 $0x15380  }
0xba: {  	[tilespmem:s24], [sflag:$0x3] =	stream.linear.gather @!p0 [hbm4b:s25+s23], $0x80, $0x38;
	[tilespmem:$0x1F400] =	vst v63  }
0xbb: {  	s23 =	simm.s32 @!p0 $0x3  }
0xbc: {  	_ =	swait.ge @!p0 [sflag:s23], $0x80  }
0xbd: {  	[sflag:s23] =	ssyncset.done @!p0 $0x0  }
0xbe: {  	[sflag:s23] =	ssyncadd.s32 @!p0 $0xFFFFFF80  }
0xbf: {  	_ =	swait.ge @!p0 [sflag:s23], $0x80  }
0xc0: {  	[sflag:s23] =	ssyncset.done @!p0 $0x0  }
0xc1: {  	[sflag:s23] =	ssyncadd.s32 @!p0 $0xFFFFFF80  }
0xc2: {  	_ =	swait.ge @!p0 [sflag:s23], $0x80  }
0xc3: {  	[sflag:s23] =	ssyncset.done @!p0 $0x0  }
0xc4: {  	[sflag:s23] =	ssyncadd.s32 @!p0 $0xFFFFFF80  }
0xc5: {  	_ =	swait.ge @!p0 [sflag:s23], $0x80  }
0xc6: {  	[sflag:s23] =	ssyncset.done @!p0 $0x0  }
0xc7: {  	s24 =	simm.s32 @!p0 $0x80;
	[sflag:s23] =	ssyncadd.s32 @!p0 $0xFFFFFF80;
	s23 =	simm.s32 @!p0 $0x5000  }
0xc8: {  	[tilespmem:s23], [sflag:$0x1] =	stream.indirect.gather @!p0 [hbm4b:s4+s24], $0x40, s16, s24, $0xb8;
	[tilespmem:$0x1F400] =	vst v63  }
0xc9: {  	s16 =	simm.s32 @!p0 $0x7000  }
0xca: {  	[tilespmem:s16], [sflag:$0x1] =	stream.indirect.gather @!p0 [hbm4b:s4+s24], $0x40, s17, s24, $0xb8;
	[tilespmem:$0x1F400] =	vst v63  }
0xcb: {  	s16 =	simm.s32 @!p0 $0x9000  }
0xcc: {  	[tilespmem:s16], [sflag:$0x1] =	stream.indirect.gather @!p0 [hbm4b:s4+s24], $0x40, s18, s24, $0xb8;
	[tilespmem:$0x1F400] =	vst v63  }
0xcd: {  	s16 =	simm.s32 @!p0 $0xB000  }
0xce: {  	[tilespmem:s16], [sflag:$0x1] =	stream.indirect.gather @!p0 [hbm4b:s4+s24], $0x40, s19, s24, $0xb8;
	[tilespmem:$0x1F400] =	vst v63  }
0xcf: {  	s16 =	simm.s32 $0x200  }
0xd0: {  	[spmem:s2] =	stream.indirect.scatter.add.f32 [tilespmem:s9], [sflag:$0x2], $0x40, s16, s3, $0xb8;
	[tilespmem:$0x1F400] =	vst v63  }
0xd1: {  	s24 =	simm.s32 $0x280  }
0xd2: {  	[spmem:s2] =	stream.indirect.scatter.add.f32 [tilespmem:s11], [sflag:$0x2], $0x40, s24, s3, $0xb8;
	[tilespmem:$0x1F400] =	vst v63  }
0xd3: {  	s25 =	simm.s32 $0x300  }
0xd4: {  	[spmem:s2] =	stream.indirect.scatter.add.f32 [tilespmem:s12], [sflag:$0x2], $0x40, s25, s3, $0xb8;
	[tilespmem:$0x1F400] =	vst v63  }
0xd5: {  	s26 =	simm.s32 $0x380  }
0xd6: {  	[spmem:s2] =	stream.indirect.scatter.add.f32 [tilespmem:s13], [sflag:$0x2], $0x40, s26, s3, $0xb8;
	[tilespmem:$0x1F400] =	vst v63  }
0xd7: {  	_ =	swait.ge [sflag:s14], $0x2000  }
0xd8: {  	[sflag:s14] =	ssyncset.done $0x0  }
0xd9: {  	[sflag:s14] =	ssyncadd.s32 $0xFFFFE000  }
0xda: {  	_ =	swait.ge [sflag:s14], $0x2000  }
0xdb: {  	[sflag:s14] =	ssyncset.done $0x0  }
0xdc: {  	[sflag:s14] =	ssyncadd.s32 $0xFFFFE000  }
0xdd: {  	s17 =	simm.s32 $0x80;
	_ =	swait.ge [sflag:s14], $0x2000  }
.LBB2_4:
0xde: {  	[sflag:s14] =	ssyncset.done $0x0  }
0xdf: {  	[sflag:s14] =	ssyncadd.s32 $0xFFFFE000  }
0xe0: {  	_ =	swait.ge [sflag:s14], $0x2000  }
0xe1: {  	[sflag:s14] =	ssyncset.done $0x0  }
0xe2: {  	[sflag:s14] =	ssyncadd.s32 $0xFFFFE000  }
0xe3: {  	_ =	swait.ge [sflag:s8], $0x2000  }
0xe4: {  	[sflag:s8] =	ssyncset.done $0x0  }
0xe5: {  	[sflag:s8] =	ssyncadd.s32 $0xFFFFE000  }
0xe6: {  	_ =	swait.ge [sflag:s8], $0x2000  }
0xe7: {  	[sflag:s8] =	ssyncset.done $0x0  }
0xe8: {  	[sflag:s8] =	ssyncadd.s32 $0xFFFFE000  }
0xe9: {  	_ =	swait.ge [sflag:s8], $0x2000  }
0xea: {  	s23 =	smov.u32 s17;
	[sflag:s8] =	ssyncset.done $0x0  }
0xeb: {  	p1 =	seq.s32 s23, $0x980;
	[sflag:s8] =	ssyncadd.s32 $0xFFFFE000  }
0xec: {  	s18 =	simm.s32 @!p1 $0x15000;
	_ =	swait.ge [sflag:s8], $0x2000  }
0xed: {  	s19 =	simm.s32 @!p1 $0x0;
	s24 =	rddreg [dreg:$0xb];
	[sflag:s8] =	ssyncset.done $0x0  }
0xee: {  	s25 =	rddreg [dreg:$0xa];
	[sflag:s8] =	ssyncadd.s32 $0xFFFFE000;
	s24 =	sadd.s32 @!p1 s23, s24  }
0xef: {  	[tilespmem:s18], [sflag:$0x3] =	stream.linear.gather @!p1 [hbm4b:s24+s19], $0x80, $0x38;
	[tilespmem:$0x1F400] =	vst v63  }
0xf0: {  	s26 =	rddreg [dreg:$0x9];
	s25 =	sadd.s32 @!p1 s23, s25;
	s24 =	simm.s32 @!p1 $0x15080  }
0xf1: {  	[tilespmem:s24], [sflag:$0x3] =	stream.linear.gather @!p1 [hbm4b:s25+s19], $0x80, $0x38;
	[tilespmem:$0x1F400] =	vst v63  }
0xf2: {  	s20 =	rddreg [dreg:$0x8];
	s10 =	sadd.s32 @!p1 s23, s26;
	s26 =	simm.s32 @!p1 $0x15100  }
0xf3: {  	[tilespmem:s26], [sflag:$0x3] =	stream.linear.gather @!p1 [hbm4b:s10+s19], $0x80, $0x38;
	[tilespmem:$0x1F400] =	vst v63  }
0xf4: {  	s25 =	simm.s32 @!p1 $0x15180;
	s10 =	sadd.s32 @!p1 s23, s20  }
0xf5: {  	[tilespmem:s25], [sflag:$0x3] =	stream.linear.gather @!p1 [hbm4b:s10+s19], $0x80, $0x38;
	[tilespmem:$0x1F400] =	vst v63  }
0xf6: {  	_ =	swait.ge [sflag:s0], $0x80  }
0xf7: {  	[sflag:s0] =	ssyncset.done $0x0  }
0xf8: {  	[sflag:s0] =	ssyncadd.s32 $0xFFFFFF80  }
0xf9: {  	_ =	swait.ge [sflag:s0], $0x80  }
0xfa: {  	[sflag:s0] =	ssyncset.done $0x0  }
0xfb: {  	[sflag:s0] =	ssyncadd.s32 $0xFFFFFF80  }
0xfc: {  	_ =	swait.ge [sflag:s0], $0x80  }
0xfd: {  	[sflag:s0] =	ssyncset.done $0x0  }
0xfe: {  	[sflag:s0] =	ssyncadd.s32 $0xFFFFFF80  }
0xff: {  	_ =	swait.ge [sflag:s0], $0x80  }
0x100: {  	[sflag:s0] =	ssyncset.done $0x0  }
0x101: {  	[sflag:s0] =	ssyncadd.s32 $0xFFFFFF80  }
0x102: {  	[tilespmem:s9], [sflag:$0x1] =	stream.indirect.gather [hbm4b:s4+s3], $0x40, s28, s3, $0xb8;
	[tilespmem:$0x1F400] =	vst v63  }
0x103: {  	_ = 	snop  }
0x104: {  	[tilespmem:s11], [sflag:$0x1] =	stream.indirect.gather [hbm4b:s4+s3], $0x40, s29, s3, $0xb8;
	[tilespmem:$0x1F400] =	vst v63  }
0x105: {  	_ = 	snop  }
0x106: {  	[tilespmem:s12], [sflag:$0x1] =	stream.indirect.gather [hbm4b:s4+s3], $0x40, s30, s3, $0xb8;
	[tilespmem:$0x1F400] =	vst v63  }
0x107: {  	s16 =	sadd.s32 $0x400, s16  }
0x108: {  	[tilespmem:s13], [sflag:$0x1] =	stream.indirect.gather [hbm4b:s4+s3], $0x40, s31, s3, $0xb8;
	[tilespmem:$0x1F400] =	vst v63  }
0x109: {  	s5 =	sadd.s32 $0xFFFFFE00, s16  }
0x10a: {  	[spmem:s2] =	stream.indirect.scatter.add.f32 [tilespmem:s22], [sflag:$0x2], $0x40, s5, s3, $0xb8;
	[tilespmem:$0x1F400] =	vst v63  }
0x10b: {  	s15 =	sadd.s32 $0xFFFFFE80, s16  }
0x10c: {  	[spmem:s2] =	stream.indirect.scatter.add.f32 [tilespmem:s1], [sflag:$0x2], $0x40, s15, s3, $0xb8;
	[tilespmem:$0x1F400] =	vst v63  }
0x10d: {  	s5 =	sadd.s32 $0xFFFFFF00, s16  }
0x10e: {  	[spmem:s2] =	stream.indirect.scatter.add.f32 [tilespmem:s6], [sflag:$0x2], $0x40, s5, s3, $0xb8;
	[tilespmem:$0x1F400] =	vst v63  }
0x10f: {  	s15 =	sadd.s32 $0xFFFFFF80, s16  }
0x110: {  	[spmem:s2] =	stream.indirect.scatter.add.f32 [tilespmem:s7], [sflag:$0x2], $0x40, s15, s3, $0xb8;
	[tilespmem:$0x1F400] =	vst v63  }
0x111: {  	_ =	swait.ge [sflag:s14], $0x2000  }
0x112: {  	[sflag:s14] =	ssyncset.done $0x0  }
0x113: {  	[sflag:s14] =	ssyncadd.s32 $0xFFFFE000  }
0x114: {  	_ =	swait.ge [sflag:s14], $0x2000  }
0x115: {  	[sflag:s14] =	ssyncset.done $0x0  }
0x116: {  	[sflag:s14] =	ssyncadd.s32 $0xFFFFE000  }
0x117: {  	_ =	swait.ge [sflag:s14], $0x2000  }
0x118: {  	[sflag:s14] =	ssyncset.done $0x0  }
0x119: {  	[sflag:s14] =	ssyncadd.s32 $0xFFFFE000  }
0x11a: {  	_ =	swait.ge [sflag:s14], $0x2000  }
0x11b: {  	[sflag:s14] =	ssyncset.done $0x0  }
0x11c: {  	[sflag:s14] =	ssyncadd.s32 $0xFFFFE000  }
0x11d: {  	_ =	swait.ge [sflag:s8], $0x2000  }
0x11e: {  	[sflag:s8] =	ssyncset.done $0x0  }
0x11f: {  	[sflag:s8] =	ssyncadd.s32 $0xFFFFE000  }
0x120: {  	_ =	swait.ge [sflag:s8], $0x2000  }
0x121: {  	[sflag:s8] =	ssyncset.done $0x0  }
0x122: {  	[sflag:s8] =	ssyncadd.s32 $0xFFFFE000  }
0x123: {  	_ =	swait.ge [sflag:s8], $0x2000  }
0x124: {  	[sflag:s8] =	ssyncset.done $0x0  }
0x125: {  	[sflag:s8] =	ssyncadd.s32 $0xFFFFE000  }
0x126: {  	_ =	swait.ge [sflag:s8], $0x2000  }
0x127: {  	s5 =	simm.s32 @!p1 $0x15200;
	s10 =	rddreg [dreg:$0x7];
	[sflag:s8] =	ssyncset.done $0x0  }
0x128: {  	s20 =	rddreg [dreg:$0x6];
	[sflag:s8] =	ssyncadd.s32 $0xFFFFE000;
	s10 =	sadd.s32 @!p1 s23, s10  }
0x129: {  	[tilespmem:s5], [sflag:$0x3] =	stream.linear.gather @!p1 [hbm4b:s10+s19], $0x80, $0x38;
	[tilespmem:$0x1F400] =	vst v63  }
0x12a: {  	s15 =	rddreg [dreg:$0x5];
	s5 =	sadd.s32 @!p1 s23, s20;
	s10 =	simm.s32 @!p1 $0x15280  }
0x12b: {  	[tilespmem:s10], [sflag:$0x3] =	stream.linear.gather @!p1 [hbm4b:s5+s19], $0x80, $0x38;
	[tilespmem:$0x1F400] =	vst v63  }
0x12c: {  	s20 =	rddreg [dreg:$0x4];
	s5 =	sadd.s32 @!p1 s23, s15;
	s10 =	simm.s32 @!p1 $0x15300  }
0x12d: {  	[tilespmem:s10], [sflag:$0x3] =	stream.linear.gather @!p1 [hbm4b:s5+s19], $0x80, $0x38;
	[tilespmem:$0x1F400] =	vst v63  }
0x12e: {  	s15 =	simm.s32 @!p1 $0x15380;
	s5 =	sadd.s32 @!p1 s23, s20;
	s10 =	simm.s32 @!p1 $0x3  }
0x12f: {  	[tilespmem:s15], [sflag:$0x3] =	stream.linear.gather @!p1 [hbm4b:s5+s19], $0x80, $0x38;
	[tilespmem:$0x1F400] =	vst v63  }
0x130: {  	_ =	swait.ge @!p1 [sflag:s10], $0x80  }
0x131: {  	[sflag:s10] =	ssyncset.done @!p1 $0x0  }
0x132: {  	[sflag:s10] =	ssyncadd.s32 @!p1 $0xFFFFFF80  }
0x133: {  	_ =	swait.ge @!p1 [sflag:s10], $0x80  }
0x134: {  	[sflag:s10] =	ssyncset.done @!p1 $0x0  }
0x135: {  	[sflag:s10] =	ssyncadd.s32 @!p1 $0xFFFFFF80  }
0x136: {  	_ =	swait.ge @!p1 [sflag:s10], $0x80  }
0x137: {  	[sflag:s10] =	ssyncset.done @!p1 $0x0  }
0x138: {  	[sflag:s10] =	ssyncadd.s32 @!p1 $0xFFFFFF80  }
0x139: {  	_ =	swait.ge @!p1 [sflag:s10], $0x80  }
0x13a: {  	[sflag:s10] =	ssyncset.done @!p1 $0x0  }
0x13b: {  	s5 =	simm.s32 @!p1 $0x80;
	s15 =	simm.s32 @!p1 $0x5000;
	[sflag:s10] =	ssyncadd.s32 @!p1 $0xFFFFFF80  }
0x13c: {  	[tilespmem:s15], [sflag:$0x1] =	stream.indirect.gather @!p1 [hbm4b:s4+s5], $0x40, s18, s5, $0xb8;
	[tilespmem:$0x1F400] =	vst v63  }
0x13d: {  	s10 =	simm.s32 @!p1 $0x7000  }
0x13e: {  	[tilespmem:s10], [sflag:$0x1] =	stream.indirect.gather @!p1 [hbm4b:s4+s5], $0x40, s24, s5, $0xb8;
	[tilespmem:$0x1F400] =	vst v63  }
0x13f: {  	s15 =	simm.s32 @!p1 $0x9000  }
0x140: {  	[tilespmem:s15], [sflag:$0x1] =	stream.indirect.gather @!p1 [hbm4b:s4+s5], $0x40, s26, s5, $0xb8;
	[tilespmem:$0x1F400] =	vst v63  }
0x141: {  	s10 =	simm.s32 @!p1 $0xB000  }
0x142: {  	[tilespmem:s10], [sflag:$0x1] =	stream.indirect.gather @!p1 [hbm4b:s4+s5], $0x40, s25, s5, $0xb8;
	[tilespmem:$0x1F400] =	vst v63  }
0x143: {  	_ = 	snop  }
0x144: {  	[spmem:s2] =	stream.indirect.scatter.add.f32 [tilespmem:s9], [sflag:$0x2], $0x40, s16, s3, $0xb8;
	[tilespmem:$0x1F400] =	vst v63  }
0x145: {  	s24 =	sadd.s32 $0x80, s16  }
0x146: {  	[spmem:s2] =	stream.indirect.scatter.add.f32 [tilespmem:s11], [sflag:$0x2], $0x40, s24, s3, $0xb8;
	[tilespmem:$0x1F400] =	vst v63  }
0x147: {  	s25 =	sadd.s32 $0x100, s16  }
0x148: {  	[spmem:s2] =	stream.indirect.scatter.add.f32 [tilespmem:s12], [sflag:$0x2], $0x40, s25, s3, $0xb8;
	[tilespmem:$0x1F400] =	vst v63  }
0x149: {  	s26 =	sadd.s32 $0x180, s16  }
0x14a: {  	[spmem:s2] =	stream.indirect.scatter.add.f32 [tilespmem:s13], [sflag:$0x2], $0x40, s26, s3, $0xb8;
	[tilespmem:$0x1F400] =	vst v63  }
0x14b: {  	s17 =	sadd.s32 $0x80, s17;
	_ =	swait.ge [sflag:s14], $0x2000  }
0x14c: {  	p0 =	sne.s32 s17, $0xA00;
	[sflag:s14] =	ssyncset.done $0x0  }
.Ltmp1:
0x14d: {  	[sflag:s14] =	ssyncadd.s32 $0xFFFFE000;
	(pc) =	sbr.rel @p0 .LBB2_4-.Ltmp1, $4  }
0x14e: {  	_ =	swait.ge [sflag:s14], $0x2000  }
0x14f: {  	[sflag:s14] =	ssyncset.done $0x0  }
0x150: {  	[sflag:s14] =	ssyncadd.s32 $0xFFFFE000  }
0x151: {  	_ =	swait.ge [sflag:s14], $0x2000  }
0x152: {  	[sflag:s14] =	ssyncset.done $0x0  }
0x153: {  	[sflag:s14] =	ssyncadd.s32 $0xFFFFE000  }
0x154: {  	_ =	swait.ge [sflag:s14], $0x2000  }
0x155: {  	[sflag:s14] =	ssyncset.done $0x0  }
0x156: {  	[sflag:s14] =	ssyncadd.s32 $0xFFFFE000  }
0x157: {  	s5 =	stileid.u32;
	s17 =	simm.s32 $0x10;
	[bflag:$0x0] =	sbarrier.arrive $0xFFFF  }
0x158: {  	s18 =	simm.s32 $0x8;
	s5 =	sshll.u32 s5, $0x6;
	s15 =	rddreg [dreg:$0xc]  }
0x159: {  	s5 =	sor.u32 $0x1C04, s5;
	s16 =	rddreg [dreg:$0x1a];
	s10 =	sshrl.u32 s15, $0x3  }
0x15a: {  	[hbm:s16@s17], [sflag:s5] =	dma.strided [spmem:s10@s18], $0x1400, s8, $0x8   }
0x15b: {  	_ =	swait.ge [sflag:s21], $0x1400  }
0x15c: {  	s25 =	rddreg [dreg:$0x1c]  }
0x15d: {  	s26 =	rddreg [dreg:$0x1b];
	s10 =	sadd.s32 $0x1, s25  }
0x15e: {  	p0 =	sne.s32 s10, s26  }
.Ltmp2:
0x15f: {  	_ = 	snop;
	(pc) =	sbr.rel @p0 .LBB2_1-.Ltmp2, $3  }
0x160: {  	_ =	sdelay $0x1  }
0x161: {  	[sflag:s21] =	ssyncset.done $0x0  }
0x162: {  	[sflag:s21] =	ssyncadd.s32 $0xFFFFEC00  }
0x163: {  	_ =	sfence.sel $0x180000  }
0x164: {  	[bflag:$0x0] =	sbarrier.arrive $0xFFFF  }
0x165: {  	_ =	strace $0x9000004D  }
0x166: {  	s0 =	stileid.u32;
	[bflag:$0x2] =	sbarrier.arrive $0xFFFF  }
0x167: {  	p0 =	sne.s32 s0, $0x0;
	s0 =	rddreg [dreg:$0x3]  }
0x168: {  	s0 =	sadd.s32 @!p0 $0x100000, s0  }
0x169: {  	[sflag:s0] =	ssyncadd.tile.s32 @!p0 $0x1;
	_ =	shalt  }
.Lfunc_end2:
_tile_overlayer_lowered:
.L_overlay_start_2:
0x16a: {  	(tag) =	ssettag $0x2  }
0x16b: {  	s0 =	rddreg [dreg:$0x0];
	s2 =	stileid.u32  }
0x16c: {  	s1 =	rddreg [dreg:$0x1];
	p0 =	sne.s32 s2, $0x0  }
0x16d: {  	s3 =	rddreg [dreg:$0x2];
	[bflag:$0x3] =	sbarrier.arrive $0xFFFF;
	s2 =	simm.s32 @!p0 $0x1C04  }
0x16e: {  	[timem:s3], [sflag:s2] =	dma.local @!p0 [hbm:s0], s1  }
0x16f: {  	s0 =	simm.s32 @!p0 $0x4  }
0x170: {  	_ =	swait.ge @!p0 [sflag:s0], s1  }
0x171: {  	s1 =	ssub.s32 @!p0 $0x0, s1;
	[sflag:s0] =	ssyncset.done @!p0 $0x0  }
0x172: {  	[sflag:s0] =	ssyncadd.s32 @!p0 s1  }
0x173: {  	[bflag:$0x3] =	sbarrier.arrive $0xFFFF  }
0x174: {  	_ =	shalt  }

// kernel: kernel.19.cloned.1.call-start
scs
__scs_entry_jumppad:
0x0: {  	(pc) =	sbr.rel $0x88, $3  }
0x1: {  	(tag) =	ssettag $0x0;
	lr =	simm.s32 $0x1  }
0x2: {  	[smem:$0x3F91] =	sst lr;
	_ =	strace $0xD0000000  }
0x3: {  	_ = 	snop  }
0x4: {  	_ = 	snop  }
0x5: {  	_ = 	snop  }
0x6: {  	_ = 	snop  }
0x7: {  	_ = 	snop  }
__scs_overlays_trampoline_lowered:
0x8: {  	[smem:$0x3FA0] =	sst s0  }
0x9: {  	[smem:$0x3FA1] =	sst s1  }
0xa: {  	[smem:$0x3FA2] =	sst s2  }
0xb: {  	[smem:$0x3FA3] =	sst s3  }
0xc: {  	[smem:$0x3FA4] =	sst s4  }
0xd: {  	[smem:$0x3FA5] =	sst s5  }
0xe: {  	[smem:$0x3FA6] =	sst s6  }
0xf: {  	[smem:$0x3FA7] =	sst s7  }
0x10: {  	[smem:$0x3FA8] =	sst s8  }
0x11: {  	[smem:$0x3FA9] =	sst s9;
	s0 =	simm.s32 @!p0 $0x0  }
0x12: {  	s1 =	sld [smem:$0x3F8F];
	s0 =	simm.s32 @p0 $0x1  }
0x13: {  	[smem:$0x3FAA] =	sst s0;
	s0 =	simm.s32 @!p1 $0x0  }
0x14: {  	s2 =	sld [smem:$0x3F8E];
	s0 =	simm.s32 @p1 $0x1  }
0x15: {  	[smem:$0x3FAB] =	sst s0;
	s0 =	simm.s32 @!p2 $0x0  }
0x16: {  	s3 =	sld [smem:$0x3FDB];
	s0 =	simm.s32 @p2 $0x1  }
0x17: {  	s4 =	simm.s32 $0x1BF5;
	[smem:$0x3FAD] =	sst s0  }
0x18: {  	s0 =	sld [smem:$0x3F90];
	_ =	swait.ge [sflag:s4], $0x0  }
0x19: {  	s7 =	sld [smem:$0x3F91]  }
0x1a: {  	s8 =	sadd.s32 $0xFFFFE003, lr  }
0x1b: {  	s9 =	sadd.s32 $0xFFFFFEF7, lr;
	s5 =	simm.s32 $0xFFFFFFFF;
	p2 =	slt.u32 s8, $0xFFFFF086  }
0x1c: {  	p1 =	slt.u32 s9, $0xF7A;
	s5 =	simm.s32 @!p2 $0x0  }
0x1d: {  	s5 =	simm.s32 @p1 $0x1;
	p0 =	seq.s32 s7, s2  }
0x1e: {  	s7 =	smul.u32 @!p0 $0xF7A, s2;
	p2 =	seq.s32 @!p0 s5, $0x0  }
0x1f: {  	s9 =	smul.u32 $0xF7A, s1;
	s8 =	simm.s32 @!p0 $0x1BF5;
	p2 =	por !p2, p0  }
0x20: {  	[sflag:s8] =	ssyncset.s32 @!p0 $0xFFFFF086;
	s6 =	sadd.s32 @!p0 s3, s7;
	s7 =	simm.s32 @!p0 $0x108  }
0x21: {  	s3 =	sadd.s32 s3, s9;
	s6 =	sadd.s32 @!p0 $0x88, s6;
	s7 =	simm.s32 @p2 $0x1082  }
0x22: {  	[simem:s7], [sflag:s8] =	dma.local @!p0 [hbm:s6], $0xF7A  }
0x23: {  	s9 =	sor.u32 $0xD0000000, s2;
	s6 =	simm.s32 $0x108;
	_ =	swait.ge @!p0 [sflag:s8], $0x0  }
0x24: {  	s3 =	sadd.s32 $0x88, s3;
	s6 =	simm.s32 @!p1 $0x1082;
	[sflag:s4] =	ssyncset.s32 $0xFFFFF086  }
0x25: {  	[simem:s6], [sflag:s4] =	dma.local [hbm:s3], $0xF7A  }
0x26: {  	[smem:$0x3F91] =	sst s1;
	(tag) =	ssettag s2;
	_ =	strace s9  }
0x27: {  	s1 =	sld [smem:$0x3FA1]  }
0x28: {  	s2 =	sld [smem:$0x3FA2]  }
0x29: {  	s4 =	sld [smem:$0x3FA4]  }
0x2a: {  	p0 =	seq.s32 s5, $0x0;
	s5 =	sld [smem:$0x3FA5]  }
0x2b: {  	s6 =	sld [smem:$0x3FA6]  }
0x2c: {  	s7 =	sld [smem:$0x3FA7]  }
0x2d: {  	s3 =	simm.s32 $0x108;
	s8 =	sld [smem:$0x3FA8]  }
0x2e: {  	s3 =	simm.s32 @!p0 $0x1082;
	s9 =	sld [smem:$0x3FA9]  }
0x2f: {  	lr =	sadd.s32 s0, s3;
	s0 =	sld [smem:$0x3FA0]  }
0x30: {  	s3 =	sld [smem:$0x3FA3]  }
0x31: {  	[smem:$0x3FAC] =	sst s10  }
0x32: {  	s10 =	sld [smem:$0x3FAA];
	_ =	sdelay $0x3  }
0x33: {  	p0 =	seq.s32 s10, $0x1;
	s10 =	sld [smem:$0x3FAC];
	_ =	sdelay $0x3  }
0x34: {  	[smem:$0x3FAC] =	sst s10  }
0x35: {  	s10 =	sld [smem:$0x3FAB];
	_ =	sdelay $0x3  }
0x36: {  	p1 =	seq.s32 s10, $0x1;
	s10 =	sld [smem:$0x3FAC];
	_ =	sdelay $0x3  }
0x37: {  	[smem:$0x3FAC] =	sst s10  }
0x38: {  	s10 =	sld [smem:$0x3FAD]  }
0x39: {  	_ = 	snop;
	(pc) =	sbr.ind lr, $3  }
0x3a: {  	_ = 	snop  }
0x3b: {  	_ = 	snop  }
0x3c: {  	p2 =	seq.s32 s10, $0x1;
	s10 =	sld [smem:$0x3FAC]  }
0x3d: {  	_ =	shalt  }
0x3e: {  	_ =	shalt  }
0x3f: {  	_ =	shalt  }
0x40: {  	_ =	shalt  }
0x41: {  	_ =	shalt  }
0x42: {  	_ =	shalt  }
0x43: {  	_ =	shalt  }
0x44: {  	_ =	shalt  }
0x45: {  	_ =	shalt  }
0x46: {  	_ =	shalt  }
0x47: {  	_ =	shalt  }
0x48: {  	_ =	shalt  }
0x49: {  	_ =	shalt  }
0x4a: {  	_ =	shalt  }
0x4b: {  	_ =	shalt  }
0x4c: {  	_ =	shalt  }
0x4d: {  	_ =	shalt  }
0x4e: {  	_ =	shalt  }
0x4f: {  	_ =	shalt  }
0x50: {  	_ =	shalt  }
0x51: {  	_ =	shalt  }
0x52: {  	_ =	shalt  }
0x53: {  	_ =	shalt  }
0x54: {  	_ =	shalt  }
0x55: {  	_ =	shalt  }
0x56: {  	_ =	shalt  }
0x57: {  	_ =	shalt  }
0x58: {  	_ =	shalt  }
0x59: {  	_ =	shalt  }
0x5a: {  	_ =	shalt  }
0x5b: {  	_ =	shalt  }
0x5c: {  	_ =	shalt  }
0x5d: {  	_ =	shalt  }
0x5e: {  	_ =	shalt  }
0x5f: {  	_ =	shalt  }
0x60: {  	_ =	shalt  }
0x61: {  	_ =	shalt  }
0x62: {  	_ =	shalt  }
0x63: {  	_ =	shalt  }
0x64: {  	_ =	shalt  }
0x65: {  	_ =	shalt  }
0x66: {  	_ =	shalt  }
0x67: {  	_ =	shalt  }
0x68: {  	_ =	shalt  }
0x69: {  	_ =	shalt  }
0x6a: {  	_ =	shalt  }
0x6b: {  	_ =	shalt  }
0x6c: {  	_ =	shalt  }
0x6d: {  	_ =	shalt  }
0x6e: {  	_ =	shalt  }
0x6f: {  	_ =	shalt  }
0x70: {  	_ =	shalt  }
0x71: {  	_ =	shalt  }
0x72: {  	_ =	shalt  }
0x73: {  	_ =	shalt  }
0x74: {  	_ =	shalt  }
0x75: {  	_ =	shalt  }
0x76: {  	_ =	shalt  }
0x77: {  	_ =	shalt  }
0x78: {  	_ =	shalt  }
0x79: {  	_ =	shalt  }
0x7a: {  	_ =	shalt  }
0x7b: {  	_ =	shalt  }
0x7c: {  	_ =	shalt  }
0x7d: {  	_ =	shalt  }
0x7e: {  	_ =	shalt  }
0x7f: {  	_ =	shalt  }
0x80: {  	_ =	shalt  }
0x81: {  	_ =	shalt  }
0x82: {  	_ =	shalt  }
0x83: {  	_ =	shalt  }
0x84: {  	_ =	shalt  }
0x85: {  	_ =	shalt  }
0x86: {  	_ =	shalt  }
0x87: {  	_ =	shalt  }
.Lfunc_end0:
.L_simem_size_0:
called_computation.3_lowered:
.L_overlay_start_0:
0x88: {  	s2 =	sld [smem:$0x3FD9]  }
0x89: {  	s3 =	sld [smem:$0x3FFE];
	_ =	sdelay $0x1  }
0x8a: {  	s1 =	srdreg.scid  }
0x8b: {  	s0 =	sand.u32 $0x1, s1  }
0x8c: {  	s17 =	sshll.u32 s0, $0xA;
	s2 =	sadd.s32 s3, s2  }
0x8d: {  	s2 =	sadd.s32 s2, s17  }
0x8e: {  	[smem:$0x3FB8] =	sst s2  }
0x8f: {  	_ = 	snop  }
0x90: {  	s2 =	sld [smem:$0x3FD0];
	(tm) =	ssettm $0x1  }
0x91: {  	s18 =	sld [smem:$0x3FFB];
	_ =	sdelay $0x3  }
0x92: {  	_ =	strace s18  }
0x93: {  	s3 =	sld [smem:$0x3FFC];
	_ =	sdelay $0x3  }
0x94: {  	_ =	strace s3  }
0x95: {  	s3 =	sld [smem:$0x3FFD];
	_ =	sdelay $0x3  }
0x96: {  	_ =	strace s3  }
0x97: {  	_ =	strace $0x8FFFFFFF  }
0x98: {  	s19 =	sld [smem:$0x3FDB];
	_ =	sdelay $0x1  }
0x99: {  	s4 =	simm.s32 $_scs_section_size  }
0x9a: {  	s5 =	simm.s32 $_size__tile_overlayer_lowered;
	s6 =	simm.s32 $_tile_overlayer_lowered  }
0x9b: {  	s22 =	simm.s32 $0x1BFF;
	s21 =	sshll.u32 s6, $0x1;
	s3 =	sadd.s32 s4, s19  }
0x9c: {  	s7 =	simm.s32 $0x0;
	s20 =	sshll.u32 s5, $0x1;
	s5 =	sadd.s32 s21, s3  }
0x9d: {  	[timem:s7], [sflag:s22] =	dma.local [hbm:s5], s20  }
0x9e: {  	_ =	swait.ge [sflag:s22], s20  }
0x9f: {  	s4 =	ssub.s32 $0x0, s20;
	[sflag:s22] =	ssyncset.done $0x0  }
0xa0: {  	[sflag:s22] =	ssyncadd.s32 s4;
	_ =	sdelay $0x1  }
0xa1: {  	s23 =	simm.s32 $0x1B8B  }
0xa2: {  	_ =	swait.ge [sflag:s23], $0x1  }
0xa3: {  	[sflag:s23] =	ssyncset.done $0x0  }
0xa4: {  	s25 =	simm.s32 $0x1B8E;
	s24 =	sld [smem:$0x3FFE];
	[sflag:s23] =	ssyncadd.s32 $0xFFFFFFFF  }
0xa5: {  	s26 =	simm.s32 $execute0_lowered;
	[smem:$0x3FD2] =	sst s25  }
0xa6: {  	s5 =	sshll.u32 s26, $0x1;
	_ =	strace $0x8000004F;
	[dreg:$0x1] =	wrdreg $0xFFFFFFFF  }
0xa7: {  	s28 =	simm.s32 $_size_execute0_lowered;
	s3 =	sadd.s32 s3, s5;
	[dreg:$0x0] =	wrdreg $0x0  }
0xa8: {  	s5 =	sshll.u32 s28, $0x1;
	[dreg:$0x2] =	wrdreg s3  }
0xa9: {  	[dreg:$0x3] =	wrdreg s5  }
0xaa: {  	[dreg:$0x4] =	wrdreg $0xC0  }
0xab: {  	_ =	task [dreg:s7], $0x5FFFF  }
0xac: {  	[dreg:$0x1] =	wrdreg $0xFFFFFFFF  }
0xad: {  	[dreg:$0x0] =	wrdreg $0x60  }
0xae: {  	[dreg:$0x2] =	wrdreg s24  }
0xaf: {  	[dreg:$0x3] =	wrdreg s2  }
0xb0: {  	[dreg:$0x4] =	wrdreg $0x154000  }
0xb1: {  	[dreg:$0x5] =	wrdreg $0x9  }
0xb2: {  	_ =	task.clear_ibuf [dreg:s7], $0x6FFFF;
	_ =	strace $0x9000004F  }
0xb3: {  	s29 =	simm.s32 $0x9;
	_ =	strace $0x80000051  }
0xb4: {  	_ =	swait.ge [sflag:s29], $0x1  }
0xb5: {  	[sflag:s29] =	ssyncadd.s32 $0xFFFFFFFF  }
0xb6: {  	_ =	strace $0x90000051  }
0xb7: {  	_ =	sfence  }
0xb8: {  	s30 =	sld [smem:$0x0];
	_ =	sdelay $0x2  }
0xb9: {  	s31 =	sshll.u32 s1, $0xD;
	s1 =	sshrl.u32 s1, $0x2  }
0xba: {  	s3 =	sand.u32 $0x4000, s31;
	s1 =	sadd.s32 s1, s30  }
0xbb: {  	s0 =	sor.u32 s3, s0;
	s1 =	sshll.u32 s1, $0x11  }
0xbc: {  	s0 =	sor.u32 s1, s0  }
0xbd: {  	s0 =	sadd.s32 $0x8F2B, s0  }
0xbe: {  	[sflag:s0] =	ssyncadd.remote.s32 $0x1  }
0xbf: {  	_ =	sfence.sel $0xFFFF  }
0xc0: {  	[dreg:$0x0] =	wrdreg $0xFFFFFFFF;
	(pc) =	sbr.abs _section_cstart, $3  }
0xc1: {  	[dreg:$0x1] =	wrdreg $0xFFFFFFFF  }
0xc2: {  	_ =	task.clear_ibuf [dreg:s7], $0x2FFFF;
	_ =	strace $0x9FFFFFFF  }
0xc3: {  	(tm) =	ssettm $0x7FFFFFFF  }
tec
execute0_lowered:
.L_overlay_start_1:
0x0: {  	(tag) =	ssettag $0x1  }
0x1: {  	s1 =	rddreg [dreg:$0x0]  }
0x2: {  	s0 =	rddreg [dreg:$0x1]  }
0x3: {  	s2 =	rddreg [dreg:$0x2]  }
0x4: {  	s3 =	simm.s32 $0x0;
	s9 =	stileid.u32;
	s4 =	srdreg.scid  }
0x5: {  	s28 =	simm.s32 $0x15200;
	s29 =	simm.s32 $0x15280;
	s16 =	smul.u32 $0xA00, s9  }
0x6: {  	s30 =	simm.s32 $0x15300;
	s31 =	simm.s32 $0x15380;
	s6 =	smul.u32 $0x14000, s9  }
0x7: {  	[smem:$0x7FF] =	sst s3;
	s5 =	sand.u32 $0x1, s4;
	s8 =	smul.u32 $0x28000, s9  }
0x8: {  	s4 =	sadd.s32 $0x5F400, s1;
	s9 =	smul.u32 $0x5000, s9;
	_ =	strace $0x80000050  }
0x9: {  	s7 =	sshll.u32 s5, $0x6;
	s17 =	smul.u32 $0x50000, s5;
	s5 =	ssub.s32 $0x2, s5  }
0xa: {  	s3 =	sadd.s32 s16, s1;
	s6 =	sor.u32 s7, s6;
	s8 =	sshrl.u32 s8, $0x2  }
0xb: {  	s18 =	sshrl.u32 s5, $0x1;
	s6 =	sshrl.u32 s6, $0x3;
	s15 =	sadd.s32 s8, s2  }
0xc: {  	s7 =	sadd.s32 s9, s17;
	s3 =	sadd.s32 $0x5400, s3;
	s1 =	sadd.s32 s6, s1  }
0xd: {  	s6 =	ssub.s32 s5, s18;
	[dreg:$0xd] =	wrdreg s3;
	s19 =	sadd.s32 $0x2000, s15  }
0xe: {  	s20 =	sshrl.u32 s7, $0x3;
	s21 =	sadd.s32 $0x4000, s15;
	[dreg:$0xc] =	wrdreg s15  }
0xf: {  	s22 =	sadd.s32 $0x6000, s15;
	s23 =	sadd.s32 $0x8000, s15;
	[dreg:$0xe] =	wrdreg s19  }
0x10: {  	s9 =	sor.u32 $0x780, s7;
	s11 =	sor.u32 $0x700, s7;
	[dreg:$0xf] =	wrdreg s21  }
0x11: {  	s14 =	sor.u32 $0x680, s7;
	s17 =	sor.u32 $0x600, s7;
	[dreg:$0x10] =	wrdreg s22  }
0x12: {  	s18 =	sor.u32 $0x580, s7;
	s5 =	sadd.s32 s0, s20;
	[dreg:$0x12] =	wrdreg s23  }
0x13: {  	s3 =	sshrl.u32 s9, $0x3;
	s16 =	sshrl.u32 s14, $0x3;
	s20 =	sshrl.u32 s18, $0x3  }
0x14: {  	s22 =	sor.u32 $0x500, s7;
	s1 =	sadd.s32 $0x87400, s1;
	[dreg:$0x11] =	wrdreg s5  }
0x15: {  	s9 =	simm.s32 $0xD000;
	s24 =	sadd.s32 $0x10, s5;
	[dreg:$0x1a] =	wrdreg s1  }
0x16: {  	s14 =	simm.s32 $0x2;
	s25 =	sadd.s32 $0x20, s5;
	[dreg:$0x13] =	wrdreg s24  }
0x17: {  	s26 =	sadd.s32 $0x30, s5;
	s8 =	sadd.s32 $0x40, s5;
	[dreg:$0x14] =	wrdreg s25  }
0x18: {  	s10 =	sadd.s32 $0x50, s5;
	s12 =	sadd.s32 $0x60, s5;
	[dreg:$0x15] =	wrdreg s26  }
0x19: {  	s3 =	sadd.s32 s3, s0;
	s21 =	sadd.s32 s20, s0;
	[dreg:$0x16] =	wrdreg s8  }
0x1a: {  	s23 =	sshrl.u32 s22, $0x3;
	s5 =	sadd.s32 $0x70, s5;
	[dreg:$0x17] =	wrdreg s10  }
0x1b: {  	s22 =	simm.s32 $0x5000;
	s1 =	simm.s32 $0x7000;
	[dreg:$0x18] =	wrdreg s12  }
0x1c: {  	s8 =	sshrl.u32 s11, $0x3;
	[dreg:$0x4] =	wrdreg s3;
	s3 =	sadd.s32 s16, s0  }
0x1d: {  	[dreg:$0x8] =	wrdreg s21;
	s24 =	sor.u32 $0x480, s7;
	s7 =	sor.u32 $0x400, s7  }
0x1e: {  	[dreg:$0x19] =	wrdreg s5;
	s26 =	smax.u32 s6, $0x1;
	s21 =	simm.s32 $0x4  }
0x1f: {  	s6 =	simm.s32 $0x9000;
	s11 =	simm.s32 $0xF000;
	s12 =	simm.s32 $0x11000  }
0x20: {  	s10 =	simm.s32 $0x0;
	s13 =	sadd.s32 s8, s0;
	[dreg:$0x6] =	wrdreg s3  }
0x21: {  	s8 =	sshrl.u32 s17, $0x3;
	s3 =	sadd.s32 s23, s0;
	[dreg:$0x1b] =	wrdreg s26  }
0x22: {  	s7 =	sshrl.u32 s7, $0x3;
	[dreg:$0x5] =	wrdreg s13;
	s19 =	sadd.s32 s8, s0  }
0x23: {  	s8 =	sshrl.u32 s24, $0x3;
	[dreg:$0x9] =	wrdreg s3;
	s3 =	simm.s32 $0x80  }
0x24: {  	s13 =	simm.s32 $0x13000;
	[dreg:$0x7] =	wrdreg s19;
	s25 =	sadd.s32 s8, s0  }
0x25: {  	s0 =	sadd.s32 s7, s0;
	s7 =	simm.s32 $0xB000;
	[dreg:$0xa] =	wrdreg s25  }
0x26: {  	v0 =	vimm.f32 $0.0e+00;
	s8 =	simm.s32 $0x1;
	[dreg:$0xb] =	wrdreg s0;
	s0 =	simm.s32 $0x3  }
.LBB2_1:
0x27: {  	[dreg:$0x1c] =	wrdreg s10  }
0x28: {  	s5 =	simm.s32 $0x0;
	s26 =	rddreg [dreg:$0xd]  }
0x29: {  	[tilespmem:s5], [sflag:$0x4] =	stream.linear.gather [hbm4b:s26+s5], $0x5000, $0x38;
	[tilespmem:$0x1F400] =	vst v63  }
0x2a: {  	_ =	swait.ge [sflag:s21], $0x5000  }
0x2b: {  	[sflag:s21] =	ssyncset.done $0x0  }
0x2c: {  	s17 =	simm.s32 $0x100;
	s16 =	simm.s32 $0x0;
	[sflag:s21] =	ssyncadd.s32 $0xFFFFB000  }
.LBB2_2:
0x2d: {  	p0 =	sne.s32 s17, $0x7F00;
	[tilespmem:s16+$0x5030] =	vst v0;
	s18 =	smov.u32 s17;
	s17 =	sadd.s32 $0x100, s17  }
.Ltmp0:
0x2e: {  	[tilespmem:s16+$0x5020] =	vst v0;
	(pc) =	sbr.rel @p0 .LBB2_2-.Ltmp0, $3  }
0x2f: {  	[tilespmem:s16+$0x5000] =	vst v0  }
0x30: {  	[tilespmem:s16+$0x5010] =	vst v0;
	_ =	sdelay $0x1  }
0x31: {  	s16 =	sshra.s32 s18, $0x2  }
0x32: {  	[tilespmem:s16+$0x5030] =	vst v0  }
0x33: {  	[tilespmem:s16+$0x5020] =	vst v0  }
0x34: {  	[tilespmem:s16+$0x5000] =	vst v0  }
0x35: {  	[tilespmem:s16+$0x5010] =	vst v0  }
0x36: {  	[spmem:s15] =	stream.linear.scatter [tilespmem:s22], [sflag:$0x4], $0x2000, $0x38;
	[tilespmem:$0x1F400] =	vst v63  }
0x37: {  	_ =	swait.ge [sflag:s21], $0x2000  }
0x38: {  	[sflag:s21] =	ssyncset.done $0x0  }
0x39: {  	s5 =	rddreg [dreg:$0xe];
	[sflag:s21] =	ssyncadd.s32 $0xFFFFE000  }
0x3a: {  	[spmem:s5] =	stream.linear.scatter [tilespmem:s22], [sflag:$0x4], $0x2000, $0x38;
	[tilespmem:$0x1F400] =	vst v63  }
0x3b: {  	_ =	swait.ge [sflag:s21], $0x2000  }
0x3c: {  	[sflag:s21] =	ssyncset.done $0x0  }
0x3d: {  	s10 =	rddreg [dreg:$0xf];
	[sflag:s21] =	ssyncadd.s32 $0xFFFFE000  }
0x3e: {  	[spmem:s10] =	stream.linear.scatter [tilespmem:s22], [sflag:$0x4], $0x2000, $0x38;
	[tilespmem:$0x1F400] =	vst v63  }
0x3f: {  	_ =	swait.ge [sflag:s21], $0x2000  }
0x40: {  	[sflag:s21] =	ssyncset.done $0x0  }
0x41: {  	s15 =	rddreg [dreg:$0x10];
	[sflag:s21] =	ssyncadd.s32 $0xFFFFE000  }
0x42: {  	[spmem:s15] =	stream.linear.scatter [tilespmem:s22], [sflag:$0x4], $0x2000, $0x38;
	[tilespmem:$0x1F400] =	vst v63  }
0x43: {  	_ =	swait.ge [sflag:s21], $0x2000  }
0x44: {  	[sflag:s21] =	ssyncset.done $0x0  }
0x45: {  	s16 =	rddreg [dreg:$0x12];
	[sflag:s21] =	ssyncadd.s32 $0xFFFFE000  }
0x46: {  	[spmem:s16] =	stream.linear.scatter [tilespmem:s22], [sflag:$0x4], $0x2000, $0x38;
	[tilespmem:$0x1F400] =	vst v63  }
0x47: {  	_ =	swait.ge [sflag:s21], $0x2000  }
0x48: {  	[sflag:s21] =	ssyncset.done $0x0  }
0x49: {  	[sflag:s21] =	ssyncadd.s32 $0xFFFFE000  }
0x4a: {  	[bflag:$0x0] =	sbarrier.arrive $0xFFFF  }
0x4b: {  	s10 =	simm.s32 $0x15000;
	s16 =	simm.s32 $0x0;
	s17 =	rddreg [dreg:$0x11]  }
0x4c: {  	[tilespmem:s10], [sflag:$0x3] =	stream.linear.gather [hbm4b:s17+s16], $0x80, $0x38;
	[tilespmem:$0x1F400] =	vst v63  }
0x4d: {  	s15 =	simm.s32 $0x15080;
	s18 =	rddreg [dreg:$0x13]  }
0x4e: {  	[tilespmem:s15], [sflag:$0x3] =	stream.linear.gather [hbm4b:s18+s16], $0x80, $0x38;
	[tilespmem:$0x1F400] =	vst v63  }
0x4f: {  	s19 =	rddreg [dreg:$0x14];
	s17 =	simm.s32 $0x15100  }
0x50: {  	[tilespmem:s17], [sflag:$0x3] =	stream.linear.gather [hbm4b:s19+s16], $0x80, $0x38;
	[tilespmem:$0x1F400] =	vst v63  }
0x51: {  	s20 =	rddreg [dreg:$0x15];
	s18 =	simm.s32 $0x15180  }
0x52: {  	[tilespmem:s18], [sflag:$0x3] =	stream.linear.gather [hbm4b:s20+s16], $0x80, $0x38;
	[tilespmem:$0x1F400] =	vst v63  }
0x53: {  	s23 =	rddreg [dreg:$0x16]  }
0x54: {  	[tilespmem:s28], [sflag:$0x3] =	stream.linear.gather [hbm4b:s23+s16], $0x80, $0x38;
	[tilespmem:$0x1F400] =	vst v63  }
0x55: {  	s24 =	rddreg [dreg:$0x17]  }
0x56: {  	[tilespmem:s29], [sflag:$0x3] =	stream.linear.gather [hbm4b:s24+s16], $0x80, $0x38;
	[tilespmem:$0x1F400] =	vst v63  }
0x57: {  	s25 =	rddreg [dreg:$0x18]  }
0x58: {  	[tilespmem:s30], [sflag:$0x3] =	stream.linear.gather [hbm4b:s25+s16], $0x80, $0x38;
	[tilespmem:$0x1F400] =	vst v63  }
0x59: {  	s26 =	rddreg [dreg:$0x19]  }
0x5a: {  	[tilespmem:s31], [sflag:$0x3] =	stream.linear.gather [hbm4b:s26+s16], $0x80, $0x38;
	[tilespmem:$0x1F400] =	vst v63  }
0x5b: {  	_ =	swait.ge [sflag:s0], $0x80  }
0x5c: {  	[sflag:s0] =	ssyncset.done $0x0  }
0x5d: {  	[sflag:s0] =	ssyncadd.s32 $0xFFFFFF80  }
0x5e: {  	_ =	swait.ge [sflag:s0], $0x80  }
0x5f: {  	[sflag:s0] =	ssyncset.done $0x0  }
0x60: {  	[sflag:s0] =	ssyncadd.s32 $0xFFFFFF80  }
0x61: {  	_ =	swait.ge [sflag:s0], $0x80  }
0x62: {  	[sflag:s0] =	ssyncset.done $0x0  }
0x63: {  	[sflag:s0] =	ssyncadd.s32 $0xFFFFFF80  }
0x64: {  	_ =	swait.ge [sflag:s0], $0x80  }
0x65: {  	[sflag:s0] =	ssyncset.done $0x0  }
0x66: {  	[sflag:s0] =	ssyncadd.s32 $0xFFFFFF80  }
0x67: {  	[tilespmem:s22], [sflag:$0x1] =	stream.indirect.gather [hbm4b:s4+s3], $0x40, s10, s3, $0xb8;
	[tilespmem:$0x1F400] =	vst v63  }
0x68: {  	_ = 	snop  }
0x69: {  	[tilespmem:s1], [sflag:$0x1] =	stream.indirect.gather [hbm4b:s4+s3], $0x40, s15, s3, $0xb8;
	[tilespmem:$0x1F400] =	vst v63  }
0x6a: {  	_ = 	snop  }
0x6b: {  	[tilespmem:s6], [sflag:$0x1] =	stream.indirect.gather [hbm4b:s4+s3], $0x40, s17, s3, $0xb8;
	[tilespmem:$0x1F400] =	vst v63  }
0x6c: {  	_ = 	snop  }
0x6d: {  	[tilespmem:s7], [sflag:$0x1] =	stream.indirect.gather [hbm4b:s4+s3], $0x40, s18, s3, $0xb8;
	[tilespmem:$0x1F400] =	vst v63  }
0x6e: {  	_ =	swait.ge [sflag:s8], $0x2000  }
0x6f: {  	[sflag:s8] =	ssyncset.done $0x0  }
0x70: {  	[sflag:s8] =	ssyncadd.s32 $0xFFFFE000  }
0x71: {  	_ =	swait.ge [sflag:s8], $0x2000  }
0x72: {  	[sflag:s8] =	ssyncset.done $0x0  }
0x73: {  	[sflag:s8] =	ssyncadd.s32 $0xFFFFE000  }
0x74: {  	_ =	swait.ge [sflag:s8], $0x2000  }
0x75: {  	[sflag:s8] =	ssyncset.done $0x0  }
0x76: {  	p0 =	por $0x0, $0x0;
	[sflag:s8] =	ssyncadd.s32 $0xFFFFE000  }
0x77: {  	s23 =	simm.s32 @!p0 $0x0;
	_ =	swait.ge [sflag:s8], $0x2000  }
0x78: {  	s16 =	simm.s32 @!p0 $0x15000;
	s17 =	rddreg [dreg:$0xb];
	[sflag:s8] =	ssyncset.done $0x0  }
0x79: {  	s18 =	rddreg [dreg:$0xa];
	[sflag:s8] =	ssyncadd.s32 $0xFFFFE000;
	s17 =	sadd.s32 @!p0 $0x0, s17  }
0x7a: {  	[tilespmem:s16], [sflag:$0x3] =	stream.linear.gather @!p0 [hbm4b:s17+s23], $0x80, $0x38;
	[tilespmem:$0x1F400] =	vst v63  }
0x7b: {  	s19 =	rddreg [dreg:$0x9];
	s18 =	sadd.s32 @!p0 $0x0, s18;
	s17 =	simm.s32 @!p0 $0x15080  }
0x7c: {  	[tilespmem:s17], [sflag:$0x3] =	stream.linear.gather @!p0 [hbm4b:s18+s23], $0x80, $0x38;
	[tilespmem:$0x1F400] =	vst v63  }
0x7d: {  	s24 =	rddreg [dreg:$0x8];
	s19 =	sadd.s32 @!p0 $0x0, s19;
	s18 =	simm.s32 @!p0 $0x15100  }
0x7e: {  	[tilespmem:s18], [sflag:$0x3] =	stream.linear.gather @!p0 [hbm4b:s19+s23], $0x80, $0x38;
	[tilespmem:$0x1F400] =	vst v63  }
0x7f: {  	s24 =	sadd.s32 @!p0 $0x0, s24;
	s19 =	simm.s32 @!p0 $0x15180  }
0x80: {  	[tilespmem:s19], [sflag:$0x3] =	stream.linear.gather @!p0 [hbm4b:s24+s23], $0x80, $0x38;
	[tilespmem:$0x1F400] =	vst v63  }
0x81: {  	_ =	swait.ge [sflag:s0], $0x80  }
0x82: {  	[sflag:s0] =	ssyncset.done $0x0  }
0x83: {  	[sflag:s0] =	ssyncadd.s32 $0xFFFFFF80  }
0x84: {  	_ =	swait.ge [sflag:s0], $0x80  }
0x85: {  	[sflag:s0] =	ssyncset.done $0x0  }
0x86: {  	[sflag:s0] =	ssyncadd.s32 $0xFFFFFF80  }
0x87: {  	_ =	swait.ge [sflag:s0], $0x80  }
0x88: {  	[sflag:s0] =	ssyncset.done $0x0  }
0x89: {  	[sflag:s0] =	ssyncadd.s32 $0xFFFFFF80  }
0x8a: {  	_ =	swait.ge [sflag:s0], $0x80  }
0x8b: {  	[sflag:s0] =	ssyncset.done $0x0  }
0x8c: {  	[sflag:s0] =	ssyncadd.s32 $0xFFFFFF80  }
0x8d: {  	[tilespmem:s9], [sflag:$0x1] =	stream.indirect.gather [hbm4b:s4+s3], $0x40, s28, s3, $0xb8;
	[tilespmem:$0x1F400] =	vst v63  }
0x8e: {  	_ = 	snop  }
0x8f: {  	[tilespmem:s11], [sflag:$0x1] =	stream.indirect.gather [hbm4b:s4+s3], $0x40, s29, s3, $0xb8;
	[tilespmem:$0x1F400] =	vst v63  }
0x90: {  	_ = 	snop  }
0x91: {  	[tilespmem:s12], [sflag:$0x1] =	stream.indirect.gather [hbm4b:s4+s3], $0x40, s30, s3, $0xb8;
	[tilespmem:$0x1F400] =	vst v63  }
0x92: {  	_ = 	snop  }
0x93: {  	[tilespmem:s13], [sflag:$0x1] =	stream.indirect.gather [hbm4b:s4+s3], $0x40, s31, s3, $0xb8;
	[tilespmem:$0x1F400] =	vst v63  }
0x94: {  	s5 =	simm.s32 $0x0  }
0x95: {  	[spmem:s2] =	stream.indirect.scatter.add.f32 [tilespmem:s22], [sflag:$0x2], $0x40, s5, s3, $0xb8;
	[tilespmem:$0x1F400] =	vst v63  }
0x96: {  	s10 =	simm.s32 $0x80  }
0x97: {  	[spmem:s2] =	stream.indirect.scatter.add.f32 [tilespmem:s1], [sflag:$0x2], $0x40, s10, s3, $0xb8;
	[tilespmem:$0x1F400] =	vst v63  }
0x98: {  	s15 =	simm.s32 $0x100  }
0x99: {  	[spmem:s2] =	stream.indirect.scatter.add.f32 [tilespmem:s6], [sflag:$0x2], $0x40, s15, s3, $0xb8;
	[tilespmem:$0x1F400] =	vst v63  }
0x9a: {  	s20 =	simm.s32 $0x180  }
0x9b: {  	[spmem:s2] =	stream.indirect.scatter.add.f32 [tilespmem:s7], [sflag:$0x2], $0x40, s20, s3, $0xb8;
	[tilespmem:$0x1F400] =	vst v63  }
0x9c: {  	_ =	swait.ge [sflag:s14], $0x2000  }
0x9d: {  	[sflag:s14] =	ssyncset.done $0x0  }
0x9e: {  	[sflag:s14] =	ssyncadd.s32 $0xFFFFE000  }
0x9f: {  	_ =	swait.ge [sflag:s14], $0x2000  }
0xa0: {  	[sflag:s14] =	ssyncset.done $0x0  }
0xa1: {  	[sflag:s14] =	ssyncadd.s32 $0xFFFFE000  }
0xa2: {  	_ =	swait.ge [sflag:s14], $0x2000  }
0xa3: {  	[sflag:s14] =	ssyncset.done $0x0  }
0xa4: {  	[sflag:s14] =	ssyncadd.s32 $0xFFFFE000  }
0xa5: {  	_ =	swait.ge [sflag:s14], $0x2000  }
0xa6: {  	[sflag:s14] =	ssyncset.done $0x0  }
0xa7: {  	[sflag:s14] =	ssyncadd.s32 $0xFFFFE000  }
0xa8: {  	_ =	swait.ge [sflag:s8], $0x2000  }
0xa9: {  	[sflag:s8] =	ssyncset.done $0x0  }
0xaa: {  	[sflag:s8] =	ssyncadd.s32 $0xFFFFE000  }
0xab: {  	_ =	swait.ge [sflag:s8], $0x2000  }
0xac: {  	[sflag:s8] =	ssyncset.done $0x0  }
0xad: {  	[sflag:s8] =	ssyncadd.s32 $0xFFFFE000  }
0xae: {  	_ =	swait.ge [sflag:s8], $0x2000  }
0xaf: {  	[sflag:s8] =	ssyncset.done $0x0  }
0xb0: {  	[sflag:s8] =	ssyncadd.s32 $0xFFFFE000  }
0xb1: {  	_ =	swait.ge [sflag:s8], $0x2000  }
0xb2: {  	s26 =	simm.s32 @!p0 $0x15200;
	s24 =	rddreg [dreg:$0x7];
	[sflag:s8] =	ssyncset.done $0x0  }
0xb3: {  	s25 =	rddreg [dreg:$0x6];
	[sflag:s8] =	ssyncadd.s32 $0xFFFFE000;
	s24 =	sadd.s32 @!p0 $0x0, s24  }
0xb4: {  	[tilespmem:s26], [sflag:$0x3] =	stream.linear.gather @!p0 [hbm4b:s24+s23], $0x80, $0x38;
	[tilespmem:$0x1F400] =	vst v63  }
0xb5: {  	s25 =	sadd.s32 @!p0 $0x0, s25;
	s24 =	rddreg [dreg:$0x5];
	s26 =	simm.s32 @!p0 $0x15280  }
0xb6: {  	[tilespmem:s26], [sflag:$0x3] =	stream.linear.gather @!p0 [hbm4b:s25+s23], $0x80, $0x38;
	[tilespmem:$0x1F400] =	vst v63  }
0xb7: {  	s24 =	sadd.s32 @!p0 $0x0, s24;
	s25 =	rddreg [dreg:$0x4];
	s26 =	simm.s32 @!p0 $0x15300  }
0xb8: {  	[tilespmem:s26], [sflag:$0x3] =	stream.linear.gather @!p0 [hbm4b:s24+s23], $0x80, $0x38;
	[tilespmem:$0x1F400] =	vst v63  }
0xb9: {  	s25 =	sadd.s32 @!p0 $0x0, s25;
	s24 =	simm.s32 @!p0 $0x15380  }
0xba: {  	[tilespmem:s24], [sflag:$0x3] =	stream.linear.gather @!p0 [hbm4b:s25+s23], $0x80, $0x38;
	[tilespmem:$0x1F400] =	vst v63  }
0xbb: {  	s23 =	simm.s32 @!p0 $0x3  }
0xbc: {  	_ =	swait.ge @!p0 [sflag:s23], $0x80  }
0xbd: {  	[sflag:s23] =	ssyncset.done @!p0 $0x0  }
0xbe: {  	[sflag:s23] =	ssyncadd.s32 @!p0 $0xFFFFFF80  }
0xbf: {  	_ =	swait.ge @!p0 [sflag:s23], $0x80  }
0xc0: {  	[sflag:s23] =	ssyncset.done @!p0 $0x0  }
0xc1: {  	[sflag:s23] =	ssyncadd.s32 @!p0 $0xFFFFFF80  }
0xc2: {  	_ =	swait.ge @!p0 [sflag:s23], $0x80  }
0xc3: {  	[sflag:s23] =	ssyncset.done @!p0 $0x0  }
0xc4: {  	[sflag:s23] =	ssyncadd.s32 @!p0 $0xFFFFFF80  }
0xc5: {  	_ =	swait.ge @!p0 [sflag:s23], $0x80  }
0xc6: {  	[sflag:s23] =	ssyncset.done @!p0 $0x0  }
0xc7: {  	s24 =	simm.s32 @!p0 $0x80;
	[sflag:s23] =	ssyncadd.s32 @!p0 $0xFFFFFF80;
	s23 =	simm.s32 @!p0 $0x5000  }
0xc8: {  	[tilespmem:s23], [sflag:$0x1] =	stream.indirect.gather @!p0 [hbm4b:s4+s24], $0x40, s16, s24, $0xb8;
	[tilespmem:$0x1F400] =	vst v63  }
0xc9: {  	s16 =	simm.s32 @!p0 $0x7000  }
0xca: {  	[tilespmem:s16], [sflag:$0x1] =	stream.indirect.gather @!p0 [hbm4b:s4+s24], $0x40, s17, s24, $0xb8;
	[tilespmem:$0x1F400] =	vst v63  }
0xcb: {  	s16 =	simm.s32 @!p0 $0x9000  }
0xcc: {  	[tilespmem:s16], [sflag:$0x1] =	stream.indirect.gather @!p0 [hbm4b:s4+s24], $0x40, s18, s24, $0xb8;
	[tilespmem:$0x1F400] =	vst v63  }
0xcd: {  	s16 =	simm.s32 @!p0 $0xB000  }
0xce: {  	[tilespmem:s16], [sflag:$0x1] =	stream.indirect.gather @!p0 [hbm4b:s4+s24], $0x40, s19, s24, $0xb8;
	[tilespmem:$0x1F400] =	vst v63  }
0xcf: {  	s16 =	simm.s32 $0x200  }
0xd0: {  	[spmem:s2] =	stream.indirect.scatter.add.f32 [tilespmem:s9], [sflag:$0x2], $0x40, s16, s3, $0xb8;
	[tilespmem:$0x1F400] =	vst v63  }
0xd1: {  	s24 =	simm.s32 $0x280  }
0xd2: {  	[spmem:s2] =	stream.indirect.scatter.add.f32 [tilespmem:s11], [sflag:$0x2], $0x40, s24, s3, $0xb8;
	[tilespmem:$0x1F400] =	vst v63  }
0xd3: {  	s25 =	simm.s32 $0x300  }
0xd4: {  	[spmem:s2] =	stream.indirect.scatter.add.f32 [tilespmem:s12], [sflag:$0x2], $0x40, s25, s3, $0xb8;
	[tilespmem:$0x1F400] =	vst v63  }
0xd5: {  	s26 =	simm.s32 $0x380  }
0xd6: {  	[spmem:s2] =	stream.indirect.scatter.add.f32 [tilespmem:s13], [sflag:$0x2], $0x40, s26, s3, $0xb8;
	[tilespmem:$0x1F400] =	vst v63  }
0xd7: {  	_ =	swait.ge [sflag:s14], $0x2000  }
0xd8: {  	[sflag:s14] =	ssyncset.done $0x0  }
0xd9: {  	[sflag:s14] =	ssyncadd.s32 $0xFFFFE000  }
0xda: {  	_ =	swait.ge [sflag:s14], $0x2000  }
0xdb: {  	[sflag:s14] =	ssyncset.done $0x0  }
0xdc: {  	[sflag:s14] =	ssyncadd.s32 $0xFFFFE000  }
0xdd: {  	s17 =	simm.s32 $0x80;
	_ =	swait.ge [sflag:s14], $0x2000  }
.LBB2_4:
0xde: {  	[sflag:s14] =	ssyncset.done $0x0  }
0xdf: {  	[sflag:s14] =	ssyncadd.s32 $0xFFFFE000  }
0xe0: {  	_ =	swait.ge [sflag:s14], $0x2000  }
0xe1: {  	[sflag:s14] =	ssyncset.done $0x0  }
0xe2: {  	[sflag:s14] =	ssyncadd.s32 $0xFFFFE000  }
0xe3: {  	_ =	swait.ge [sflag:s8], $0x2000  }
0xe4: {  	[sflag:s8] =	ssyncset.done $0x0  }
0xe5: {  	[sflag:s8] =	ssyncadd.s32 $0xFFFFE000  }
0xe6: {  	_ =	swait.ge [sflag:s8], $0x2000  }
0xe7: {  	[sflag:s8] =	ssyncset.done $0x0  }
0xe8: {  	[sflag:s8] =	ssyncadd.s32 $0xFFFFE000  }
0xe9: {  	_ =	swait.ge [sflag:s8], $0x2000  }
0xea: {  	s23 =	smov.u32 s17;
	[sflag:s8] =	ssyncset.done $0x0  }
0xeb: {  	p1 =	seq.s32 s23, $0x980;
	[sflag:s8] =	ssyncadd.s32 $0xFFFFE000  }
0xec: {  	s18 =	simm.s32 @!p1 $0x15000;
	_ =	swait.ge [sflag:s8], $0x2000  }
0xed: {  	s19 =	simm.s32 @!p1 $0x0;
	s24 =	rddreg [dreg:$0xb];
	[sflag:s8] =	ssyncset.done $0x0  }
0xee: {  	s25 =	rddreg [dreg:$0xa];
	[sflag:s8] =	ssyncadd.s32 $0xFFFFE000;
	s24 =	sadd.s32 @!p1 s23, s24  }
0xef: {  	[tilespmem:s18], [sflag:$0x3] =	stream.linear.gather @!p1 [hbm4b:s24+s19], $0x80, $0x38;
	[tilespmem:$0x1F400] =	vst v63  }
0xf0: {  	s26 =	rddreg [dreg:$0x9];
	s25 =	sadd.s32 @!p1 s23, s25;
	s24 =	simm.s32 @!p1 $0x15080  }
0xf1: {  	[tilespmem:s24], [sflag:$0x3] =	stream.linear.gather @!p1 [hbm4b:s25+s19], $0x80, $0x38;
	[tilespmem:$0x1F400] =	vst v63  }
0xf2: {  	s20 =	rddreg [dreg:$0x8];
	s10 =	sadd.s32 @!p1 s23, s26;
	s26 =	simm.s32 @!p1 $0x15100  }
0xf3: {  	[tilespmem:s26], [sflag:$0x3] =	stream.linear.gather @!p1 [hbm4b:s10+s19], $0x80, $0x38;
	[tilespmem:$0x1F400] =	vst v63  }
0xf4: {  	s25 =	simm.s32 @!p1 $0x15180;
	s10 =	sadd.s32 @!p1 s23, s20  }
0xf5: {  	[tilespmem:s25], [sflag:$0x3] =	stream.linear.gather @!p1 [hbm4b:s10+s19], $0x80, $0x38;
	[tilespmem:$0x1F400] =	vst v63  }
0xf6: {  	_ =	swait.ge [sflag:s0], $0x80  }
0xf7: {  	[sflag:s0] =	ssyncset.done $0x0  }
0xf8: {  	[sflag:s0] =	ssyncadd.s32 $0xFFFFFF80  }
0xf9: {  	_ =	swait.ge [sflag:s0], $0x80  }
0xfa: {  	[sflag:s0] =	ssyncset.done $0x0  }
0xfb: {  	[sflag:s0] =	ssyncadd.s32 $0xFFFFFF80  }
0xfc: {  	_ =	swait.ge [sflag:s0], $0x80  }
0xfd: {  	[sflag:s0] =	ssyncset.done $0x0  }
0xfe: {  	[sflag:s0] =	ssyncadd.s32 $0xFFFFFF80  }
0xff: {  	_ =	swait.ge [sflag:s0], $0x80  }
0x100: {  	[sflag:s0] =	ssyncset.done $0x0  }
0x101: {  	[sflag:s0] =	ssyncadd.s32 $0xFFFFFF80  }
0x102: {  	[tilespmem:s9], [sflag:$0x1] =	stream.indirect.gather [hbm4b:s4+s3], $0x40, s28, s3, $0xb8;
	[tilespmem:$0x1F400] =	vst v63  }
0x103: {  	_ = 	snop  }
0x104: {  	[tilespmem:s11], [sflag:$0x1] =	stream.indirect.gather [hbm4b:s4+s3], $0x40, s29, s3, $0xb8;
	[tilespmem:$0x1F400] =	vst v63  }
0x105: {  	_ = 	snop  }
0x106: {  	[tilespmem:s12], [sflag:$0x1] =	stream.indirect.gather [hbm4b:s4+s3], $0x40, s30, s3, $0xb8;
	[tilespmem:$0x1F400] =	vst v63  }
0x107: {  	s16 =	sadd.s32 $0x400, s16  }
0x108: {  	[tilespmem:s13], [sflag:$0x1] =	stream.indirect.gather [hbm4b:s4+s3], $0x40, s31, s3, $0xb8;
	[tilespmem:$0x1F400] =	vst v63  }
0x109: {  	s5 =	sadd.s32 $0xFFFFFE00, s16  }
0x10a: {  	[spmem:s2] =	stream.indirect.scatter.add.f32 [tilespmem:s22], [sflag:$0x2], $0x40, s5, s3, $0xb8;
	[tilespmem:$0x1F400] =	vst v63  }
0x10b: {  	s15 =	sadd.s32 $0xFFFFFE80, s16  }
0x10c: {  	[spmem:s2] =	stream.indirect.scatter.add.f32 [tilespmem:s1], [sflag:$0x2], $0x40, s15, s3, $0xb8;
	[tilespmem:$0x1F400] =	vst v63  }
0x10d: {  	s5 =	sadd.s32 $0xFFFFFF00, s16  }
0x10e: {  	[spmem:s2] =	stream.indirect.scatter.add.f32 [tilespmem:s6], [sflag:$0x2], $0x40, s5, s3, $0xb8;
	[tilespmem:$0x1F400] =	vst v63  }
0x10f: {  	s15 =	sadd.s32 $0xFFFFFF80, s16  }
0x110: {  	[spmem:s2] =	stream.indirect.scatter.add.f32 [tilespmem:s7], [sflag:$0x2], $0x40, s15, s3, $0xb8;
	[tilespmem:$0x1F400] =	vst v63  }
0x111: {  	_ =	swait.ge [sflag:s14], $0x2000  }
0x112: {  	[sflag:s14] =	ssyncset.done $0x0  }
0x113: {  	[sflag:s14] =	ssyncadd.s32 $0xFFFFE000  }
0x114: {  	_ =	swait.ge [sflag:s14], $0x2000  }
0x115: {  	[sflag:s14] =	ssyncset.done $0x0  }
0x116: {  	[sflag:s14] =	ssyncadd.s32 $0xFFFFE000  }
0x117: {  	_ =	swait.ge [sflag:s14], $0x2000  }
0x118: {  	[sflag:s14] =	ssyncset.done $0x0  }
0x119: {  	[sflag:s14] =	ssyncadd.s32 $0xFFFFE000  }
0x11a: {  	_ =	swait.ge [sflag:s14], $0x2000  }
0x11b: {  	[sflag:s14] =	ssyncset.done $0x0  }
0x11c: {  	[sflag:s14] =	ssyncadd.s32 $0xFFFFE000  }
0x11d: {  	_ =	swait.ge [sflag:s8], $0x2000  }
0x11e: {  	[sflag:s8] =	ssyncset.done $0x0  }
0x11f: {  	[sflag:s8] =	ssyncadd.s32 $0xFFFFE000  }
0x120: {  	_ =	swait.ge [sflag:s8], $0x2000  }
0x121: {  	[sflag:s8] =	ssyncset.done $0x0  }
0x122: {  	[sflag:s8] =	ssyncadd.s32 $0xFFFFE000  }
0x123: {  	_ =	swait.ge [sflag:s8], $0x2000  }
0x124: {  	[sflag:s8] =	ssyncset.done $0x0  }
0x125: {  	[sflag:s8] =	ssyncadd.s32 $0xFFFFE000  }
0x126: {  	_ =	swait.ge [sflag:s8], $0x2000  }
0x127: {  	s5 =	simm.s32 @!p1 $0x15200;
	s10 =	rddreg [dreg:$0x7];
	[sflag:s8] =	ssyncset.done $0x0  }
0x128: {  	s20 =	rddreg [dreg:$0x6];
	[sflag:s8] =	ssyncadd.s32 $0xFFFFE000;
	s10 =	sadd.s32 @!p1 s23, s10  }
0x129: {  	[tilespmem:s5], [sflag:$0x3] =	stream.linear.gather @!p1 [hbm4b:s10+s19], $0x80, $0x38;
	[tilespmem:$0x1F400] =	vst v63  }
0x12a: {  	s15 =	rddreg [dreg:$0x5];
	s5 =	sadd.s32 @!p1 s23, s20;
	s10 =	simm.s32 @!p1 $0x15280  }
0x12b: {  	[tilespmem:s10], [sflag:$0x3] =	stream.linear.gather @!p1 [hbm4b:s5+s19], $0x80, $0x38;
	[tilespmem:$0x1F400] =	vst v63  }
0x12c: {  	s20 =	rddreg [dreg:$0x4];
	s5 =	sadd.s32 @!p1 s23, s15;
	s10 =	simm.s32 @!p1 $0x15300  }
0x12d: {  	[tilespmem:s10], [sflag:$0x3] =	stream.linear.gather @!p1 [hbm4b:s5+s19], $0x80, $0x38;
	[tilespmem:$0x1F400] =	vst v63  }
0x12e: {  	s15 =	simm.s32 @!p1 $0x15380;
	s5 =	sadd.s32 @!p1 s23, s20;
	s10 =	simm.s32 @!p1 $0x3  }
0x12f: {  	[tilespmem:s15], [sflag:$0x3] =	stream.linear.gather @!p1 [hbm4b:s5+s19], $0x80, $0x38;
	[tilespmem:$0x1F400] =	vst v63  }
0x130: {  	_ =	swait.ge @!p1 [sflag:s10], $0x80  }
0x131: {  	[sflag:s10] =	ssyncset.done @!p1 $0x0  }
0x132: {  	[sflag:s10] =	ssyncadd.s32 @!p1 $0xFFFFFF80  }
0x133: {  	_ =	swait.ge @!p1 [sflag:s10], $0x80  }
0x134: {  	[sflag:s10] =	ssyncset.done @!p1 $0x0  }
0x135: {  	[sflag:s10] =	ssyncadd.s32 @!p1 $0xFFFFFF80  }
0x136: {  	_ =	swait.ge @!p1 [sflag:s10], $0x80  }
0x137: {  	[sflag:s10] =	ssyncset.done @!p1 $0x0  }
0x138: {  	[sflag:s10] =	ssyncadd.s32 @!p1 $0xFFFFFF80  }
0x139: {  	_ =	swait.ge @!p1 [sflag:s10], $0x80  }
0x13a: {  	[sflag:s10] =	ssyncset.done @!p1 $0x0  }
0x13b: {  	s5 =	simm.s32 @!p1 $0x80;
	s15 =	simm.s32 @!p1 $0x5000;
	[sflag:s10] =	ssyncadd.s32 @!p1 $0xFFFFFF80  }
0x13c: {  	[tilespmem:s15], [sflag:$0x1] =	stream.indirect.gather @!p1 [hbm4b:s4+s5], $0x40, s18, s5, $0xb8;
	[tilespmem:$0x1F400] =	vst v63  }
0x13d: {  	s10 =	simm.s32 @!p1 $0x7000  }
0x13e: {  	[tilespmem:s10], [sflag:$0x1] =	stream.indirect.gather @!p1 [hbm4b:s4+s5], $0x40, s24, s5, $0xb8;
	[tilespmem:$0x1F400] =	vst v63  }
0x13f: {  	s15 =	simm.s32 @!p1 $0x9000  }
0x140: {  	[tilespmem:s15], [sflag:$0x1] =	stream.indirect.gather @!p1 [hbm4b:s4+s5], $0x40, s26, s5, $0xb8;
	[tilespmem:$0x1F400] =	vst v63  }
0x141: {  	s10 =	simm.s32 @!p1 $0xB000  }
0x142: {  	[tilespmem:s10], [sflag:$0x1] =	stream.indirect.gather @!p1 [hbm4b:s4+s5], $0x40, s25, s5, $0xb8;
	[tilespmem:$0x1F400] =	vst v63  }
0x143: {  	_ = 	snop  }
0x144: {  	[spmem:s2] =	stream.indirect.scatter.add.f32 [tilespmem:s9], [sflag:$0x2], $0x40, s16, s3, $0xb8;
	[tilespmem:$0x1F400] =	vst v63  }
0x145: {  	s24 =	sadd.s32 $0x80, s16  }
0x146: {  	[spmem:s2] =	stream.indirect.scatter.add.f32 [tilespmem:s11], [sflag:$0x2], $0x40, s24, s3, $0xb8;
	[tilespmem:$0x1F400] =	vst v63  }
0x147: {  	s25 =	sadd.s32 $0x100, s16  }
0x148: {  	[spmem:s2] =	stream.indirect.scatter.add.f32 [tilespmem:s12], [sflag:$0x2], $0x40, s25, s3, $0xb8;
	[tilespmem:$0x1F400] =	vst v63  }
0x149: {  	s26 =	sadd.s32 $0x180, s16  }
0x14a: {  	[spmem:s2] =	stream.indirect.scatter.add.f32 [tilespmem:s13], [sflag:$0x2], $0x40, s26, s3, $0xb8;
	[tilespmem:$0x1F400] =	vst v63  }
0x14b: {  	s17 =	sadd.s32 $0x80, s17;
	_ =	swait.ge [sflag:s14], $0x2000  }
0x14c: {  	p0 =	sne.s32 s17, $0xA00;
	[sflag:s14] =	ssyncset.done $0x0  }
.Ltmp1:
0x14d: {  	[sflag:s14] =	ssyncadd.s32 $0xFFFFE000;
	(pc) =	sbr.rel @p0 .LBB2_4-.Ltmp1, $4  }
0x14e: {  	_ =	swait.ge [sflag:s14], $0x2000  }
0x14f: {  	[sflag:s14] =	ssyncset.done $0x0  }
0x150: {  	[sflag:s14] =	ssyncadd.s32 $0xFFFFE000  }
0x151: {  	_ =	swait.ge [sflag:s14], $0x2000  }
0x152: {  	[sflag:s14] =	ssyncset.done $0x0  }
0x153: {  	[sflag:s14] =	ssyncadd.s32 $0xFFFFE000  }
0x154: {  	_ =	swait.ge [sflag:s14], $0x2000  }
0x155: {  	[sflag:s14] =	ssyncset.done $0x0  }
0x156: {  	[sflag:s14] =	ssyncadd.s32 $0xFFFFE000  }
0x157: {  	s5 =	stileid.u32;
	s17 =	simm.s32 $0x10;
	[bflag:$0x0] =	sbarrier.arrive $0xFFFF  }
0x158: {  	s18 =	simm.s32 $0x8;
	s5 =	sshll.u32 s5, $0x6;
	s15 =	rddreg [dreg:$0xc]  }
0x159: {  	s5 =	sor.u32 $0x1C04, s5;
	s16 =	rddreg [dreg:$0x1a];
	s10 =	sshrl.u32 s15, $0x3  }
0x15a: {  	[hbm:s16@s17], [sflag:s5] =	dma.strided [spmem:s10@s18], $0x1400, s8, $0x8   }
0x15b: {  	_ =	swait.ge [sflag:s21], $0x1400  }
0x15c: {  	s25 =	rddreg [dreg:$0x1c]  }
0x15d: {  	s26 =	rddreg [dreg:$0x1b];
	s10 =	sadd.s32 $0x1, s25  }
0x15e: {  	p0 =	sne.s32 s10, s26  }
.Ltmp2:
0x15f: {  	_ = 	snop;
	(pc) =	sbr.rel @p0 .LBB2_1-.Ltmp2, $3  }
0x160: {  	_ =	sdelay $0x1  }
0x161: {  	[sflag:s21] =	ssyncset.done $0x0  }
0x162: {  	[sflag:s21] =	ssyncadd.s32 $0xFFFFEC00  }
0x163: {  	_ =	sfence.sel $0x180000  }
0x164: {  	[bflag:$0x0] =	sbarrier.arrive $0xFFFF  }
0x165: {  	_ =	strace $0x90000050  }
0x166: {  	s0 =	stileid.u32;
	[bflag:$0x2] =	sbarrier.arrive $0xFFFF  }
0x167: {  	p0 =	sne.s32 s0, $0x0;
	s0 =	rddreg [dreg:$0x3]  }
0x168: {  	s0 =	sadd.s32 @!p0 $0x100000, s0  }
0x169: {  	[sflag:s0] =	ssyncadd.tile.s32 @!p0 $0x1;
	_ =	shalt  }
.Lfunc_end2:
_tile_overlayer_lowered:
.L_overlay_start_2:
0x16a: {  	(tag) =	ssettag $0x2  }
0x16b: {  	s0 =	rddreg [dreg:$0x0];
	s2 =	stileid.u32  }
0x16c: {  	s1 =	rddreg [dreg:$0x1];
	p0 =	sne.s32 s2, $0x0  }
0x16d: {  	s3 =	rddreg [dreg:$0x2];
	[bflag:$0x3] =	sbarrier.arrive $0xFFFF;
	s2 =	simm.s32 @!p0 $0x1C04  }
0x16e: {  	[timem:s3], [sflag:s2] =	dma.local @!p0 [hbm:s0], s1  }
0x16f: {  	s0 =	simm.s32 @!p0 $0x4  }
0x170: {  	_ =	swait.ge @!p0 [sflag:s0], s1  }
0x171: {  	s1 =	ssub.s32 @!p0 $0x0, s1;
	[sflag:s0] =	ssyncset.done @!p0 $0x0  }
0x172: {  	[sflag:s0] =	ssyncadd.s32 @!p0 s1  }
0x173: {  	[bflag:$0x3] =	sbarrier.arrive $0xFFFF  }
0x174: {  	_ =	shalt  }

</sc_bundles>
